<compile_context>
chip_gen: v7x
topology: tpu7x:2x2x1
jax: 0.10.2.dev20260603
libtpu: 0.0.44.dev20260713+nightly
codegen_flags: <defaults>
</compile_context>

<pallas_src>
import functools
import jax
import jax.numpy as jnp
from jax import lax
from jax.experimental import pallas as pl
from jax.experimental.pallas import tpu as pltpu
from jax.experimental.pallas import tpu_sc as plsc

_BB = 64


def _mid_body(lbl_ref, x_ref, w1_ref, b1_ref, w2_ref, b2_ref,
              ctx_any, g_ref, gbuf, gsem):
    nb = pl.num_programs(0)
    i = pl.program_id(0)
    slot = jax.lax.rem(i, 2)

    def start(s, step):
        for j in range(_BB):
            pltpu.make_async_copy(
                ctx_any.at[lbl_ref[step * _BB + j]],
                gbuf.at[s, j],
                gsem.at[s, j],
            ).start()

    @pl.when(i == 0)
    def _():
        start(0, 0)

    @pl.when(i + 1 < nb)
    def _():
        start(1 - slot, i + 1)

    for j in range(_BB):
        pltpu.make_async_copy(ctx_any.at[0], gbuf.at[slot, j],
                              gsem.at[slot, j]).wait()

    h = jnp.maximum(
        jnp.dot(x_ref[...], w1_ref[...], preferred_element_type=jnp.float32)
        + b1_ref[...], 0.0)
    bias = jnp.dot(h, w2_ref[...], preferred_element_type=jnp.float32) + b2_ref[...]

    ctx_sel = gbuf[slot]
    for r in range(gbuf.shape[2]):
        g_ref[r] = ctx_sel[:, r, :] + bias


def _rep_body(tok_ref, out_ref):
    out_ref[0] = jnp.broadcast_to(tok_ref[0], out_ref.shape[1:])


def kernel(label, image_features, ctx, W1, b1, W2, b2, token_prefix, token_suffix):
    B = label.shape[0]
    num_classes, n_ctx, ctx_dim = ctx.shape
    vis_dim = image_features.shape[1]
    hid = W1.shape[1]
    pre_len = token_prefix.shape[1]
    suf_len = token_suffix.shape[1]
    seq = pre_len + n_ctx + suf_len
    n_tok = pre_len + suf_len
    nb = B // _BB

    grid_spec = pltpu.PrefetchScalarGridSpec(
        num_scalar_prefetch=1,
        grid=(nb,),
        in_specs=[
            pl.BlockSpec((_BB, vis_dim), lambda i, lbl: (i, 0)),
            pl.BlockSpec((vis_dim, hid), lambda i, lbl: (0, 0)),
            pl.BlockSpec((1, hid), lambda i, lbl: (0, 0)),
            pl.BlockSpec((hid, ctx_dim), lambda i, lbl: (0, 0)),
            pl.BlockSpec((1, ctx_dim), lambda i, lbl: (0, 0)),
            pl.BlockSpec(memory_space=pl.ANY),
        ],
        out_specs=pl.BlockSpec((n_ctx, _BB, ctx_dim), lambda i, lbl: (0, i, 0)),
        scratch_shapes=[
            pltpu.VMEM((2, _BB, n_ctx, ctx_dim), jnp.float32),
            pltpu.SemaphoreType.DMA((2, _BB)),
        ],
    )

    g = pl.pallas_call(
        _mid_body,
        grid_spec=grid_spec,
        out_shape=jax.ShapeDtypeStruct((n_ctx, B, ctx_dim), jnp.float32),
    )(label.astype(jnp.int32), image_features, W1, b1.reshape(1, hid), W2,
      b2.reshape(1, ctx_dim), ctx)

    tokens = jnp.concatenate(
        [token_prefix.reshape(pre_len, ctx_dim),
         token_suffix.reshape(suf_len, ctx_dim)], axis=0)

    rep = 128
    rep_grid = pltpu.PrefetchScalarGridSpec(
        num_scalar_prefetch=0,
        grid=(n_tok,),
        in_specs=[pl.BlockSpec((1, 1, ctx_dim), lambda i: (i, 0, 0))],
        out_specs=pl.BlockSpec((1, rep, ctx_dim), lambda i: (i, 0, 0)),
    )
    tokens_rep = pl.pallas_call(
        _rep_body,
        grid_spec=rep_grid,
        out_shape=jax.ShapeDtypeStruct((n_tok, rep, ctx_dim), jnp.float32),
    )(tokens.reshape(n_tok, 1, ctx_dim))

    info = plsc.get_sparse_core_info()
    nw = info.num_cores * info.num_subcores
    n_units = 2 * n_tok
    half = B // 2
    blk = rep
    k_per_half = half // blk
    mesh = plsc.VectorSubcoreMesh(core_axis_name="c", subcore_axis_name="s")

    @functools.partial(
        pl.kernel,
        out_type=jax.ShapeDtypeStruct((seq, B, ctx_dim), jnp.float32),
        mesh=mesh,
        scratch_types=[
            pltpu.VMEM((blk, ctx_dim), jnp.float32),
            pltpu.SemaphoreType.DMA,
        ],
    )
    def sc_fill(rep_hbm, out_hbm, pat_v, wsem):
        wid = lax.axis_index("s") * info.num_cores + lax.axis_index("c")
        u_lo = wid * n_units // nw
        u_hi = (wid + 1) * n_units // nw

        def unit(u, carry):
            st = u // 2
            h = u - 2 * st
            s_out = jnp.where(st < pre_len, st, st + n_ctx)

            @pl.when(jnp.logical_or(u == u_lo, h == 0))
            def _():
                pltpu.sync_copy(rep_hbm.at[st], pat_v)
            for k in range(k_per_half):
                off = h * half + k * blk
                pltpu.async_copy(pat_v, out_hbm.at[s_out, pl.ds(off, blk)],
                                 wsem).wait()
            return carry

        lax.fori_loop(u_lo, u_hi, unit, 0)

    out3 = sc_fill(tokens_rep)

    bb2 = 128
    nb2 = B // bb2

    def _merge_body(g_ref, in_any, out_any, sem):
        i = pl.program_id(0)
        pltpu.async_copy(
            g_ref,
            out_any.at[pl.ds(pre_len, n_ctx), pl.ds(i * bb2, bb2)],
            sem).wait()

    merged = pl.pallas_call(
        _merge_body,
        grid=(nb2,),
        in_specs=[
            pl.BlockSpec((n_ctx, bb2, ctx_dim), lambda i: (0, i, 0)),
            pl.BlockSpec(memory_space=pl.ANY),
        ],
        out_specs=pl.BlockSpec(memory_space=pl.ANY),
        out_shape=jax.ShapeDtypeStruct((seq, B, ctx_dim), jnp.float32),
        input_output_aliases={1: 0},
        scratch_shapes=[pltpu.SemaphoreType.DMA],
    )(g, out3)
    return merged.transpose(1, 0, 2)

# --- scband reference (transcript-rebuilt; emitter-appended) ---
"""Pipeline reference for scband-prompt-learner-1829656068293 (READ-ONLY COPY).

The authoritative reference and input builder live on the scoring server;
editing this copy changes nothing except your own understanding.
"""

import jax, jax.numpy as jnp
import numpy as np

NUM_CLASSES = 100000
N_CTX = 4
CTX_DIM = 512
VIS_DIM = 512
HID = VIS_DIM // 16
BATCH = 1024
PREFIX_LEN = 5
SUFFIX_LEN = 68  # 77 - 5 - n_ctx


def setup_inputs(seed: int = 0) -> dict:
    key = jax.random.key(seed)
    ks = jax.random.split(key, 9)
    label = jax.random.randint(ks[0], (BATCH,), 0, NUM_CLASSES)
    image_features = jax.random.normal(ks[1], (BATCH, VIS_DIM), dtype=jnp.float32)
    ctx = 0.02 * jax.random.normal(ks[2], (NUM_CLASSES, N_CTX, CTX_DIM), dtype=jnp.float32)
    W1 = 0.02 * jax.random.normal(ks[3], (VIS_DIM, HID), dtype=jnp.float32)
    b1 = jnp.zeros((HID,), dtype=jnp.float32)
    W2 = 0.02 * jax.random.normal(ks[4], (HID, CTX_DIM), dtype=jnp.float32)
    b2 = jnp.zeros((CTX_DIM,), dtype=jnp.float32)
    token_prefix = 0.02 * jax.random.normal(ks[5], (1, PREFIX_LEN, CTX_DIM), dtype=jnp.float32)
    token_suffix = 0.02 * jax.random.normal(ks[6], (1, SUFFIX_LEN, CTX_DIM), dtype=jnp.float32)
    return {
        "label": label,
        "image_features": image_features,
        "ctx": ctx,
        "W1": W1,
        "b1": b1,
        "W2": W2,
        "b2": b2,
        "token_prefix": token_prefix,
        "token_suffix": token_suffix,
    }


def reference(label, image_features, ctx, W1, b1, W2, b2, token_prefix, token_suffix):
    batch_size = label.shape[0]
    # meta_net: Linear -> ReLU -> Linear
    h = jnp.maximum(image_features @ W1 + b1, 0.0)
    bias = h @ W2 + b2                       # [B, ctx_dim]
    bias = bias[:, None, :]                  # [B, 1, ctx_dim]
    ctx_sel = jnp.take(ctx, label, axis=0)   # [B, n_ctx, ctx_dim] (embedding gather)
    ctx_sel = ctx_sel + bias
    prefix = jnp.broadcast_to(token_prefix, (batch_size, token_prefix.shape[1], token_prefix.shape[2]))
    suffix = jnp.broadcast_to(token_suffix, (batch_size, token_suffix.shape[1], token_suffix.shape[2]))
    prompts = jnp.concatenate([prefix, ctx_sel, suffix], axis=1)  # [B, 77, ctx_dim]
    return prompts

if __name__ == "__main__":
    import jax
    _d = setup_inputs()
    print(jax.jit(kernel)(*tuple(_d.values())))

</pallas_src>

<mosaic_0001>
#map = affine_map<(d0, d1) -> (0, 0, 0)>
module attributes {stable_mosaic.version = 14 : i64} {
  func.func @sc_fill(%arg0: i32, %arg1: i32, %arg2: memref<73x128x512xf32, #tpu.memory_space<hbm>>, %arg3: memref<77x1024x512xf32, #tpu.memory_space<hbm>>, %arg4: memref<128x512xf32, #tpu.memory_space<vmem>>, %arg5: memref<!tpu.dma_semaphore, #tpu.memory_space<semaphore_mem>>) attributes {dimension_semantics = [#tpu.dimension_semantics<core_parallel>, #tpu.dimension_semantics<subcore_parallel>], iteration_bounds = array<i64: 2, 16>, scalar_prefetch = 0 : i64, scratch_operands = 2 : i64, tpu.core_type = #tpu.core_type<sc_vector_subcore>, window_params = [{transform_indices = #map}, {transform_indices = #map}]} {
    %mul3A = arith.constant 2 : i32
    %mul3A_0 = arith.muli %arg1, %mul3A : i32
    %add3A = arith.addi %mul3A_0, %arg0 : i32
    %mul3A_1 = arith.constant 146 : i32
    %mul3A_2 = arith.muli %add3A, %mul3A_1 : i32
    %jit3A = arith.constant 32 : i32
    %div3A = arith.divsi %mul3A_2, %jit3A : i32
    %sign3A = arith.constant 0 : i32
    %sign3A_3 = arith.cmpi sgt, %mul3A_2, %sign3A : i32
    %sign3A_4 = arith.extui %sign3A_3 : i1 to i32
    %sign3A_5 = arith.constant 0 : i32
    %sign3A_6 = arith.cmpi slt, %mul3A_2, %sign3A_5 : i32
    %sign3A_7 = arith.extui %sign3A_6 : i1 to i32
    %sign3A_8 = arith.subi %sign3A_4, %sign3A_7 : i32
    %sign3A_9 = arith.constant 0 : i32
    %sign3A_10 = arith.cmpi sgt, %jit3A, %sign3A_9 : i32
    %sign3A_11 = arith.extui %sign3A_10 : i1 to i32
    %sign3A_12 = arith.constant 0 : i32
    %sign3A_13 = arith.cmpi slt, %jit3A, %sign3A_12 : i32
    %sign3A_14 = arith.extui %sign3A_13 : i1 to i32
    %sign3A_15 = arith.subi %sign3A_11, %sign3A_14 : i32
    %ne3A = arith.cmpi ne, %sign3A_8, %sign3A_15 : i32
    %rem3A = arith.remsi %mul3A_2, %jit3A : i32
    %ne3A_16 = arith.constant 0 : i32
    %ne3A_17 = arith.cmpi ne, %rem3A, %ne3A_16 : i32
    %and3A = arith.andi %ne3A, %ne3A_17 : i1
    %sub3A = arith.constant 1 : i32
    %sub3A_18 = arith.subi %div3A, %sub3A : i32
    %select_n3A = arith.select %and3A, %sub3A_18, %div3A : i32
    %add3A_19 = arith.constant 1 : i32
    %add3A_20 = arith.addi %add3A, %add3A_19 : i32
    %mul3A_21 = arith.constant 146 : i32
    %mul3A_22 = arith.muli %add3A_20, %mul3A_21 : i32
    %jit3A_23 = arith.constant 32 : i32
    %div3A_24 = arith.divsi %mul3A_22, %jit3A_23 : i32
    %sign3A_25 = arith.constant 0 : i32
    %sign3A_26 = arith.cmpi sgt, %mul3A_22, %sign3A_25 : i32
    %sign3A_27 = arith.extui %sign3A_26 : i1 to i32
    %sign3A_28 = arith.constant 0 : i32
    %sign3A_29 = arith.cmpi slt, %mul3A_22, %sign3A_28 : i32
    %sign3A_30 = arith.extui %sign3A_29 : i1 to i32
    %sign3A_31 = arith.subi %sign3A_27, %sign3A_30 : i32
    %sign3A_32 = arith.constant 0 : i32
    %sign3A_33 = arith.cmpi sgt, %jit3A_23, %sign3A_32 : i32
    %sign3A_34 = arith.extui %sign3A_33 : i1 to i32
    %sign3A_35 = arith.constant 0 : i32
    %sign3A_36 = arith.cmpi slt, %jit3A_23, %sign3A_35 : i32
    %sign3A_37 = arith.extui %sign3A_36 : i1 to i32
    %sign3A_38 = arith.subi %sign3A_34, %sign3A_37 : i32
    %ne3A_39 = arith.cmpi ne, %sign3A_31, %sign3A_38 : i32
    %rem3A_40 = arith.remsi %mul3A_22, %jit3A_23 : i32
    %ne3A_41 = arith.constant 0 : i32
    %ne3A_42 = arith.cmpi ne, %rem3A_40, %ne3A_41 : i32
    %and3A_43 = arith.andi %ne3A_39, %ne3A_42 : i1
    %sub3A_44 = arith.constant 1 : i32
    %sub3A_45 = arith.subi %div3A_24, %sub3A_44 : i32
    %select_n3A_46 = arith.select %and3A_43, %sub3A_45, %div3A_24 : i32
    %while3A = arith.constant 0 : i32
    %while3A_47 = arith.subi %select_n3A_46, %select_n3A : i32
    %while3A_48 = arith.addi %select_n3A, %while3A_47 : i32
    %while3A_49 = arith.constant 1 : i32
    %while3A_50 = arith.divsi %while3A_47, %while3A_49 : i32
    %while3A_51 = arith.muli %while3A_50, %while3A_49 : i32
    %while3A_52 = arith.addi %select_n3A, %while3A_51 : i32
    %while3A_53 = arith.constant 1 : i32
    scf.for %while3A_55 = %select_n3A to %while3A_52 step %while3A_53  : i32 {
      %jit3A_56 = arith.constant 2 : i32
      %div3A_57 = arith.divsi %while3A_55, %jit3A_56 : i32
      %sign3A_58 = arith.constant 0 : i32
      %sign3A_59 = arith.cmpi sgt, %while3A_55, %sign3A_58 : i32
      %sign3A_60 = arith.extui %sign3A_59 : i1 to i32
      %sign3A_61 = arith.constant 0 : i32
      %sign3A_62 = arith.cmpi slt, %while3A_55, %sign3A_61 : i32
      %sign3A_63 = arith.extui %sign3A_62 : i1 to i32
      %sign3A_64 = arith.subi %sign3A_60, %sign3A_63 : i32
      %sign3A_65 = arith.constant 0 : i32
      %sign3A_66 = arith.cmpi sgt, %jit3A_56, %sign3A_65 : i32
      %sign3A_67 = arith.extui %sign3A_66 : i1 to i32
      %sign3A_68 = arith.constant 0 : i32
      %sign3A_69 = arith.cmpi slt, %jit3A_56, %sign3A_68 : i32
      %sign3A_70 = arith.extui %sign3A_69 : i1 to i32
      %sign3A_71 = arith.subi %sign3A_67, %sign3A_70 : i32
      %ne3A_72 = arith.cmpi ne, %sign3A_64, %sign3A_71 : i32
      %rem3A_73 = arith.remsi %while3A_55, %jit3A_56 : i32
      %ne3A_74 = arith.constant 0 : i32
      %ne3A_75 = arith.cmpi ne, %rem3A_73, %ne3A_74 : i32
      %and3A_76 = arith.andi %ne3A_72, %ne3A_75 : i1
      %sub3A_77 = arith.constant 1 : i32
      %sub3A_78 = arith.subi %div3A_57, %sub3A_77 : i32
      %select_n3A_79 = arith.select %and3A_76, %sub3A_78, %div3A_57 : i32
      %mul3A_80 = arith.constant 2 : i32
      %mul3A_81 = arith.muli %mul3A_80, %select_n3A_79 : i32
      %sub3A_82 = arith.subi %while3A_55, %mul3A_81 : i32
      %lt3A = arith.constant 5 : i32
      %lt3A_83 = arith.cmpi slt, %select_n3A_79, %lt3A : i32
      %add3A_84 = arith.constant 4 : i32
      %add3A_85 = arith.addi %select_n3A_79, %add3A_84 : i32
      %select_n3A_86 = arith.select %lt3A_83, %select_n3A_79, %add3A_85 : i32
      %eq3A = arith.cmpi eq, %while3A_55, %select_n3A : i32
      %eq3A_87 = arith.constant 0 : i32
      %eq3A_88 = arith.cmpi eq, %sub3A_82, %eq3A_87 : i32
      %or3A = arith.ori %eq3A, %eq3A_88 : i1
      %convert_element_type3A = arith.extui %or3A : i1 to i32
      %cond3A = arith.constant 0 : i32
      %cond3A_89 = arith.cmpi ne, %convert_element_type3A, %cond3A : i32
      scf.if %cond3A_89 {
        "tpu.region"() ({
          %run_scoped3A = tpu.sem_alloc : memref<!tpu.dma_semaphore, #tpu.memory_space<semaphore_mem>>
          %dma_start3A_152 = arith.constant 0 : i32
          %dma_start3A_153 = arith.constant 0 : i32
          %dma_start3A_154 = tpu.memref_slice %arg2[%select_n3A_79, %dma_start3A_152, %dma_start3A_153] : memref<73x128x512xf32, #tpu.memory_space<hbm>> -> memref<1x128x512xf32, #tpu.memory_space<hbm>>
          %dma_start3A_155 = tpu.memref_squeeze %dma_start3A_154 : memref<1x128x512xf32, #tpu.memory_space<hbm>> -> memref<128x512xf32, #tpu.memory_space<hbm>>
          %dma_start3A_156 = arith.constant 0 : i32
          %dma_start3A_157 = arith.constant 0 : i32
          %dma_start3A_158 = tpu.memref_slice %arg2[%select_n3A_79, %dma_start3A_156, %dma_start3A_157] : memref<73x128x512xf32, #tpu.memory_space<hbm>> -> memref<1x128x512xf32, #tpu.memory_space<hbm>>
          %dma_start3A_159 = tpu.memref_squeeze %dma_start3A_158 : memref<1x128x512xf32, #tpu.memory_space<hbm>> -> memref<128x512xf32, #tpu.memory_space<hbm>>
          tpu.enqueue_dma source(%dma_start3A_159 : memref<128x512xf32, #tpu.memory_space<hbm>>) target(%arg4 : memref<128x512xf32, #tpu.memory_space<vmem>>) target_semaphore(%run_scoped3A : memref<!tpu.dma_semaphore, #tpu.memory_space<semaphore_mem>>)
          %dma_wait3A_160 = arith.constant 0 : i32
          %dma_wait3A_161 = arith.constant 0 : i32
          %dma_wait3A_162 = tpu.memref_slice %arg2[%select_n3A_79, %dma_wait3A_160, %dma_wait3A_161] : memref<73x128x512xf32, #tpu.memory_space<hbm>> -> memref<1x128x512xf32, #tpu.memory_space<hbm>>
          %dma_wait3A_163 = tpu.memref_squeeze %dma_wait3A_162 : memref<1x128x512xf32, #tpu.memory_space<hbm>> -> memref<128x512xf32, #tpu.memory_space<hbm>>
          %dma_wait3A_164 = arith.constant 0 : i32
          %dma_wait3A_165 = arith.constant 0 : i32
          %dma_wait3A_166 = tpu.memref_slice %arg2[%select_n3A_79, %dma_wait3A_164, %dma_wait3A_165] : memref<73x128x512xf32, #tpu.memory_space<hbm>> -> memref<1x128x512xf32, #tpu.memory_space<hbm>>
          %dma_wait3A_167 = tpu.memref_squeeze %dma_wait3A_166 : memref<1x128x512xf32, #tpu.memory_space<hbm>> -> memref<128x512xf32, #tpu.memory_space<hbm>>
          tpu.wait_dma2 semaphore(%run_scoped3A : memref<!tpu.dma_semaphore, #tpu.memory_space<semaphore_mem>>) src(%dma_wait3A_167 : memref<128x512xf32, #tpu.memory_space<hbm>>) dst(%arg4 : memref<128x512xf32, #tpu.memory_space<vmem>>)
          tpu.yield
        }) : () -> ()
      } else {
      }
      %mul3A_90 = arith.constant 512 : i32
      %mul3A_91 = arith.muli %sub3A_82, %mul3A_90 : i32
      %add3A_92 = arith.constant 0 : i32
      %add3A_93 = arith.addi %mul3A_91, %add3A_92 : i32
      %dma_start3A = arith.constant 0 : i32
      %dma_start3A_94 = tpu.memref_slice %arg3[%select_n3A_86, %add3A_93, %dma_start3A] : memref<77x1024x512xf32, #tpu.memory_space<hbm>> -> memref<1x128x512xf32, #tpu.memory_space<hbm>>
      %dma_start3A_95 = tpu.memref_squeeze %dma_start3A_94 : memref<1x128x512xf32, #tpu.memory_space<hbm>> -> memref<128x512xf32, #tpu.memory_space<hbm>>
      %dma_start3A_96 = arith.constant 0 : i32
      %dma_start3A_97 = tpu.memref_slice %arg3[%select_n3A_86, %add3A_93, %dma_start3A_96] : memref<77x1024x512xf32, #tpu.memory_space<hbm>> -> memref<1x128x512xf32, #tpu.memory_space<hbm>>
      %dma_start3A_98 = tpu.memref_squeeze %dma_start3A_97 : memref<1x128x512xf32, #tpu.memory_space<hbm>> -> memref<128x512xf32, #tpu.memory_space<hbm>>
      tpu.enqueue_dma source(%arg4 : memref<128x512xf32, #tpu.memory_space<vmem>>) target(%dma_start3A_98 : memref<128x512xf32, #tpu.memory_space<hbm>>) target_semaphore(%arg5 : memref<!tpu.dma_semaphore, #tpu.memory_space<semaphore_mem>>)
      %dma_wait3A = arith.constant 0 : i32
      %dma_wait3A_99 = tpu.memref_slice %arg3[%select_n3A_86, %add3A_93, %dma_wait3A] : memref<77x1024x512xf32, #tpu.memory_space<hbm>> -> memref<1x128x512xf32, #tpu.memory_space<hbm>>
      %dma_wait3A_100 = tpu.memref_squeeze %dma_wait3A_99 : memref<1x128x512xf32, #tpu.memory_space<hbm>> -> memref<128x512xf32, #tpu.memory_space<hbm>>
      %dma_wait3A_101 = arith.constant 0 : i32
      %dma_wait3A_102 = tpu.memref_slice %arg3[%select_n3A_86, %add3A_93, %dma_wait3A_101] : memref<77x1024x512xf32, #tpu.memory_space<hbm>> -> memref<1x128x512xf32, #tpu.memory_space<hbm>>
      %dma_wait3A_103 = tpu.memref_squeeze %dma_wait3A_102 : memref<1x128x512xf32, #tpu.memory_space<hbm>> -> memref<128x512xf32, #tpu.memory_space<hbm>>
      tpu.wait_dma2 semaphore(%arg5 : memref<!tpu.dma_semaphore, #tpu.memory_space<semaphore_mem>>) src(%arg4 : memref<128x512xf32, #tpu.memory_space<vmem>>) dst(%dma_wait3A_103 : memref<128x512xf32, #tpu.memory_space<hbm>>)
      %mul3A_104 = arith.constant 512 : i32
      %mul3A_105 = arith.muli %sub3A_82, %mul3A_104 : i32
      %add3A_106 = arith.constant 128 : i32
      %add3A_107 = arith.addi %mul3A_105, %add3A_106 : i32
      %dma_start3A_108 = arith.constant 0 : i32
      %dma_start3A_109 = tpu.memref_slice %arg3[%select_n3A_86, %add3A_107, %dma_start3A_108] : memref<77x1024x512xf32, #tpu.memory_space<hbm>> -> memref<1x128x512xf32, #tpu.memory_space<hbm>>
      %dma_start3A_110 = tpu.memref_squeeze %dma_start3A_109 : memref<1x128x512xf32, #tpu.memory_space<hbm>> -> memref<128x512xf32, #tpu.memory_space<hbm>>
      %dma_start3A_111 = arith.constant 0 : i32
      %dma_start3A_112 = tpu.memref_slice %arg3[%select_n3A_86, %add3A_107, %dma_start3A_111] : memref<77x1024x512xf32, #tpu.memory_space<hbm>> -> memref<1x128x512xf32, #tpu.memory_space<hbm>>
      %dma_start3A_113 = tpu.memref_squeeze %dma_start3A_112 : memref<1x128x512xf32, #tpu.memory_space<hbm>> -> memref<128x512xf32, #tpu.memory_space<hbm>>
      tpu.enqueue_dma source(%arg4 : memref<128x512xf32, #tpu.memory_space<vmem>>) target(%dma_start3A_113 : memref<128x512xf32, #tpu.memory_space<hbm>>) target_semaphore(%arg5 : memref<!tpu.dma_semaphore, #tpu.memory_space<semaphore_mem>>)
      %dma_wait3A_114 = arith.constant 0 : i32
      %dma_wait3A_115 = tpu.memref_slice %arg3[%select_n3A_86, %add3A_107, %dma_wait3A_114] : memref<77x1024x512xf32, #tpu.memory_space<hbm>> -> memref<1x128x512xf32, #tpu.memory_space<hbm>>
      %dma_wait3A_116 = tpu.memref_squeeze %dma_wait3A_115 : memref<1x128x512xf32, #tpu.memory_space<hbm>> -> memref<128x512xf32, #tpu.memory_space<hbm>>
      %dma_wait3A_117 = arith.constant 0 : i32
      %dma_wait3A_118 = tpu.memref_slice %arg3[%select_n3A_86, %add3A_107, %dma_wait3A_117] : memref<77x1024x512xf32, #tpu.memory_space<hbm>> -> memref<1x128x512xf32, #tpu.memory_space<hbm>>
      %dma_wait3A_119 = tpu.memref_squeeze %dma_wait3A_118 : memref<1x128x512xf32, #tpu.memory_space<hbm>> -> memref<128x512xf32, #tpu.memory_space<hbm>>
      tpu.wait_dma2 semaphore(%arg5 : memref<!tpu.dma_semaphore, #tpu.memory_space<semaphore_mem>>) src(%arg4 : memref<128x512xf32, #tpu.memory_space<vmem>>) dst(%dma_wait3A_119 : memref<128x512xf32, #tpu.memory_space<hbm>>)
      %mul3A_120 = arith.constant 512 : i32
      %mul3A_121 = arith.muli %sub3A_82, %mul3A_120 : i32
      %add3A_122 = arith.constant 256 : i32
      %add3A_123 = arith.addi %mul3A_121, %add3A_122 : i32
      %dma_start3A_124 = arith.constant 0 : i32
      %dma_start3A_125 = tpu.memref_slice %arg3[%select_n3A_86, %add3A_123, %dma_start3A_124] : memref<77x1024x512xf32, #tpu.memory_space<hbm>> -> memref<1x128x512xf32, #tpu.memory_space<hbm>>
      %dma_start3A_126 = tpu.memref_squeeze %dma_start3A_125 : memref<1x128x512xf32, #tpu.memory_space<hbm>> -> memref<128x512xf32, #tpu.memory_space<hbm>>
      %dma_start3A_127 = arith.constant 0 : i32
      %dma_start3A_128 = tpu.memref_slice %arg3[%select_n3A_86, %add3A_123, %dma_start3A_127] : memref<77x1024x512xf32, #tpu.memory_space<hbm>> -> memref<1x128x512xf32, #tpu.memory_space<hbm>>
      %dma_start3A_129 = tpu.memref_squeeze %dma_start3A_128 : memref<1x128x512xf32, #tpu.memory_space<hbm>> -> memref<128x512xf32, #tpu.memory_space<hbm>>
      tpu.enqueue_dma source(%arg4 : memref<128x512xf32, #tpu.memory_space<vmem>>) target(%dma_start3A_129 : memref<128x512xf32, #tpu.memory_space<hbm>>) target_semaphore(%arg5 : memref<!tpu.dma_semaphore, #tpu.memory_space<semaphore_mem>>)
      %dma_wait3A_130 = arith.constant 0 : i32
      %dma_wait3A_131 = tpu.memref_slice %arg3[%select_n3A_86, %add3A_123, %dma_wait3A_130] : memref<77x1024x512xf32, #tpu.memory_space<hbm>> -> memref<1x128x512xf32, #tpu.memory_space<hbm>>
      %dma_wait3A_132 = tpu.memref_squeeze %dma_wait3A_131 : memref<1x128x512xf32, #tpu.memory_space<hbm>> -> memref<128x512xf32, #tpu.memory_space<hbm>>
      %dma_wait3A_133 = arith.constant 0 : i32
      %dma_wait3A_134 = tpu.memref_slice %arg3[%select_n3A_86, %add3A_123, %dma_wait3A_133] : memref<77x1024x512xf32, #tpu.memory_space<hbm>> -> memref<1x128x512xf32, #tpu.memory_space<hbm>>
      %dma_wait3A_135 = tpu.memref_squeeze %dma_wait3A_134 : memref<1x128x512xf32, #tpu.memory_space<hbm>> -> memref<128x512xf32, #tpu.memory_space<hbm>>
      tpu.wait_dma2 semaphore(%arg5 : memref<!tpu.dma_semaphore, #tpu.memory_space<semaphore_mem>>) src(%arg4 : memref<128x512xf32, #tpu.memory_space<vmem>>) dst(%dma_wait3A_135 : memref<128x512xf32, #tpu.memory_space<hbm>>)
      %mul3A_136 = arith.constant 512 : i32
      %mul3A_137 = arith.muli %sub3A_82, %mul3A_136 : i32
      %add3A_138 = arith.constant 384 : i32
      %add3A_139 = arith.addi %mul3A_137, %add3A_138 : i32
      %dma_start3A_140 = arith.constant 0 : i32
      %dma_start3A_141 = tpu.memref_slice %arg3[%select_n3A_86, %add3A_139, %dma_start3A_140] : memref<77x1024x512xf32, #tpu.memory_space<hbm>> -> memref<1x128x512xf32, #tpu.memory_space<hbm>>
      %dma_start3A_142 = tpu.memref_squeeze %dma_start3A_141 : memref<1x128x512xf32, #tpu.memory_space<hbm>> -> memref<128x512xf32, #tpu.memory_space<hbm>>
      %dma_start3A_143 = arith.constant 0 : i32
      %dma_start3A_144 = tpu.memref_slice %arg3[%select_n3A_86, %add3A_139, %dma_start3A_143] : memref<77x1024x512xf32, #tpu.memory_space<hbm>> -> memref<1x128x512xf32, #tpu.memory_space<hbm>>
      %dma_start3A_145 = tpu.memref_squeeze %dma_start3A_144 : memref<1x128x512xf32, #tpu.memory_space<hbm>> -> memref<128x512xf32, #tpu.memory_space<hbm>>
      tpu.enqueue_dma source(%arg4 : memref<128x512xf32, #tpu.memory_space<vmem>>) target(%dma_start3A_145 : memref<128x512xf32, #tpu.memory_space<hbm>>) target_semaphore(%arg5 : memref<!tpu.dma_semaphore, #tpu.memory_space<semaphore_mem>>)
      %dma_wait3A_146 = arith.constant 0 : i32
      %dma_wait3A_147 = tpu.memref_slice %arg3[%select_n3A_86, %add3A_139, %dma_wait3A_146] : memref<77x1024x512xf32, #tpu.memory_space<hbm>> -> memref<1x128x512xf32, #tpu.memory_space<hbm>>
      %dma_wait3A_148 = tpu.memref_squeeze %dma_wait3A_147 : memref<1x128x512xf32, #tpu.memory_space<hbm>> -> memref<128x512xf32, #tpu.memory_space<hbm>>
      %dma_wait3A_149 = arith.constant 0 : i32
      %dma_wait3A_150 = tpu.memref_slice %arg3[%select_n3A_86, %add3A_139, %dma_wait3A_149] : memref<77x1024x512xf32, #tpu.memory_space<hbm>> -> memref<1x128x512xf32, #tpu.memory_space<hbm>>
      %dma_wait3A_151 = tpu.memref_squeeze %dma_wait3A_150 : memref<1x128x512xf32, #tpu.memory_space<hbm>> -> memref<128x512xf32, #tpu.memory_space<hbm>>
      tpu.wait_dma2 semaphore(%arg5 : memref<!tpu.dma_semaphore, #tpu.memory_space<semaphore_mem>>) src(%arg4 : memref<128x512xf32, #tpu.memory_space<vmem>>) dst(%dma_wait3A_151 : memref<128x512xf32, #tpu.memory_space<hbm>>)
    }
    %while3A_54 = arith.constant 1 : i32
    scf.for %while3A_55 = %while3A_52 to %while3A_48 step %while3A_54  : i32 {
      %jit3A_56 = arith.constant 2 : i32
      %div3A_57 = arith.divsi %while3A_55, %jit3A_56 : i32
      %sign3A_58 = arith.constant 0 : i32
      %sign3A_59 = arith.cmpi sgt, %while3A_55, %sign3A_58 : i32
      %sign3A_60 = arith.extui %sign3A_59 : i1 to i32
      %sign3A_61 = arith.constant 0 : i32
      %sign3A_62 = arith.cmpi slt, %while3A_55, %sign3A_61 : i32
      %sign3A_63 = arith.extui %sign3A_62 : i1 to i32
      %sign3A_64 = arith.subi %sign3A_60, %sign3A_63 : i32
      %sign3A_65 = arith.constant 0 : i32
      %sign3A_66 = arith.cmpi sgt, %jit3A_56, %sign3A_65 : i32
      %sign3A_67 = arith.extui %sign3A_66 : i1 to i32
      %sign3A_68 = arith.constant 0 : i32
      %sign3A_69 = arith.cmpi slt, %jit3A_56, %sign3A_68 : i32
      %sign3A_70 = arith.extui %sign3A_69 : i1 to i32
      %sign3A_71 = arith.subi %sign3A_67, %sign3A_70 : i32
      %ne3A_72 = arith.cmpi ne, %sign3A_64, %sign3A_71 : i32
      %rem3A_73 = arith.remsi %while3A_55, %jit3A_56 : i32
      %ne3A_74 = arith.constant 0 : i32
      %ne3A_75 = arith.cmpi ne, %rem3A_73, %ne3A_74 : i32
      %and3A_76 = arith.andi %ne3A_72, %ne3A_75 : i1
      %sub3A_77 = arith.constant 1 : i32
      %sub3A_78 = arith.subi %div3A_57, %sub3A_77 : i32
      %select_n3A_79 = arith.select %and3A_76, %sub3A_78, %div3A_57 : i32
      %mul3A_80 = arith.constant 2 : i32
      %mul3A_81 = arith.muli %mul3A_80, %select_n3A_79 : i32
      %sub3A_82 = arith.subi %while3A_55, %mul3A_81 : i32
      %lt3A = arith.constant 5 : i32
      %lt3A_83 = arith.cmpi slt, %select_n3A_79, %lt3A : i32
      %add3A_84 = arith.constant 4 : i32
      %add3A_85 = arith.addi %select_n3A_79, %add3A_84 : i32
      %select_n3A_86 = arith.select %lt3A_83, %select_n3A_79, %add3A_85 : i32
      %eq3A = arith.cmpi eq, %while3A_55, %select_n3A : i32
      %eq3A_87 = arith.constant 0 : i32
      %eq3A_88 = arith.cmpi eq, %sub3A_82, %eq3A_87 : i32
      %or3A = arith.ori %eq3A, %eq3A_88 : i1
      %convert_element_type3A = arith.extui %or3A : i1 to i32
      %cond3A = arith.constant 0 : i32
      %cond3A_89 = arith.cmpi ne, %convert_element_type3A, %cond3A : i32
      scf.if %cond3A_89 {
        "tpu.region"() ({
          %run_scoped3A = tpu.sem_alloc : memref<!tpu.dma_semaphore, #tpu.memory_space<semaphore_mem>>
          %dma_start3A_152 = arith.constant 0 : i32
          %dma_start3A_153 = arith.constant 0 : i32
          %dma_start3A_154 = tpu.memref_slice %arg2[%select_n3A_79, %dma_start3A_152, %dma_start3A_153] : memref<73x128x512xf32, #tpu.memory_space<hbm>> -> memref<1x128x512xf32, #tpu.memory_space<hbm>>
          %dma_start3A_155 = tpu.memref_squeeze %dma_start3A_154 : memref<1x128x512xf32, #tpu.memory_space<hbm>> -> memref<128x512xf32, #tpu.memory_space<hbm>>
          %dma_start3A_156 = arith.constant 0 : i32
          %dma_start3A_157 = arith.constant 0 : i32
          %dma_start3A_158 = tpu.memref_slice %arg2[%select_n3A_79, %dma_start3A_156, %dma_start3A_157] : memref<73x128x512xf32, #tpu.memory_space<hbm>> -> memref<1x128x512xf32, #tpu.memory_space<hbm>>
          %dma_start3A_159 = tpu.memref_squeeze %dma_start3A_158 : memref<1x128x512xf32, #tpu.memory_space<hbm>> -> memref<128x512xf32, #tpu.memory_space<hbm>>
          tpu.enqueue_dma source(%dma_start3A_159 : memref<128x512xf32, #tpu.memory_space<hbm>>) target(%arg4 : memref<128x512xf32, #tpu.memory_space<vmem>>) target_semaphore(%run_scoped3A : memref<!tpu.dma_semaphore, #tpu.memory_space<semaphore_mem>>)
          %dma_wait3A_160 = arith.constant 0 : i32
          %dma_wait3A_161 = arith.constant 0 : i32
          %dma_wait3A_162 = tpu.memref_slice %arg2[%select_n3A_79, %dma_wait3A_160, %dma_wait3A_161] : memref<73x128x512xf32, #tpu.memory_space<hbm>> -> memref<1x128x512xf32, #tpu.memory_space<hbm>>
          %dma_wait3A_163 = tpu.memref_squeeze %dma_wait3A_162 : memref<1x128x512xf32, #tpu.memory_space<hbm>> -> memref<128x512xf32, #tpu.memory_space<hbm>>
          %dma_wait3A_164 = arith.constant 0 : i32
          %dma_wait3A_165 = arith.constant 0 : i32
          %dma_wait3A_166 = tpu.memref_slice %arg2[%select_n3A_79, %dma_wait3A_164, %dma_wait3A_165] : memref<73x128x512xf32, #tpu.memory_space<hbm>> -> memref<1x128x512xf32, #tpu.memory_space<hbm>>
          %dma_wait3A_167 = tpu.memref_squeeze %dma_wait3A_166 : memref<1x128x512xf32, #tpu.memory_space<hbm>> -> memref<128x512xf32, #tpu.memory_space<hbm>>
          tpu.wait_dma2 semaphore(%run_scoped3A : memref<!tpu.dma_semaphore, #tpu.memory_space<semaphore_mem>>) src(%dma_wait3A_167 : memref<128x512xf32, #tpu.memory_space<hbm>>) dst(%arg4 : memref<128x512xf32, #tpu.memory_space<vmem>>)
          tpu.yield
        }) : () -> ()
      } else {
      }
      %mul3A_90 = arith.constant 512 : i32
      %mul3A_91 = arith.muli %sub3A_82, %mul3A_90 : i32
      %add3A_92 = arith.constant 0 : i32
      %add3A_93 = arith.addi %mul3A_91, %add3A_92 : i32
      %dma_start3A = arith.constant 0 : i32
      %dma_start3A_94 = tpu.memref_slice %arg3[%select_n3A_86, %add3A_93, %dma_start3A] : memref<77x1024x512xf32, #tpu.memory_space<hbm>> -> memref<1x128x512xf32, #tpu.memory_space<hbm>>
      %dma_start3A_95 = tpu.memref_squeeze %dma_start3A_94 : memref<1x128x512xf32, #tpu.memory_space<hbm>> -> memref<128x512xf32, #tpu.memory_space<hbm>>
      %dma_start3A_96 = arith.constant 0 : i32
      %dma_start3A_97 = tpu.memref_slice %arg3[%select_n3A_86, %add3A_93, %dma_start3A_96] : memref<77x1024x512xf32, #tpu.memory_space<hbm>> -> memref<1x128x512xf32, #tpu.memory_space<hbm>>
      %dma_start3A_98 = tpu.memref_squeeze %dma_start3A_97 : memref<1x128x512xf32, #tpu.memory_space<hbm>> -> memref<128x512xf32, #tpu.memory_space<hbm>>
      tpu.enqueue_dma source(%arg4 : memref<128x512xf32, #tpu.memory_space<vmem>>) target(%dma_start3A_98 : memref<128x512xf32, #tpu.memory_space<hbm>>) target_semaphore(%arg5 : memref<!tpu.dma_semaphore, #tpu.memory_space<semaphore_mem>>)
      %dma_wait3A = arith.constant 0 : i32
      %dma_wait3A_99 = tpu.memref_slice %arg3[%select_n3A_86, %add3A_93, %dma_wait3A] : memref<77x1024x512xf32, #tpu.memory_space<hbm>> -> memref<1x128x512xf32, #tpu.memory_space<hbm>>
      %dma_wait3A_100 = tpu.memref_squeeze %dma_wait3A_99 : memref<1x128x512xf32, #tpu.memory_space<hbm>> -> memref<128x512xf32, #tpu.memory_space<hbm>>
      %dma_wait3A_101 = arith.constant 0 : i32
      %dma_wait3A_102 = tpu.memref_slice %arg3[%select_n3A_86, %add3A_93, %dma_wait3A_101] : memref<77x1024x512xf32, #tpu.memory_space<hbm>> -> memref<1x128x512xf32, #tpu.memory_space<hbm>>
      %dma_wait3A_103 = tpu.memref_squeeze %dma_wait3A_102 : memref<1x128x512xf32, #tpu.memory_space<hbm>> -> memref<128x512xf32, #tpu.memory_space<hbm>>
      tpu.wait_dma2 semaphore(%arg5 : memref<!tpu.dma_semaphore, #tpu.memory_space<semaphore_mem>>) src(%arg4 : memref<128x512xf32, #tpu.memory_space<vmem>>) dst(%dma_wait3A_103 : memref<128x512xf32, #tpu.memory_space<hbm>>)
      %mul3A_104 = arith.constant 512 : i32
      %mul3A_105 = arith.muli %sub3A_82, %mul3A_104 : i32
      %add3A_106 = arith.constant 128 : i32
      %add3A_107 = arith.addi %mul3A_105, %add3A_106 : i32
      %dma_start3A_108 = arith.constant 0 : i32
      %dma_start3A_109 = tpu.memref_slice %arg3[%select_n3A_86, %add3A_107, %dma_start3A_108] : memref<77x1024x512xf32, #tpu.memory_space<hbm>> -> memref<1x128x512xf32, #tpu.memory_space<hbm>>
      %dma_start3A_110 = tpu.memref_squeeze %dma_start3A_109 : memref<1x128x512xf32, #tpu.memory_space<hbm>> -> memref<128x512xf32, #tpu.memory_space<hbm>>
      %dma_start3A_111 = arith.constant 0 : i32
      %dma_start3A_112 = tpu.memref_slice %arg3[%select_n3A_86, %add3A_107, %dma_start3A_111] : memref<77x1024x512xf32, #tpu.memory_space<hbm>> -> memref<1x128x512xf32, #tpu.memory_space<hbm>>
      %dma_start3A_113 = tpu.memref_squeeze %dma_start3A_112 : memref<1x128x512xf32, #tpu.memory_space<hbm>> -> memref<128x512xf32, #tpu.memory_space<hbm>>
      tpu.enqueue_dma source(%arg4 : memref<128x512xf32, #tpu.memory_space<vmem>>) target(%dma_start3A_113 : memref<128x512xf32, #tpu.memory_space<hbm>>) target_semaphore(%arg5 : memref<!tpu.dma_semaphore, #tpu.memory_space<semaphore_mem>>)
      %dma_wait3A_114 = arith.constant 0 : i32
      %dma_wait3A_115 = tpu.memref_slice %arg3[%select_n3A_86, %add3A_107, %dma_wait3A_114] : memref<77x1024x512xf32, #tpu.memory_space<hbm>> -> memref<1x128x512xf32, #tpu.memory_space<hbm>>
      %dma_wait3A_116 = tpu.memref_squeeze %dma_wait3A_115 : memref<1x128x512xf32, #tpu.memory_space<hbm>> -> memref<128x512xf32, #tpu.memory_space<hbm>>
      %dma_wait3A_117 = arith.constant 0 : i32
      %dma_wait3A_118 = tpu.memref_slice %arg3[%select_n3A_86, %add3A_107, %dma_wait3A_117] : memref<77x1024x512xf32, #tpu.memory_space<hbm>> -> memref<1x128x512xf32, #tpu.memory_space<hbm>>
      %dma_wait3A_119 = tpu.memref_squeeze %dma_wait3A_118 : memref<1x128x512xf32, #tpu.memory_space<hbm>> -> memref<128x512xf32, #tpu.memory_space<hbm>>
      tpu.wait_dma2 semaphore(%arg5 : memref<!tpu.dma_semaphore, #tpu.memory_space<semaphore_mem>>) src(%arg4 : memref<128x512xf32, #tpu.memory_space<vmem>>) dst(%dma_wait3A_119 : memref<128x512xf32, #tpu.memory_space<hbm>>)
      %mul3A_120 = arith.constant 512 : i32
      %mul3A_121 = arith.muli %sub3A_82, %mul3A_120 : i32
      %add3A_122 = arith.constant 256 : i32
      %add3A_123 = arith.addi %mul3A_121, %add3A_122 : i32
      %dma_start3A_124 = arith.constant 0 : i32
      %dma_start3A_125 = tpu.memref_slice %arg3[%select_n3A_86, %add3A_123, %dma_start3A_124] : memref<77x1024x512xf32, #tpu.memory_space<hbm>> -> memref<1x128x512xf32, #tpu.memory_space<hbm>>
      %dma_start3A_126 = tpu.memref_squeeze %dma_start3A_125 : memref<1x128x512xf32, #tpu.memory_space<hbm>> -> memref<128x512xf32, #tpu.memory_space<hbm>>
      %dma_start3A_127 = arith.constant 0 : i32
      %dma_start3A_128 = tpu.memref_slice %arg3[%select_n3A_86, %add3A_123, %dma_start3A_127] : memref<77x1024x512xf32, #tpu.memory_space<hbm>> -> memref<1x128x512xf32, #tpu.memory_space<hbm>>
      %dma_start3A_129 = tpu.memref_squeeze %dma_start3A_128 : memref<1x128x512xf32, #tpu.memory_space<hbm>> -> memref<128x512xf32, #tpu.memory_space<hbm>>
      tpu.enqueue_dma source(%arg4 : memref<128x512xf32, #tpu.memory_space<vmem>>) target(%dma_start3A_129 : memref<128x512xf32, #tpu.memory_space<hbm>>) target_semaphore(%arg5 : memref<!tpu.dma_semaphore, #tpu.memory_space<semaphore_mem>>)
      %dma_wait3A_130 = arith.constant 0 : i32
      %dma_wait3A_131 = tpu.memref_slice %arg3[%select_n3A_86, %add3A_123, %dma_wait3A_130] : memref<77x1024x512xf32, #tpu.memory_space<hbm>> -> memref<1x128x512xf32, #tpu.memory_space<hbm>>
      %dma_wait3A_132 = tpu.memref_squeeze %dma_wait3A_131 : memref<1x128x512xf32, #tpu.memory_space<hbm>> -> memref<128x512xf32, #tpu.memory_space<hbm>>
      %dma_wait3A_133 = arith.constant 0 : i32
      %dma_wait3A_134 = tpu.memref_slice %arg3[%select_n3A_86, %add3A_123, %dma_wait3A_133] : memref<77x1024x512xf32, #tpu.memory_space<hbm>> -> memref<1x128x512xf32, #tpu.memory_space<hbm>>
      %dma_wait3A_135 = tpu.memref_squeeze %dma_wait3A_134 : memref<1x128x512xf32, #tpu.memory_space<hbm>> -> memref<128x512xf32, #tpu.memory_space<hbm>>
      tpu.wait_dma2 semaphore(%arg5 : memref<!tpu.dma_semaphore, #tpu.memory_space<semaphore_mem>>) src(%arg4 : memref<128x512xf32, #tpu.memory_space<vmem>>) dst(%dma_wait3A_135 : memref<128x512xf32, #tpu.memory_space<hbm>>)
      %mul3A_136 = arith.constant 512 : i32
      %mul3A_137 = arith.muli %sub3A_82, %mul3A_136 : i32
      %add3A_138 = arith.constant 384 : i32
      %add3A_139 = arith.addi %mul3A_137, %add3A_138 : i32
      %dma_start3A_140 = arith.constant 0 : i32
      %dma_start3A_141 = tpu.memref_slice %arg3[%select_n3A_86, %add3A_139, %dma_start3A_140] : memref<77x1024x512xf32, #tpu.memory_space<hbm>> -> memref<1x128x512xf32, #tpu.memory_space<hbm>>
      %dma_start3A_142 = tpu.memref_squeeze %dma_start3A_141 : memref<1x128x512xf32, #tpu.memory_space<hbm>> -> memref<128x512xf32, #tpu.memory_space<hbm>>
      %dma_start3A_143 = arith.constant 0 : i32
      %dma_start3A_144 = tpu.memref_slice %arg3[%select_n3A_86, %add3A_139, %dma_start3A_143] : memref<77x1024x512xf32, #tpu.memory_space<hbm>> -> memref<1x128x512xf32, #tpu.memory_space<hbm>>
      %dma_start3A_145 = tpu.memref_squeeze %dma_start3A_144 : memref<1x128x512xf32, #tpu.memory_space<hbm>> -> memref<128x512xf32, #tpu.memory_space<hbm>>
      tpu.enqueue_dma source(%arg4 : memref<128x512xf32, #tpu.memory_space<vmem>>) target(%dma_start3A_145 : memref<128x512xf32, #tpu.memory_space<hbm>>) target_semaphore(%arg5 : memref<!tpu.dma_semaphore, #tpu.memory_space<semaphore_mem>>)
      %dma_wait3A_146 = arith.constant 0 : i32
      %dma_wait3A_147 = tpu.memref_slice %arg3[%select_n3A_86, %add3A_139, %dma_wait3A_146] : memref<77x1024x512xf32, #tpu.memory_space<hbm>> -> memref<1x128x512xf32, #tpu.memory_space<hbm>>
      %dma_wait3A_148 = tpu.memref_squeeze %dma_wait3A_147 : memref<1x128x512xf32, #tpu.memory_space<hbm>> -> memref<128x512xf32, #tpu.memory_space<hbm>>
      %dma_wait3A_149 = arith.constant 0 : i32
      %dma_wait3A_150 = tpu.memref_slice %arg3[%select_n3A_86, %add3A_139, %dma_wait3A_149] : memref<77x1024x512xf32, #tpu.memory_space<hbm>> -> memref<1x128x512xf32, #tpu.memory_space<hbm>>
      %dma_wait3A_151 = tpu.memref_squeeze %dma_wait3A_150 : memref<1x128x512xf32, #tpu.memory_space<hbm>> -> memref<128x512xf32, #tpu.memory_space<hbm>>
      tpu.wait_dma2 semaphore(%arg5 : memref<!tpu.dma_semaphore, #tpu.memory_space<semaphore_mem>>) src(%arg4 : memref<128x512xf32, #tpu.memory_space<vmem>>) dst(%dma_wait3A_151 : memref<128x512xf32, #tpu.memory_space<hbm>>)
    }
    return
  }
}

module attributes {stable_mosaic.version = 14 : i64} {
  func.func @_rep_body(%arg0: i32, %arg1: memref<1x1x512xf32, #tpu.memory_space<vmem>>, %arg2: memref<1x128x512xf32, #tpu.memory_space<vmem>>) attributes {dimension_semantics = [#tpu.dimension_semantics<arbitrary>], iteration_bounds = array<i64: 73>, scalar_prefetch = 0 : i64, scratch_operands = 0 : i64, tpu.core_type = #tpu.core_type<tc>, window_params = [{transform_indices = @transform_0, window_bounds = array<i64: 1, 1, 512>}, {transform_indices = @transform_1, window_bounds = array<i64: 1, 128, 512>}]} {
    %get3A = arith.constant 0 : index
    %get3A_0 = arith.constant 0 : index
    %get3A_1 = arith.constant 0 : index
    %get3A_2 = vector.load %arg1[%get3A, %get3A_0, %get3A_1] : memref<1x1x512xf32, #tpu.memory_space<vmem>>, vector<1x1x512xf32>
    %get3A_3 = vector.shape_cast %get3A_2 : vector<1x1x512xf32> to vector<1x512xf32>
    %broadcast_in_dim3A = vector.shape_cast %get3A_3 : vector<1x512xf32> to vector<1x512xf32>
    %broadcast_in_dim3A_4 = vector.broadcast %broadcast_in_dim3A : vector<1x512xf32> to vector<128x512xf32>
    %swap3A = arith.constant 0 : index
    %swap3A_5 = arith.constant 0 : index
    %swap3A_6 = arith.constant 0 : index
    %swap3A_7 = vector.load %arg2[%swap3A, %swap3A_5, %swap3A_6] : memref<1x128x512xf32, #tpu.memory_space<vmem>>, vector<1x128x512xf32>
    %swap3A_8 = vector.shape_cast %swap3A_7 : vector<1x128x512xf32> to vector<128x512xf32>
    %swap3A_9 = vector.shape_cast %broadcast_in_dim3A_4 : vector<128x512xf32> to vector<1x128x512xf32>
    tpu.vector_store %arg2[%swap3A, %swap3A_5, %swap3A_6], %swap3A_9 {strides = array<i32>} : memref<1x128x512xf32, #tpu.memory_space<vmem>>, vector<1x128x512xf32>,
    return
  }
  func.func @transform_0(%arg0: i32) -> (i32, i32, i32) {
    %c0_i32 = arith.constant 0 : i32
    %c0_i32_0 = arith.constant 0 : i32
    %c0_i32_1 = arith.constant 0 : i32
    return %arg0, %c0_i32, %c0_i32_0 : i32, i32, i32
  }
  func.func @transform_1(%arg0: i32) -> (i32, i32, i32) {
    %c0_i32 = arith.constant 0 : i32
    %c0_i32_0 = arith.constant 0 : i32
    %c0_i32_1 = arith.constant 0 : i32
    return %arg0, %c0_i32, %c0_i32_0 : i32, i32, i32
  }
}

module attributes {stable_mosaic.version = 14 : i64} {
  func.func @_merge_body(%arg0: i32, %arg1: memref<4x128x512xf32, #tpu.memory_space<vmem>>, %arg2: memref<77x1024x512xf32, #tpu.memory_space<any>>, %arg3: memref<77x1024x512xf32, #tpu.memory_space<any>>, %arg4: memref<!tpu.dma_semaphore, #tpu.memory_space<semaphore_mem>>) attributes {dimension_semantics = [#tpu.dimension_semantics<arbitrary>], iteration_bounds = array<i64: 8>, scalar_prefetch = 0 : i64, scratch_operands = 1 : i64, tpu.core_type = #tpu.core_type<tc>, window_params = [{transform_indices = @transform_0, window_bounds = array<i64: 4, 128, 512>}, {}, {}]} {
    %mul3A = arith.constant 128 : i32
    %mul3A_0 = arith.muli %arg0, %mul3A : i32
    %dma_start3A = arith.constant 5 : i32
    %dma_start3A_1 = arith.constant 0 : i32
    %dma_start3A_2 = tpu.memref_slice %arg3[%dma_start3A, %mul3A_0, %dma_start3A_1] : memref<77x1024x512xf32, #tpu.memory_space<any>> -> memref<4x128x512xf32, #tpu.memory_space<any>>
    tpu.enqueue_dma source(%arg1 : memref<4x128x512xf32, #tpu.memory_space<vmem>>) target(%dma_start3A_2 : memref<4x128x512xf32, #tpu.memory_space<any>>) target_semaphore(%arg4 : memref<!tpu.dma_semaphore, #tpu.memory_space<semaphore_mem>>)
    %dma_wait3A = arith.constant 5 : i32
    %dma_wait3A_3 = arith.constant 0 : i32
    %dma_wait3A_4 = tpu.memref_slice %arg3[%dma_wait3A, %mul3A_0, %dma_wait3A_3] : memref<77x1024x512xf32, #tpu.memory_space<any>> -> memref<4x128x512xf32, #tpu.memory_space<any>>
    tpu.wait_dma2 semaphore(%arg4 : memref<!tpu.dma_semaphore, #tpu.memory_space<semaphore_mem>>) src(%arg1 : memref<4x128x512xf32, #tpu.memory_space<vmem>>) dst(%dma_wait3A_4 : memref<4x128x512xf32, #tpu.memory_space<any>>)
    return
  }
  func.func @transform_0(%arg0: i32) -> (i32, i32, i32) {
    %c0_i32 = arith.constant 0 : i32
    %c0_i32_0 = arith.constant 0 : i32
    %c0_i32_1 = arith.constant 0 : i32
    return %c0_i32, %arg0, %c0_i32_0 : i32, i32, i32
  }
}

module attributes {stable_mosaic.version = 14 : i64} {
  func.func @_mid_body(%arg0: i32, %arg1: memref<1024xi32, #tpu.memory_space<smem>>, %arg2: memref<64x512xf32, #tpu.memory_space<vmem>>, %arg3: memref<512x32xf32, #tpu.memory_space<vmem>>, %arg4: memref<1x32xf32, #tpu.memory_space<vmem>>, %arg5: memref<32x512xf32, #tpu.memory_space<vmem>>, %arg6: memref<1x512xf32, #tpu.memory_space<vmem>>, %arg7: memref<100000x4x512xf32, #tpu.memory_space<any>>, %arg8: memref<4x64x512xf32, #tpu.memory_space<vmem>>, %arg9: memref<2x64x4x512xf32, #tpu.memory_space<vmem>>, %arg10: memref<2x64x!tpu.dma_semaphore, #tpu.memory_space<semaphore_mem>>) attributes {dimension_semantics = [#tpu.dimension_semantics<arbitrary>], iteration_bounds = array<i64: 16>, scalar_prefetch = 1 : i64, scratch_operands = 2 : i64, tpu.core_type = #tpu.core_type<tc>, window_params = [{transform_indices = @transform_0, window_bounds = array<i64: 64, 512>}, {pipeline_mode = #tpu.pipeline_mode<synchronous>, transform_indices = @transform_1, window_bounds = array<i64: 512, 32>}, {pipeline_mode = #tpu.pipeline_mode<synchronous>, transform_indices = @transform_2, window_bounds = array<i64: 1, 32>}, {pipeline_mode = #tpu.pipeline_mode<synchronous>, transform_indices = @transform_3, window_bounds = array<i64: 32, 512>}, {pipeline_mode = #tpu.pipeline_mode<synchronous>, transform_indices = @transform_4, window_bounds = array<i64: 1, 512>}, {}, {transform_indices = @transform_6, window_bounds = array<i64: 4, 64, 512>}]} {
    %rem3A = arith.constant 2 : i32
    %rem3A_0 = arith.remsi %arg0, %rem3A : i32
    %eq3A = arith.constant 0 : i32
    %eq3A_1 = arith.cmpi eq, %arg0, %eq3A : i32
    %convert_element_type3A = arith.extui %eq3A_1 : i1 to i32
    %cond3A = arith.constant 0 : i32
    %cond3A_2 = arith.cmpi ne, %convert_element_type3A, %cond3A : i32
    scf.if %cond3A_2 {
      %get3A_901 = arith.constant 0 : index
      %get3A_902 = memref.load %arg1[%get3A_901] : memref<1024xi32, #tpu.memory_space<smem>>
      %dma_start3A = arith.constant 0 : i32
      %dma_start3A_903 = arith.constant 0 : i32
      %dma_start3A_904 = arith.constant 0 : i32
      %dma_start3A_905 = arith.constant 0 : i32
      %dma_start3A_906 = tpu.memref_slice %arg10[%dma_start3A_904, %dma_start3A_905] : memref<2x64x!tpu.dma_semaphore, #tpu.memory_space<semaphore_mem>> -> memref<1x1x!tpu.dma_semaphore, #tpu.memory_space<semaphore_mem>>
      %dma_start3A_907 = tpu.memref_squeeze %dma_start3A_906 : memref<1x1x!tpu.dma_semaphore, #tpu.memory_space<semaphore_mem>> -> memref<!tpu.dma_semaphore, #tpu.memory_space<semaphore_mem>>
      %dma_start3A_908 = arith.constant 0 : i32
      %dma_start3A_909 = arith.constant 0 : i32
      %dma_start3A_910 = tpu.memref_slice %arg9[%dma_start3A, %dma_start3A_903, %dma_start3A_908, %dma_start3A_909] : memref<2x64x4x512xf32, #tpu.memory_space<vmem>> -> memref<1x1x4x512xf32, #tpu.memory_space<vmem>>
      %dma_start3A_911 = tpu.memref_squeeze %dma_start3A_910 : memref<1x1x4x512xf32, #tpu.memory_space<vmem>> -> memref<4x512xf32, #tpu.memory_space<vmem>>
      %dma_start3A_912 = arith.constant 0 : i32
      %dma_start3A_913 = arith.constant 0 : i32
      %dma_start3A_914 = tpu.memref_slice %arg7[%get3A_902, %dma_start3A_912, %dma_start3A_913] : memref<100000x4x512xf32, #tpu.memory_space<any>> -> memref<1x4x512xf32, #tpu.memory_space<any>>
      %dma_start3A_915 = tpu.memref_squeeze %dma_start3A_914 : memref<1x4x512xf32, #tpu.memory_space<any>> -> memref<4x512xf32, #tpu.memory_space<any>>
      tpu.enqueue_dma source(%dma_start3A_915 : memref<4x512xf32, #tpu.memory_space<any>>) target(%dma_start3A_911 : memref<4x512xf32, #tpu.memory_space<vmem>>) target_semaphore(%dma_start3A_907 : memref<!tpu.dma_semaphore, #tpu.memory_space<semaphore_mem>>)
      %get3A_916 = arith.constant 1 : index
      %get3A_917 = memref.load %arg1[%get3A_916] : memref<1024xi32, #tpu.memory_space<smem>>
      %dma_start3A_918 = arith.constant 0 : i32
      %dma_start3A_919 = arith.constant 1 : i32
      %dma_start3A_920 = arith.constant 0 : i32
      %dma_start3A_921 = arith.constant 1 : i32
      %dma_start3A_922 = tpu.memref_slice %arg10[%dma_start3A_920, %dma_start3A_921] : memref<2x64x!tpu.dma_semaphore, #tpu.memory_space<semaphore_mem>> -> memref<1x1x!tpu.dma_semaphore, #tpu.memory_space<semaphore_mem>>
      %dma_start3A_923 = tpu.memref_squeeze %dma_start3A_922 : memref<1x1x!tpu.dma_semaphore, #tpu.memory_space<semaphore_mem>> -> memref<!tpu.dma_semaphore, #tpu.memory_space<semaphore_mem>>
      %dma_start3A_924 = arith.constant 0 : i32
      %dma_start3A_925 = arith.constant 0 : i32
      %dma_start3A_926 = tpu.memref_slice %arg9[%dma_start3A_918, %dma_start3A_919, %dma_start3A_924, %dma_start3A_925] : memref<2x64x4x512xf32, #tpu.memory_space<vmem>> -> memref<1x1x4x512xf32, #tpu.memory_space<vmem>>
      %dma_start3A_927 = tpu.memref_squeeze %dma_start3A_926 : memref<1x1x4x512xf32, #tpu.memory_space<vmem>> -> memref<4x512xf32, #tpu.memory_space<vmem>>
      %dma_start3A_928 = arith.constant 0 : i32
      %dma_start3A_929 = arith.constant 0 : i32
      %dma_start3A_930 = tpu.memref_slice %arg7[%get3A_917, %dma_start3A_928, %dma_start3A_929] : memref<100000x4x512xf32, #tpu.memory_space<any>> -> memref<1x4x512xf32, #tpu.memory_space<any>>
      %dma_start3A_931 = tpu.memref_squeeze %dma_start3A_930 : memref<1x4x512xf32, #tpu.memory_space<any>> -> memref<4x512xf32, #tpu.memory_space<any>>
      tpu.enqueue_dma source(%dma_start3A_931 : memref<4x512xf32, #tpu.memory_space<any>>) target(%dma_start3A_927 : memref<4x512xf32, #tpu.memory_space<vmem>>) target_semaphore(%dma_start3A_923 : memref<!tpu.dma_semaphore, #tpu.memory_space<semaphore_mem>>)
      %get3A_932 = arith.constant 2 : index
      %get3A_933 = memref.load %arg1[%get3A_932] : memref<1024xi32, #tpu.memory_space<smem>>
      %dma_start3A_934 = arith.constant 0 : i32
      %dma_start3A_935 = arith.constant 2 : i32
      %dma_start3A_936 = arith.constant 0 : i32
      %dma_start3A_937 = arith.constant 2 : i32
      %dma_start3A_938 = tpu.memref_slice %arg10[%dma_start3A_936, %dma_start3A_937] : memref<2x64x!tpu.dma_semaphore, #tpu.memory_space<semaphore_mem>> -> memref<1x1x!tpu.dma_semaphore, #tpu.memory_space<semaphore_mem>>
      %dma_start3A_939 = tpu.memref_squeeze %dma_start3A_938 : memref<1x1x!tpu.dma_semaphore, #tpu.memory_space<semaphore_mem>> -> memref<!tpu.dma_semaphore, #tpu.memory_space<semaphore_mem>>
      %dma_start3A_940 = arith.constant 0 : i32
      %dma_start3A_941 = arith.constant 0 : i32
      %dma_start3A_942 = tpu.memref_slice %arg9[%dma_start3A_934, %dma_start3A_935, %dma_start3A_940, %dma_start3A_941] : memref<2x64x4x512xf32, #tpu.memory_space<vmem>> -> memref<1x1x4x512xf32, #tpu.memory_space<vmem>>
      %dma_start3A_943 = tpu.memref_squeeze %dma_start3A_942 : memref<1x1x4x512xf32, #tpu.memory_space<vmem>> -> memref<4x512xf32, #tpu.memory_space<vmem>>
      %dma_start3A_944 = arith.constant 0 : i32
      %dma_start3A_945 = arith.constant 0 : i32
      %dma_start3A_946 = tpu.memref_slice %arg7[%get3A_933, %dma_start3A_944, %dma_start3A_945] : memref<100000x4x512xf32, #tpu.memory_space<any>> -> memref<1x4x512xf32, #tpu.memory_space<any>>
      %dma_start3A_947 = tpu.memref_squeeze %dma_start3A_946 : memref<1x4x512xf32, #tpu.memory_space<any>> -> memref<4x512xf32, #tpu.memory_space<any>>
      tpu.enqueue_dma source(%dma_start3A_947 : memref<4x512xf32, #tpu.memory_space<any>>) target(%dma_start3A_943 : memref<4x512xf32, #tpu.memory_space<vmem>>) target_semaphore(%dma_start3A_939 : memref<!tpu.dma_semaphore, #tpu.memory_space<semaphore_mem>>)
      %get3A_948 = arith.constant 3 : index
      %get3A_949 = memref.load %arg1[%get3A_948] : memref<1024xi32, #tpu.memory_space<smem>>
      %dma_start3A_950 = arith.constant 0 : i32
      %dma_start3A_951 = arith.constant 3 : i32
      %dma_start3A_952 = arith.constant 0 : i32
      %dma_start3A_953 = arith.constant 3 : i32
      %dma_start3A_954 = tpu.memref_slice %arg10[%dma_start3A_952, %dma_start3A_953] : memref<2x64x!tpu.dma_semaphore, #tpu.memory_space<semaphore_mem>> -> memref<1x1x!tpu.dma_semaphore, #tpu.memory_space<semaphore_mem>>
      %dma_start3A_955 = tpu.memref_squeeze %dma_start3A_954 : memref<1x1x!tpu.dma_semaphore, #tpu.memory_space<semaphore_mem>> -> memref<!tpu.dma_semaphore, #tpu.memory_space<semaphore_mem>>
      %dma_start3A_956 = arith.constant 0 : i32
      %dma_start3A_957 = arith.constant 0 : i32
      %dma_start3A_958 = tpu.memref_slice %arg9[%dma_start3A_950, %dma_start3A_951, %dma_start3A_956, %dma_start3A_957] : memref<2x64x4x512xf32, #tpu.memory_space<vmem>> -> memref<1x1x4x512xf32, #tpu.memory_space<vmem>>
      %dma_start3A_959 = tpu.memref_squeeze %dma_start3A_958 : memref<1x1x4x512xf32, #tpu.memory_space<vmem>> -> memref<4x512xf32, #tpu.memory_space<vmem>>
      %dma_start3A_960 = arith.constant 0 : i32
      %dma_start3A_961 = arith.constant 0 : i32
      %dma_start3A_962 = tpu.memref_slice %arg7[%get3A_949, %dma_start3A_960, %dma_start3A_961] : memref<100000x4x512xf32, #tpu.memory_space<any>> -> memref<1x4x512xf32, #tpu.memory_space<any>>
      %dma_start3A_963 = tpu.memref_squeeze %dma_start3A_962 : memref<1x4x512xf32, #tpu.memory_space<any>> -> memref<4x512xf32, #tpu.memory_space<any>>
      tpu.enqueue_dma source(%dma_start3A_963 : memref<4x512xf32, #tpu.memory_space<any>>) target(%dma_start3A_959 : memref<4x512xf32, #tpu.memory_space<vmem>>) target_semaphore(%dma_start3A_955 : memref<!tpu.dma_semaphore, #tpu.memory_space<semaphore_mem>>)
      %get3A_964 = arith.constant 4 : index
      %get3A_965 = memref.load %arg1[%get3A_964] : memref<1024xi32, #tpu.memory_space<smem>>
      %dma_start3A_966 = arith.constant 0 : i32
      %dma_start3A_967 = arith.constant 4 : i32
      %dma_start3A_968 = arith.constant 0 : i32
      %dma_start3A_969 = arith.constant 4 : i32
      %dma_start3A_970 = tpu.memref_slice %arg10[%dma_start3A_968, %dma_start3A_969] : memref<2x64x!tpu.dma_semaphore, #tpu.memory_space<semaphore_mem>> -> memref<1x1x!tpu.dma_semaphore, #tpu.memory_space<semaphore_mem>>
      %dma_start3A_971 = tpu.memref_squeeze %dma_start3A_970 : memref<1x1x!tpu.dma_semaphore, #tpu.memory_space<semaphore_mem>> -> memref<!tpu.dma_semaphore, #tpu.memory_space<semaphore_mem>>
      %dma_start3A_972 = arith.constant 0 : i32
      %dma_start3A_973 = arith.constant 0 : i32
      %dma_start3A_974 = tpu.memref_slice %arg9[%dma_start3A_966, %dma_start3A_967, %dma_start3A_972, %dma_start3A_973] : memref<2x64x4x512xf32, #tpu.memory_space<vmem>> -> memref<1x1x4x512xf32, #tpu.memory_space<vmem>>
      %dma_start3A_975 = tpu.memref_squeeze %dma_start3A_974 : memref<1x1x4x512xf32, #tpu.memory_space<vmem>> -> memref<4x512xf32, #tpu.memory_space<vmem>>
      %dma_start3A_976 = arith.constant 0 : i32
      %dma_start3A_977 = arith.constant 0 : i32
      %dma_start3A_978 = tpu.memref_slice %arg7[%get3A_965, %dma_start3A_976, %dma_start3A_977] : memref<100000x4x512xf32, #tpu.memory_space<any>> -> memref<1x4x512xf32, #tpu.memory_space<any>>
      %dma_start3A_979 = tpu.memref_squeeze %dma_start3A_978 : memref<1x4x512xf32, #tpu.memory_space<any>> -> memref<4x512xf32, #tpu.memory_space<any>>
      tpu.enqueue_dma source(%dma_start3A_979 : memref<4x512xf32, #tpu.memory_space<any>>) target(%dma_start3A_975 : memref<4x512xf32, #tpu.memory_space<vmem>>) target_semaphore(%dma_start3A_971 : memref<!tpu.dma_semaphore, #tpu.memory_space<semaphore_mem>>)
      %get3A_980 = arith.constant 5 : index
      %get3A_981 = memref.load %arg1[%get3A_980] : memref<1024xi32, #tpu.memory_space<smem>>
      %dma_start3A_982 = arith.constant 0 : i32
      %dma_start3A_983 = arith.constant 5 : i32
      %dma_start3A_984 = arith.constant 0 : i32
      %dma_start3A_985 = arith.constant 5 : i32
      %dma_start3A_986 = tpu.memref_slice %arg10[%dma_start3A_984, %dma_start3A_985] : memref<2x64x!tpu.dma_semaphore, #tpu.memory_space<semaphore_mem>> -> memref<1x1x!tpu.dma_semaphore, #tpu.memory_space<semaphore_mem>>
      %dma_start3A_987 = tpu.memref_squeeze %dma_start3A_986 : memref<1x1x!tpu.dma_semaphore, #tpu.memory_space<semaphore_mem>> -> memref<!tpu.dma_semaphore, #tpu.memory_space<semaphore_mem>>
      %dma_start3A_988 = arith.constant 0 : i32
      %dma_start3A_989 = arith.constant 0 : i32
      %dma_start3A_990 = tpu.memref_slice %arg9[%dma_start3A_982, %dma_start3A_983, %dma_start3A_988, %dma_start3A_989] : memref<2x64x4x512xf32, #tpu.memory_space<vmem>> -> memref<1x1x4x512xf32, #tpu.memory_space<vmem>>
      %dma_start3A_991 = tpu.memref_squeeze %dma_start3A_990 : memref<1x1x4x512xf32, #tpu.memory_space<vmem>> -> memref<4x512xf32, #tpu.memory_space<vmem>>
      %dma_start3A_992 = arith.constant 0 : i32
      %dma_start3A_993 = arith.constant 0 : i32
      %dma_start3A_994 = tpu.memref_slice %arg7[%get3A_981, %dma_start3A_992, %dma_start3A_993] : memref<100000x4x512xf32, #tpu.memory_space<any>> -> memref<1x4x512xf32, #tpu.memory_space<any>>
      %dma_start3A_995 = tpu.memref_squeeze %dma_start3A_994 : memref<1x4x512xf32, #tpu.memory_space<any>> -> memref<4x512xf32, #tpu.memory_space<any>>
      tpu.enqueue_dma source(%dma_start3A_995 : memref<4x512xf32, #tpu.memory_space<any>>) target(%dma_start3A_991 : memref<4x512xf32, #tpu.memory_space<vmem>>) target_semaphore(%dma_start3A_987 : memref<!tpu.dma_semaphore, #tpu.memory_space<semaphore_mem>>)
      %get3A_996 = arith.constant 6 : index
      %get3A_997 = memref.load %arg1[%get3A_996] : memref<1024xi32, #tpu.memory_space<smem>>
      %dma_start3A_998 = arith.constant 0 : i32
      %dma_start3A_999 = arith.constant 6 : i32
      %dma_start3A_1000 = arith.constant 0 : i32
      %dma_start3A_1001 = arith.constant 6 : i32
      %dma_start3A_1002 = tpu.memref_slice %arg10[%dma_start3A_1000, %dma_start3A_1001] : memref<2x64x!tpu.dma_semaphore, #tpu.memory_space<semaphore_mem>> -> memref<1x1x!tpu.dma_semaphore, #tpu.memory_space<semaphore_mem>>
      %dma_start3A_1003 = tpu.memref_squeeze %dma_start3A_1002 : memref<1x1x!tpu.dma_semaphore, #tpu.memory_space<semaphore_mem>> -> memref<!tpu.dma_semaphore, #tpu.memory_space<semaphore_mem>>
      %dma_start3A_1004 = arith.constant 0 : i32
      %dma_start3A_1005 = arith.constant 0 : i32
      %dma_start3A_1006 = tpu.memref_slice %arg9[%dma_start3A_998, %dma_start3A_999, %dma_start3A_1004, %dma_start3A_1005] : memref<2x64x4x512xf32, #tpu.memory_space<vmem>> -> memref<1x1x4x512xf32, #tpu.memory_space<vmem>>
      %dma_start3A_1007 = tpu.memref_squeeze %dma_start3A_1006 : memref<1x1x4x512xf32, #tpu.memory_space<vmem>> -> memref<4x512xf32, #tpu.memory_space<vmem>>
      %dma_start3A_1008 = arith.constant 0 : i32
      %dma_start3A_1009 = arith.constant 0 : i32
      %dma_start3A_1010 = tpu.memref_slice %arg7[%get3A_997, %dma_start3A_1008, %dma_start3A_1009] : memref<100000x4x512xf32, #tpu.memory_space<any>> -> memref<1x4x512xf32, #tpu.memory_space<any>>
      %dma_start3A_1011 = tpu.memref_squeeze %dma_start3A_1010 : memref<1x4x512xf32, #tpu.memory_space<any>> -> memref<4x512xf32, #tpu.memory_space<any>>
      tpu.enqueue_dma source(%dma_start3A_1011 : memref<4x512xf32, #tpu.memory_space<any>>) target(%dma_start3A_1007 : memref<4x512xf32, #tpu.memory_space<vmem>>) target_semaphore(%dma_start3A_1003 : memref<!tpu.dma_semaphore, #tpu.memory_space<semaphore_mem>>)
      %get3A_1012 = arith.constant 7 : index
      %get3A_1013 = memref.load %arg1[%get3A_1012] : memref<1024xi32, #tpu.memory_space<smem>>
      %dma_start3A_1014 = arith.constant 0 : i32
      %dma_start3A_1015 = arith.constant 7 : i32
      %dma_start3A_1016 = arith.constant 0 : i32
      %dma_start3A_1017 = arith.constant 7 : i32
      %dma_start3A_1018 = tpu.memref_slice %arg10[%dma_start3A_1016, %dma_start3A_1017] : memref<2x64x!tpu.dma_semaphore, #tpu.memory_space<semaphore_mem>> -> memref<1x1x!tpu.dma_semaphore, #tpu.memory_space<semaphore_mem>>
      %dma_start3A_1019 = tpu.memref_squeeze %dma_start3A_1018 : memref<1x1x!tpu.dma_semaphore, #tpu.memory_space<semaphore_mem>> -> memref<!tpu.dma_semaphore, #tpu.memory_space<semaphore_mem>>
      %dma_start3A_1020 = arith.constant 0 : i32
      %dma_start3A_1021 = arith.constant 0 : i32
      %dma_start3A_1022 = tpu.memref_slice %arg9[%dma_start3A_1014, %dma_start3A_1015, %dma_start3A_1020, %dma_start3A_1021] : memref<2x64x4x512xf32, #tpu.memory_space<vmem>> -> memref<1x1x4x512xf32, #tpu.memory_space<vmem>>
      %dma_start3A_1023 = tpu.memref_squeeze %dma_start3A_1022 : memref<1x1x4x512xf32, #tpu.memory_space<vmem>> -> memref<4x512xf32, #tpu.memory_space<vmem>>
      %dma_start3A_1024 = arith.constant 0 : i32
      %dma_start3A_1025 = arith.constant 0 : i32
      %dma_start3A_1026 = tpu.memref_slice %arg7[%get3A_1013, %dma_start3A_1024, %dma_start3A_1025] : memref<100000x4x512xf32, #tpu.memory_space<any>> -> memref<1x4x512xf32, #tpu.memory_space<any>>
      %dma_start3A_1027 = tpu.memref_squeeze %dma_start3A_1026 : memref<1x4x512xf32, #tpu.memory_space<any>> -> memref<4x512xf32, #tpu.memory_space<any>>
      tpu.enqueue_dma source(%dma_start3A_1027 : memref<4x512xf32, #tpu.memory_space<any>>) target(%dma_start3A_1023 : memref<4x512xf32, #tpu.memory_space<vmem>>) target_semaphore(%dma_start3A_1019 : memref<!tpu.dma_semaphore, #tpu.memory_space<semaphore_mem>>)
      %get3A_1028 = arith.constant 8 : index
      %get3A_1029 = memref.load %arg1[%get3A_1028] : memref<1024xi32, #tpu.memory_space<smem>>
      %dma_start3A_1030 = arith.constant 0 : i32
      %dma_start3A_1031 = arith.constant 8 : i32
      %dma_start3A_1032 = arith.constant 0 : i32
      %dma_start3A_1033 = arith.constant 8 : i32
      %dma_start3A_1034 = tpu.memref_slice %arg10[%dma_start3A_1032, %dma_start3A_1033] : memref<2x64x!tpu.dma_semaphore, #tpu.memory_space<semaphore_mem>> -> memref<1x1x!tpu.dma_semaphore, #tpu.memory_space<semaphore_mem>>
      %dma_start3A_1035 = tpu.memref_squeeze %dma_start3A_1034 : memref<1x1x!tpu.dma_semaphore, #tpu.memory_space<semaphore_mem>> -> memref<!tpu.dma_semaphore, #tpu.memory_space<semaphore_mem>>
      %dma_start3A_1036 = arith.constant 0 : i32
      %dma_start3A_1037 = arith.constant 0 : i32
      %dma_start3A_1038 = tpu.memref_slice %arg9[%dma_start3A_1030, %dma_start3A_1031, %dma_start3A_1036, %dma_start3A_1037] : memref<2x64x4x512xf32, #tpu.memory_space<vmem>> -> memref<1x1x4x512xf32, #tpu.memory_space<vmem>>
      %dma_start3A_1039 = tpu.memref_squeeze %dma_start3A_1038 : memref<1x1x4x512xf32, #tpu.memory_space<vmem>> -> memref<4x512xf32, #tpu.memory_space<vmem>>
      %dma_start3A_1040 = arith.constant 0 : i32
      %dma_start3A_1041 = arith.constant 0 : i32
      %dma_start3A_1042 = tpu.memref_slice %arg7[%get3A_1029, %dma_start3A_1040, %dma_start3A_1041] : memref<100000x4x512xf32, #tpu.memory_space<any>> -> memref<1x4x512xf32, #tpu.memory_space<any>>
      %dma_start3A_1043 = tpu.memref_squeeze %dma_start3A_1042 : memref<1x4x512xf32, #tpu.memory_space<any>> -> memref<4x512xf32, #tpu.memory_space<any>>
      tpu.enqueue_dma source(%dma_start3A_1043 : memref<4x512xf32, #tpu.memory_space<any>>) target(%dma_start3A_1039 : memref<4x512xf32, #tpu.memory_space<vmem>>) target_semaphore(%dma_start3A_1035 : memref<!tpu.dma_semaphore, #tpu.memory_space<semaphore_mem>>)
      %get3A_1044 = arith.constant 9 : index
      %get3A_1045 = memref.load %arg1[%get3A_1044] : memref<1024xi32, #tpu.memory_space<smem>>
      %dma_start3A_1046 = arith.constant 0 : i32
      %dma_start3A_1047 = arith.constant 9 : i32
      %dma_start3A_1048 = arith.constant 0 : i32
      %dma_start3A_1049 = arith.constant 9 : i32
      %dma_start3A_1050 = tpu.memref_slice %arg10[%dma_start3A_1048, %dma_start3A_1049] : memref<2x64x!tpu.dma_semaphore, #tpu.memory_space<semaphore_mem>> -> memref<1x1x!tpu.dma_semaphore, #tpu.memory_space<semaphore_mem>>
      %dma_start3A_1051 = tpu.memref_squeeze %dma_start3A_1050 : memref<1x1x!tpu.dma_semaphore, #tpu.memory_space<semaphore_mem>> -> memref<!tpu.dma_semaphore, #tpu.memory_space<semaphore_mem>>
      %dma_start3A_1052 = arith.constant 0 : i32
      %dma_start3A_1053 = arith.constant 0 : i32
      %dma_start3A_1054 = tpu.memref_slice %arg9[%dma_start3A_1046, %dma_start3A_1047, %dma_start3A_1052, %dma_start3A_1053] : memref<2x64x4x512xf32, #tpu.memory_space<vmem>> -> memref<1x1x4x512xf32, #tpu.memory_space<vmem>>
      %dma_start3A_1055 = tpu.memref_squeeze %dma_start3A_1054 : memref<1x1x4x512xf32, #tpu.memory_space<vmem>> -> memref<4x512xf32, #tpu.memory_space<vmem>>
      %dma_start3A_1056 = arith.constant 0 : i32
      %dma_start3A_1057 = arith.constant 0 : i32
      %dma_start3A_1058 = tpu.memref_slice %arg7[%get3A_1045, %dma_start3A_1056, %dma_start3A_1057] : memref<100000x4x512xf32, #tpu.memory_space<any>> -> memref<1x4x512xf32, #tpu.memory_space<any>>
      %dma_start3A_1059 = tpu.memref_squeeze %dma_start3A_1058 : memref<1x4x512xf32, #tpu.memory_space<any>> -> memref<4x512xf32, #tpu.memory_space<any>>
      tpu.enqueue_dma source(%dma_start3A_1059 : memref<4x512xf32, #tpu.memory_space<any>>) target(%dma_start3A_1055 : memref<4x512xf32, #tpu.memory_space<vmem>>) target_semaphore(%dma_start3A_1051 : memref<!tpu.dma_semaphore, #tpu.memory_space<semaphore_mem>>)
      %get3A_1060 = arith.constant 10 : index
      %get3A_1061 = memref.load %arg1[%get3A_1060] : memref<1024xi32, #tpu.memory_space<smem>>
      %dma_start3A_1062 = arith.constant 0 : i32
      %dma_start3A_1063 = arith.constant 10 : i32
      %dma_start3A_1064 = arith.constant 0 : i32
      %dma_start3A_1065 = arith.constant 10 : i32
      %dma_start3A_1066 = tpu.memref_slice %arg10[%dma_start3A_1064, %dma_start3A_1065] : memref<2x64x!tpu.dma_semaphore, #tpu.memory_space<semaphore_mem>> -> memref<1x1x!tpu.dma_semaphore, #tpu.memory_space<semaphore_mem>>
      %dma_start3A_1067 = tpu.memref_squeeze %dma_start3A_1066 : memref<1x1x!tpu.dma_semaphore, #tpu.memory_space<semaphore_mem>> -> memref<!tpu.dma_semaphore, #tpu.memory_space<semaphore_mem>>
      %dma_start3A_1068 = arith.constant 0 : i32
      %dma_start3A_1069 = arith.constant 0 : i32
      %dma_start3A_1070 = tpu.memref_slice %arg9[%dma_start3A_1062, %dma_start3A_1063, %dma_start3A_1068, %dma_start3A_1069] : memref<2x64x4x512xf32, #tpu.memory_space<vmem>> -> memref<1x1x4x512xf32, #tpu.memory_space<vmem>>
      %dma_start3A_1071 = tpu.memref_squeeze %dma_start3A_1070 : memref<1x1x4x512xf32, #tpu.memory_space<vmem>> -> memref<4x512xf32, #tpu.memory_space<vmem>>
      %dma_start3A_1072 = arith.constant 0 : i32
      %dma_start3A_1073 = arith.constant 0 : i32
      %dma_start3A_1074 = tpu.memref_slice %arg7[%get3A_1061, %dma_start3A_1072, %dma_start3A_1073] : memref<100000x4x512xf32, #tpu.memory_space<any>> -> memref<1x4x512xf32, #tpu.memory_space<any>>
      %dma_start3A_1075 = tpu.memref_squeeze %dma_start3A_1074 : memref<1x4x512xf32, #tpu.memory_space<any>> -> memref<4x512xf32, #tpu.memory_space<any>>
      tpu.enqueue_dma source(%dma_start3A_1075 : memref<4x512xf32, #tpu.memory_space<any>>) target(%dma_start3A_1071 : memref<4x512xf32, #tpu.memory_space<vmem>>) target_semaphore(%dma_start3A_1067 : memref<!tpu.dma_semaphore, #tpu.memory_space<semaphore_mem>>)
      %get3A_1076 = arith.constant 11 : index
      %get3A_1077 = memref.load %arg1[%get3A_1076] : memref<1024xi32, #tpu.memory_space<smem>>
      %dma_start3A_1078 = arith.constant 0 : i32
      %dma_start3A_1079 = arith.constant 11 : i32
      %dma_start3A_1080 = arith.constant 0 : i32
      %dma_start3A_1081 = arith.constant 11 : i32
      %dma_start3A_1082 = tpu.memref_slice %arg10[%dma_start3A_1080, %dma_start3A_1081] : memref<2x64x!tpu.dma_semaphore, #tpu.memory_space<semaphore_mem>> -> memref<1x1x!tpu.dma_semaphore, #tpu.memory_space<semaphore_mem>>
      %dma_start3A_1083 = tpu.memref_squeeze %dma_start3A_1082 : memref<1x1x!tpu.dma_semaphore, #tpu.memory_space<semaphore_mem>> -> memref<!tpu.dma_semaphore, #tpu.memory_space<semaphore_mem>>
      %dma_start3A_1084 = arith.constant 0 : i32
      %dma_start3A_1085 = arith.constant 0 : i32
      %dma_start3A_1086 = tpu.memref_slice %arg9[%dma_start3A_1078, %dma_start3A_1079, %dma_start3A_1084, %dma_start3A_1085] : memref<2x64x4x512xf32, #tpu.memory_space<vmem>> -> memref<1x1x4x512xf32, #tpu.memory_space<vmem>>
      %dma_start3A_1087 = tpu.memref_squeeze %dma_start3A_1086 : memref<1x1x4x512xf32, #tpu.memory_space<vmem>> -> memref<4x512xf32, #tpu.memory_space<vmem>>
      %dma_start3A_1088 = arith.constant 0 : i32
      %dma_start3A_1089 = arith.constant 0 : i32
      %dma_start3A_1090 = tpu.memref_slice %arg7[%get3A_1077, %dma_start3A_1088, %dma_start3A_1089] : memref<100000x4x512xf32, #tpu.memory_space<any>> -> memref<1x4x512xf32, #tpu.memory_space<any>>
      %dma_start3A_1091 = tpu.memref_squeeze %dma_start3A_1090 : memref<1x4x512xf32, #tpu.memory_space<any>> -> memref<4x512xf32, #tpu.memory_space<any>>
      tpu.enqueue_dma source(%dma_start3A_1091 : memref<4x512xf32, #tpu.memory_space<any>>) target(%dma_start3A_1087 : memref<4x512xf32, #tpu.memory_space<vmem>>) target_semaphore(%dma_start3A_1083 : memref<!tpu.dma_semaphore, #tpu.memory_space<semaphore_mem>>)
      %get3A_1092 = arith.constant 12 : index
      %get3A_1093 = memref.load %arg1[%get3A_1092] : memref<1024xi32, #tpu.memory_space<smem>>
      %dma_start3A_1094 = arith.constant 0 : i32
      %dma_start3A_1095 = arith.constant 12 : i32
      %dma_start3A_1096 = arith.constant 0 : i32
      %dma_start3A_1097 = arith.constant 12 : i32
      %dma_start3A_1098 = tpu.memref_slice %arg10[%dma_start3A_1096, %dma_start3A_1097] : memref<2x64x!tpu.dma_semaphore, #tpu.memory_space<semaphore_mem>> -> memref<1x1x!tpu.dma_semaphore, #tpu.memory_space<semaphore_mem>>
      %dma_start3A_1099 = tpu.memref_squeeze %dma_start3A_1098 : memref<1x1x!tpu.dma_semaphore, #tpu.memory_space<semaphore_mem>> -> memref<!tpu.dma_semaphore, #tpu.memory_space<semaphore_mem>>
      %dma_start3A_1100 = arith.constant 0 : i32
      %dma_start3A_1101 = arith.constant 0 : i32
      %dma_start3A_1102 = tpu.memref_slice %arg9[%dma_start3A_1094, %dma_start3A_1095, %dma_start3A_1100, %dma_start3A_1101] : memref<2x64x4x512xf32, #tpu.memory_space<vmem>> -> memref<1x1x4x512xf32, #tpu.memory_space<vmem>>
      %dma_start3A_1103 = tpu.memref_squeeze %dma_start3A_1102 : memref<1x1x4x512xf32, #tpu.memory_space<vmem>> -> memref<4x512xf32, #tpu.memory_space<vmem>>
      %dma_start3A_1104 = arith.constant 0 : i32
      %dma_start3A_1105 = arith.constant 0 : i32
      %dma_start3A_1106 = tpu.memref_slice %arg7[%get3A_1093, %dma_start3A_1104, %dma_start3A_1105] : memref<100000x4x512xf32, #tpu.memory_space<any>> -> memref<1x4x512xf32, #tpu.memory_space<any>>
      %dma_start3A_1107 = tpu.memref_squeeze %dma_start3A_1106 : memref<1x4x512xf32, #tpu.memory_space<any>> -> memref<4x512xf32, #tpu.memory_space<any>>
      tpu.enqueue_dma source(%dma_start3A_1107 : memref<4x512xf32, #tpu.memory_space<any>>) target(%dma_start3A_1103 : memref<4x512xf32, #tpu.memory_space<vmem>>) target_semaphore(%dma_start3A_1099 : memref<!tpu.dma_semaphore, #tpu.memory_space<semaphore_mem>>)
      %get3A_1108 = arith.constant 13 : index
      %get3A_1109 = memref.load %arg1[%get3A_1108] : memref<1024xi32, #tpu.memory_space<smem>>
      %dma_start3A_1110 = arith.constant 0 : i32
      %dma_start3A_1111 = arith.constant 13 : i32
      %dma_start3A_1112 = arith.constant 0 : i32
      %dma_start3A_1113 = arith.constant 13 : i32
      %dma_start3A_1114 = tpu.memref_slice %arg10[%dma_start3A_1112, %dma_start3A_1113] : memref<2x64x!tpu.dma_semaphore, #tpu.memory_space<semaphore_mem>> -> memref<1x1x!tpu.dma_semaphore, #tpu.memory_space<semaphore_mem>>
      %dma_start3A_1115 = tpu.memref_squeeze %dma_start3A_1114 : memref<1x1x!tpu.dma_semaphore, #tpu.memory_space<semaphore_mem>> -> memref<!tpu.dma_semaphore, #tpu.memory_space<semaphore_mem>>
      %dma_start3A_1116 = arith.constant 0 : i32
      %dma_start3A_1117 = arith.constant 0 : i32
      %dma_start3A_1118 = tpu.memref_slice %arg9[%dma_start3A_1110, %dma_start3A_1111, %dma_start3A_1116, %dma_start3A_1117] : memref<2x64x4x512xf32, #tpu.memory_space<vmem>> -> memref<1x1x4x512xf32, #tpu.memory_space<vmem>>
      %dma_start3A_1119 = tpu.memref_squeeze %dma_start3A_1118 : memref<1x1x4x512xf32, #tpu.memory_space<vmem>> -> memref<4x512xf32, #tpu.memory_space<vmem>>
      %dma_start3A_1120 = arith.constant 0 : i32
      %dma_start3A_1121 = arith.constant 0 : i32
      %dma_start3A_1122 = tpu.memref_slice %arg7[%get3A_1109, %dma_start3A_1120, %dma_start3A_1121] : memref<100000x4x512xf32, #tpu.memory_space<any>> -> memref<1x4x512xf32, #tpu.memory_space<any>>
      %dma_start3A_1123 = tpu.memref_squeeze %dma_start3A_1122 : memref<1x4x512xf32, #tpu.memory_space<any>> -> memref<4x512xf32, #tpu.memory_space<any>>
      tpu.enqueue_dma source(%dma_start3A_1123 : memref<4x512xf32, #tpu.memory_space<any>>) target(%dma_start3A_1119 : memref<4x512xf32, #tpu.memory_space<vmem>>) target_semaphore(%dma_start3A_1115 : memref<!tpu.dma_semaphore, #tpu.memory_space<semaphore_mem>>)
      %get3A_1124 = arith.constant 14 : index
      %get3A_1125 = memref.load %arg1[%get3A_1124] : memref<1024xi32, #tpu.memory_space<smem>>
      %dma_start3A_1126 = arith.constant 0 : i32
      %dma_start3A_1127 = arith.constant 14 : i32
      %dma_start3A_1128 = arith.constant 0 : i32
      %dma_start3A_1129 = arith.constant 14 : i32
      %dma_start3A_1130 = tpu.memref_slice %arg10[%dma_start3A_1128, %dma_start3A_1129] : memref<2x64x!tpu.dma_semaphore, #tpu.memory_space<semaphore_mem>> -> memref<1x1x!tpu.dma_semaphore, #tpu.memory_space<semaphore_mem>>
      %dma_start3A_1131 = tpu.memref_squeeze %dma_start3A_1130 : memref<1x1x!tpu.dma_semaphore, #tpu.memory_space<semaphore_mem>> -> memref<!tpu.dma_semaphore, #tpu.memory_space<semaphore_mem>>
      %dma_start3A_1132 = arith.constant 0 : i32
      %dma_start3A_1133 = arith.constant 0 : i32
      %dma_start3A_1134 = tpu.memref_slice %arg9[%dma_start3A_1126, %dma_start3A_1127, %dma_start3A_1132, %dma_start3A_1133] : memref<2x64x4x512xf32, #tpu.memory_space<vmem>> -> memref<1x1x4x512xf32, #tpu.memory_space<vmem>>
      %dma_start3A_1135 = tpu.memref_squeeze %dma_start3A_1134 : memref<1x1x4x512xf32, #tpu.memory_space<vmem>> -> memref<4x512xf32, #tpu.memory_space<vmem>>
      %dma_start3A_1136 = arith.constant 0 : i32
      %dma_start3A_1137 = arith.constant 0 : i32
      %dma_start3A_1138 = tpu.memref_slice %arg7[%get3A_1125, %dma_start3A_1136, %dma_start3A_1137] : memref<100000x4x512xf32, #tpu.memory_space<any>> -> memref<1x4x512xf32, #tpu.memory_space<any>>
      %dma_start3A_1139 = tpu.memref_squeeze %dma_start3A_1138 : memref<1x4x512xf32, #tpu.memory_space<any>> -> memref<4x512xf32, #tpu.memory_space<any>>
      tpu.enqueue_dma source(%dma_start3A_1139 : memref<4x512xf32, #tpu.memory_space<any>>) target(%dma_start3A_1135 : memref<4x512xf32, #tpu.memory_space<vmem>>) target_semaphore(%dma_start3A_1131 : memref<!tpu.dma_semaphore, #tpu.memory_space<semaphore_mem>>)
      %get3A_1140 = arith.constant 15 : index
      %get3A_1141 = memref.load %arg1[%get3A_1140] : memref<1024xi32, #tpu.memory_space<smem>>
      %dma_start3A_1142 = arith.constant 0 : i32
      %dma_start3A_1143 = arith.constant 15 : i32
      %dma_start3A_1144 = arith.constant 0 : i32
      %dma_start3A_1145 = arith.constant 15 : i32
      %dma_start3A_1146 = tpu.memref_slice %arg10[%dma_start3A_1144, %dma_start3A_1145] : memref<2x64x!tpu.dma_semaphore, #tpu.memory_space<semaphore_mem>> -> memref<1x1x!tpu.dma_semaphore, #tpu.memory_space<semaphore_mem>>
      %dma_start3A_1147 = tpu.memref_squeeze %dma_start3A_1146 : memref<1x1x!tpu.dma_semaphore, #tpu.memory_space<semaphore_mem>> -> memref<!tpu.dma_semaphore, #tpu.memory_space<semaphore_mem>>
      %dma_start3A_1148 = arith.constant 0 : i32
      %dma_start3A_1149 = arith.constant 0 : i32
      %dma_start3A_1150 = tpu.memref_slice %arg9[%dma_start3A_1142, %dma_start3A_1143, %dma_start3A_1148, %dma_start3A_1149] : memref<2x64x4x512xf32, #tpu.memory_space<vmem>> -> memref<1x1x4x512xf32, #tpu.memory_space<vmem>>
      %dma_start3A_1151 = tpu.memref_squeeze %dma_start3A_1150 : memref<1x1x4x512xf32, #tpu.memory_space<vmem>> -> memref<4x512xf32, #tpu.memory_space<vmem>>
      %dma_start3A_1152 = arith.constant 0 : i32
      %dma_start3A_1153 = arith.constant 0 : i32
      %dma_start3A_1154 = tpu.memref_slice %arg7[%get3A_1141, %dma_start3A_1152, %dma_start3A_1153] : memref<100000x4x512xf32, #tpu.memory_space<any>> -> memref<1x4x512xf32, #tpu.memory_space<any>>
      %dma_start3A_1155 = tpu.memref_squeeze %dma_start3A_1154 : memref<1x4x512xf32, #tpu.memory_space<any>> -> memref<4x512xf32, #tpu.memory_space<any>>
      tpu.enqueue_dma source(%dma_start3A_1155 : memref<4x512xf32, #tpu.memory_space<any>>) target(%dma_start3A_1151 : memref<4x512xf32, #tpu.memory_space<vmem>>) target_semaphore(%dma_start3A_1147 : memref<!tpu.dma_semaphore, #tpu.memory_space<semaphore_mem>>)
      %get3A_1156 = arith.constant 16 : index
      %get3A_1157 = memref.load %arg1[%get3A_1156] : memref<1024xi32, #tpu.memory_space<smem>>
      %dma_start3A_1158 = arith.constant 0 : i32
      %dma_start3A_1159 = arith.constant 16 : i32
      %dma_start3A_1160 = arith.constant 0 : i32
      %dma_start3A_1161 = arith.constant 16 : i32
      %dma_start3A_1162 = tpu.memref_slice %arg10[%dma_start3A_1160, %dma_start3A_1161] : memref<2x64x!tpu.dma_semaphore, #tpu.memory_space<semaphore_mem>> -> memref<1x1x!tpu.dma_semaphore, #tpu.memory_space<semaphore_mem>>
      %dma_start3A_1163 = tpu.memref_squeeze %dma_start3A_1162 : memref<1x1x!tpu.dma_semaphore, #tpu.memory_space<semaphore_mem>> -> memref<!tpu.dma_semaphore, #tpu.memory_space<semaphore_mem>>
      %dma_start3A_1164 = arith.constant 0 : i32
      %dma_start3A_1165 = arith.constant 0 : i32
      %dma_start3A_1166 = tpu.memref_slice %arg9[%dma_start3A_1158, %dma_start3A_1159, %dma_start3A_1164, %dma_start3A_1165] : memref<2x64x4x512xf32, #tpu.memory_space<vmem>> -> memref<1x1x4x512xf32, #tpu.memory_space<vmem>>
      %dma_start3A_1167 = tpu.memref_squeeze %dma_start3A_1166 : memref<1x1x4x512xf32, #tpu.memory_space<vmem>> -> memref<4x512xf32, #tpu.memory_space<vmem>>
      %dma_start3A_1168 = arith.constant 0 : i32
      %dma_start3A_1169 = arith.constant 0 : i32
      %dma_start3A_1170 = tpu.memref_slice %arg7[%get3A_1157, %dma_start3A_1168, %dma_start3A_1169] : memref<100000x4x512xf32, #tpu.memory_space<any>> -> memref<1x4x512xf32, #tpu.memory_space<any>>
      %dma_start3A_1171 = tpu.memref_squeeze %dma_start3A_1170 : memref<1x4x512xf32, #tpu.memory_space<any>> -> memref<4x512xf32, #tpu.memory_space<any>>
      tpu.enqueue_dma source(%dma_start3A_1171 : memref<4x512xf32, #tpu.memory_space<any>>) target(%dma_start3A_1167 : memref<4x512xf32, #tpu.memory_space<vmem>>) target_semaphore(%dma_start3A_1163 : memref<!tpu.dma_semaphore, #tpu.memory_space<semaphore_mem>>)
      %get3A_1172 = arith.constant 17 : index
      %get3A_1173 = memref.load %arg1[%get3A_1172] : memref<1024xi32, #tpu.memory_space<smem>>
      %dma_start3A_1174 = arith.constant 0 : i32
      %dma_start3A_1175 = arith.constant 17 : i32
      %dma_start3A_1176 = arith.constant 0 : i32
      %dma_start3A_1177 = arith.constant 17 : i32
      %dma_start3A_1178 = tpu.memref_slice %arg10[%dma_start3A_1176, %dma_start3A_1177] : memref<2x64x!tpu.dma_semaphore, #tpu.memory_space<semaphore_mem>> -> memref<1x1x!tpu.dma_semaphore, #tpu.memory_space<semaphore_mem>>
      %dma_start3A_1179 = tpu.memref_squeeze %dma_start3A_1178 : memref<1x1x!tpu.dma_semaphore, #tpu.memory_space<semaphore_mem>> -> memref<!tpu.dma_semaphore, #tpu.memory_space<semaphore_mem>>
      %dma_start3A_1180 = arith.constant 0 : i32
      %dma_start3A_1181 = arith.constant 0 : i32
      %dma_start3A_1182 = tpu.memref_slice %arg9[%dma_start3A_1174, %dma_start3A_1175, %dma_start3A_1180, %dma_start3A_1181] : memref<2x64x4x512xf32, #tpu.memory_space<vmem>> -> memref<1x1x4x512xf32, #tpu.memory_space<vmem>>
      %dma_start3A_1183 = tpu.memref_squeeze %dma_start3A_1182 : memref<1x1x4x512xf32, #tpu.memory_space<vmem>> -> memref<4x512xf32, #tpu.memory_space<vmem>>
      %dma_start3A_1184 = arith.constant 0 : i32
      %dma_start3A_1185 = arith.constant 0 : i32
      %dma_start3A_1186 = tpu.memref_slice %arg7[%get3A_1173, %dma_start3A_1184, %dma_start3A_1185] : memref<100000x4x512xf32, #tpu.memory_space<any>> -> memref<1x4x512xf32, #tpu.memory_space<any>>
      %dma_start3A_1187 = tpu.memref_squeeze %dma_start3A_1186 : memref<1x4x512xf32, #tpu.memory_space<any>> -> memref<4x512xf32, #tpu.memory_space<any>>
      tpu.enqueue_dma source(%dma_start3A_1187 : memref<4x512xf32, #tpu.memory_space<any>>) target(%dma_start3A_1183 : memref<4x512xf32, #tpu.memory_space<vmem>>) target_semaphore(%dma_start3A_1179 : memref<!tpu.dma_semaphore, #tpu.memory_space<semaphore_mem>>)
      %get3A_1188 = arith.constant 18 : index
      %get3A_1189 = memref.load %arg1[%get3A_1188] : memref<1024xi32, #tpu.memory_space<smem>>
      %dma_start3A_1190 = arith.constant 0 : i32
      %dma_start3A_1191 = arith.constant 18 : i32
      %dma_start3A_1192 = arith.constant 0 : i32
      %dma_start3A_1193 = arith.constant 18 : i32
      %dma_start3A_1194 = tpu.memref_slice %arg10[%dma_start3A_1192, %dma_start3A_1193] : memref<2x64x!tpu.dma_semaphore, #tpu.memory_space<semaphore_mem>> -> memref<1x1x!tpu.dma_semaphore, #tpu.memory_space<semaphore_mem>>
      %dma_start3A_1195 = tpu.memref_squeeze %dma_start3A_1194 : memref<1x1x!tpu.dma_semaphore, #tpu.memory_space<semaphore_mem>> -> memref<!tpu.dma_semaphore, #tpu.memory_space<semaphore_mem>>
      %dma_start3A_1196 = arith.constant 0 : i32
      %dma_start3A_1197 = arith.constant 0 : i32
      %dma_start3A_1198 = tpu.memref_slice %arg9[%dma_start3A_1190, %dma_start3A_1191, %dma_start3A_1196, %dma_start3A_1197] : memref<2x64x4x512xf32, #tpu.memory_space<vmem>> -> memref<1x1x4x512xf32, #tpu.memory_space<vmem>>
      %dma_start3A_1199 = tpu.memref_squeeze %dma_start3A_1198 : memref<1x1x4x512xf32, #tpu.memory_space<vmem>> -> memref<4x512xf32, #tpu.memory_space<vmem>>
      %dma_start3A_1200 = arith.constant 0 : i32
      %dma_start3A_1201 = arith.constant 0 : i32
      %dma_start3A_1202 = tpu.memref_slice %arg7[%get3A_1189, %dma_start3A_1200, %dma_start3A_1201] : memref<100000x4x512xf32, #tpu.memory_space<any>> -> memref<1x4x512xf32, #tpu.memory_space<any>>
      %dma_start3A_1203 = tpu.memref_squeeze %dma_start3A_1202 : memref<1x4x512xf32, #tpu.memory_space<any>> -> memref<4x512xf32, #tpu.memory_space<any>>
      tpu.enqueue_dma source(%dma_start3A_1203 : memref<4x512xf32, #tpu.memory_space<any>>) target(%dma_start3A_1199 : memref<4x512xf32, #tpu.memory_space<vmem>>) target_semaphore(%dma_start3A_1195 : memref<!tpu.dma_semaphore, #tpu.memory_space<semaphore_mem>>)
      %get3A_1204 = arith.constant 19 : index
      %get3A_1205 = memref.load %arg1[%get3A_1204] : memref<1024xi32, #tpu.memory_space<smem>>
      %dma_start3A_1206 = arith.constant 0 : i32
      %dma_start3A_1207 = arith.constant 19 : i32
      %dma_start3A_1208 = arith.constant 0 : i32
      %dma_start3A_1209 = arith.constant 19 : i32
      %dma_start3A_1210 = tpu.memref_slice %arg10[%dma_start3A_1208, %dma_start3A_1209] : memref<2x64x!tpu.dma_semaphore, #tpu.memory_space<semaphore_mem>> -> memref<1x1x!tpu.dma_semaphore, #tpu.memory_space<semaphore_mem>>
      %dma_start3A_1211 = tpu.memref_squeeze %dma_start3A_1210 : memref<1x1x!tpu.dma_semaphore, #tpu.memory_space<semaphore_mem>> -> memref<!tpu.dma_semaphore, #tpu.memory_space<semaphore_mem>>
      %dma_start3A_1212 = arith.constant 0 : i32
      %dma_start3A_1213 = arith.constant 0 : i32
      %dma_start3A_1214 = tpu.memref_slice %arg9[%dma_start3A_1206, %dma_start3A_1207, %dma_start3A_1212, %dma_start3A_1213] : memref<2x64x4x512xf32, #tpu.memory_space<vmem>> -> memref<1x1x4x512xf32, #tpu.memory_space<vmem>>
      %dma_start3A_1215 = tpu.memref_squeeze %dma_start3A_1214 : memref<1x1x4x512xf32, #tpu.memory_space<vmem>> -> memref<4x512xf32, #tpu.memory_space<vmem>>
      %dma_start3A_1216 = arith.constant 0 : i32
      %dma_start3A_1217 = arith.constant 0 : i32
      %dma_start3A_1218 = tpu.memref_slice %arg7[%get3A_1205, %dma_start3A_1216, %dma_start3A_1217] : memref<100000x4x512xf32, #tpu.memory_space<any>> -> memref<1x4x512xf32, #tpu.memory_space<any>>
      %dma_start3A_1219 = tpu.memref_squeeze %dma_start3A_1218 : memref<1x4x512xf32, #tpu.memory_space<any>> -> memref<4x512xf32, #tpu.memory_space<any>>
      tpu.enqueue_dma source(%dma_start3A_1219 : memref<4x512xf32, #tpu.memory_space<any>>) target(%dma_start3A_1215 : memref<4x512xf32, #tpu.memory_space<vmem>>) target_semaphore(%dma_start3A_1211 : memref<!tpu.dma_semaphore, #tpu.memory_space<semaphore_mem>>)
      %get3A_1220 = arith.constant 20 : index
      %get3A_1221 = memref.load %arg1[%get3A_1220] : memref<1024xi32, #tpu.memory_space<smem>>
      %dma_start3A_1222 = arith.constant 0 : i32
      %dma_start3A_1223 = arith.constant 20 : i32
      %dma_start3A_1224 = arith.constant 0 : i32
      %dma_start3A_1225 = arith.constant 20 : i32
      %dma_start3A_1226 = tpu.memref_slice %arg10[%dma_start3A_1224, %dma_start3A_1225] : memref<2x64x!tpu.dma_semaphore, #tpu.memory_space<semaphore_mem>> -> memref<1x1x!tpu.dma_semaphore, #tpu.memory_space<semaphore_mem>>
      %dma_start3A_1227 = tpu.memref_squeeze %dma_start3A_1226 : memref<1x1x!tpu.dma_semaphore, #tpu.memory_space<semaphore_mem>> -> memref<!tpu.dma_semaphore, #tpu.memory_space<semaphore_mem>>
      %dma_start3A_1228 = arith.constant 0 : i32
      %dma_start3A_1229 = arith.constant 0 : i32
      %dma_start3A_1230 = tpu.memref_slice %arg9[%dma_start3A_1222, %dma_start3A_1223, %dma_start3A_1228, %dma_start3A_1229] : memref<2x64x4x512xf32, #tpu.memory_space<vmem>> -> memref<1x1x4x512xf32, #tpu.memory_space<vmem>>
      %dma_start3A_1231 = tpu.memref_squeeze %dma_start3A_1230 : memref<1x1x4x512xf32, #tpu.memory_space<vmem>> -> memref<4x512xf32, #tpu.memory_space<vmem>>
      %dma_start3A_1232 = arith.constant 0 : i32
      %dma_start3A_1233 = arith.constant 0 : i32
      %dma_start3A_1234 = tpu.memref_slice %arg7[%get3A_1221, %dma_start3A_1232, %dma_start3A_1233] : memref<100000x4x512xf32, #tpu.memory_space<any>> -> memref<1x4x512xf32, #tpu.memory_space<any>>
      %dma_start3A_1235 = tpu.memref_squeeze %dma_start3A_1234 : memref<1x4x512xf32, #tpu.memory_space<any>> -> memref<4x512xf32, #tpu.memory_space<any>>
      tpu.enqueue_dma source(%dma_start3A_1235 : memref<4x512xf32, #tpu.memory_space<any>>) target(%dma_start3A_1231 : memref<4x512xf32, #tpu.memory_space<vmem>>) target_semaphore(%dma_start3A_1227 : memref<!tpu.dma_semaphore, #tpu.memory_space<semaphore_mem>>)
      %get3A_1236 = arith.constant 21 : index
      %get3A_1237 = memref.load %arg1[%get3A_1236] : memref<1024xi32, #tpu.memory_space<smem>>
      %dma_start3A_1238 = arith.constant 0 : i32
      %dma_start3A_1239 = arith.constant 21 : i32
      %dma_start3A_1240 = arith.constant 0 : i32
      %dma_start3A_1241 = arith.constant 21 : i32
      %dma_start3A_1242 = tpu.memref_slice %arg10[%dma_start3A_1240, %dma_start3A_1241] : memref<2x64x!tpu.dma_semaphore, #tpu.memory_space<semaphore_mem>> -> memref<1x1x!tpu.dma_semaphore, #tpu.memory_space<semaphore_mem>>
      %dma_start3A_1243 = tpu.memref_squeeze %dma_start3A_1242 : memref<1x1x!tpu.dma_semaphore, #tpu.memory_space<semaphore_mem>> -> memref<!tpu.dma_semaphore, #tpu.memory_space<semaphore_mem>>
      %dma_start3A_1244 = arith.constant 0 : i32
      %dma_start3A_1245 = arith.constant 0 : i32
      %dma_start3A_1246 = tpu.memref_slice %arg9[%dma_start3A_1238, %dma_start3A_1239, %dma_start3A_1244, %dma_start3A_1245] : memref<2x64x4x512xf32, #tpu.memory_space<vmem>> -> memref<1x1x4x512xf32, #tpu.memory_space<vmem>>
      %dma_start3A_1247 = tpu.memref_squeeze %dma_start3A_1246 : memref<1x1x4x512xf32, #tpu.memory_space<vmem>> -> memref<4x512xf32, #tpu.memory_space<vmem>>
      %dma_start3A_1248 = arith.constant 0 : i32
      %dma_start3A_1249 = arith.constant 0 : i32
      %dma_start3A_1250 = tpu.memref_slice %arg7[%get3A_1237, %dma_start3A_1248, %dma_start3A_1249] : memref<100000x4x512xf32, #tpu.memory_space<any>> -> memref<1x4x512xf32, #tpu.memory_space<any>>
      %dma_start3A_1251 = tpu.memref_squeeze %dma_start3A_1250 : memref<1x4x512xf32, #tpu.memory_space<any>> -> memref<4x512xf32, #tpu.memory_space<any>>
      tpu.enqueue_dma source(%dma_start3A_1251 : memref<4x512xf32, #tpu.memory_space<any>>) target(%dma_start3A_1247 : memref<4x512xf32, #tpu.memory_space<vmem>>) target_semaphore(%dma_start3A_1243 : memref<!tpu.dma_semaphore, #tpu.memory_space<semaphore_mem>>)
      %get3A_1252 = arith.constant 22 : index
      %get3A_1253 = memref.load %arg1[%get3A_1252] : memref<1024xi32, #tpu.memory_space<smem>>
      %dma_start3A_1254 = arith.constant 0 : i32
      %dma_start3A_1255 = arith.constant 22 : i32
      %dma_start3A_1256 = arith.constant 0 : i32
      %dma_start3A_1257 = arith.constant 22 : i32
      %dma_start3A_1258 = tpu.memref_slice %arg10[%dma_start3A_1256, %dma_start3A_1257] : memref<2x64x!tpu.dma_semaphore, #tpu.memory_space<semaphore_mem>> -> memref<1x1x!tpu.dma_semaphore, #tpu.memory_space<semaphore_mem>>
      %dma_start3A_1259 = tpu.memref_squeeze %dma_start3A_1258 : memref<1x1x!tpu.dma_semaphore, #tpu.memory_space<semaphore_mem>> -> memref<!tpu.dma_semaphore, #tpu.memory_space<semaphore_mem>>
      %dma_start3A_1260 = arith.constant 0 : i32
      %dma_start3A_1261 = arith.constant 0 : i32
      %dma_start3A_1262 = tpu.memref_slice %arg9[%dma_start3A_1254, %dma_start3A_1255, %dma_start3A_1260, %dma_start3A_1261] : memref<2x64x4x512xf32, #tpu.memory_space<vmem>> -> memref<1x1x4x512xf32, #tpu.memory_space<vmem>>
      %dma_start3A_1263 = tpu.memref_squeeze %dma_start3A_1262 : memref<1x1x4x512xf32, #tpu.memory_space<vmem>> -> memref<4x512xf32, #tpu.memory_space<vmem>>
      %dma_start3A_1264 = arith.constant 0 : i32
      %dma_start3A_1265 = arith.constant 0 : i32
      %dma_start3A_1266 = tpu.memref_slice %arg7[%get3A_1253, %dma_start3A_1264, %dma_start3A_1265] : memref<100000x4x512xf32, #tpu.memory_space<any>> -> memref<1x4x512xf32, #tpu.memory_space<any>>
      %dma_start3A_1267 = tpu.memref_squeeze %dma_start3A_1266 : memref<1x4x512xf32, #tpu.memory_space<any>> -> memref<4x512xf32, #tpu.memory_space<any>>
      tpu.enqueue_dma source(%dma_start3A_1267 : memref<4x512xf32, #tpu.memory_space<any>>) target(%dma_start3A_1263 : memref<4x512xf32, #tpu.memory_space<vmem>>) target_semaphore(%dma_start3A_1259 : memref<!tpu.dma_semaphore, #tpu.memory_space<semaphore_mem>>)
      %get3A_1268 = arith.constant 23 : index
      %get3A_1269 = memref.load %arg1[%get3A_1268] : memref<1024xi32, #tpu.memory_space<smem>>
      %dma_start3A_1270 = arith.constant 0 : i32
      %dma_start3A_1271 = arith.constant 23 : i32
      %dma_start3A_1272 = arith.constant 0 : i32
      %dma_start3A_1273 = arith.constant 23 : i32
      %dma_start3A_1274 = tpu.memref_slice %arg10[%dma_start3A_1272, %dma_start3A_1273] : memref<2x64x!tpu.dma_semaphore, #tpu.memory_space<semaphore_mem>> -> memref<1x1x!tpu.dma_semaphore, #tpu.memory_space<semaphore_mem>>
      %dma_start3A_1275 = tpu.memref_squeeze %dma_start3A_1274 : memref<1x1x!tpu.dma_semaphore, #tpu.memory_space<semaphore_mem>> -> memref<!tpu.dma_semaphore, #tpu.memory_space<semaphore_mem>>
      %dma_start3A_1276 = arith.constant 0 : i32
      %dma_start3A_1277 = arith.constant 0 : i32
      %dma_start3A_1278 = tpu.memref_slice %arg9[%dma_start3A_1270, %dma_start3A_1271, %dma_start3A_1276, %dma_start3A_1277] : memref<2x64x4x512xf32, #tpu.memory_space<vmem>> -> memref<1x1x4x512xf32, #tpu.memory_space<vmem>>
      %dma_start3A_1279 = tpu.memref_squeeze %dma_start3A_1278 : memref<1x1x4x512xf32, #tpu.memory_space<vmem>> -> memref<4x512xf32, #tpu.memory_space<vmem>>
      %dma_start3A_1280 = arith.constant 0 : i32
      %dma_start3A_1281 = arith.constant 0 : i32
      %dma_start3A_1282 = tpu.memref_slice %arg7[%get3A_1269, %dma_start3A_1280, %dma_start3A_1281] : memref<100000x4x512xf32, #tpu.memory_space<any>> -> memref<1x4x512xf32, #tpu.memory_space<any>>
      %dma_start3A_1283 = tpu.memref_squeeze %dma_start3A_1282 : memref<1x4x512xf32, #tpu.memory_space<any>> -> memref<4x512xf32, #tpu.memory_space<any>>
      tpu.enqueue_dma source(%dma_start3A_1283 : memref<4x512xf32, #tpu.memory_space<any>>) target(%dma_start3A_1279 : memref<4x512xf32, #tpu.memory_space<vmem>>) target_semaphore(%dma_start3A_1275 : memref<!tpu.dma_semaphore, #tpu.memory_space<semaphore_mem>>)
      %get3A_1284 = arith.constant 24 : index
      %get3A_1285 = memref.load %arg1[%get3A_1284] : memref<1024xi32, #tpu.memory_space<smem>>
      %dma_start3A_1286 = arith.constant 0 : i32
      %dma_start3A_1287 = arith.constant 24 : i32
      %dma_start3A_1288 = arith.constant 0 : i32
      %dma_start3A_1289 = arith.constant 24 : i32
      %dma_start3A_1290 = tpu.memref_slice %arg10[%dma_start3A_1288, %dma_start3A_1289] : memref<2x64x!tpu.dma_semaphore, #tpu.memory_space<semaphore_mem>> -> memref<1x1x!tpu.dma_semaphore, #tpu.memory_space<semaphore_mem>>
      %dma_start3A_1291 = tpu.memref_squeeze %dma_start3A_1290 : memref<1x1x!tpu.dma_semaphore, #tpu.memory_space<semaphore_mem>> -> memref<!tpu.dma_semaphore, #tpu.memory_space<semaphore_mem>>
      %dma_start3A_1292 = arith.constant 0 : i32
      %dma_start3A_1293 = arith.constant 0 : i32
      %dma_start3A_1294 = tpu.memref_slice %arg9[%dma_start3A_1286, %dma_start3A_1287, %dma_start3A_1292, %dma_start3A_1293] : memref<2x64x4x512xf32, #tpu.memory_space<vmem>> -> memref<1x1x4x512xf32, #tpu.memory_space<vmem>>
      %dma_start3A_1295 = tpu.memref_squeeze %dma_start3A_1294 : memref<1x1x4x512xf32, #tpu.memory_space<vmem>> -> memref<4x512xf32, #tpu.memory_space<vmem>>
      %dma_start3A_1296 = arith.constant 0 : i32
      %dma_start3A_1297 = arith.constant 0 : i32
      %dma_start3A_1298 = tpu.memref_slice %arg7[%get3A_1285, %dma_start3A_1296, %dma_start3A_1297] : memref<100000x4x512xf32, #tpu.memory_space<any>> -> memref<1x4x512xf32, #tpu.memory_space<any>>
      %dma_start3A_1299 = tpu.memref_squeeze %dma_start3A_1298 : memref<1x4x512xf32, #tpu.memory_space<any>> -> memref<4x512xf32, #tpu.memory_space<any>>
      tpu.enqueue_dma source(%dma_start3A_1299 : memref<4x512xf32, #tpu.memory_space<any>>) target(%dma_start3A_1295 : memref<4x512xf32, #tpu.memory_space<vmem>>) target_semaphore(%dma_start3A_1291 : memref<!tpu.dma_semaphore, #tpu.memory_space<semaphore_mem>>)
      %get3A_1300 = arith.constant 25 : index
      %get3A_1301 = memref.load %arg1[%get3A_1300] : memref<1024xi32, #tpu.memory_space<smem>>
      %dma_start3A_1302 = arith.constant 0 : i32
      %dma_start3A_1303 = arith.constant 25 : i32
      %dma_start3A_1304 = arith.constant 0 : i32
      %dma_start3A_1305 = arith.constant 25 : i32
      %dma_start3A_1306 = tpu.memref_slice %arg10[%dma_start3A_1304, %dma_start3A_1305] : memref<2x64x!tpu.dma_semaphore, #tpu.memory_space<semaphore_mem>> -> memref<1x1x!tpu.dma_semaphore, #tpu.memory_space<semaphore_mem>>
      %dma_start3A_1307 = tpu.memref_squeeze %dma_start3A_1306 : memref<1x1x!tpu.dma_semaphore, #tpu.memory_space<semaphore_mem>> -> memref<!tpu.dma_semaphore, #tpu.memory_space<semaphore_mem>>
      %dma_start3A_1308 = arith.constant 0 : i32
      %dma_start3A_1309 = arith.constant 0 : i32
      %dma_start3A_1310 = tpu.memref_slice %arg9[%dma_start3A_1302, %dma_start3A_1303, %dma_start3A_1308, %dma_start3A_1309] : memref<2x64x4x512xf32, #tpu.memory_space<vmem>> -> memref<1x1x4x512xf32, #tpu.memory_space<vmem>>
      %dma_start3A_1311 = tpu.memref_squeeze %dma_start3A_1310 : memref<1x1x4x512xf32, #tpu.memory_space<vmem>> -> memref<4x512xf32, #tpu.memory_space<vmem>>
      %dma_start3A_1312 = arith.constant 0 : i32
      %dma_start3A_1313 = arith.constant 0 : i32
      %dma_start3A_1314 = tpu.memref_slice %arg7[%get3A_1301, %dma_start3A_1312, %dma_start3A_1313] : memref<100000x4x512xf32, #tpu.memory_space<any>> -> memref<1x4x512xf32, #tpu.memory_space<any>>
      %dma_start3A_1315 = tpu.memref_squeeze %dma_start3A_1314 : memref<1x4x512xf32, #tpu.memory_space<any>> -> memref<4x512xf32, #tpu.memory_space<any>>
      tpu.enqueue_dma source(%dma_start3A_1315 : memref<4x512xf32, #tpu.memory_space<any>>) target(%dma_start3A_1311 : memref<4x512xf32, #tpu.memory_space<vmem>>) target_semaphore(%dma_start3A_1307 : memref<!tpu.dma_semaphore, #tpu.memory_space<semaphore_mem>>)
      %get3A_1316 = arith.constant 26 : index
      %get3A_1317 = memref.load %arg1[%get3A_1316] : memref<1024xi32, #tpu.memory_space<smem>>
      %dma_start3A_1318 = arith.constant 0 : i32
      %dma_start3A_1319 = arith.constant 26 : i32
      %dma_start3A_1320 = arith.constant 0 : i32
      %dma_start3A_1321 = arith.constant 26 : i32
      %dma_start3A_1322 = tpu.memref_slice %arg10[%dma_start3A_1320, %dma_start3A_1321] : memref<2x64x!tpu.dma_semaphore, #tpu.memory_space<semaphore_mem>> -> memref<1x1x!tpu.dma_semaphore, #tpu.memory_space<semaphore_mem>>
      %dma_start3A_1323 = tpu.memref_squeeze %dma_start3A_1322 : memref<1x1x!tpu.dma_semaphore, #tpu.memory_space<semaphore_mem>> -> memref<!tpu.dma_semaphore, #tpu.memory_space<semaphore_mem>>
      %dma_start3A_1324 = arith.constant 0 : i32
      %dma_start3A_1325 = arith.constant 0 : i32
      %dma_start3A_1326 = tpu.memref_slice %arg9[%dma_start3A_1318, %dma_start3A_1319, %dma_start3A_1324, %dma_start3A_1325] : memref<2x64x4x512xf32, #tpu.memory_space<vmem>> -> memref<1x1x4x512xf32, #tpu.memory_space<vmem>>
      %dma_start3A_1327 = tpu.memref_squeeze %dma_start3A_1326 : memref<1x1x4x512xf32, #tpu.memory_space<vmem>> -> memref<4x512xf32, #tpu.memory_space<vmem>>
      %dma_start3A_1328 = arith.constant 0 : i32
      %dma_start3A_1329 = arith.constant 0 : i32
      %dma_start3A_1330 = tpu.memref_slice %arg7[%get3A_1317, %dma_start3A_1328, %dma_start3A_1329] : memref<100000x4x512xf32, #tpu.memory_space<any>> -> memref<1x4x512xf32, #tpu.memory_space<any>>
      %dma_start3A_1331 = tpu.memref_squeeze %dma_start3A_1330 : memref<1x4x512xf32, #tpu.memory_space<any>> -> memref<4x512xf32, #tpu.memory_space<any>>
      tpu.enqueue_dma source(%dma_start3A_1331 : memref<4x512xf32, #tpu.memory_space<any>>) target(%dma_start3A_1327 : memref<4x512xf32, #tpu.memory_space<vmem>>) target_semaphore(%dma_start3A_1323 : memref<!tpu.dma_semaphore, #tpu.memory_space<semaphore_mem>>)
      %get3A_1332 = arith.constant 27 : index
      %get3A_1333 = memref.load %arg1[%get3A_1332] : memref<1024xi32, #tpu.memory_space<smem>>
      %dma_start3A_1334 = arith.constant 0 : i32
      %dma_start3A_1335 = arith.constant 27 : i32
      %dma_start3A_1336 = arith.constant 0 : i32
      %dma_start3A_1337 = arith.constant 27 : i32
      %dma_start3A_1338 = tpu.memref_slice %arg10[%dma_start3A_1336, %dma_start3A_1337] : memref<2x64x!tpu.dma_semaphore, #tpu.memory_space<semaphore_mem>> -> memref<1x1x!tpu.dma_semaphore, #tpu.memory_space<semaphore_mem>>
      %dma_start3A_1339 = tpu.memref_squeeze %dma_start3A_1338 : memref<1x1x!tpu.dma_semaphore, #tpu.memory_space<semaphore_mem>> -> memref<!tpu.dma_semaphore, #tpu.memory_space<semaphore_mem>>
      %dma_start3A_1340 = arith.constant 0 : i32
      %dma_start3A_1341 = arith.constant 0 : i32
      %dma_start3A_1342 = tpu.memref_slice %arg9[%dma_start3A_1334, %dma_start3A_1335, %dma_start3A_1340, %dma_start3A_1341] : memref<2x64x4x512xf32, #tpu.memory_space<vmem>> -> memref<1x1x4x512xf32, #tpu.memory_space<vmem>>
      %dma_start3A_1343 = tpu.memref_squeeze %dma_start3A_1342 : memref<1x1x4x512xf32, #tpu.memory_space<vmem>> -> memref<4x512xf32, #tpu.memory_space<vmem>>
      %dma_start3A_1344 = arith.constant 0 : i32
      %dma_start3A_1345 = arith.constant 0 : i32
      %dma_start3A_1346 = tpu.memref_slice %arg7[%get3A_1333, %dma_start3A_1344, %dma_start3A_1345] : memref<100000x4x512xf32, #tpu.memory_space<any>> -> memref<1x4x512xf32, #tpu.memory_space<any>>
      %dma_start3A_1347 = tpu.memref_squeeze %dma_start3A_1346 : memref<1x4x512xf32, #tpu.memory_space<any>> -> memref<4x512xf32, #tpu.memory_space<any>>
      tpu.enqueue_dma source(%dma_start3A_1347 : memref<4x512xf32, #tpu.memory_space<any>>) target(%dma_start3A_1343 : memref<4x512xf32, #tpu.memory_space<vmem>>) target_semaphore(%dma_start3A_1339 : memref<!tpu.dma_semaphore, #tpu.memory_space<semaphore_mem>>)
      %get3A_1348 = arith.constant 28 : index
      %get3A_1349 = memref.load %arg1[%get3A_1348] : memref<1024xi32, #tpu.memory_space<smem>>
      %dma_start3A_1350 = arith.constant 0 : i32
      %dma_start3A_1351 = arith.constant 28 : i32
      %dma_start3A_1352 = arith.constant 0 : i32
      %dma_start3A_1353 = arith.constant 28 : i32
      %dma_start3A_1354 = tpu.memref_slice %arg10[%dma_start3A_1352, %dma_start3A_1353] : memref<2x64x!tpu.dma_semaphore, #tpu.memory_space<semaphore_mem>> -> memref<1x1x!tpu.dma_semaphore, #tpu.memory_space<semaphore_mem>>
      %dma_start3A_1355 = tpu.memref_squeeze %dma_start3A_1354 : memref<1x1x!tpu.dma_semaphore, #tpu.memory_space<semaphore_mem>> -> memref<!tpu.dma_semaphore, #tpu.memory_space<semaphore_mem>>
      %dma_start3A_1356 = arith.constant 0 : i32
      %dma_start3A_1357 = arith.constant 0 : i32
      %dma_start3A_1358 = tpu.memref_slice %arg9[%dma_start3A_1350, %dma_start3A_1351, %dma_start3A_1356, %dma_start3A_1357] : memref<2x64x4x512xf32, #tpu.memory_space<vmem>> -> memref<1x1x4x512xf32, #tpu.memory_space<vmem>>
      %dma_start3A_1359 = tpu.memref_squeeze %dma_start3A_1358 : memref<1x1x4x512xf32, #tpu.memory_space<vmem>> -> memref<4x512xf32, #tpu.memory_space<vmem>>
      %dma_start3A_1360 = arith.constant 0 : i32
      %dma_start3A_1361 = arith.constant 0 : i32
      %dma_start3A_1362 = tpu.memref_slice %arg7[%get3A_1349, %dma_start3A_1360, %dma_start3A_1361] : memref<100000x4x512xf32, #tpu.memory_space<any>> -> memref<1x4x512xf32, #tpu.memory_space<any>>
      %dma_start3A_1363 = tpu.memref_squeeze %dma_start3A_1362 : memref<1x4x512xf32, #tpu.memory_space<any>> -> memref<4x512xf32, #tpu.memory_space<any>>
      tpu.enqueue_dma source(%dma_start3A_1363 : memref<4x512xf32, #tpu.memory_space<any>>) target(%dma_start3A_1359 : memref<4x512xf32, #tpu.memory_space<vmem>>) target_semaphore(%dma_start3A_1355 : memref<!tpu.dma_semaphore, #tpu.memory_space<semaphore_mem>>)
      %get3A_1364 = arith.constant 29 : index
      %get3A_1365 = memref.load %arg1[%get3A_1364] : memref<1024xi32, #tpu.memory_space<smem>>
      %dma_start3A_1366 = arith.constant 0 : i32
      %dma_start3A_1367 = arith.constant 29 : i32
      %dma_start3A_1368 = arith.constant 0 : i32
      %dma_start3A_1369 = arith.constant 29 : i32
      %dma_start3A_1370 = tpu.memref_slice %arg10[%dma_start3A_1368, %dma_start3A_1369] : memref<2x64x!tpu.dma_semaphore, #tpu.memory_space<semaphore_mem>> -> memref<1x1x!tpu.dma_semaphore, #tpu.memory_space<semaphore_mem>>
      %dma_start3A_1371 = tpu.memref_squeeze %dma_start3A_1370 : memref<1x1x!tpu.dma_semaphore, #tpu.memory_space<semaphore_mem>> -> memref<!tpu.dma_semaphore, #tpu.memory_space<semaphore_mem>>
      %dma_start3A_1372 = arith.constant 0 : i32
      %dma_start3A_1373 = arith.constant 0 : i32
      %dma_start3A_1374 = tpu.memref_slice %arg9[%dma_start3A_1366, %dma_start3A_1367, %dma_start3A_1372, %dma_start3A_1373] : memref<2x64x4x512xf32, #tpu.memory_space<vmem>> -> memref<1x1x4x512xf32, #tpu.memory_space<vmem>>
      %dma_start3A_1375 = tpu.memref_squeeze %dma_start3A_1374 : memref<1x1x4x512xf32, #tpu.memory_space<vmem>> -> memref<4x512xf32, #tpu.memory_space<vmem>>
      %dma_start3A_1376 = arith.constant 0 : i32
      %dma_start3A_1377 = arith.constant 0 : i32
      %dma_start3A_1378 = tpu.memref_slice %arg7[%get3A_1365, %dma_start3A_1376, %dma_start3A_1377] : memref<100000x4x512xf32, #tpu.memory_space<any>> -> memref<1x4x512xf32, #tpu.memory_space<any>>
      %dma_start3A_1379 = tpu.memref_squeeze %dma_start3A_1378 : memref<1x4x512xf32, #tpu.memory_space<any>> -> memref<4x512xf32, #tpu.memory_space<any>>
      tpu.enqueue_dma source(%dma_start3A_1379 : memref<4x512xf32, #tpu.memory_space<any>>) target(%dma_start3A_1375 : memref<4x512xf32, #tpu.memory_space<vmem>>) target_semaphore(%dma_start3A_1371 : memref<!tpu.dma_semaphore, #tpu.memory_space<semaphore_mem>>)
      %get3A_1380 = arith.constant 30 : index
      %get3A_1381 = memref.load %arg1[%get3A_1380] : memref<1024xi32, #tpu.memory_space<smem>>
      %dma_start3A_1382 = arith.constant 0 : i32
      %dma_start3A_1383 = arith.constant 30 : i32
      %dma_start3A_1384 = arith.constant 0 : i32
      %dma_start3A_1385 = arith.constant 30 : i32
      %dma_start3A_1386 = tpu.memref_slice %arg10[%dma_start3A_1384, %dma_start3A_1385] : memref<2x64x!tpu.dma_semaphore, #tpu.memory_space<semaphore_mem>> -> memref<1x1x!tpu.dma_semaphore, #tpu.memory_space<semaphore_mem>>
      %dma_start3A_1387 = tpu.memref_squeeze %dma_start3A_1386 : memref<1x1x!tpu.dma_semaphore, #tpu.memory_space<semaphore_mem>> -> memref<!tpu.dma_semaphore, #tpu.memory_space<semaphore_mem>>
      %dma_start3A_1388 = arith.constant 0 : i32
      %dma_start3A_1389 = arith.constant 0 : i32
      %dma_start3A_1390 = tpu.memref_slice %arg9[%dma_start3A_1382, %dma_start3A_1383, %dma_start3A_1388, %dma_start3A_1389] : memref<2x64x4x512xf32, #tpu.memory_space<vmem>> -> memref<1x1x4x512xf32, #tpu.memory_space<vmem>>
      %dma_start3A_1391 = tpu.memref_squeeze %dma_start3A_1390 : memref<1x1x4x512xf32, #tpu.memory_space<vmem>> -> memref<4x512xf32, #tpu.memory_space<vmem>>
      %dma_start3A_1392 = arith.constant 0 : i32
      %dma_start3A_1393 = arith.constant 0 : i32
      %dma_start3A_1394 = tpu.memref_slice %arg7[%get3A_1381, %dma_start3A_1392, %dma_start3A_1393] : memref<100000x4x512xf32, #tpu.memory_space<any>> -> memref<1x4x512xf32, #tpu.memory_space<any>>
      %dma_start3A_1395 = tpu.memref_squeeze %dma_start3A_1394 : memref<1x4x512xf32, #tpu.memory_space<any>> -> memref<4x512xf32, #tpu.memory_space<any>>
      tpu.enqueue_dma source(%dma_start3A_1395 : memref<4x512xf32, #tpu.memory_space<any>>) target(%dma_start3A_1391 : memref<4x512xf32, #tpu.memory_space<vmem>>) target_semaphore(%dma_start3A_1387 : memref<!tpu.dma_semaphore, #tpu.memory_space<semaphore_mem>>)
      %get3A_1396 = arith.constant 31 : index
      %get3A_1397 = memref.load %arg1[%get3A_1396] : memref<1024xi32, #tpu.memory_space<smem>>
      %dma_start3A_1398 = arith.constant 0 : i32
      %dma_start3A_1399 = arith.constant 31 : i32
      %dma_start3A_1400 = arith.constant 0 : i32
      %dma_start3A_1401 = arith.constant 31 : i32
      %dma_start3A_1402 = tpu.memref_slice %arg10[%dma_start3A_1400, %dma_start3A_1401] : memref<2x64x!tpu.dma_semaphore, #tpu.memory_space<semaphore_mem>> -> memref<1x1x!tpu.dma_semaphore, #tpu.memory_space<semaphore_mem>>
      %dma_start3A_1403 = tpu.memref_squeeze %dma_start3A_1402 : memref<1x1x!tpu.dma_semaphore, #tpu.memory_space<semaphore_mem>> -> memref<!tpu.dma_semaphore, #tpu.memory_space<semaphore_mem>>
      %dma_start3A_1404 = arith.constant 0 : i32
      %dma_start3A_1405 = arith.constant 0 : i32
      %dma_start3A_1406 = tpu.memref_slice %arg9[%dma_start3A_1398, %dma_start3A_1399, %dma_start3A_1404, %dma_start3A_1405] : memref<2x64x4x512xf32, #tpu.memory_space<vmem>> -> memref<1x1x4x512xf32, #tpu.memory_space<vmem>>
      %dma_start3A_1407 = tpu.memref_squeeze %dma_start3A_1406 : memref<1x1x4x512xf32, #tpu.memory_space<vmem>> -> memref<4x512xf32, #tpu.memory_space<vmem>>
      %dma_start3A_1408 = arith.constant 0 : i32
      %dma_start3A_1409 = arith.constant 0 : i32
      %dma_start3A_1410 = tpu.memref_slice %arg7[%get3A_1397, %dma_start3A_1408, %dma_start3A_1409] : memref<100000x4x512xf32, #tpu.memory_space<any>> -> memref<1x4x512xf32, #tpu.memory_space<any>>
      %dma_start3A_1411 = tpu.memref_squeeze %dma_start3A_1410 : memref<1x4x512xf32, #tpu.memory_space<any>> -> memref<4x512xf32, #tpu.memory_space<any>>
      tpu.enqueue_dma source(%dma_start3A_1411 : memref<4x512xf32, #tpu.memory_space<any>>) target(%dma_start3A_1407 : memref<4x512xf32, #tpu.memory_space<vmem>>) target_semaphore(%dma_start3A_1403 : memref<!tpu.dma_semaphore, #tpu.memory_space<semaphore_mem>>)
      %get3A_1412 = arith.constant 32 : index
      %get3A_1413 = memref.load %arg1[%get3A_1412] : memref<1024xi32, #tpu.memory_space<smem>>
      %dma_start3A_1414 = arith.constant 0 : i32
      %dma_start3A_1415 = arith.constant 32 : i32
      %dma_start3A_1416 = arith.constant 0 : i32
      %dma_start3A_1417 = arith.constant 32 : i32
      %dma_start3A_1418 = tpu.memref_slice %arg10[%dma_start3A_1416, %dma_start3A_1417] : memref<2x64x!tpu.dma_semaphore, #tpu.memory_space<semaphore_mem>> -> memref<1x1x!tpu.dma_semaphore, #tpu.memory_space<semaphore_mem>>
      %dma_start3A_1419 = tpu.memref_squeeze %dma_start3A_1418 : memref<1x1x!tpu.dma_semaphore, #tpu.memory_space<semaphore_mem>> -> memref<!tpu.dma_semaphore, #tpu.memory_space<semaphore_mem>>
      %dma_start3A_1420 = arith.constant 0 : i32
      %dma_start3A_1421 = arith.constant 0 : i32
      %dma_start3A_1422 = tpu.memref_slice %arg9[%dma_start3A_1414, %dma_start3A_1415, %dma_start3A_1420, %dma_start3A_1421] : memref<2x64x4x512xf32, #tpu.memory_space<vmem>> -> memref<1x1x4x512xf32, #tpu.memory_space<vmem>>
      %dma_start3A_1423 = tpu.memref_squeeze %dma_start3A_1422 : memref<1x1x4x512xf32, #tpu.memory_space<vmem>> -> memref<4x512xf32, #tpu.memory_space<vmem>>
      %dma_start3A_1424 = arith.constant 0 : i32
      %dma_start3A_1425 = arith.constant 0 : i32
      %dma_start3A_1426 = tpu.memref_slice %arg7[%get3A_1413, %dma_start3A_1424, %dma_start3A_1425] : memref<100000x4x512xf32, #tpu.memory_space<any>> -> memref<1x4x512xf32, #tpu.memory_space<any>>
      %dma_start3A_1427 = tpu.memref_squeeze %dma_start3A_1426 : memref<1x4x512xf32, #tpu.memory_space<any>> -> memref<4x512xf32, #tpu.memory_space<any>>
      tpu.enqueue_dma source(%dma_start3A_1427 : memref<4x512xf32, #tpu.memory_space<any>>) target(%dma_start3A_1423 : memref<4x512xf32, #tpu.memory_space<vmem>>) target_semaphore(%dma_start3A_1419 : memref<!tpu.dma_semaphore, #tpu.memory_space<semaphore_mem>>)
      %get3A_1428 = arith.constant 33 : index
      %get3A_1429 = memref.load %arg1[%get3A_1428] : memref<1024xi32, #tpu.memory_space<smem>>
      %dma_start3A_1430 = arith.constant 0 : i32
      %dma_start3A_1431 = arith.constant 33 : i32
      %dma_start3A_1432 = arith.constant 0 : i32
      %dma_start3A_1433 = arith.constant 33 : i32
      %dma_start3A_1434 = tpu.memref_slice %arg10[%dma_start3A_1432, %dma_start3A_1433] : memref<2x64x!tpu.dma_semaphore, #tpu.memory_space<semaphore_mem>> -> memref<1x1x!tpu.dma_semaphore, #tpu.memory_space<semaphore_mem>>
      %dma_start3A_1435 = tpu.memref_squeeze %dma_start3A_1434 : memref<1x1x!tpu.dma_semaphore, #tpu.memory_space<semaphore_mem>> -> memref<!tpu.dma_semaphore, #tpu.memory_space<semaphore_mem>>
      %dma_start3A_1436 = arith.constant 0 : i32
      %dma_start3A_1437 = arith.constant 0 : i32
      %dma_start3A_1438 = tpu.memref_slice %arg9[%dma_start3A_1430, %dma_start3A_1431, %dma_start3A_1436, %dma_start3A_1437] : memref<2x64x4x512xf32, #tpu.memory_space<vmem>> -> memref<1x1x4x512xf32, #tpu.memory_space<vmem>>
      %dma_start3A_1439 = tpu.memref_squeeze %dma_start3A_1438 : memref<1x1x4x512xf32, #tpu.memory_space<vmem>> -> memref<4x512xf32, #tpu.memory_space<vmem>>
      %dma_start3A_1440 = arith.constant 0 : i32
      %dma_start3A_1441 = arith.constant 0 : i32
      %dma_start3A_1442 = tpu.memref_slice %arg7[%get3A_1429, %dma_start3A_1440, %dma_start3A_1441] : memref<100000x4x512xf32, #tpu.memory_space<any>> -> memref<1x4x512xf32, #tpu.memory_space<any>>
      %dma_start3A_1443 = tpu.memref_squeeze %dma_start3A_1442 : memref<1x4x512xf32, #tpu.memory_space<any>> -> memref<4x512xf32, #tpu.memory_space<any>>
      tpu.enqueue_dma source(%dma_start3A_1443 : memref<4x512xf32, #tpu.memory_space<any>>) target(%dma_start3A_1439 : memref<4x512xf32, #tpu.memory_space<vmem>>) target_semaphore(%dma_start3A_1435 : memref<!tpu.dma_semaphore, #tpu.memory_space<semaphore_mem>>)
      %get3A_1444 = arith.constant 34 : index
      %get3A_1445 = memref.load %arg1[%get3A_1444] : memref<1024xi32, #tpu.memory_space<smem>>
      %dma_start3A_1446 = arith.constant 0 : i32
      %dma_start3A_1447 = arith.constant 34 : i32
      %dma_start3A_1448 = arith.constant 0 : i32
      %dma_start3A_1449 = arith.constant 34 : i32
      %dma_start3A_1450 = tpu.memref_slice %arg10[%dma_start3A_1448, %dma_start3A_1449] : memref<2x64x!tpu.dma_semaphore, #tpu.memory_space<semaphore_mem>> -> memref<1x1x!tpu.dma_semaphore, #tpu.memory_space<semaphore_mem>>
      %dma_start3A_1451 = tpu.memref_squeeze %dma_start3A_1450 : memref<1x1x!tpu.dma_semaphore, #tpu.memory_space<semaphore_mem>> -> memref<!tpu.dma_semaphore, #tpu.memory_space<semaphore_mem>>
      %dma_start3A_1452 = arith.constant 0 : i32
      %dma_start3A_1453 = arith.constant 0 : i32
      %dma_start3A_1454 = tpu.memref_slice %arg9[%dma_start3A_1446, %dma_start3A_1447, %dma_start3A_1452, %dma_start3A_1453] : memref<2x64x4x512xf32, #tpu.memory_space<vmem>> -> memref<1x1x4x512xf32, #tpu.memory_space<vmem>>
      %dma_start3A_1455 = tpu.memref_squeeze %dma_start3A_1454 : memref<1x1x4x512xf32, #tpu.memory_space<vmem>> -> memref<4x512xf32, #tpu.memory_space<vmem>>
      %dma_start3A_1456 = arith.constant 0 : i32
      %dma_start3A_1457 = arith.constant 0 : i32
      %dma_start3A_1458 = tpu.memref_slice %arg7[%get3A_1445, %dma_start3A_1456, %dma_start3A_1457] : memref<100000x4x512xf32, #tpu.memory_space<any>> -> memref<1x4x512xf32, #tpu.memory_space<any>>
      %dma_start3A_1459 = tpu.memref_squeeze %dma_start3A_1458 : memref<1x4x512xf32, #tpu.memory_space<any>> -> memref<4x512xf32, #tpu.memory_space<any>>
      tpu.enqueue_dma source(%dma_start3A_1459 : memref<4x512xf32, #tpu.memory_space<any>>) target(%dma_start3A_1455 : memref<4x512xf32, #tpu.memory_space<vmem>>) target_semaphore(%dma_start3A_1451 : memref<!tpu.dma_semaphore, #tpu.memory_space<semaphore_mem>>)
      %get3A_1460 = arith.constant 35 : index
      %get3A_1461 = memref.load %arg1[%get3A_1460] : memref<1024xi32, #tpu.memory_space<smem>>
      %dma_start3A_1462 = arith.constant 0 : i32
      %dma_start3A_1463 = arith.constant 35 : i32
      %dma_start3A_1464 = arith.constant 0 : i32
      %dma_start3A_1465 = arith.constant 35 : i32
      %dma_start3A_1466 = tpu.memref_slice %arg10[%dma_start3A_1464, %dma_start3A_1465] : memref<2x64x!tpu.dma_semaphore, #tpu.memory_space<semaphore_mem>> -> memref<1x1x!tpu.dma_semaphore, #tpu.memory_space<semaphore_mem>>
      %dma_start3A_1467 = tpu.memref_squeeze %dma_start3A_1466 : memref<1x1x!tpu.dma_semaphore, #tpu.memory_space<semaphore_mem>> -> memref<!tpu.dma_semaphore, #tpu.memory_space<semaphore_mem>>
      %dma_start3A_1468 = arith.constant 0 : i32
      %dma_start3A_1469 = arith.constant 0 : i32
      %dma_start3A_1470 = tpu.memref_slice %arg9[%dma_start3A_1462, %dma_start3A_1463, %dma_start3A_1468, %dma_start3A_1469] : memref<2x64x4x512xf32, #tpu.memory_space<vmem>> -> memref<1x1x4x512xf32, #tpu.memory_space<vmem>>
      %dma_start3A_1471 = tpu.memref_squeeze %dma_start3A_1470 : memref<1x1x4x512xf32, #tpu.memory_space<vmem>> -> memref<4x512xf32, #tpu.memory_space<vmem>>
      %dma_start3A_1472 = arith.constant 0 : i32
      %dma_start3A_1473 = arith.constant 0 : i32
      %dma_start3A_1474 = tpu.memref_slice %arg7[%get3A_1461, %dma_start3A_1472, %dma_start3A_1473] : memref<100000x4x512xf32, #tpu.memory_space<any>> -> memref<1x4x512xf32, #tpu.memory_space<any>>
      %dma_start3A_1475 = tpu.memref_squeeze %dma_start3A_1474 : memref<1x4x512xf32, #tpu.memory_space<any>> -> memref<4x512xf32, #tpu.memory_space<any>>
      tpu.enqueue_dma source(%dma_start3A_1475 : memref<4x512xf32, #tpu.memory_space<any>>) target(%dma_start3A_1471 : memref<4x512xf32, #tpu.memory_space<vmem>>) target_semaphore(%dma_start3A_1467 : memref<!tpu.dma_semaphore, #tpu.memory_space<semaphore_mem>>)
      %get3A_1476 = arith.constant 36 : index
      %get3A_1477 = memref.load %arg1[%get3A_1476] : memref<1024xi32, #tpu.memory_space<smem>>
      %dma_start3A_1478 = arith.constant 0 : i32
      %dma_start3A_1479 = arith.constant 36 : i32
      %dma_start3A_1480 = arith.constant 0 : i32
      %dma_start3A_1481 = arith.constant 36 : i32
      %dma_start3A_1482 = tpu.memref_slice %arg10[%dma_start3A_1480, %dma_start3A_1481] : memref<2x64x!tpu.dma_semaphore, #tpu.memory_space<semaphore_mem>> -> memref<1x1x!tpu.dma_semaphore, #tpu.memory_space<semaphore_mem>>
      %dma_start3A_1483 = tpu.memref_squeeze %dma_start3A_1482 : memref<1x1x!tpu.dma_semaphore, #tpu.memory_space<semaphore_mem>> -> memref<!tpu.dma_semaphore, #tpu.memory_space<semaphore_mem>>
      %dma_start3A_1484 = arith.constant 0 : i32
      %dma_start3A_1485 = arith.constant 0 : i32
      %dma_start3A_1486 = tpu.memref_slice %arg9[%dma_start3A_1478, %dma_start3A_1479, %dma_start3A_1484, %dma_start3A_1485] : memref<2x64x4x512xf32, #tpu.memory_space<vmem>> -> memref<1x1x4x512xf32, #tpu.memory_space<vmem>>
      %dma_start3A_1487 = tpu.memref_squeeze %dma_start3A_1486 : memref<1x1x4x512xf32, #tpu.memory_space<vmem>> -> memref<4x512xf32, #tpu.memory_space<vmem>>
      %dma_start3A_1488 = arith.constant 0 : i32
      %dma_start3A_1489 = arith.constant 0 : i32
      %dma_start3A_1490 = tpu.memref_slice %arg7[%get3A_1477, %dma_start3A_1488, %dma_start3A_1489] : memref<100000x4x512xf32, #tpu.memory_space<any>> -> memref<1x4x512xf32, #tpu.memory_space<any>>
      %dma_start3A_1491 = tpu.memref_squeeze %dma_start3A_1490 : memref<1x4x512xf32, #tpu.memory_space<any>> -> memref<4x512xf32, #tpu.memory_space<any>>
      tpu.enqueue_dma source(%dma_start3A_1491 : memref<4x512xf32, #tpu.memory_space<any>>) target(%dma_start3A_1487 : memref<4x512xf32, #tpu.memory_space<vmem>>) target_semaphore(%dma_start3A_1483 : memref<!tpu.dma_semaphore, #tpu.memory_space<semaphore_mem>>)
      %get3A_1492 = arith.constant 37 : index
      %get3A_1493 = memref.load %arg1[%get3A_1492] : memref<1024xi32, #tpu.memory_space<smem>>
      %dma_start3A_1494 = arith.constant 0 : i32
      %dma_start3A_1495 = arith.constant 37 : i32
      %dma_start3A_1496 = arith.constant 0 : i32
      %dma_start3A_1497 = arith.constant 37 : i32
      %dma_start3A_1498 = tpu.memref_slice %arg10[%dma_start3A_1496, %dma_start3A_1497] : memref<2x64x!tpu.dma_semaphore, #tpu.memory_space<semaphore_mem>> -> memref<1x1x!tpu.dma_semaphore, #tpu.memory_space<semaphore_mem>>
      %dma_start3A_1499 = tpu.memref_squeeze %dma_start3A_1498 : memref<1x1x!tpu.dma_semaphore, #tpu.memory_space<semaphore_mem>> -> memref<!tpu.dma_semaphore, #tpu.memory_space<semaphore_mem>>
      %dma_start3A_1500 = arith.constant 0 : i32
      %dma_start3A_1501 = arith.constant 0 : i32
      %dma_start3A_1502 = tpu.memref_slice %arg9[%dma_start3A_1494, %dma_start3A_1495, %dma_start3A_1500, %dma_start3A_1501] : memref<2x64x4x512xf32, #tpu.memory_space<vmem>> -> memref<1x1x4x512xf32, #tpu.memory_space<vmem>>
      %dma_start3A_1503 = tpu.memref_squeeze %dma_start3A_1502 : memref<1x1x4x512xf32, #tpu.memory_space<vmem>> -> memref<4x512xf32, #tpu.memory_space<vmem>>
      %dma_start3A_1504 = arith.constant 0 : i32
      %dma_start3A_1505 = arith.constant 0 : i32
      %dma_start3A_1506 = tpu.memref_slice %arg7[%get3A_1493, %dma_start3A_1504, %dma_start3A_1505] : memref<100000x4x512xf32, #tpu.memory_space<any>> -> memref<1x4x512xf32, #tpu.memory_space<any>>
      %dma_start3A_1507 = tpu.memref_squeeze %dma_start3A_1506 : memref<1x4x512xf32, #tpu.memory_space<any>> -> memref<4x512xf32, #tpu.memory_space<any>>
      tpu.enqueue_dma source(%dma_start3A_1507 : memref<4x512xf32, #tpu.memory_space<any>>) target(%dma_start3A_1503 : memref<4x512xf32, #tpu.memory_space<vmem>>) target_semaphore(%dma_start3A_1499 : memref<!tpu.dma_semaphore, #tpu.memory_space<semaphore_mem>>)
      %get3A_1508 = arith.constant 38 : index
      %get3A_1509 = memref.load %arg1[%get3A_1508] : memref<1024xi32, #tpu.memory_space<smem>>
      %dma_start3A_1510 = arith.constant 0 : i32
      %dma_start3A_1511 = arith.constant 38 : i32
      %dma_start3A_1512 = arith.constant 0 : i32
      %dma_start3A_1513 = arith.constant 38 : i32
      %dma_start3A_1514 = tpu.memref_slice %arg10[%dma_start3A_1512, %dma_start3A_1513] : memref<2x64x!tpu.dma_semaphore, #tpu.memory_space<semaphore_mem>> -> memref<1x1x!tpu.dma_semaphore, #tpu.memory_space<semaphore_mem>>
      %dma_start3A_1515 = tpu.memref_squeeze %dma_start3A_1514 : memref<1x1x!tpu.dma_semaphore, #tpu.memory_space<semaphore_mem>> -> memref<!tpu.dma_semaphore, #tpu.memory_space<semaphore_mem>>
      %dma_start3A_1516 = arith.constant 0 : i32
      %dma_start3A_1517 = arith.constant 0 : i32
      %dma_start3A_1518 = tpu.memref_slice %arg9[%dma_start3A_1510, %dma_start3A_1511, %dma_start3A_1516, %dma_start3A_1517] : memref<2x64x4x512xf32, #tpu.memory_space<vmem>> -> memref<1x1x4x512xf32, #tpu.memory_space<vmem>>
      %dma_start3A_1519 = tpu.memref_squeeze %dma_start3A_1518 : memref<1x1x4x512xf32, #tpu.memory_space<vmem>> -> memref<4x512xf32, #tpu.memory_space<vmem>>
      %dma_start3A_1520 = arith.constant 0 : i32
      %dma_start3A_1521 = arith.constant 0 : i32
      %dma_start3A_1522 = tpu.memref_slice %arg7[%get3A_1509, %dma_start3A_1520, %dma_start3A_1521] : memref<100000x4x512xf32, #tpu.memory_space<any>> -> memref<1x4x512xf32, #tpu.memory_space<any>>
      %dma_start3A_1523 = tpu.memref_squeeze %dma_start3A_1522 : memref<1x4x512xf32, #tpu.memory_space<any>> -> memref<4x512xf32, #tpu.memory_space<any>>
      tpu.enqueue_dma source(%dma_start3A_1523 : memref<4x512xf32, #tpu.memory_space<any>>) target(%dma_start3A_1519 : memref<4x512xf32, #tpu.memory_space<vmem>>) target_semaphore(%dma_start3A_1515 : memref<!tpu.dma_semaphore, #tpu.memory_space<semaphore_mem>>)
      %get3A_1524 = arith.constant 39 : index
      %get3A_1525 = memref.load %arg1[%get3A_1524] : memref<1024xi32, #tpu.memory_space<smem>>
      %dma_start3A_1526 = arith.constant 0 : i32
      %dma_start3A_1527 = arith.constant 39 : i32
      %dma_start3A_1528 = arith.constant 0 : i32
      %dma_start3A_1529 = arith.constant 39 : i32
      %dma_start3A_1530 = tpu.memref_slice %arg10[%dma_start3A_1528, %dma_start3A_1529] : memref<2x64x!tpu.dma_semaphore, #tpu.memory_space<semaphore_mem>> -> memref<1x1x!tpu.dma_semaphore, #tpu.memory_space<semaphore_mem>>
      %dma_start3A_1531 = tpu.memref_squeeze %dma_start3A_1530 : memref<1x1x!tpu.dma_semaphore, #tpu.memory_space<semaphore_mem>> -> memref<!tpu.dma_semaphore, #tpu.memory_space<semaphore_mem>>
      %dma_start3A_1532 = arith.constant 0 : i32
      %dma_start3A_1533 = arith.constant 0 : i32
      %dma_start3A_1534 = tpu.memref_slice %arg9[%dma_start3A_1526, %dma_start3A_1527, %dma_start3A_1532, %dma_start3A_1533] : memref<2x64x4x512xf32, #tpu.memory_space<vmem>> -> memref<1x1x4x512xf32, #tpu.memory_space<vmem>>
      %dma_start3A_1535 = tpu.memref_squeeze %dma_start3A_1534 : memref<1x1x4x512xf32, #tpu.memory_space<vmem>> -> memref<4x512xf32, #tpu.memory_space<vmem>>
      %dma_start3A_1536 = arith.constant 0 : i32
      %dma_start3A_1537 = arith.constant 0 : i32
      %dma_start3A_1538 = tpu.memref_slice %arg7[%get3A_1525, %dma_start3A_1536, %dma_start3A_1537] : memref<100000x4x512xf32, #tpu.memory_space<any>> -> memref<1x4x512xf32, #tpu.memory_space<any>>
      %dma_start3A_1539 = tpu.memref_squeeze %dma_start3A_1538 : memref<1x4x512xf32, #tpu.memory_space<any>> -> memref<4x512xf32, #tpu.memory_space<any>>
      tpu.enqueue_dma source(%dma_start3A_1539 : memref<4x512xf32, #tpu.memory_space<any>>) target(%dma_start3A_1535 : memref<4x512xf32, #tpu.memory_space<vmem>>) target_semaphore(%dma_start3A_1531 : memref<!tpu.dma_semaphore, #tpu.memory_space<semaphore_mem>>)
      %get3A_1540 = arith.constant 40 : index
      %get3A_1541 = memref.load %arg1[%get3A_1540] : memref<1024xi32, #tpu.memory_space<smem>>
      %dma_start3A_1542 = arith.constant 0 : i32
      %dma_start3A_1543 = arith.constant 40 : i32
      %dma_start3A_1544 = arith.constant 0 : i32
      %dma_start3A_1545 = arith.constant 40 : i32
      %dma_start3A_1546 = tpu.memref_slice %arg10[%dma_start3A_1544, %dma_start3A_1545] : memref<2x64x!tpu.dma_semaphore, #tpu.memory_space<semaphore_mem>> -> memref<1x1x!tpu.dma_semaphore, #tpu.memory_space<semaphore_mem>>
      %dma_start3A_1547 = tpu.memref_squeeze %dma_start3A_1546 : memref<1x1x!tpu.dma_semaphore, #tpu.memory_space<semaphore_mem>> -> memref<!tpu.dma_semaphore, #tpu.memory_space<semaphore_mem>>
      %dma_start3A_1548 = arith.constant 0 : i32
      %dma_start3A_1549 = arith.constant 0 : i32
      %dma_start3A_1550 = tpu.memref_slice %arg9[%dma_start3A_1542, %dma_start3A_1543, %dma_start3A_1548, %dma_start3A_1549] : memref<2x64x4x512xf32, #tpu.memory_space<vmem>> -> memref<1x1x4x512xf32, #tpu.memory_space<vmem>>
      %dma_start3A_1551 = tpu.memref_squeeze %dma_start3A_1550 : memref<1x1x4x512xf32, #tpu.memory_space<vmem>> -> memref<4x512xf32, #tpu.memory_space<vmem>>
      %dma_start3A_1552 = arith.constant 0 : i32
      %dma_start3A_1553 = arith.constant 0 : i32
      %dma_start3A_1554 = tpu.memref_slice %arg7[%get3A_1541, %dma_start3A_1552, %dma_start3A_1553] : memref<100000x4x512xf32, #tpu.memory_space<any>> -> memref<1x4x512xf32, #tpu.memory_space<any>>
      %dma_start3A_1555 = tpu.memref_squeeze %dma_start3A_1554 : memref<1x4x512xf32, #tpu.memory_space<any>> -> memref<4x512xf32, #tpu.memory_space<any>>
      tpu.enqueue_dma source(%dma_start3A_1555 : memref<4x512xf32, #tpu.memory_space<any>>) target(%dma_start3A_1551 : memref<4x512xf32, #tpu.memory_space<vmem>>) target_semaphore(%dma_start3A_1547 : memref<!tpu.dma_semaphore, #tpu.memory_space<semaphore_mem>>)
      %get3A_1556 = arith.constant 41 : index
      %get3A_1557 = memref.load %arg1[%get3A_1556] : memref<1024xi32, #tpu.memory_space<smem>>
      %dma_start3A_1558 = arith.constant 0 : i32
      %dma_start3A_1559 = arith.constant 41 : i32
      %dma_start3A_1560 = arith.constant 0 : i32
      %dma_start3A_1561 = arith.constant 41 : i32
      %dma_start3A_1562 = tpu.memref_slice %arg10[%dma_start3A_1560, %dma_start3A_1561] : memref<2x64x!tpu.dma_semaphore, #tpu.memory_space<semaphore_mem>> -> memref<1x1x!tpu.dma_semaphore, #tpu.memory_space<semaphore_mem>>
      %dma_start3A_1563 = tpu.memref_squeeze %dma_start3A_1562 : memref<1x1x!tpu.dma_semaphore, #tpu.memory_space<semaphore_mem>> -> memref<!tpu.dma_semaphore, #tpu.memory_space<semaphore_mem>>
      %dma_start3A_1564 = arith.constant 0 : i32
      %dma_start3A_1565 = arith.constant 0 : i32
      %dma_start3A_1566 = tpu.memref_slice %arg9[%dma_start3A_1558, %dma_start3A_1559, %dma_start3A_1564, %dma_start3A_1565] : memref<2x64x4x512xf32, #tpu.memory_space<vmem>> -> memref<1x1x4x512xf32, #tpu.memory_space<vmem>>
      %dma_start3A_1567 = tpu.memref_squeeze %dma_start3A_1566 : memref<1x1x4x512xf32, #tpu.memory_space<vmem>> -> memref<4x512xf32, #tpu.memory_space<vmem>>
      %dma_start3A_1568 = arith.constant 0 : i32
      %dma_start3A_1569 = arith.constant 0 : i32
      %dma_start3A_1570 = tpu.memref_slice %arg7[%get3A_1557, %dma_start3A_1568, %dma_start3A_1569] : memref<100000x4x512xf32, #tpu.memory_space<any>> -> memref<1x4x512xf32, #tpu.memory_space<any>>
      %dma_start3A_1571 = tpu.memref_squeeze %dma_start3A_1570 : memref<1x4x512xf32, #tpu.memory_space<any>> -> memref<4x512xf32, #tpu.memory_space<any>>
      tpu.enqueue_dma source(%dma_start3A_1571 : memref<4x512xf32, #tpu.memory_space<any>>) target(%dma_start3A_1567 : memref<4x512xf32, #tpu.memory_space<vmem>>) target_semaphore(%dma_start3A_1563 : memref<!tpu.dma_semaphore, #tpu.memory_space<semaphore_mem>>)
      %get3A_1572 = arith.constant 42 : index
      %get3A_1573 = memref.load %arg1[%get3A_1572] : memref<1024xi32, #tpu.memory_space<smem>>
      %dma_start3A_1574 = arith.constant 0 : i32
      %dma_start3A_1575 = arith.constant 42 : i32
      %dma_start3A_1576 = arith.constant 0 : i32
      %dma_start3A_1577 = arith.constant 42 : i32
      %dma_start3A_1578 = tpu.memref_slice %arg10[%dma_start3A_1576, %dma_start3A_1577] : memref<2x64x!tpu.dma_semaphore, #tpu.memory_space<semaphore_mem>> -> memref<1x1x!tpu.dma_semaphore, #tpu.memory_space<semaphore_mem>>
      %dma_start3A_1579 = tpu.memref_squeeze %dma_start3A_1578 : memref<1x1x!tpu.dma_semaphore, #tpu.memory_space<semaphore_mem>> -> memref<!tpu.dma_semaphore, #tpu.memory_space<semaphore_mem>>
      %dma_start3A_1580 = arith.constant 0 : i32
      %dma_start3A_1581 = arith.constant 0 : i32
      %dma_start3A_1582 = tpu.memref_slice %arg9[%dma_start3A_1574, %dma_start3A_1575, %dma_start3A_1580, %dma_start3A_1581] : memref<2x64x4x512xf32, #tpu.memory_space<vmem>> -> memref<1x1x4x512xf32, #tpu.memory_space<vmem>>
      %dma_start3A_1583 = tpu.memref_squeeze %dma_start3A_1582 : memref<1x1x4x512xf32, #tpu.memory_space<vmem>> -> memref<4x512xf32, #tpu.memory_space<vmem>>
      %dma_start3A_1584 = arith.constant 0 : i32
      %dma_start3A_1585 = arith.constant 0 : i32
      %dma_start3A_1586 = tpu.memref_slice %arg7[%get3A_1573, %dma_start3A_1584, %dma_start3A_1585] : memref<100000x4x512xf32, #tpu.memory_space<any>> -> memref<1x4x512xf32, #tpu.memory_space<any>>
      %dma_start3A_1587 = tpu.memref_squeeze %dma_start3A_1586 : memref<1x4x512xf32, #tpu.memory_space<any>> -> memref<4x512xf32, #tpu.memory_space<any>>
      tpu.enqueue_dma source(%dma_start3A_1587 : memref<4x512xf32, #tpu.memory_space<any>>) target(%dma_start3A_1583 : memref<4x512xf32, #tpu.memory_space<vmem>>) target_semaphore(%dma_start3A_1579 : memref<!tpu.dma_semaphore, #tpu.memory_space<semaphore_mem>>)
      %get3A_1588 = arith.constant 43 : index
      %get3A_1589 = memref.load %arg1[%get3A_1588] : memref<1024xi32, #tpu.memory_space<smem>>
      %dma_start3A_1590 = arith.constant 0 : i32
      %dma_start3A_1591 = arith.constant 43 : i32
      %dma_start3A_1592 = arith.constant 0 : i32
      %dma_start3A_1593 = arith.constant 43 : i32
      %dma_start3A_1594 = tpu.memref_slice %arg10[%dma_start3A_1592, %dma_start3A_1593] : memref<2x64x!tpu.dma_semaphore, #tpu.memory_space<semaphore_mem>> -> memref<1x1x!tpu.dma_semaphore, #tpu.memory_space<semaphore_mem>>
      %dma_start3A_1595 = tpu.memref_squeeze %dma_start3A_1594 : memref<1x1x!tpu.dma_semaphore, #tpu.memory_space<semaphore_mem>> -> memref<!tpu.dma_semaphore, #tpu.memory_space<semaphore_mem>>
      %dma_start3A_1596 = arith.constant 0 : i32
      %dma_start3A_1597 = arith.constant 0 : i32
      %dma_start3A_1598 = tpu.memref_slice %arg9[%dma_start3A_1590, %dma_start3A_1591, %dma_start3A_1596, %dma_start3A_1597] : memref<2x64x4x512xf32, #tpu.memory_space<vmem>> -> memref<1x1x4x512xf32, #tpu.memory_space<vmem>>
      %dma_start3A_1599 = tpu.memref_squeeze %dma_start3A_1598 : memref<1x1x4x512xf32, #tpu.memory_space<vmem>> -> memref<4x512xf32, #tpu.memory_space<vmem>>
      %dma_start3A_1600 = arith.constant 0 : i32
      %dma_start3A_1601 = arith.constant 0 : i32
      %dma_start3A_1602 = tpu.memref_slice %arg7[%get3A_1589, %dma_start3A_1600, %dma_start3A_1601] : memref<100000x4x512xf32, #tpu.memory_space<any>> -> memref<1x4x512xf32, #tpu.memory_space<any>>
      %dma_start3A_1603 = tpu.memref_squeeze %dma_start3A_1602 : memref<1x4x512xf32, #tpu.memory_space<any>> -> memref<4x512xf32, #tpu.memory_space<any>>
      tpu.enqueue_dma source(%dma_start3A_1603 : memref<4x512xf32, #tpu.memory_space<any>>) target(%dma_start3A_1599 : memref<4x512xf32, #tpu.memory_space<vmem>>) target_semaphore(%dma_start3A_1595 : memref<!tpu.dma_semaphore, #tpu.memory_space<semaphore_mem>>)
      %get3A_1604 = arith.constant 44 : index
      %get3A_1605 = memref.load %arg1[%get3A_1604] : memref<1024xi32, #tpu.memory_space<smem>>
      %dma_start3A_1606 = arith.constant 0 : i32
      %dma_start3A_1607 = arith.constant 44 : i32
      %dma_start3A_1608 = arith.constant 0 : i32
      %dma_start3A_1609 = arith.constant 44 : i32
      %dma_start3A_1610 = tpu.memref_slice %arg10[%dma_start3A_1608, %dma_start3A_1609] : memref<2x64x!tpu.dma_semaphore, #tpu.memory_space<semaphore_mem>> -> memref<1x1x!tpu.dma_semaphore, #tpu.memory_space<semaphore_mem>>
      %dma_start3A_1611 = tpu.memref_squeeze %dma_start3A_1610 : memref<1x1x!tpu.dma_semaphore, #tpu.memory_space<semaphore_mem>> -> memref<!tpu.dma_semaphore, #tpu.memory_space<semaphore_mem>>
      %dma_start3A_1612 = arith.constant 0 : i32
      %dma_start3A_1613 = arith.constant 0 : i32
      %dma_start3A_1614 = tpu.memref_slice %arg9[%dma_start3A_1606, %dma_start3A_1607, %dma_start3A_1612, %dma_start3A_1613] : memref<2x64x4x512xf32, #tpu.memory_space<vmem>> -> memref<1x1x4x512xf32, #tpu.memory_space<vmem>>
      %dma_start3A_1615 = tpu.memref_squeeze %dma_start3A_1614 : memref<1x1x4x512xf32, #tpu.memory_space<vmem>> -> memref<4x512xf32, #tpu.memory_space<vmem>>
      %dma_start3A_1616 = arith.constant 0 : i32
      %dma_start3A_1617 = arith.constant 0 : i32
      %dma_start3A_1618 = tpu.memref_slice %arg7[%get3A_1605, %dma_start3A_1616, %dma_start3A_1617] : memref<100000x4x512xf32, #tpu.memory_space<any>> -> memref<1x4x512xf32, #tpu.memory_space<any>>
      %dma_start3A_1619 = tpu.memref_squeeze %dma_start3A_1618 : memref<1x4x512xf32, #tpu.memory_space<any>> -> memref<4x512xf32, #tpu.memory_space<any>>
      tpu.enqueue_dma source(%dma_start3A_1619 : memref<4x512xf32, #tpu.memory_space<any>>) target(%dma_start3A_1615 : memref<4x512xf32, #tpu.memory_space<vmem>>) target_semaphore(%dma_start3A_1611 : memref<!tpu.dma_semaphore, #tpu.memory_space<semaphore_mem>>)
      %get3A_1620 = arith.constant 45 : index
      %get3A_1621 = memref.load %arg1[%get3A_1620] : memref<1024xi32, #tpu.memory_space<smem>>
      %dma_start3A_1622 = arith.constant 0 : i32
      %dma_start3A_1623 = arith.constant 45 : i32
      %dma_start3A_1624 = arith.constant 0 : i32
      %dma_start3A_1625 = arith.constant 45 : i32
      %dma_start3A_1626 = tpu.memref_slice %arg10[%dma_start3A_1624, %dma_start3A_1625] : memref<2x64x!tpu.dma_semaphore, #tpu.memory_space<semaphore_mem>> -> memref<1x1x!tpu.dma_semaphore, #tpu.memory_space<semaphore_mem>>
      %dma_start3A_1627 = tpu.memref_squeeze %dma_start3A_1626 : memref<1x1x!tpu.dma_semaphore, #tpu.memory_space<semaphore_mem>> -> memref<!tpu.dma_semaphore, #tpu.memory_space<semaphore_mem>>
      %dma_start3A_1628 = arith.constant 0 : i32
      %dma_start3A_1629 = arith.constant 0 : i32
      %dma_start3A_1630 = tpu.memref_slice %arg9[%dma_start3A_1622, %dma_start3A_1623, %dma_start3A_1628, %dma_start3A_1629] : memref<2x64x4x512xf32, #tpu.memory_space<vmem>> -> memref<1x1x4x512xf32, #tpu.memory_space<vmem>>
      %dma_start3A_1631 = tpu.memref_squeeze %dma_start3A_1630 : memref<1x1x4x512xf32, #tpu.memory_space<vmem>> -> memref<4x512xf32, #tpu.memory_space<vmem>>
      %dma_start3A_1632 = arith.constant 0 : i32
      %dma_start3A_1633 = arith.constant 0 : i32
      %dma_start3A_1634 = tpu.memref_slice %arg7[%get3A_1621, %dma_start3A_1632, %dma_start3A_1633] : memref<100000x4x512xf32, #tpu.memory_space<any>> -> memref<1x4x512xf32, #tpu.memory_space<any>>
      %dma_start3A_1635 = tpu.memref_squeeze %dma_start3A_1634 : memref<1x4x512xf32, #tpu.memory_space<any>> -> memref<4x512xf32, #tpu.memory_space<any>>
      tpu.enqueue_dma source(%dma_start3A_1635 : memref<4x512xf32, #tpu.memory_space<any>>) target(%dma_start3A_1631 : memref<4x512xf32, #tpu.memory_space<vmem>>) target_semaphore(%dma_start3A_1627 : memref<!tpu.dma_semaphore, #tpu.memory_space<semaphore_mem>>)
      %get3A_1636 = arith.constant 46 : index
      %get3A_1637 = memref.load %arg1[%get3A_1636] : memref<1024xi32, #tpu.memory_space<smem>>
      %dma_start3A_1638 = arith.constant 0 : i32
      %dma_start3A_1639 = arith.constant 46 : i32
      %dma_start3A_1640 = arith.constant 0 : i32
      %dma_start3A_1641 = arith.constant 46 : i32
      %dma_start3A_1642 = tpu.memref_slice %arg10[%dma_start3A_1640, %dma_start3A_1641] : memref<2x64x!tpu.dma_semaphore, #tpu.memory_space<semaphore_mem>> -> memref<1x1x!tpu.dma_semaphore, #tpu.memory_space<semaphore_mem>>
      %dma_start3A_1643 = tpu.memref_squeeze %dma_start3A_1642 : memref<1x1x!tpu.dma_semaphore, #tpu.memory_space<semaphore_mem>> -> memref<!tpu.dma_semaphore, #tpu.memory_space<semaphore_mem>>
      %dma_start3A_1644 = arith.constant 0 : i32
      %dma_start3A_1645 = arith.constant 0 : i32
      %dma_start3A_1646 = tpu.memref_slice %arg9[%dma_start3A_1638, %dma_start3A_1639, %dma_start3A_1644, %dma_start3A_1645] : memref<2x64x4x512xf32, #tpu.memory_space<vmem>> -> memref<1x1x4x512xf32, #tpu.memory_space<vmem>>
      %dma_start3A_1647 = tpu.memref_squeeze %dma_start3A_1646 : memref<1x1x4x512xf32, #tpu.memory_space<vmem>> -> memref<4x512xf32, #tpu.memory_space<vmem>>
      %dma_start3A_1648 = arith.constant 0 : i32
      %dma_start3A_1649 = arith.constant 0 : i32
      %dma_start3A_1650 = tpu.memref_slice %arg7[%get3A_1637, %dma_start3A_1648, %dma_start3A_1649] : memref<100000x4x512xf32, #tpu.memory_space<any>> -> memref<1x4x512xf32, #tpu.memory_space<any>>
      %dma_start3A_1651 = tpu.memref_squeeze %dma_start3A_1650 : memref<1x4x512xf32, #tpu.memory_space<any>> -> memref<4x512xf32, #tpu.memory_space<any>>
      tpu.enqueue_dma source(%dma_start3A_1651 : memref<4x512xf32, #tpu.memory_space<any>>) target(%dma_start3A_1647 : memref<4x512xf32, #tpu.memory_space<vmem>>) target_semaphore(%dma_start3A_1643 : memref<!tpu.dma_semaphore, #tpu.memory_space<semaphore_mem>>)
      %get3A_1652 = arith.constant 47 : index
      %get3A_1653 = memref.load %arg1[%get3A_1652] : memref<1024xi32, #tpu.memory_space<smem>>
      %dma_start3A_1654 = arith.constant 0 : i32
      %dma_start3A_1655 = arith.constant 47 : i32
      %dma_start3A_1656 = arith.constant 0 : i32
      %dma_start3A_1657 = arith.constant 47 : i32
      %dma_start3A_1658 = tpu.memref_slice %arg10[%dma_start3A_1656, %dma_start3A_1657] : memref<2x64x!tpu.dma_semaphore, #tpu.memory_space<semaphore_mem>> -> memref<1x1x!tpu.dma_semaphore, #tpu.memory_space<semaphore_mem>>
      %dma_start3A_1659 = tpu.memref_squeeze %dma_start3A_1658 : memref<1x1x!tpu.dma_semaphore, #tpu.memory_space<semaphore_mem>> -> memref<!tpu.dma_semaphore, #tpu.memory_space<semaphore_mem>>
      %dma_start3A_1660 = arith.constant 0 : i32
      %dma_start3A_1661 = arith.constant 0 : i32
      %dma_start3A_1662 = tpu.memref_slice %arg9[%dma_start3A_1654, %dma_start3A_1655, %dma_start3A_1660, %dma_start3A_1661] : memref<2x64x4x512xf32, #tpu.memory_space<vmem>> -> memref<1x1x4x512xf32, #tpu.memory_space<vmem>>
      %dma_start3A_1663 = tpu.memref_squeeze %dma_start3A_1662 : memref<1x1x4x512xf32, #tpu.memory_space<vmem>> -> memref<4x512xf32, #tpu.memory_space<vmem>>
      %dma_start3A_1664 = arith.constant 0 : i32
      %dma_start3A_1665 = arith.constant 0 : i32
      %dma_start3A_1666 = tpu.memref_slice %arg7[%get3A_1653, %dma_start3A_1664, %dma_start3A_1665] : memref<100000x4x512xf32, #tpu.memory_space<any>> -> memref<1x4x512xf32, #tpu.memory_space<any>>
      %dma_start3A_1667 = tpu.memref_squeeze %dma_start3A_1666 : memref<1x4x512xf32, #tpu.memory_space<any>> -> memref<4x512xf32, #tpu.memory_space<any>>
      tpu.enqueue_dma source(%dma_start3A_1667 : memref<4x512xf32, #tpu.memory_space<any>>) target(%dma_start3A_1663 : memref<4x512xf32, #tpu.memory_space<vmem>>) target_semaphore(%dma_start3A_1659 : memref<!tpu.dma_semaphore, #tpu.memory_space<semaphore_mem>>)
      %get3A_1668 = arith.constant 48 : index
      %get3A_1669 = memref.load %arg1[%get3A_1668] : memref<1024xi32, #tpu.memory_space<smem>>
      %dma_start3A_1670 = arith.constant 0 : i32
      %dma_start3A_1671 = arith.constant 48 : i32
      %dma_start3A_1672 = arith.constant 0 : i32
      %dma_start3A_1673 = arith.constant 48 : i32
      %dma_start3A_1674 = tpu.memref_slice %arg10[%dma_start3A_1672, %dma_start3A_1673] : memref<2x64x!tpu.dma_semaphore, #tpu.memory_space<semaphore_mem>> -> memref<1x1x!tpu.dma_semaphore, #tpu.memory_space<semaphore_mem>>
      %dma_start3A_1675 = tpu.memref_squeeze %dma_start3A_1674 : memref<1x1x!tpu.dma_semaphore, #tpu.memory_space<semaphore_mem>> -> memref<!tpu.dma_semaphore, #tpu.memory_space<semaphore_mem>>
      %dma_start3A_1676 = arith.constant 0 : i32
      %dma_start3A_1677 = arith.constant 0 : i32
      %dma_start3A_1678 = tpu.memref_slice %arg9[%dma_start3A_1670, %dma_start3A_1671, %dma_start3A_1676, %dma_start3A_1677] : memref<2x64x4x512xf32, #tpu.memory_space<vmem>> -> memref<1x1x4x512xf32, #tpu.memory_space<vmem>>
      %dma_start3A_1679 = tpu.memref_squeeze %dma_start3A_1678 : memref<1x1x4x512xf32, #tpu.memory_space<vmem>> -> memref<4x512xf32, #tpu.memory_space<vmem>>
      %dma_start3A_1680 = arith.constant 0 : i32
      %dma_start3A_1681 = arith.constant 0 : i32
      %dma_start3A_1682 = tpu.memref_slice %arg7[%get3A_1669, %dma_start3A_1680, %dma_start3A_1681] : memref<100000x4x512xf32, #tpu.memory_space<any>> -> memref<1x4x512xf32, #tpu.memory_space<any>>
      %dma_start3A_1683 = tpu.memref_squeeze %dma_start3A_1682 : memref<1x4x512xf32, #tpu.memory_space<any>> -> memref<4x512xf32, #tpu.memory_space<any>>
      tpu.enqueue_dma source(%dma_start3A_1683 : memref<4x512xf32, #tpu.memory_space<any>>) target(%dma_start3A_1679 : memref<4x512xf32, #tpu.memory_space<vmem>>) target_semaphore(%dma_start3A_1675 : memref<!tpu.dma_semaphore, #tpu.memory_space<semaphore_mem>>)
      %get3A_1684 = arith.constant 49 : index
      %get3A_1685 = memref.load %arg1[%get3A_1684] : memref<1024xi32, #tpu.memory_space<smem>>
      %dma_start3A_1686 = arith.constant 0 : i32
      %dma_start3A_1687 = arith.constant 49 : i32
      %dma_start3A_1688 = arith.constant 0 : i32
      %dma_start3A_1689 = arith.constant 49 : i32
      %dma_start3A_1690 = tpu.memref_slice %arg10[%dma_start3A_1688, %dma_start3A_1689] : memref<2x64x!tpu.dma_semaphore, #tpu.memory_space<semaphore_mem>> -> memref<1x1x!tpu.dma_semaphore, #tpu.memory_space<semaphore_mem>>
      %dma_start3A_1691 = tpu.memref_squeeze %dma_start3A_1690 : memref<1x1x!tpu.dma_semaphore, #tpu.memory_space<semaphore_mem>> -> memref<!tpu.dma_semaphore, #tpu.memory_space<semaphore_mem>>
      %dma_start3A_1692 = arith.constant 0 : i32
      %dma_start3A_1693 = arith.constant 0 : i32
      %dma_start3A_1694 = tpu.memref_slice %arg9[%dma_start3A_1686, %dma_start3A_1687, %dma_start3A_1692, %dma_start3A_1693] : memref<2x64x4x512xf32, #tpu.memory_space<vmem>> -> memref<1x1x4x512xf32, #tpu.memory_space<vmem>>
      %dma_start3A_1695 = tpu.memref_squeeze %dma_start3A_1694 : memref<1x1x4x512xf32, #tpu.memory_space<vmem>> -> memref<4x512xf32, #tpu.memory_space<vmem>>
      %dma_start3A_1696 = arith.constant 0 : i32
      %dma_start3A_1697 = arith.constant 0 : i32
      %dma_start3A_1698 = tpu.memref_slice %arg7[%get3A_1685, %dma_start3A_1696, %dma_start3A_1697] : memref<100000x4x512xf32, #tpu.memory_space<any>> -> memref<1x4x512xf32, #tpu.memory_space<any>>
      %dma_start3A_1699 = tpu.memref_squeeze %dma_start3A_1698 : memref<1x4x512xf32, #tpu.memory_space<any>> -> memref<4x512xf32, #tpu.memory_space<any>>
      tpu.enqueue_dma source(%dma_start3A_1699 : memref<4x512xf32, #tpu.memory_space<any>>) target(%dma_start3A_1695 : memref<4x512xf32, #tpu.memory_space<vmem>>) target_semaphore(%dma_start3A_1691 : memref<!tpu.dma_semaphore, #tpu.memory_space<semaphore_mem>>)
      %get3A_1700 = arith.constant 50 : index
      %get3A_1701 = memref.load %arg1[%get3A_1700] : memref<1024xi32, #tpu.memory_space<smem>>
      %dma_start3A_1702 = arith.constant 0 : i32
      %dma_start3A_1703 = arith.constant 50 : i32
      %dma_start3A_1704 = arith.constant 0 : i32
      %dma_start3A_1705 = arith.constant 50 : i32
      %dma_start3A_1706 = tpu.memref_slice %arg10[%dma_start3A_1704, %dma_start3A_1705] : memref<2x64x!tpu.dma_semaphore, #tpu.memory_space<semaphore_mem>> -> memref<1x1x!tpu.dma_semaphore, #tpu.memory_space<semaphore_mem>>
      %dma_start3A_1707 = tpu.memref_squeeze %dma_start3A_1706 : memref<1x1x!tpu.dma_semaphore, #tpu.memory_space<semaphore_mem>> -> memref<!tpu.dma_semaphore, #tpu.memory_space<semaphore_mem>>
      %dma_start3A_1708 = arith.constant 0 : i32
      %dma_start3A_1709 = arith.constant 0 : i32
      %dma_start3A_1710 = tpu.memref_slice %arg9[%dma_start3A_1702, %dma_start3A_1703, %dma_start3A_1708, %dma_start3A_1709] : memref<2x64x4x512xf32, #tpu.memory_space<vmem>> -> memref<1x1x4x512xf32, #tpu.memory_space<vmem>>
      %dma_start3A_1711 = tpu.memref_squeeze %dma_start3A_1710 : memref<1x1x4x512xf32, #tpu.memory_space<vmem>> -> memref<4x512xf32, #tpu.memory_space<vmem>>
      %dma_start3A_1712 = arith.constant 0 : i32
      %dma_start3A_1713 = arith.constant 0 : i32
      %dma_start3A_1714 = tpu.memref_slice %arg7[%get3A_1701, %dma_start3A_1712, %dma_start3A_1713] : memref<100000x4x512xf32, #tpu.memory_space<any>> -> memref<1x4x512xf32, #tpu.memory_space<any>>
      %dma_start3A_1715 = tpu.memref_squeeze %dma_start3A_1714 : memref<1x4x512xf32, #tpu.memory_space<any>> -> memref<4x512xf32, #tpu.memory_space<any>>
      tpu.enqueue_dma source(%dma_start3A_1715 : memref<4x512xf32, #tpu.memory_space<any>>) target(%dma_start3A_1711 : memref<4x512xf32, #tpu.memory_space<vmem>>) target_semaphore(%dma_start3A_1707 : memref<!tpu.dma_semaphore, #tpu.memory_space<semaphore_mem>>)
      %get3A_1716 = arith.constant 51 : index
      %get3A_1717 = memref.load %arg1[%get3A_1716] : memref<1024xi32, #tpu.memory_space<smem>>
      %dma_start3A_1718 = arith.constant 0 : i32
      %dma_start3A_1719 = arith.constant 51 : i32
      %dma_start3A_1720 = arith.constant 0 : i32
      %dma_start3A_1721 = arith.constant 51 : i32
      %dma_start3A_1722 = tpu.memref_slice %arg10[%dma_start3A_1720, %dma_start3A_1721] : memref<2x64x!tpu.dma_semaphore, #tpu.memory_space<semaphore_mem>> -> memref<1x1x!tpu.dma_semaphore, #tpu.memory_space<semaphore_mem>>
      %dma_start3A_1723 = tpu.memref_squeeze %dma_start3A_1722 : memref<1x1x!tpu.dma_semaphore, #tpu.memory_space<semaphore_mem>> -> memref<!tpu.dma_semaphore, #tpu.memory_space<semaphore_mem>>
      %dma_start3A_1724 = arith.constant 0 : i32
      %dma_start3A_1725 = arith.constant 0 : i32
      %dma_start3A_1726 = tpu.memref_slice %arg9[%dma_start3A_1718, %dma_start3A_1719, %dma_start3A_1724, %dma_start3A_1725] : memref<2x64x4x512xf32, #tpu.memory_space<vmem>> -> memref<1x1x4x512xf32, #tpu.memory_space<vmem>>
      %dma_start3A_1727 = tpu.memref_squeeze %dma_start3A_1726 : memref<1x1x4x512xf32, #tpu.memory_space<vmem>> -> memref<4x512xf32, #tpu.memory_space<vmem>>
      %dma_start3A_1728 = arith.constant 0 : i32
      %dma_start3A_1729 = arith.constant 0 : i32
      %dma_start3A_1730 = tpu.memref_slice %arg7[%get3A_1717, %dma_start3A_1728, %dma_start3A_1729] : memref<100000x4x512xf32, #tpu.memory_space<any>> -> memref<1x4x512xf32, #tpu.memory_space<any>>
      %dma_start3A_1731 = tpu.memref_squeeze %dma_start3A_1730 : memref<1x4x512xf32, #tpu.memory_space<any>> -> memref<4x512xf32, #tpu.memory_space<any>>
      tpu.enqueue_dma source(%dma_start3A_1731 : memref<4x512xf32, #tpu.memory_space<any>>) target(%dma_start3A_1727 : memref<4x512xf32, #tpu.memory_space<vmem>>) target_semaphore(%dma_start3A_1723 : memref<!tpu.dma_semaphore, #tpu.memory_space<semaphore_mem>>)
      %get3A_1732 = arith.constant 52 : index
      %get3A_1733 = memref.load %arg1[%get3A_1732] : memref<1024xi32, #tpu.memory_space<smem>>
      %dma_start3A_1734 = arith.constant 0 : i32
      %dma_start3A_1735 = arith.constant 52 : i32
      %dma_start3A_1736 = arith.constant 0 : i32
      %dma_start3A_1737 = arith.constant 52 : i32
      %dma_start3A_1738 = tpu.memref_slice %arg10[%dma_start3A_1736, %dma_start3A_1737] : memref<2x64x!tpu.dma_semaphore, #tpu.memory_space<semaphore_mem>> -> memref<1x1x!tpu.dma_semaphore, #tpu.memory_space<semaphore_mem>>
      %dma_start3A_1739 = tpu.memref_squeeze %dma_start3A_1738 : memref<1x1x!tpu.dma_semaphore, #tpu.memory_space<semaphore_mem>> -> memref<!tpu.dma_semaphore, #tpu.memory_space<semaphore_mem>>
      %dma_start3A_1740 = arith.constant 0 : i32
      %dma_start3A_1741 = arith.constant 0 : i32
      %dma_start3A_1742 = tpu.memref_slice %arg9[%dma_start3A_1734, %dma_start3A_1735, %dma_start3A_1740, %dma_start3A_1741] : memref<2x64x4x512xf32, #tpu.memory_space<vmem>> -> memref<1x1x4x512xf32, #tpu.memory_space<vmem>>
      %dma_start3A_1743 = tpu.memref_squeeze %dma_start3A_1742 : memref<1x1x4x512xf32, #tpu.memory_space<vmem>> -> memref<4x512xf32, #tpu.memory_space<vmem>>
      %dma_start3A_1744 = arith.constant 0 : i32
      %dma_start3A_1745 = arith.constant 0 : i32
      %dma_start3A_1746 = tpu.memref_slice %arg7[%get3A_1733, %dma_start3A_1744, %dma_start3A_1745] : memref<100000x4x512xf32, #tpu.memory_space<any>> -> memref<1x4x512xf32, #tpu.memory_space<any>>
      %dma_start3A_1747 = tpu.memref_squeeze %dma_start3A_1746 : memref<1x4x512xf32, #tpu.memory_space<any>> -> memref<4x512xf32, #tpu.memory_space<any>>
      tpu.enqueue_dma source(%dma_start3A_1747 : memref<4x512xf32, #tpu.memory_space<any>>) target(%dma_start3A_1743 : memref<4x512xf32, #tpu.memory_space<vmem>>) target_semaphore(%dma_start3A_1739 : memref<!tpu.dma_semaphore, #tpu.memory_space<semaphore_mem>>)
      %get3A_1748 = arith.constant 53 : index
      %get3A_1749 = memref.load %arg1[%get3A_1748] : memref<1024xi32, #tpu.memory_space<smem>>
      %dma_start3A_1750 = arith.constant 0 : i32
      %dma_start3A_1751 = arith.constant 53 : i32
      %dma_start3A_1752 = arith.constant 0 : i32
      %dma_start3A_1753 = arith.constant 53 : i32
      %dma_start3A_1754 = tpu.memref_slice %arg10[%dma_start3A_1752, %dma_start3A_1753] : memref<2x64x!tpu.dma_semaphore, #tpu.memory_space<semaphore_mem>> -> memref<1x1x!tpu.dma_semaphore, #tpu.memory_space<semaphore_mem>>
      %dma_start3A_1755 = tpu.memref_squeeze %dma_start3A_1754 : memref<1x1x!tpu.dma_semaphore, #tpu.memory_space<semaphore_mem>> -> memref<!tpu.dma_semaphore, #tpu.memory_space<semaphore_mem>>
      %dma_start3A_1756 = arith.constant 0 : i32
      %dma_start3A_1757 = arith.constant 0 : i32
      %dma_start3A_1758 = tpu.memref_slice %arg9[%dma_start3A_1750, %dma_start3A_1751, %dma_start3A_1756, %dma_start3A_1757] : memref<2x64x4x512xf32, #tpu.memory_space<vmem>> -> memref<1x1x4x512xf32, #tpu.memory_space<vmem>>
      %dma_start3A_1759 = tpu.memref_squeeze %dma_start3A_1758 : memref<1x1x4x512xf32, #tpu.memory_space<vmem>> -> memref<4x512xf32, #tpu.memory_space<vmem>>
      %dma_start3A_1760 = arith.constant 0 : i32
      %dma_start3A_1761 = arith.constant 0 : i32
      %dma_start3A_1762 = tpu.memref_slice %arg7[%get3A_1749, %dma_start3A_1760, %dma_start3A_1761] : memref<100000x4x512xf32, #tpu.memory_space<any>> -> memref<1x4x512xf32, #tpu.memory_space<any>>
      %dma_start3A_1763 = tpu.memref_squeeze %dma_start3A_1762 : memref<1x4x512xf32, #tpu.memory_space<any>> -> memref<4x512xf32, #tpu.memory_space<any>>
      tpu.enqueue_dma source(%dma_start3A_1763 : memref<4x512xf32, #tpu.memory_space<any>>) target(%dma_start3A_1759 : memref<4x512xf32, #tpu.memory_space<vmem>>) target_semaphore(%dma_start3A_1755 : memref<!tpu.dma_semaphore, #tpu.memory_space<semaphore_mem>>)
      %get3A_1764 = arith.constant 54 : index
      %get3A_1765 = memref.load %arg1[%get3A_1764] : memref<1024xi32, #tpu.memory_space<smem>>
      %dma_start3A_1766 = arith.constant 0 : i32
      %dma_start3A_1767 = arith.constant 54 : i32
      %dma_start3A_1768 = arith.constant 0 : i32
      %dma_start3A_1769 = arith.constant 54 : i32
      %dma_start3A_1770 = tpu.memref_slice %arg10[%dma_start3A_1768, %dma_start3A_1769] : memref<2x64x!tpu.dma_semaphore, #tpu.memory_space<semaphore_mem>> -> memref<1x1x!tpu.dma_semaphore, #tpu.memory_space<semaphore_mem>>
      %dma_start3A_1771 = tpu.memref_squeeze %dma_start3A_1770 : memref<1x1x!tpu.dma_semaphore, #tpu.memory_space<semaphore_mem>> -> memref<!tpu.dma_semaphore, #tpu.memory_space<semaphore_mem>>
      %dma_start3A_1772 = arith.constant 0 : i32
      %dma_start3A_1773 = arith.constant 0 : i32
      %dma_start3A_1774 = tpu.memref_slice %arg9[%dma_start3A_1766, %dma_start3A_1767, %dma_start3A_1772, %dma_start3A_1773] : memref<2x64x4x512xf32, #tpu.memory_space<vmem>> -> memref<1x1x4x512xf32, #tpu.memory_space<vmem>>
      %dma_start3A_1775 = tpu.memref_squeeze %dma_start3A_1774 : memref<1x1x4x512xf32, #tpu.memory_space<vmem>> -> memref<4x512xf32, #tpu.memory_space<vmem>>
      %dma_start3A_1776 = arith.constant 0 : i32
      %dma_start3A_1777 = arith.constant 0 : i32
      %dma_start3A_1778 = tpu.memref_slice %arg7[%get3A_1765, %dma_start3A_1776, %dma_start3A_1777] : memref<100000x4x512xf32, #tpu.memory_space<any>> -> memref<1x4x512xf32, #tpu.memory_space<any>>
      %dma_start3A_1779 = tpu.memref_squeeze %dma_start3A_1778 : memref<1x4x512xf32, #tpu.memory_space<any>> -> memref<4x512xf32, #tpu.memory_space<any>>
      tpu.enqueue_dma source(%dma_start3A_1779 : memref<4x512xf32, #tpu.memory_space<any>>) target(%dma_start3A_1775 : memref<4x512xf32, #tpu.memory_space<vmem>>) target_semaphore(%dma_start3A_1771 : memref<!tpu.dma_semaphore, #tpu.memory_space<semaphore_mem>>)
      %get3A_1780 = arith.constant 55 : index
      %get3A_1781 = memref.load %arg1[%get3A_1780] : memref<1024xi32, #tpu.memory_space<smem>>
      %dma_start3A_1782 = arith.constant 0 : i32
      %dma_start3A_1783 = arith.constant 55 : i32
      %dma_start3A_1784 = arith.constant 0 : i32
      %dma_start3A_1785 = arith.constant 55 : i32
      %dma_start3A_1786 = tpu.memref_slice %arg10[%dma_start3A_1784, %dma_start3A_1785] : memref<2x64x!tpu.dma_semaphore, #tpu.memory_space<semaphore_mem>> -> memref<1x1x!tpu.dma_semaphore, #tpu.memory_space<semaphore_mem>>
      %dma_start3A_1787 = tpu.memref_squeeze %dma_start3A_1786 : memref<1x1x!tpu.dma_semaphore, #tpu.memory_space<semaphore_mem>> -> memref<!tpu.dma_semaphore, #tpu.memory_space<semaphore_mem>>
      %dma_start3A_1788 = arith.constant 0 : i32
      %dma_start3A_1789 = arith.constant 0 : i32
      %dma_start3A_1790 = tpu.memref_slice %arg9[%dma_start3A_1782, %dma_start3A_1783, %dma_start3A_1788, %dma_start3A_1789] : memref<2x64x4x512xf32, #tpu.memory_space<vmem>> -> memref<1x1x4x512xf32, #tpu.memory_space<vmem>>
      %dma_start3A_1791 = tpu.memref_squeeze %dma_start3A_1790 : memref<1x1x4x512xf32, #tpu.memory_space<vmem>> -> memref<4x512xf32, #tpu.memory_space<vmem>>
      %dma_start3A_1792 = arith.constant 0 : i32
      %dma_start3A_1793 = arith.constant 0 : i32
      %dma_start3A_1794 = tpu.memref_slice %arg7[%get3A_1781, %dma_start3A_1792, %dma_start3A_1793] : memref<100000x4x512xf32, #tpu.memory_space<any>> -> memref<1x4x512xf32, #tpu.memory_space<any>>
      %dma_start3A_1795 = tpu.memref_squeeze %dma_start3A_1794 : memref<1x4x512xf32, #tpu.memory_space<any>> -> memref<4x512xf32, #tpu.memory_space<any>>
      tpu.enqueue_dma source(%dma_start3A_1795 : memref<4x512xf32, #tpu.memory_space<any>>) target(%dma_start3A_1791 : memref<4x512xf32, #tpu.memory_space<vmem>>) target_semaphore(%dma_start3A_1787 : memref<!tpu.dma_semaphore, #tpu.memory_space<semaphore_mem>>)
      %get3A_1796 = arith.constant 56 : index
      %get3A_1797 = memref.load %arg1[%get3A_1796] : memref<1024xi32, #tpu.memory_space<smem>>
      %dma_start3A_1798 = arith.constant 0 : i32
      %dma_start3A_1799 = arith.constant 56 : i32
      %dma_start3A_1800 = arith.constant 0 : i32
      %dma_start3A_1801 = arith.constant 56 : i32
      %dma_start3A_1802 = tpu.memref_slice %arg10[%dma_start3A_1800, %dma_start3A_1801] : memref<2x64x!tpu.dma_semaphore, #tpu.memory_space<semaphore_mem>> -> memref<1x1x!tpu.dma_semaphore, #tpu.memory_space<semaphore_mem>>
      %dma_start3A_1803 = tpu.memref_squeeze %dma_start3A_1802 : memref<1x1x!tpu.dma_semaphore, #tpu.memory_space<semaphore_mem>> -> memref<!tpu.dma_semaphore, #tpu.memory_space<semaphore_mem>>
      %dma_start3A_1804 = arith.constant 0 : i32
      %dma_start3A_1805 = arith.constant 0 : i32
      %dma_start3A_1806 = tpu.memref_slice %arg9[%dma_start3A_1798, %dma_start3A_1799, %dma_start3A_1804, %dma_start3A_1805] : memref<2x64x4x512xf32, #tpu.memory_space<vmem>> -> memref<1x1x4x512xf32, #tpu.memory_space<vmem>>
      %dma_start3A_1807 = tpu.memref_squeeze %dma_start3A_1806 : memref<1x1x4x512xf32, #tpu.memory_space<vmem>> -> memref<4x512xf32, #tpu.memory_space<vmem>>
      %dma_start3A_1808 = arith.constant 0 : i32
      %dma_start3A_1809 = arith.constant 0 : i32
      %dma_start3A_1810 = tpu.memref_slice %arg7[%get3A_1797, %dma_start3A_1808, %dma_start3A_1809] : memref<100000x4x512xf32, #tpu.memory_space<any>> -> memref<1x4x512xf32, #tpu.memory_space<any>>
      %dma_start3A_1811 = tpu.memref_squeeze %dma_start3A_1810 : memref<1x4x512xf32, #tpu.memory_space<any>> -> memref<4x512xf32, #tpu.memory_space<any>>
      tpu.enqueue_dma source(%dma_start3A_1811 : memref<4x512xf32, #tpu.memory_space<any>>) target(%dma_start3A_1807 : memref<4x512xf32, #tpu.memory_space<vmem>>) target_semaphore(%dma_start3A_1803 : memref<!tpu.dma_semaphore, #tpu.memory_space<semaphore_mem>>)
      %get3A_1812 = arith.constant 57 : index
      %get3A_1813 = memref.load %arg1[%get3A_1812] : memref<1024xi32, #tpu.memory_space<smem>>
      %dma_start3A_1814 = arith.constant 0 : i32
      %dma_start3A_1815 = arith.constant 57 : i32
      %dma_start3A_1816 = arith.constant 0 : i32
      %dma_start3A_1817 = arith.constant 57 : i32
      %dma_start3A_1818 = tpu.memref_slice %arg10[%dma_start3A_1816, %dma_start3A_1817] : memref<2x64x!tpu.dma_semaphore, #tpu.memory_space<semaphore_mem>> -> memref<1x1x!tpu.dma_semaphore, #tpu.memory_space<semaphore_mem>>
      %dma_start3A_1819 = tpu.memref_squeeze %dma_start3A_1818 : memref<1x1x!tpu.dma_semaphore, #tpu.memory_space<semaphore_mem>> -> memref<!tpu.dma_semaphore, #tpu.memory_space<semaphore_mem>>
      %dma_start3A_1820 = arith.constant 0 : i32
      %dma_start3A_1821 = arith.constant 0 : i32
      %dma_start3A_1822 = tpu.memref_slice %arg9[%dma_start3A_1814, %dma_start3A_1815, %dma_start3A_1820, %dma_start3A_1821] : memref<2x64x4x512xf32, #tpu.memory_space<vmem>> -> memref<1x1x4x512xf32, #tpu.memory_space<vmem>>
      %dma_start3A_1823 = tpu.memref_squeeze %dma_start3A_1822 : memref<1x1x4x512xf32, #tpu.memory_space<vmem>> -> memref<4x512xf32, #tpu.memory_space<vmem>>
      %dma_start3A_1824 = arith.constant 0 : i32
      %dma_start3A_1825 = arith.constant 0 : i32
      %dma_start3A_1826 = tpu.memref_slice %arg7[%get3A_1813, %dma_start3A_1824, %dma_start3A_1825] : memref<100000x4x512xf32, #tpu.memory_space<any>> -> memref<1x4x512xf32, #tpu.memory_space<any>>
      %dma_start3A_1827 = tpu.memref_squeeze %dma_start3A_1826 : memref<1x4x512xf32, #tpu.memory_space<any>> -> memref<4x512xf32, #tpu.memory_space<any>>
      tpu.enqueue_dma source(%dma_start3A_1827 : memref<4x512xf32, #tpu.memory_space<any>>) target(%dma_start3A_1823 : memref<4x512xf32, #tpu.memory_space<vmem>>) target_semaphore(%dma_start3A_1819 : memref<!tpu.dma_semaphore, #tpu.memory_space<semaphore_mem>>)
      %get3A_1828 = arith.constant 58 : index
      %get3A_1829 = memref.load %arg1[%get3A_1828] : memref<1024xi32, #tpu.memory_space<smem>>
      %dma_start3A_1830 = arith.constant 0 : i32
      %dma_start3A_1831 = arith.constant 58 : i32
      %dma_start3A_1832 = arith.constant 0 : i32
      %dma_start3A_1833 = arith.constant 58 : i32
      %dma_start3A_1834 = tpu.memref_slice %arg10[%dma_start3A_1832, %dma_start3A_1833] : memref<2x64x!tpu.dma_semaphore, #tpu.memory_space<semaphore_mem>> -> memref<1x1x!tpu.dma_semaphore, #tpu.memory_space<semaphore_mem>>
      %dma_start3A_1835 = tpu.memref_squeeze %dma_start3A_1834 : memref<1x1x!tpu.dma_semaphore, #tpu.memory_space<semaphore_mem>> -> memref<!tpu.dma_semaphore, #tpu.memory_space<semaphore_mem>>
      %dma_start3A_1836 = arith.constant 0 : i32
      %dma_start3A_1837 = arith.constant 0 : i32
      %dma_start3A_1838 = tpu.memref_slice %arg9[%dma_start3A_1830, %dma_start3A_1831, %dma_start3A_1836, %dma_start3A_1837] : memref<2x64x4x512xf32, #tpu.memory_space<vmem>> -> memref<1x1x4x512xf32, #tpu.memory_space<vmem>>
      %dma_start3A_1839 = tpu.memref_squeeze %dma_start3A_1838 : memref<1x1x4x512xf32, #tpu.memory_space<vmem>> -> memref<4x512xf32, #tpu.memory_space<vmem>>
      %dma_start3A_1840 = arith.constant 0 : i32
      %dma_start3A_1841 = arith.constant 0 : i32
      %dma_start3A_1842 = tpu.memref_slice %arg7[%get3A_1829, %dma_start3A_1840, %dma_start3A_1841] : memref<100000x4x512xf32, #tpu.memory_space<any>> -> memref<1x4x512xf32, #tpu.memory_space<any>>
      %dma_start3A_1843 = tpu.memref_squeeze %dma_start3A_1842 : memref<1x4x512xf32, #tpu.memory_space<any>> -> memref<4x512xf32, #tpu.memory_space<any>>
      tpu.enqueue_dma source(%dma_start3A_1843 : memref<4x512xf32, #tpu.memory_space<any>>) target(%dma_start3A_1839 : memref<4x512xf32, #tpu.memory_space<vmem>>) target_semaphore(%dma_start3A_1835 : memref<!tpu.dma_semaphore, #tpu.memory_space<semaphore_mem>>)
      %get3A_1844 = arith.constant 59 : index
      %get3A_1845 = memref.load %arg1[%get3A_1844] : memref<1024xi32, #tpu.memory_space<smem>>
      %dma_start3A_1846 = arith.constant 0 : i32
      %dma_start3A_1847 = arith.constant 59 : i32
      %dma_start3A_1848 = arith.constant 0 : i32
      %dma_start3A_1849 = arith.constant 59 : i32
      %dma_start3A_1850 = tpu.memref_slice %arg10[%dma_start3A_1848, %dma_start3A_1849] : memref<2x64x!tpu.dma_semaphore, #tpu.memory_space<semaphore_mem>> -> memref<1x1x!tpu.dma_semaphore, #tpu.memory_space<semaphore_mem>>
      %dma_start3A_1851 = tpu.memref_squeeze %dma_start3A_1850 : memref<1x1x!tpu.dma_semaphore, #tpu.memory_space<semaphore_mem>> -> memref<!tpu.dma_semaphore, #tpu.memory_space<semaphore_mem>>
      %dma_start3A_1852 = arith.constant 0 : i32
      %dma_start3A_1853 = arith.constant 0 : i32
      %dma_start3A_1854 = tpu.memref_slice %arg9[%dma_start3A_1846, %dma_start3A_1847, %dma_start3A_1852, %dma_start3A_1853] : memref<2x64x4x512xf32, #tpu.memory_space<vmem>> -> memref<1x1x4x512xf32, #tpu.memory_space<vmem>>
      %dma_start3A_1855 = tpu.memref_squeeze %dma_start3A_1854 : memref<1x1x4x512xf32, #tpu.memory_space<vmem>> -> memref<4x512xf32, #tpu.memory_space<vmem>>
      %dma_start3A_1856 = arith.constant 0 : i32
      %dma_start3A_1857 = arith.constant 0 : i32
      %dma_start3A_1858 = tpu.memref_slice %arg7[%get3A_1845, %dma_start3A_1856, %dma_start3A_1857] : memref<100000x4x512xf32, #tpu.memory_space<any>> -> memref<1x4x512xf32, #tpu.memory_space<any>>
      %dma_start3A_1859 = tpu.memref_squeeze %dma_start3A_1858 : memref<1x4x512xf32, #tpu.memory_space<any>> -> memref<4x512xf32, #tpu.memory_space<any>>
      tpu.enqueue_dma source(%dma_start3A_1859 : memref<4x512xf32, #tpu.memory_space<any>>) target(%dma_start3A_1855 : memref<4x512xf32, #tpu.memory_space<vmem>>) target_semaphore(%dma_start3A_1851 : memref<!tpu.dma_semaphore, #tpu.memory_space<semaphore_mem>>)
      %get3A_1860 = arith.constant 60 : index
      %get3A_1861 = memref.load %arg1[%get3A_1860] : memref<1024xi32, #tpu.memory_space<smem>>
      %dma_start3A_1862 = arith.constant 0 : i32
      %dma_start3A_1863 = arith.constant 60 : i32
      %dma_start3A_1864 = arith.constant 0 : i32
      %dma_start3A_1865 = arith.constant 60 : i32
      %dma_start3A_1866 = tpu.memref_slice %arg10[%dma_start3A_1864, %dma_start3A_1865] : memref<2x64x!tpu.dma_semaphore, #tpu.memory_space<semaphore_mem>> -> memref<1x1x!tpu.dma_semaphore, #tpu.memory_space<semaphore_mem>>
      %dma_start3A_1867 = tpu.memref_squeeze %dma_start3A_1866 : memref<1x1x!tpu.dma_semaphore, #tpu.memory_space<semaphore_mem>> -> memref<!tpu.dma_semaphore, #tpu.memory_space<semaphore_mem>>
      %dma_start3A_1868 = arith.constant 0 : i32
      %dma_start3A_1869 = arith.constant 0 : i32
      %dma_start3A_1870 = tpu.memref_slice %arg9[%dma_start3A_1862, %dma_start3A_1863, %dma_start3A_1868, %dma_start3A_1869] : memref<2x64x4x512xf32, #tpu.memory_space<vmem>> -> memref<1x1x4x512xf32, #tpu.memory_space<vmem>>
      %dma_start3A_1871 = tpu.memref_squeeze %dma_start3A_1870 : memref<1x1x4x512xf32, #tpu.memory_space<vmem>> -> memref<4x512xf32, #tpu.memory_space<vmem>>
      %dma_start3A_1872 = arith.constant 0 : i32
      %dma_start3A_1873 = arith.constant 0 : i32
      %dma_start3A_1874 = tpu.memref_slice %arg7[%get3A_1861, %dma_start3A_1872, %dma_start3A_1873] : memref<100000x4x512xf32, #tpu.memory_space<any>> -> memref<1x4x512xf32, #tpu.memory_space<any>>
      %dma_start3A_1875 = tpu.memref_squeeze %dma_start3A_1874 : memref<1x4x512xf32, #tpu.memory_space<any>> -> memref<4x512xf32, #tpu.memory_space<any>>
      tpu.enqueue_dma source(%dma_start3A_1875 : memref<4x512xf32, #tpu.memory_space<any>>) target(%dma_start3A_1871 : memref<4x512xf32, #tpu.memory_space<vmem>>) target_semaphore(%dma_start3A_1867 : memref<!tpu.dma_semaphore, #tpu.memory_space<semaphore_mem>>)
      %get3A_1876 = arith.constant 61 : index
      %get3A_1877 = memref.load %arg1[%get3A_1876] : memref<1024xi32, #tpu.memory_space<smem>>
      %dma_start3A_1878 = arith.constant 0 : i32
      %dma_start3A_1879 = arith.constant 61 : i32
      %dma_start3A_1880 = arith.constant 0 : i32
      %dma_start3A_1881 = arith.constant 61 : i32
      %dma_start3A_1882 = tpu.memref_slice %arg10[%dma_start3A_1880, %dma_start3A_1881] : memref<2x64x!tpu.dma_semaphore, #tpu.memory_space<semaphore_mem>> -> memref<1x1x!tpu.dma_semaphore, #tpu.memory_space<semaphore_mem>>
      %dma_start3A_1883 = tpu.memref_squeeze %dma_start3A_1882 : memref<1x1x!tpu.dma_semaphore, #tpu.memory_space<semaphore_mem>> -> memref<!tpu.dma_semaphore, #tpu.memory_space<semaphore_mem>>
      %dma_start3A_1884 = arith.constant 0 : i32
      %dma_start3A_1885 = arith.constant 0 : i32
      %dma_start3A_1886 = tpu.memref_slice %arg9[%dma_start3A_1878, %dma_start3A_1879, %dma_start3A_1884, %dma_start3A_1885] : memref<2x64x4x512xf32, #tpu.memory_space<vmem>> -> memref<1x1x4x512xf32, #tpu.memory_space<vmem>>
      %dma_start3A_1887 = tpu.memref_squeeze %dma_start3A_1886 : memref<1x1x4x512xf32, #tpu.memory_space<vmem>> -> memref<4x512xf32, #tpu.memory_space<vmem>>
      %dma_start3A_1888 = arith.constant 0 : i32
      %dma_start3A_1889 = arith.constant 0 : i32
      %dma_start3A_1890 = tpu.memref_slice %arg7[%get3A_1877, %dma_start3A_1888, %dma_start3A_1889] : memref<100000x4x512xf32, #tpu.memory_space<any>> -> memref<1x4x512xf32, #tpu.memory_space<any>>
      %dma_start3A_1891 = tpu.memref_squeeze %dma_start3A_1890 : memref<1x4x512xf32, #tpu.memory_space<any>> -> memref<4x512xf32, #tpu.memory_space<any>>
      tpu.enqueue_dma source(%dma_start3A_1891 : memref<4x512xf32, #tpu.memory_space<any>>) target(%dma_start3A_1887 : memref<4x512xf32, #tpu.memory_space<vmem>>) target_semaphore(%dma_start3A_1883 : memref<!tpu.dma_semaphore, #tpu.memory_space<semaphore_mem>>)
      %get3A_1892 = arith.constant 62 : index
      %get3A_1893 = memref.load %arg1[%get3A_1892] : memref<1024xi32, #tpu.memory_space<smem>>
      %dma_start3A_1894 = arith.constant 0 : i32
      %dma_start3A_1895 = arith.constant 62 : i32
      %dma_start3A_1896 = arith.constant 0 : i32
      %dma_start3A_1897 = arith.constant 62 : i32
      %dma_start3A_1898 = tpu.memref_slice %arg10[%dma_start3A_1896, %dma_start3A_1897] : memref<2x64x!tpu.dma_semaphore, #tpu.memory_space<semaphore_mem>> -> memref<1x1x!tpu.dma_semaphore, #tpu.memory_space<semaphore_mem>>
      %dma_start3A_1899 = tpu.memref_squeeze %dma_start3A_1898 : memref<1x1x!tpu.dma_semaphore, #tpu.memory_space<semaphore_mem>> -> memref<!tpu.dma_semaphore, #tpu.memory_space<semaphore_mem>>
      %dma_start3A_1900 = arith.constant 0 : i32
      %dma_start3A_1901 = arith.constant 0 : i32
      %dma_start3A_1902 = tpu.memref_slice %arg9[%dma_start3A_1894, %dma_start3A_1895, %dma_start3A_1900, %dma_start3A_1901] : memref<2x64x4x512xf32, #tpu.memory_space<vmem>> -> memref<1x1x4x512xf32, #tpu.memory_space<vmem>>
      %dma_start3A_1903 = tpu.memref_squeeze %dma_start3A_1902 : memref<1x1x4x512xf32, #tpu.memory_space<vmem>> -> memref<4x512xf32, #tpu.memory_space<vmem>>
      %dma_start3A_1904 = arith.constant 0 : i32
      %dma_start3A_1905 = arith.constant 0 : i32
      %dma_start3A_1906 = tpu.memref_slice %arg7[%get3A_1893, %dma_start3A_1904, %dma_start3A_1905] : memref<100000x4x512xf32, #tpu.memory_space<any>> -> memref<1x4x512xf32, #tpu.memory_space<any>>
      %dma_start3A_1907 = tpu.memref_squeeze %dma_start3A_1906 : memref<1x4x512xf32, #tpu.memory_space<any>> -> memref<4x512xf32, #tpu.memory_space<any>>
      tpu.enqueue_dma source(%dma_start3A_1907 : memref<4x512xf32, #tpu.memory_space<any>>) target(%dma_start3A_1903 : memref<4x512xf32, #tpu.memory_space<vmem>>) target_semaphore(%dma_start3A_1899 : memref<!tpu.dma_semaphore, #tpu.memory_space<semaphore_mem>>)
      %get3A_1908 = arith.constant 63 : index
      %get3A_1909 = memref.load %arg1[%get3A_1908] : memref<1024xi32, #tpu.memory_space<smem>>
      %dma_start3A_1910 = arith.constant 0 : i32
      %dma_start3A_1911 = arith.constant 63 : i32
      %dma_start3A_1912 = arith.constant 0 : i32
      %dma_start3A_1913 = arith.constant 63 : i32
      %dma_start3A_1914 = tpu.memref_slice %arg10[%dma_start3A_1912, %dma_start3A_1913] : memref<2x64x!tpu.dma_semaphore, #tpu.memory_space<semaphore_mem>> -> memref<1x1x!tpu.dma_semaphore, #tpu.memory_space<semaphore_mem>>
      %dma_start3A_1915 = tpu.memref_squeeze %dma_start3A_1914 : memref<1x1x!tpu.dma_semaphore, #tpu.memory_space<semaphore_mem>> -> memref<!tpu.dma_semaphore, #tpu.memory_space<semaphore_mem>>
      %dma_start3A_1916 = arith.constant 0 : i32
      %dma_start3A_1917 = arith.constant 0 : i32
      %dma_start3A_1918 = tpu.memref_slice %arg9[%dma_start3A_1910, %dma_start3A_1911, %dma_start3A_1916, %dma_start3A_1917] : memref<2x64x4x512xf32, #tpu.memory_space<vmem>> -> memref<1x1x4x512xf32, #tpu.memory_space<vmem>>
      %dma_start3A_1919 = tpu.memref_squeeze %dma_start3A_1918 : memref<1x1x4x512xf32, #tpu.memory_space<vmem>> -> memref<4x512xf32, #tpu.memory_space<vmem>>
      %dma_start3A_1920 = arith.constant 0 : i32
      %dma_start3A_1921 = arith.constant 0 : i32
      %dma_start3A_1922 = tpu.memref_slice %arg7[%get3A_1909, %dma_start3A_1920, %dma_start3A_1921] : memref<100000x4x512xf32, #tpu.memory_space<any>> -> memref<1x4x512xf32, #tpu.memory_space<any>>
      %dma_start3A_1923 = tpu.memref_squeeze %dma_start3A_1922 : memref<1x4x512xf32, #tpu.memory_space<any>> -> memref<4x512xf32, #tpu.memory_space<any>>
      tpu.enqueue_dma source(%dma_start3A_1923 : memref<4x512xf32, #tpu.memory_space<any>>) target(%dma_start3A_1919 : memref<4x512xf32, #tpu.memory_space<vmem>>) target_semaphore(%dma_start3A_1915 : memref<!tpu.dma_semaphore, #tpu.memory_space<semaphore_mem>>)
    } else {
    }
    %add3A = arith.constant 1 : i32
    %add3A_3 = arith.addi %arg0, %add3A : i32
    %lt3A = arith.constant 16 : i32
    %lt3A_4 = arith.cmpi slt, %add3A_3, %lt3A : i32
    %convert_element_type3A_5 = arith.extui %lt3A_4 : i1 to i32
    %cond3A_6 = arith.constant 0 : i32
    %cond3A_7 = arith.cmpi ne, %convert_element_type3A_5, %cond3A_6 : i32
    scf.if %cond3A_7 {
      %sub3A = arith.constant 1 : i32
      %sub3A_901 = arith.subi %sub3A, %rem3A_0 : i32
      %add3A_902 = arith.constant 1 : i32
      %add3A_903 = arith.addi %arg0, %add3A_902 : i32
      %mul3A = arith.constant 64 : i32
      %mul3A_904 = arith.muli %add3A_903, %mul3A : i32
      %add3A_905 = arith.constant 0 : i32
      %add3A_906 = arith.addi %mul3A_904, %add3A_905 : i32
      %get3A_907 = arith.index_cast %add3A_906 : i32 to index
      %get3A_908 = memref.load %arg1[%get3A_907] : memref<1024xi32, #tpu.memory_space<smem>>
      %dma_start3A = arith.constant 0 : i32
      %dma_start3A_909 = arith.constant 0 : i32
      %dma_start3A_910 = tpu.memref_slice %arg10[%sub3A_901, %dma_start3A_909] : memref<2x64x!tpu.dma_semaphore, #tpu.memory_space<semaphore_mem>> -> memref<1x1x!tpu.dma_semaphore, #tpu.memory_space<semaphore_mem>>
      %dma_start3A_911 = tpu.memref_squeeze %dma_start3A_910 : memref<1x1x!tpu.dma_semaphore, #tpu.memory_space<semaphore_mem>> -> memref<!tpu.dma_semaphore, #tpu.memory_space<semaphore_mem>>
      %dma_start3A_912 = arith.constant 0 : i32
      %dma_start3A_913 = arith.constant 0 : i32
      %dma_start3A_914 = tpu.memref_slice %arg9[%sub3A_901, %dma_start3A, %dma_start3A_912, %dma_start3A_913] : memref<2x64x4x512xf32, #tpu.memory_space<vmem>> -> memref<1x1x4x512xf32, #tpu.memory_space<vmem>>
      %dma_start3A_915 = tpu.memref_squeeze %dma_start3A_914 : memref<1x1x4x512xf32, #tpu.memory_space<vmem>> -> memref<4x512xf32, #tpu.memory_space<vmem>>
      %dma_start3A_916 = arith.constant 0 : i32
      %dma_start3A_917 = arith.constant 0 : i32
      %dma_start3A_918 = tpu.memref_slice %arg7[%get3A_908, %dma_start3A_916, %dma_start3A_917] : memref<100000x4x512xf32, #tpu.memory_space<any>> -> memref<1x4x512xf32, #tpu.memory_space<any>>
      %dma_start3A_919 = tpu.memref_squeeze %dma_start3A_918 : memref<1x4x512xf32, #tpu.memory_space<any>> -> memref<4x512xf32, #tpu.memory_space<any>>
      tpu.enqueue_dma source(%dma_start3A_919 : memref<4x512xf32, #tpu.memory_space<any>>) target(%dma_start3A_915 : memref<4x512xf32, #tpu.memory_space<vmem>>) target_semaphore(%dma_start3A_911 : memref<!tpu.dma_semaphore, #tpu.memory_space<semaphore_mem>>)
      %mul3A_920 = arith.constant 64 : i32
      %mul3A_921 = arith.muli %add3A_903, %mul3A_920 : i32
      %add3A_922 = arith.constant 1 : i32
      %add3A_923 = arith.addi %mul3A_921, %add3A_922 : i32
      %get3A_924 = arith.index_cast %add3A_923 : i32 to index
      %get3A_925 = memref.load %arg1[%get3A_924] : memref<1024xi32, #tpu.memory_space<smem>>
      %dma_start3A_926 = arith.constant 1 : i32
      %dma_start3A_927 = arith.constant 1 : i32
      %dma_start3A_928 = tpu.memref_slice %arg10[%sub3A_901, %dma_start3A_927] : memref<2x64x!tpu.dma_semaphore, #tpu.memory_space<semaphore_mem>> -> memref<1x1x!tpu.dma_semaphore, #tpu.memory_space<semaphore_mem>>
      %dma_start3A_929 = tpu.memref_squeeze %dma_start3A_928 : memref<1x1x!tpu.dma_semaphore, #tpu.memory_space<semaphore_mem>> -> memref<!tpu.dma_semaphore, #tpu.memory_space<semaphore_mem>>
      %dma_start3A_930 = arith.constant 0 : i32
      %dma_start3A_931 = arith.constant 0 : i32
      %dma_start3A_932 = tpu.memref_slice %arg9[%sub3A_901, %dma_start3A_926, %dma_start3A_930, %dma_start3A_931] : memref<2x64x4x512xf32, #tpu.memory_space<vmem>> -> memref<1x1x4x512xf32, #tpu.memory_space<vmem>>
      %dma_start3A_933 = tpu.memref_squeeze %dma_start3A_932 : memref<1x1x4x512xf32, #tpu.memory_space<vmem>> -> memref<4x512xf32, #tpu.memory_space<vmem>>
      %dma_start3A_934 = arith.constant 0 : i32
      %dma_start3A_935 = arith.constant 0 : i32
      %dma_start3A_936 = tpu.memref_slice %arg7[%get3A_925, %dma_start3A_934, %dma_start3A_935] : memref<100000x4x512xf32, #tpu.memory_space<any>> -> memref<1x4x512xf32, #tpu.memory_space<any>>
      %dma_start3A_937 = tpu.memref_squeeze %dma_start3A_936 : memref<1x4x512xf32, #tpu.memory_space<any>> -> memref<4x512xf32, #tpu.memory_space<any>>
      tpu.enqueue_dma source(%dma_start3A_937 : memref<4x512xf32, #tpu.memory_space<any>>) target(%dma_start3A_933 : memref<4x512xf32, #tpu.memory_space<vmem>>) target_semaphore(%dma_start3A_929 : memref<!tpu.dma_semaphore, #tpu.memory_space<semaphore_mem>>)
      %mul3A_938 = arith.constant 64 : i32
      %mul3A_939 = arith.muli %add3A_903, %mul3A_938 : i32
      %add3A_940 = arith.constant 2 : i32
      %add3A_941 = arith.addi %mul3A_939, %add3A_940 : i32
      %get3A_942 = arith.index_cast %add3A_941 : i32 to index
      %get3A_943 = memref.load %arg1[%get3A_942] : memref<1024xi32, #tpu.memory_space<smem>>
      %dma_start3A_944 = arith.constant 2 : i32
      %dma_start3A_945 = arith.constant 2 : i32
      %dma_start3A_946 = tpu.memref_slice %arg10[%sub3A_901, %dma_start3A_945] : memref<2x64x!tpu.dma_semaphore, #tpu.memory_space<semaphore_mem>> -> memref<1x1x!tpu.dma_semaphore, #tpu.memory_space<semaphore_mem>>
      %dma_start3A_947 = tpu.memref_squeeze %dma_start3A_946 : memref<1x1x!tpu.dma_semaphore, #tpu.memory_space<semaphore_mem>> -> memref<!tpu.dma_semaphore, #tpu.memory_space<semaphore_mem>>
      %dma_start3A_948 = arith.constant 0 : i32
      %dma_start3A_949 = arith.constant 0 : i32
      %dma_start3A_950 = tpu.memref_slice %arg9[%sub3A_901, %dma_start3A_944, %dma_start3A_948, %dma_start3A_949] : memref<2x64x4x512xf32, #tpu.memory_space<vmem>> -> memref<1x1x4x512xf32, #tpu.memory_space<vmem>>
      %dma_start3A_951 = tpu.memref_squeeze %dma_start3A_950 : memref<1x1x4x512xf32, #tpu.memory_space<vmem>> -> memref<4x512xf32, #tpu.memory_space<vmem>>
      %dma_start3A_952 = arith.constant 0 : i32
      %dma_start3A_953 = arith.constant 0 : i32
      %dma_start3A_954 = tpu.memref_slice %arg7[%get3A_943, %dma_start3A_952, %dma_start3A_953] : memref<100000x4x512xf32, #tpu.memory_space<any>> -> memref<1x4x512xf32, #tpu.memory_space<any>>
      %dma_start3A_955 = tpu.memref_squeeze %dma_start3A_954 : memref<1x4x512xf32, #tpu.memory_space<any>> -> memref<4x512xf32, #tpu.memory_space<any>>
      tpu.enqueue_dma source(%dma_start3A_955 : memref<4x512xf32, #tpu.memory_space<any>>) target(%dma_start3A_951 : memref<4x512xf32, #tpu.memory_space<vmem>>) target_semaphore(%dma_start3A_947 : memref<!tpu.dma_semaphore, #tpu.memory_space<semaphore_mem>>)
      %mul3A_956 = arith.constant 64 : i32
      %mul3A_957 = arith.muli %add3A_903, %mul3A_956 : i32
      %add3A_958 = arith.constant 3 : i32
      %add3A_959 = arith.addi %mul3A_957, %add3A_958 : i32
      %get3A_960 = arith.index_cast %add3A_959 : i32 to index
      %get3A_961 = memref.load %arg1[%get3A_960] : memref<1024xi32, #tpu.memory_space<smem>>
      %dma_start3A_962 = arith.constant 3 : i32
      %dma_start3A_963 = arith.constant 3 : i32
      %dma_start3A_964 = tpu.memref_slice %arg10[%sub3A_901, %dma_start3A_963] : memref<2x64x!tpu.dma_semaphore, #tpu.memory_space<semaphore_mem>> -> memref<1x1x!tpu.dma_semaphore, #tpu.memory_space<semaphore_mem>>
      %dma_start3A_965 = tpu.memref_squeeze %dma_start3A_964 : memref<1x1x!tpu.dma_semaphore, #tpu.memory_space<semaphore_mem>> -> memref<!tpu.dma_semaphore, #tpu.memory_space<semaphore_mem>>
      %dma_start3A_966 = arith.constant 0 : i32
      %dma_start3A_967 = arith.constant 0 : i32
      %dma_start3A_968 = tpu.memref_slice %arg9[%sub3A_901, %dma_start3A_962, %dma_start3A_966, %dma_start3A_967] : memref<2x64x4x512xf32, #tpu.memory_space<vmem>> -> memref<1x1x4x512xf32, #tpu.memory_space<vmem>>
      %dma_start3A_969 = tpu.memref_squeeze %dma_start3A_968 : memref<1x1x4x512xf32, #tpu.memory_space<vmem>> -> memref<4x512xf32, #tpu.memory_space<vmem>>
      %dma_start3A_970 = arith.constant 0 : i32
      %dma_start3A_971 = arith.constant 0 : i32
      %dma_start3A_972 = tpu.memref_slice %arg7[%get3A_961, %dma_start3A_970, %dma_start3A_971] : memref<100000x4x512xf32, #tpu.memory_space<any>> -> memref<1x4x512xf32, #tpu.memory_space<any>>
      %dma_start3A_973 = tpu.memref_squeeze %dma_start3A_972 : memref<1x4x512xf32, #tpu.memory_space<any>> -> memref<4x512xf32, #tpu.memory_space<any>>
      tpu.enqueue_dma source(%dma_start3A_973 : memref<4x512xf32, #tpu.memory_space<any>>) target(%dma_start3A_969 : memref<4x512xf32, #tpu.memory_space<vmem>>) target_semaphore(%dma_start3A_965 : memref<!tpu.dma_semaphore, #tpu.memory_space<semaphore_mem>>)
      %mul3A_974 = arith.constant 64 : i32
      %mul3A_975 = arith.muli %add3A_903, %mul3A_974 : i32
      %add3A_976 = arith.constant 4 : i32
      %add3A_977 = arith.addi %mul3A_975, %add3A_976 : i32
      %get3A_978 = arith.index_cast %add3A_977 : i32 to index
      %get3A_979 = memref.load %arg1[%get3A_978] : memref<1024xi32, #tpu.memory_space<smem>>
      %dma_start3A_980 = arith.constant 4 : i32
      %dma_start3A_981 = arith.constant 4 : i32
      %dma_start3A_982 = tpu.memref_slice %arg10[%sub3A_901, %dma_start3A_981] : memref<2x64x!tpu.dma_semaphore, #tpu.memory_space<semaphore_mem>> -> memref<1x1x!tpu.dma_semaphore, #tpu.memory_space<semaphore_mem>>
      %dma_start3A_983 = tpu.memref_squeeze %dma_start3A_982 : memref<1x1x!tpu.dma_semaphore, #tpu.memory_space<semaphore_mem>> -> memref<!tpu.dma_semaphore, #tpu.memory_space<semaphore_mem>>
      %dma_start3A_984 = arith.constant 0 : i32
      %dma_start3A_985 = arith.constant 0 : i32
      %dma_start3A_986 = tpu.memref_slice %arg9[%sub3A_901, %dma_start3A_980, %dma_start3A_984, %dma_start3A_985] : memref<2x64x4x512xf32, #tpu.memory_space<vmem>> -> memref<1x1x4x512xf32, #tpu.memory_space<vmem>>
      %dma_start3A_987 = tpu.memref_squeeze %dma_start3A_986 : memref<1x1x4x512xf32, #tpu.memory_space<vmem>> -> memref<4x512xf32, #tpu.memory_space<vmem>>
      %dma_start3A_988 = arith.constant 0 : i32
      %dma_start3A_989 = arith.constant 0 : i32
      %dma_start3A_990 = tpu.memref_slice %arg7[%get3A_979, %dma_start3A_988, %dma_start3A_989] : memref<100000x4x512xf32, #tpu.memory_space<any>> -> memref<1x4x512xf32, #tpu.memory_space<any>>
      %dma_start3A_991 = tpu.memref_squeeze %dma_start3A_990 : memref<1x4x512xf32, #tpu.memory_space<any>> -> memref<4x512xf32, #tpu.memory_space<any>>
      tpu.enqueue_dma source(%dma_start3A_991 : memref<4x512xf32, #tpu.memory_space<any>>) target(%dma_start3A_987 : memref<4x512xf32, #tpu.memory_space<vmem>>) target_semaphore(%dma_start3A_983 : memref<!tpu.dma_semaphore, #tpu.memory_space<semaphore_mem>>)
      %mul3A_992 = arith.constant 64 : i32
      %mul3A_993 = arith.muli %add3A_903, %mul3A_992 : i32
      %add3A_994 = arith.constant 5 : i32
      %add3A_995 = arith.addi %mul3A_993, %add3A_994 : i32
      %get3A_996 = arith.index_cast %add3A_995 : i32 to index
      %get3A_997 = memref.load %arg1[%get3A_996] : memref<1024xi32, #tpu.memory_space<smem>>
      %dma_start3A_998 = arith.constant 5 : i32
      %dma_start3A_999 = arith.constant 5 : i32
      %dma_start3A_1000 = tpu.memref_slice %arg10[%sub3A_901, %dma_start3A_999] : memref<2x64x!tpu.dma_semaphore, #tpu.memory_space<semaphore_mem>> -> memref<1x1x!tpu.dma_semaphore, #tpu.memory_space<semaphore_mem>>
      %dma_start3A_1001 = tpu.memref_squeeze %dma_start3A_1000 : memref<1x1x!tpu.dma_semaphore, #tpu.memory_space<semaphore_mem>> -> memref<!tpu.dma_semaphore, #tpu.memory_space<semaphore_mem>>
      %dma_start3A_1002 = arith.constant 0 : i32
      %dma_start3A_1003 = arith.constant 0 : i32
      %dma_start3A_1004 = tpu.memref_slice %arg9[%sub3A_901, %dma_start3A_998, %dma_start3A_1002, %dma_start3A_1003] : memref<2x64x4x512xf32, #tpu.memory_space<vmem>> -> memref<1x1x4x512xf32, #tpu.memory_space<vmem>>
      %dma_start3A_1005 = tpu.memref_squeeze %dma_start3A_1004 : memref<1x1x4x512xf32, #tpu.memory_space<vmem>> -> memref<4x512xf32, #tpu.memory_space<vmem>>
      %dma_start3A_1006 = arith.constant 0 : i32
      %dma_start3A_1007 = arith.constant 0 : i32
      %dma_start3A_1008 = tpu.memref_slice %arg7[%get3A_997, %dma_start3A_1006, %dma_start3A_1007] : memref<100000x4x512xf32, #tpu.memory_space<any>> -> memref<1x4x512xf32, #tpu.memory_space<any>>
      %dma_start3A_1009 = tpu.memref_squeeze %dma_start3A_1008 : memref<1x4x512xf32, #tpu.memory_space<any>> -> memref<4x512xf32, #tpu.memory_space<any>>
      tpu.enqueue_dma source(%dma_start3A_1009 : memref<4x512xf32, #tpu.memory_space<any>>) target(%dma_start3A_1005 : memref<4x512xf32, #tpu.memory_space<vmem>>) target_semaphore(%dma_start3A_1001 : memref<!tpu.dma_semaphore, #tpu.memory_space<semaphore_mem>>)
      %mul3A_1010 = arith.constant 64 : i32
      %mul3A_1011 = arith.muli %add3A_903, %mul3A_1010 : i32
      %add3A_1012 = arith.constant 6 : i32
      %add3A_1013 = arith.addi %mul3A_1011, %add3A_1012 : i32
      %get3A_1014 = arith.index_cast %add3A_1013 : i32 to index
      %get3A_1015 = memref.load %arg1[%get3A_1014] : memref<1024xi32, #tpu.memory_space<smem>>
      %dma_start3A_1016 = arith.constant 6 : i32
      %dma_start3A_1017 = arith.constant 6 : i32
      %dma_start3A_1018 = tpu.memref_slice %arg10[%sub3A_901, %dma_start3A_1017] : memref<2x64x!tpu.dma_semaphore, #tpu.memory_space<semaphore_mem>> -> memref<1x1x!tpu.dma_semaphore, #tpu.memory_space<semaphore_mem>>
      %dma_start3A_1019 = tpu.memref_squeeze %dma_start3A_1018 : memref<1x1x!tpu.dma_semaphore, #tpu.memory_space<semaphore_mem>> -> memref<!tpu.dma_semaphore, #tpu.memory_space<semaphore_mem>>
      %dma_start3A_1020 = arith.constant 0 : i32
      %dma_start3A_1021 = arith.constant 0 : i32
      %dma_start3A_1022 = tpu.memref_slice %arg9[%sub3A_901, %dma_start3A_1016, %dma_start3A_1020, %dma_start3A_1021] : memref<2x64x4x512xf32, #tpu.memory_space<vmem>> -> memref<1x1x4x512xf32, #tpu.memory_space<vmem>>
      %dma_start3A_1023 = tpu.memref_squeeze %dma_start3A_1022 : memref<1x1x4x512xf32, #tpu.memory_space<vmem>> -> memref<4x512xf32, #tpu.memory_space<vmem>>
      %dma_start3A_1024 = arith.constant 0 : i32
      %dma_start3A_1025 = arith.constant 0 : i32
      %dma_start3A_1026 = tpu.memref_slice %arg7[%get3A_1015, %dma_start3A_1024, %dma_start3A_1025] : memref<100000x4x512xf32, #tpu.memory_space<any>> -> memref<1x4x512xf32, #tpu.memory_space<any>>
      %dma_start3A_1027 = tpu.memref_squeeze %dma_start3A_1026 : memref<1x4x512xf32, #tpu.memory_space<any>> -> memref<4x512xf32, #tpu.memory_space<any>>
      tpu.enqueue_dma source(%dma_start3A_1027 : memref<4x512xf32, #tpu.memory_space<any>>) target(%dma_start3A_1023 : memref<4x512xf32, #tpu.memory_space<vmem>>) target_semaphore(%dma_start3A_1019 : memref<!tpu.dma_semaphore, #tpu.memory_space<semaphore_mem>>)
      %mul3A_1028 = arith.constant 64 : i32
      %mul3A_1029 = arith.muli %add3A_903, %mul3A_1028 : i32
      %add3A_1030 = arith.constant 7 : i32
      %add3A_1031 = arith.addi %mul3A_1029, %add3A_1030 : i32
      %get3A_1032 = arith.index_cast %add3A_1031 : i32 to index
      %get3A_1033 = memref.load %arg1[%get3A_1032] : memref<1024xi32, #tpu.memory_space<smem>>
      %dma_start3A_1034 = arith.constant 7 : i32
      %dma_start3A_1035 = arith.constant 7 : i32
      %dma_start3A_1036 = tpu.memref_slice %arg10[%sub3A_901, %dma_start3A_1035] : memref<2x64x!tpu.dma_semaphore, #tpu.memory_space<semaphore_mem>> -> memref<1x1x!tpu.dma_semaphore, #tpu.memory_space<semaphore_mem>>
      %dma_start3A_1037 = tpu.memref_squeeze %dma_start3A_1036 : memref<1x1x!tpu.dma_semaphore, #tpu.memory_space<semaphore_mem>> -> memref<!tpu.dma_semaphore, #tpu.memory_space<semaphore_mem>>
      %dma_start3A_1038 = arith.constant 0 : i32
      %dma_start3A_1039 = arith.constant 0 : i32
      %dma_start3A_1040 = tpu.memref_slice %arg9[%sub3A_901, %dma_start3A_1034, %dma_start3A_1038, %dma_start3A_1039] : memref<2x64x4x512xf32, #tpu.memory_space<vmem>> -> memref<1x1x4x512xf32, #tpu.memory_space<vmem>>
      %dma_start3A_1041 = tpu.memref_squeeze %dma_start3A_1040 : memref<1x1x4x512xf32, #tpu.memory_space<vmem>> -> memref<4x512xf32, #tpu.memory_space<vmem>>
      %dma_start3A_1042 = arith.constant 0 : i32
      %dma_start3A_1043 = arith.constant 0 : i32
      %dma_start3A_1044 = tpu.memref_slice %arg7[%get3A_1033, %dma_start3A_1042, %dma_start3A_1043] : memref<100000x4x512xf32, #tpu.memory_space<any>> -> memref<1x4x512xf32, #tpu.memory_space<any>>
      %dma_start3A_1045 = tpu.memref_squeeze %dma_start3A_1044 : memref<1x4x512xf32, #tpu.memory_space<any>> -> memref<4x512xf32, #tpu.memory_space<any>>
      tpu.enqueue_dma source(%dma_start3A_1045 : memref<4x512xf32, #tpu.memory_space<any>>) target(%dma_start3A_1041 : memref<4x512xf32, #tpu.memory_space<vmem>>) target_semaphore(%dma_start3A_1037 : memref<!tpu.dma_semaphore, #tpu.memory_space<semaphore_mem>>)
      %mul3A_1046 = arith.constant 64 : i32
      %mul3A_1047 = arith.muli %add3A_903, %mul3A_1046 : i32
      %add3A_1048 = arith.constant 8 : i32
      %add3A_1049 = arith.addi %mul3A_1047, %add3A_1048 : i32
      %get3A_1050 = arith.index_cast %add3A_1049 : i32 to index
      %get3A_1051 = memref.load %arg1[%get3A_1050] : memref<1024xi32, #tpu.memory_space<smem>>
      %dma_start3A_1052 = arith.constant 8 : i32
      %dma_start3A_1053 = arith.constant 8 : i32
      %dma_start3A_1054 = tpu.memref_slice %arg10[%sub3A_901, %dma_start3A_1053] : memref<2x64x!tpu.dma_semaphore, #tpu.memory_space<semaphore_mem>> -> memref<1x1x!tpu.dma_semaphore, #tpu.memory_space<semaphore_mem>>
      %dma_start3A_1055 = tpu.memref_squeeze %dma_start3A_1054 : memref<1x1x!tpu.dma_semaphore, #tpu.memory_space<semaphore_mem>> -> memref<!tpu.dma_semaphore, #tpu.memory_space<semaphore_mem>>
      %dma_start3A_1056 = arith.constant 0 : i32
      %dma_start3A_1057 = arith.constant 0 : i32
      %dma_start3A_1058 = tpu.memref_slice %arg9[%sub3A_901, %dma_start3A_1052, %dma_start3A_1056, %dma_start3A_1057] : memref<2x64x4x512xf32, #tpu.memory_space<vmem>> -> memref<1x1x4x512xf32, #tpu.memory_space<vmem>>
      %dma_start3A_1059 = tpu.memref_squeeze %dma_start3A_1058 : memref<1x1x4x512xf32, #tpu.memory_space<vmem>> -> memref<4x512xf32, #tpu.memory_space<vmem>>
      %dma_start3A_1060 = arith.constant 0 : i32
      %dma_start3A_1061 = arith.constant 0 : i32
      %dma_start3A_1062 = tpu.memref_slice %arg7[%get3A_1051, %dma_start3A_1060, %dma_start3A_1061] : memref<100000x4x512xf32, #tpu.memory_space<any>> -> memref<1x4x512xf32, #tpu.memory_space<any>>
      %dma_start3A_1063 = tpu.memref_squeeze %dma_start3A_1062 : memref<1x4x512xf32, #tpu.memory_space<any>> -> memref<4x512xf32, #tpu.memory_space<any>>
      tpu.enqueue_dma source(%dma_start3A_1063 : memref<4x512xf32, #tpu.memory_space<any>>) target(%dma_start3A_1059 : memref<4x512xf32, #tpu.memory_space<vmem>>) target_semaphore(%dma_start3A_1055 : memref<!tpu.dma_semaphore, #tpu.memory_space<semaphore_mem>>)
      %mul3A_1064 = arith.constant 64 : i32
      %mul3A_1065 = arith.muli %add3A_903, %mul3A_1064 : i32
      %add3A_1066 = arith.constant 9 : i32
      %add3A_1067 = arith.addi %mul3A_1065, %add3A_1066 : i32
      %get3A_1068 = arith.index_cast %add3A_1067 : i32 to index
      %get3A_1069 = memref.load %arg1[%get3A_1068] : memref<1024xi32, #tpu.memory_space<smem>>
      %dma_start3A_1070 = arith.constant 9 : i32
      %dma_start3A_1071 = arith.constant 9 : i32
      %dma_start3A_1072 = tpu.memref_slice %arg10[%sub3A_901, %dma_start3A_1071] : memref<2x64x!tpu.dma_semaphore, #tpu.memory_space<semaphore_mem>> -> memref<1x1x!tpu.dma_semaphore, #tpu.memory_space<semaphore_mem>>
      %dma_start3A_1073 = tpu.memref_squeeze %dma_start3A_1072 : memref<1x1x!tpu.dma_semaphore, #tpu.memory_space<semaphore_mem>> -> memref<!tpu.dma_semaphore, #tpu.memory_space<semaphore_mem>>
      %dma_start3A_1074 = arith.constant 0 : i32
      %dma_start3A_1075 = arith.constant 0 : i32
      %dma_start3A_1076 = tpu.memref_slice %arg9[%sub3A_901, %dma_start3A_1070, %dma_start3A_1074, %dma_start3A_1075] : memref<2x64x4x512xf32, #tpu.memory_space<vmem>> -> memref<1x1x4x512xf32, #tpu.memory_space<vmem>>
      %dma_start3A_1077 = tpu.memref_squeeze %dma_start3A_1076 : memref<1x1x4x512xf32, #tpu.memory_space<vmem>> -> memref<4x512xf32, #tpu.memory_space<vmem>>
      %dma_start3A_1078 = arith.constant 0 : i32
      %dma_start3A_1079 = arith.constant 0 : i32
      %dma_start3A_1080 = tpu.memref_slice %arg7[%get3A_1069, %dma_start3A_1078, %dma_start3A_1079] : memref<100000x4x512xf32, #tpu.memory_space<any>> -> memref<1x4x512xf32, #tpu.memory_space<any>>
      %dma_start3A_1081 = tpu.memref_squeeze %dma_start3A_1080 : memref<1x4x512xf32, #tpu.memory_space<any>> -> memref<4x512xf32, #tpu.memory_space<any>>
      tpu.enqueue_dma source(%dma_start3A_1081 : memref<4x512xf32, #tpu.memory_space<any>>) target(%dma_start3A_1077 : memref<4x512xf32, #tpu.memory_space<vmem>>) target_semaphore(%dma_start3A_1073 : memref<!tpu.dma_semaphore, #tpu.memory_space<semaphore_mem>>)
      %mul3A_1082 = arith.constant 64 : i32
      %mul3A_1083 = arith.muli %add3A_903, %mul3A_1082 : i32
      %add3A_1084 = arith.constant 10 : i32
      %add3A_1085 = arith.addi %mul3A_1083, %add3A_1084 : i32
      %get3A_1086 = arith.index_cast %add3A_1085 : i32 to index
      %get3A_1087 = memref.load %arg1[%get3A_1086] : memref<1024xi32, #tpu.memory_space<smem>>
      %dma_start3A_1088 = arith.constant 10 : i32
      %dma_start3A_1089 = arith.constant 10 : i32
      %dma_start3A_1090 = tpu.memref_slice %arg10[%sub3A_901, %dma_start3A_1089] : memref<2x64x!tpu.dma_semaphore, #tpu.memory_space<semaphore_mem>> -> memref<1x1x!tpu.dma_semaphore, #tpu.memory_space<semaphore_mem>>
      %dma_start3A_1091 = tpu.memref_squeeze %dma_start3A_1090 : memref<1x1x!tpu.dma_semaphore, #tpu.memory_space<semaphore_mem>> -> memref<!tpu.dma_semaphore, #tpu.memory_space<semaphore_mem>>
      %dma_start3A_1092 = arith.constant 0 : i32
      %dma_start3A_1093 = arith.constant 0 : i32
      %dma_start3A_1094 = tpu.memref_slice %arg9[%sub3A_901, %dma_start3A_1088, %dma_start3A_1092, %dma_start3A_1093] : memref<2x64x4x512xf32, #tpu.memory_space<vmem>> -> memref<1x1x4x512xf32, #tpu.memory_space<vmem>>
      %dma_start3A_1095 = tpu.memref_squeeze %dma_start3A_1094 : memref<1x1x4x512xf32, #tpu.memory_space<vmem>> -> memref<4x512xf32, #tpu.memory_space<vmem>>
      %dma_start3A_1096 = arith.constant 0 : i32
      %dma_start3A_1097 = arith.constant 0 : i32
      %dma_start3A_1098 = tpu.memref_slice %arg7[%get3A_1087, %dma_start3A_1096, %dma_start3A_1097] : memref<100000x4x512xf32, #tpu.memory_space<any>> -> memref<1x4x512xf32, #tpu.memory_space<any>>
      %dma_start3A_1099 = tpu.memref_squeeze %dma_start3A_1098 : memref<1x4x512xf32, #tpu.memory_space<any>> -> memref<4x512xf32, #tpu.memory_space<any>>
      tpu.enqueue_dma source(%dma_start3A_1099 : memref<4x512xf32, #tpu.memory_space<any>>) target(%dma_start3A_1095 : memref<4x512xf32, #tpu.memory_space<vmem>>) target_semaphore(%dma_start3A_1091 : memref<!tpu.dma_semaphore, #tpu.memory_space<semaphore_mem>>)
      %mul3A_1100 = arith.constant 64 : i32
      %mul3A_1101 = arith.muli %add3A_903, %mul3A_1100 : i32
      %add3A_1102 = arith.constant 11 : i32
      %add3A_1103 = arith.addi %mul3A_1101, %add3A_1102 : i32
      %get3A_1104 = arith.index_cast %add3A_1103 : i32 to index
      %get3A_1105 = memref.load %arg1[%get3A_1104] : memref<1024xi32, #tpu.memory_space<smem>>
      %dma_start3A_1106 = arith.constant 11 : i32
      %dma_start3A_1107 = arith.constant 11 : i32
      %dma_start3A_1108 = tpu.memref_slice %arg10[%sub3A_901, %dma_start3A_1107] : memref<2x64x!tpu.dma_semaphore, #tpu.memory_space<semaphore_mem>> -> memref<1x1x!tpu.dma_semaphore, #tpu.memory_space<semaphore_mem>>
      %dma_start3A_1109 = tpu.memref_squeeze %dma_start3A_1108 : memref<1x1x!tpu.dma_semaphore, #tpu.memory_space<semaphore_mem>> -> memref<!tpu.dma_semaphore, #tpu.memory_space<semaphore_mem>>
      %dma_start3A_1110 = arith.constant 0 : i32
      %dma_start3A_1111 = arith.constant 0 : i32
      %dma_start3A_1112 = tpu.memref_slice %arg9[%sub3A_901, %dma_start3A_1106, %dma_start3A_1110, %dma_start3A_1111] : memref<2x64x4x512xf32, #tpu.memory_space<vmem>> -> memref<1x1x4x512xf32, #tpu.memory_space<vmem>>
      %dma_start3A_1113 = tpu.memref_squeeze %dma_start3A_1112 : memref<1x1x4x512xf32, #tpu.memory_space<vmem>> -> memref<4x512xf32, #tpu.memory_space<vmem>>
      %dma_start3A_1114 = arith.constant 0 : i32
      %dma_start3A_1115 = arith.constant 0 : i32
      %dma_start3A_1116 = tpu.memref_slice %arg7[%get3A_1105, %dma_start3A_1114, %dma_start3A_1115] : memref<100000x4x512xf32, #tpu.memory_space<any>> -> memref<1x4x512xf32, #tpu.memory_space<any>>
      %dma_start3A_1117 = tpu.memref_squeeze %dma_start3A_1116 : memref<1x4x512xf32, #tpu.memory_space<any>> -> memref<4x512xf32, #tpu.memory_space<any>>
      tpu.enqueue_dma source(%dma_start3A_1117 : memref<4x512xf32, #tpu.memory_space<any>>) target(%dma_start3A_1113 : memref<4x512xf32, #tpu.memory_space<vmem>>) target_semaphore(%dma_start3A_1109 : memref<!tpu.dma_semaphore, #tpu.memory_space<semaphore_mem>>)
      %mul3A_1118 = arith.constant 64 : i32
      %mul3A_1119 = arith.muli %add3A_903, %mul3A_1118 : i32
      %add3A_1120 = arith.constant 12 : i32
      %add3A_1121 = arith.addi %mul3A_1119, %add3A_1120 : i32
      %get3A_1122 = arith.index_cast %add3A_1121 : i32 to index
      %get3A_1123 = memref.load %arg1[%get3A_1122] : memref<1024xi32, #tpu.memory_space<smem>>
      %dma_start3A_1124 = arith.constant 12 : i32
      %dma_start3A_1125 = arith.constant 12 : i32
      %dma_start3A_1126 = tpu.memref_slice %arg10[%sub3A_901, %dma_start3A_1125] : memref<2x64x!tpu.dma_semaphore, #tpu.memory_space<semaphore_mem>> -> memref<1x1x!tpu.dma_semaphore, #tpu.memory_space<semaphore_mem>>
      %dma_start3A_1127 = tpu.memref_squeeze %dma_start3A_1126 : memref<1x1x!tpu.dma_semaphore, #tpu.memory_space<semaphore_mem>> -> memref<!tpu.dma_semaphore, #tpu.memory_space<semaphore_mem>>
      %dma_start3A_1128 = arith.constant 0 : i32
      %dma_start3A_1129 = arith.constant 0 : i32
      %dma_start3A_1130 = tpu.memref_slice %arg9[%sub3A_901, %dma_start3A_1124, %dma_start3A_1128, %dma_start3A_1129] : memref<2x64x4x512xf32, #tpu.memory_space<vmem>> -> memref<1x1x4x512xf32, #tpu.memory_space<vmem>>
      %dma_start3A_1131 = tpu.memref_squeeze %dma_start3A_1130 : memref<1x1x4x512xf32, #tpu.memory_space<vmem>> -> memref<4x512xf32, #tpu.memory_space<vmem>>
      %dma_start3A_1132 = arith.constant 0 : i32
      %dma_start3A_1133 = arith.constant 0 : i32
      %dma_start3A_1134 = tpu.memref_slice %arg7[%get3A_1123, %dma_start3A_1132, %dma_start3A_1133] : memref<100000x4x512xf32, #tpu.memory_space<any>> -> memref<1x4x512xf32, #tpu.memory_space<any>>
      %dma_start3A_1135 = tpu.memref_squeeze %dma_start3A_1134 : memref<1x4x512xf32, #tpu.memory_space<any>> -> memref<4x512xf32, #tpu.memory_space<any>>
      tpu.enqueue_dma source(%dma_start3A_1135 : memref<4x512xf32, #tpu.memory_space<any>>) target(%dma_start3A_1131 : memref<4x512xf32, #tpu.memory_space<vmem>>) target_semaphore(%dma_start3A_1127 : memref<!tpu.dma_semaphore, #tpu.memory_space<semaphore_mem>>)
      %mul3A_1136 = arith.constant 64 : i32
      %mul3A_1137 = arith.muli %add3A_903, %mul3A_1136 : i32
      %add3A_1138 = arith.constant 13 : i32
      %add3A_1139 = arith.addi %mul3A_1137, %add3A_1138 : i32
      %get3A_1140 = arith.index_cast %add3A_1139 : i32 to index
      %get3A_1141 = memref.load %arg1[%get3A_1140] : memref<1024xi32, #tpu.memory_space<smem>>
      %dma_start3A_1142 = arith.constant 13 : i32
      %dma_start3A_1143 = arith.constant 13 : i32
      %dma_start3A_1144 = tpu.memref_slice %arg10[%sub3A_901, %dma_start3A_1143] : memref<2x64x!tpu.dma_semaphore, #tpu.memory_space<semaphore_mem>> -> memref<1x1x!tpu.dma_semaphore, #tpu.memory_space<semaphore_mem>>
      %dma_start3A_1145 = tpu.memref_squeeze %dma_start3A_1144 : memref<1x1x!tpu.dma_semaphore, #tpu.memory_space<semaphore_mem>> -> memref<!tpu.dma_semaphore, #tpu.memory_space<semaphore_mem>>
      %dma_start3A_1146 = arith.constant 0 : i32
      %dma_start3A_1147 = arith.constant 0 : i32
      %dma_start3A_1148 = tpu.memref_slice %arg9[%sub3A_901, %dma_start3A_1142, %dma_start3A_1146, %dma_start3A_1147] : memref<2x64x4x512xf32, #tpu.memory_space<vmem>> -> memref<1x1x4x512xf32, #tpu.memory_space<vmem>>
      %dma_start3A_1149 = tpu.memref_squeeze %dma_start3A_1148 : memref<1x1x4x512xf32, #tpu.memory_space<vmem>> -> memref<4x512xf32, #tpu.memory_space<vmem>>
      %dma_start3A_1150 = arith.constant 0 : i32
      %dma_start3A_1151 = arith.constant 0 : i32
      %dma_start3A_1152 = tpu.memref_slice %arg7[%get3A_1141, %dma_start3A_1150, %dma_start3A_1151] : memref<100000x4x512xf32, #tpu.memory_space<any>> -> memref<1x4x512xf32, #tpu.memory_space<any>>
      %dma_start3A_1153 = tpu.memref_squeeze %dma_start3A_1152 : memref<1x4x512xf32, #tpu.memory_space<any>> -> memref<4x512xf32, #tpu.memory_space<any>>
      tpu.enqueue_dma source(%dma_start3A_1153 : memref<4x512xf32, #tpu.memory_space<any>>) target(%dma_start3A_1149 : memref<4x512xf32, #tpu.memory_space<vmem>>) target_semaphore(%dma_start3A_1145 : memref<!tpu.dma_semaphore, #tpu.memory_space<semaphore_mem>>)
      %mul3A_1154 = arith.constant 64 : i32
      %mul3A_1155 = arith.muli %add3A_903, %mul3A_1154 : i32
      %add3A_1156 = arith.constant 14 : i32
      %add3A_1157 = arith.addi %mul3A_1155, %add3A_1156 : i32
      %get3A_1158 = arith.index_cast %add3A_1157 : i32 to index
      %get3A_1159 = memref.load %arg1[%get3A_1158] : memref<1024xi32, #tpu.memory_space<smem>>
      %dma_start3A_1160 = arith.constant 14 : i32
      %dma_start3A_1161 = arith.constant 14 : i32
      %dma_start3A_1162 = tpu.memref_slice %arg10[%sub3A_901, %dma_start3A_1161] : memref<2x64x!tpu.dma_semaphore, #tpu.memory_space<semaphore_mem>> -> memref<1x1x!tpu.dma_semaphore, #tpu.memory_space<semaphore_mem>>
      %dma_start3A_1163 = tpu.memref_squeeze %dma_start3A_1162 : memref<1x1x!tpu.dma_semaphore, #tpu.memory_space<semaphore_mem>> -> memref<!tpu.dma_semaphore, #tpu.memory_space<semaphore_mem>>
      %dma_start3A_1164 = arith.constant 0 : i32
      %dma_start3A_1165 = arith.constant 0 : i32
      %dma_start3A_1166 = tpu.memref_slice %arg9[%sub3A_901, %dma_start3A_1160, %dma_start3A_1164, %dma_start3A_1165] : memref<2x64x4x512xf32, #tpu.memory_space<vmem>> -> memref<1x1x4x512xf32, #tpu.memory_space<vmem>>
      %dma_start3A_1167 = tpu.memref_squeeze %dma_start3A_1166 : memref<1x1x4x512xf32, #tpu.memory_space<vmem>> -> memref<4x512xf32, #tpu.memory_space<vmem>>
      %dma_start3A_1168 = arith.constant 0 : i32
      %dma_start3A_1169 = arith.constant 0 : i32
      %dma_start3A_1170 = tpu.memref_slice %arg7[%get3A_1159, %dma_start3A_1168, %dma_start3A_1169] : memref<100000x4x512xf32, #tpu.memory_space<any>> -> memref<1x4x512xf32, #tpu.memory_space<any>>
      %dma_start3A_1171 = tpu.memref_squeeze %dma_start3A_1170 : memref<1x4x512xf32, #tpu.memory_space<any>> -> memref<4x512xf32, #tpu.memory_space<any>>
      tpu.enqueue_dma source(%dma_start3A_1171 : memref<4x512xf32, #tpu.memory_space<any>>) target(%dma_start3A_1167 : memref<4x512xf32, #tpu.memory_space<vmem>>) target_semaphore(%dma_start3A_1163 : memref<!tpu.dma_semaphore, #tpu.memory_space<semaphore_mem>>)
      %mul3A_1172 = arith.constant 64 : i32
      %mul3A_1173 = arith.muli %add3A_903, %mul3A_1172 : i32
      %add3A_1174 = arith.constant 15 : i32
      %add3A_1175 = arith.addi %mul3A_1173, %add3A_1174 : i32
      %get3A_1176 = arith.index_cast %add3A_1175 : i32 to index
      %get3A_1177 = memref.load %arg1[%get3A_1176] : memref<1024xi32, #tpu.memory_space<smem>>
      %dma_start3A_1178 = arith.constant 15 : i32
      %dma_start3A_1179 = arith.constant 15 : i32
      %dma_start3A_1180 = tpu.memref_slice %arg10[%sub3A_901, %dma_start3A_1179] : memref<2x64x!tpu.dma_semaphore, #tpu.memory_space<semaphore_mem>> -> memref<1x1x!tpu.dma_semaphore, #tpu.memory_space<semaphore_mem>>
      %dma_start3A_1181 = tpu.memref_squeeze %dma_start3A_1180 : memref<1x1x!tpu.dma_semaphore, #tpu.memory_space<semaphore_mem>> -> memref<!tpu.dma_semaphore, #tpu.memory_space<semaphore_mem>>
      %dma_start3A_1182 = arith.constant 0 : i32
      %dma_start3A_1183 = arith.constant 0 : i32
      %dma_start3A_1184 = tpu.memref_slice %arg9[%sub3A_901, %dma_start3A_1178, %dma_start3A_1182, %dma_start3A_1183] : memref<2x64x4x512xf32, #tpu.memory_space<vmem>> -> memref<1x1x4x512xf32, #tpu.memory_space<vmem>>
      %dma_start3A_1185 = tpu.memref_squeeze %dma_start3A_1184 : memref<1x1x4x512xf32, #tpu.memory_space<vmem>> -> memref<4x512xf32, #tpu.memory_space<vmem>>
      %dma_start3A_1186 = arith.constant 0 : i32
      %dma_start3A_1187 = arith.constant 0 : i32
      %dma_start3A_1188 = tpu.memref_slice %arg7[%get3A_1177, %dma_start3A_1186, %dma_start3A_1187] : memref<100000x4x512xf32, #tpu.memory_space<any>> -> memref<1x4x512xf32, #tpu.memory_space<any>>
      %dma_start3A_1189 = tpu.memref_squeeze %dma_start3A_1188 : memref<1x4x512xf32, #tpu.memory_space<any>> -> memref<4x512xf32, #tpu.memory_space<any>>
      tpu.enqueue_dma source(%dma_start3A_1189 : memref<4x512xf32, #tpu.memory_space<any>>) target(%dma_start3A_1185 : memref<4x512xf32, #tpu.memory_space<vmem>>) target_semaphore(%dma_start3A_1181 : memref<!tpu.dma_semaphore, #tpu.memory_space<semaphore_mem>>)
      %mul3A_1190 = arith.constant 64 : i32
      %mul3A_1191 = arith.muli %add3A_903, %mul3A_1190 : i32
      %add3A_1192 = arith.constant 16 : i32
      %add3A_1193 = arith.addi %mul3A_1191, %add3A_1192 : i32
      %get3A_1194 = arith.index_cast %add3A_1193 : i32 to index
      %get3A_1195 = memref.load %arg1[%get3A_1194] : memref<1024xi32, #tpu.memory_space<smem>>
      %dma_start3A_1196 = arith.constant 16 : i32
      %dma_start3A_1197 = arith.constant 16 : i32
      %dma_start3A_1198 = tpu.memref_slice %arg10[%sub3A_901, %dma_start3A_1197] : memref<2x64x!tpu.dma_semaphore, #tpu.memory_space<semaphore_mem>> -> memref<1x1x!tpu.dma_semaphore, #tpu.memory_space<semaphore_mem>>
      %dma_start3A_1199 = tpu.memref_squeeze %dma_start3A_1198 : memref<1x1x!tpu.dma_semaphore, #tpu.memory_space<semaphore_mem>> -> memref<!tpu.dma_semaphore, #tpu.memory_space<semaphore_mem>>
      %dma_start3A_1200 = arith.constant 0 : i32
      %dma_start3A_1201 = arith.constant 0 : i32
      %dma_start3A_1202 = tpu.memref_slice %arg9[%sub3A_901, %dma_start3A_1196, %dma_start3A_1200, %dma_start3A_1201] : memref<2x64x4x512xf32, #tpu.memory_space<vmem>> -> memref<1x1x4x512xf32, #tpu.memory_space<vmem>>
      %dma_start3A_1203 = tpu.memref_squeeze %dma_start3A_1202 : memref<1x1x4x512xf32, #tpu.memory_space<vmem>> -> memref<4x512xf32, #tpu.memory_space<vmem>>
      %dma_start3A_1204 = arith.constant 0 : i32
      %dma_start3A_1205 = arith.constant 0 : i32
      %dma_start3A_1206 = tpu.memref_slice %arg7[%get3A_1195, %dma_start3A_1204, %dma_start3A_1205] : memref<100000x4x512xf32, #tpu.memory_space<any>> -> memref<1x4x512xf32, #tpu.memory_space<any>>
      %dma_start3A_1207 = tpu.memref_squeeze %dma_start3A_1206 : memref<1x4x512xf32, #tpu.memory_space<any>> -> memref<4x512xf32, #tpu.memory_space<any>>
      tpu.enqueue_dma source(%dma_start3A_1207 : memref<4x512xf32, #tpu.memory_space<any>>) target(%dma_start3A_1203 : memref<4x512xf32, #tpu.memory_space<vmem>>) target_semaphore(%dma_start3A_1199 : memref<!tpu.dma_semaphore, #tpu.memory_space<semaphore_mem>>)
      %mul3A_1208 = arith.constant 64 : i32
      %mul3A_1209 = arith.muli %add3A_903, %mul3A_1208 : i32
      %add3A_1210 = arith.constant 17 : i32
      %add3A_1211 = arith.addi %mul3A_1209, %add3A_1210 : i32
      %get3A_1212 = arith.index_cast %add3A_1211 : i32 to index
      %get3A_1213 = memref.load %arg1[%get3A_1212] : memref<1024xi32, #tpu.memory_space<smem>>
      %dma_start3A_1214 = arith.constant 17 : i32
      %dma_start3A_1215 = arith.constant 17 : i32
      %dma_start3A_1216 = tpu.memref_slice %arg10[%sub3A_901, %dma_start3A_1215] : memref<2x64x!tpu.dma_semaphore, #tpu.memory_space<semaphore_mem>> -> memref<1x1x!tpu.dma_semaphore, #tpu.memory_space<semaphore_mem>>
      %dma_start3A_1217 = tpu.memref_squeeze %dma_start3A_1216 : memref<1x1x!tpu.dma_semaphore, #tpu.memory_space<semaphore_mem>> -> memref<!tpu.dma_semaphore, #tpu.memory_space<semaphore_mem>>
      %dma_start3A_1218 = arith.constant 0 : i32
      %dma_start3A_1219 = arith.constant 0 : i32
      %dma_start3A_1220 = tpu.memref_slice %arg9[%sub3A_901, %dma_start3A_1214, %dma_start3A_1218, %dma_start3A_1219] : memref<2x64x4x512xf32, #tpu.memory_space<vmem>> -> memref<1x1x4x512xf32, #tpu.memory_space<vmem>>
      %dma_start3A_1221 = tpu.memref_squeeze %dma_start3A_1220 : memref<1x1x4x512xf32, #tpu.memory_space<vmem>> -> memref<4x512xf32, #tpu.memory_space<vmem>>
      %dma_start3A_1222 = arith.constant 0 : i32
      %dma_start3A_1223 = arith.constant 0 : i32
      %dma_start3A_1224 = tpu.memref_slice %arg7[%get3A_1213, %dma_start3A_1222, %dma_start3A_1223] : memref<100000x4x512xf32, #tpu.memory_space<any>> -> memref<1x4x512xf32, #tpu.memory_space<any>>
      %dma_start3A_1225 = tpu.memref_squeeze %dma_start3A_1224 : memref<1x4x512xf32, #tpu.memory_space<any>> -> memref<4x512xf32, #tpu.memory_space<any>>
      tpu.enqueue_dma source(%dma_start3A_1225 : memref<4x512xf32, #tpu.memory_space<any>>) target(%dma_start3A_1221 : memref<4x512xf32, #tpu.memory_space<vmem>>) target_semaphore(%dma_start3A_1217 : memref<!tpu.dma_semaphore, #tpu.memory_space<semaphore_mem>>)
      %mul3A_1226 = arith.constant 64 : i32
      %mul3A_1227 = arith.muli %add3A_903, %mul3A_1226 : i32
      %add3A_1228 = arith.constant 18 : i32
      %add3A_1229 = arith.addi %mul3A_1227, %add3A_1228 : i32
      %get3A_1230 = arith.index_cast %add3A_1229 : i32 to index
      %get3A_1231 = memref.load %arg1[%get3A_1230] : memref<1024xi32, #tpu.memory_space<smem>>
      %dma_start3A_1232 = arith.constant 18 : i32
      %dma_start3A_1233 = arith.constant 18 : i32
      %dma_start3A_1234 = tpu.memref_slice %arg10[%sub3A_901, %dma_start3A_1233] : memref<2x64x!tpu.dma_semaphore, #tpu.memory_space<semaphore_mem>> -> memref<1x1x!tpu.dma_semaphore, #tpu.memory_space<semaphore_mem>>
      %dma_start3A_1235 = tpu.memref_squeeze %dma_start3A_1234 : memref<1x1x!tpu.dma_semaphore, #tpu.memory_space<semaphore_mem>> -> memref<!tpu.dma_semaphore, #tpu.memory_space<semaphore_mem>>
      %dma_start3A_1236 = arith.constant 0 : i32
      %dma_start3A_1237 = arith.constant 0 : i32
      %dma_start3A_1238 = tpu.memref_slice %arg9[%sub3A_901, %dma_start3A_1232, %dma_start3A_1236, %dma_start3A_1237] : memref<2x64x4x512xf32, #tpu.memory_space<vmem>> -> memref<1x1x4x512xf32, #tpu.memory_space<vmem>>
      %dma_start3A_1239 = tpu.memref_squeeze %dma_start3A_1238 : memref<1x1x4x512xf32, #tpu.memory_space<vmem>> -> memref<4x512xf32, #tpu.memory_space<vmem>>
      %dma_start3A_1240 = arith.constant 0 : i32
      %dma_start3A_1241 = arith.constant 0 : i32
      %dma_start3A_1242 = tpu.memref_slice %arg7[%get3A_1231, %dma_start3A_1240, %dma_start3A_1241] : memref<100000x4x512xf32, #tpu.memory_space<any>> -> memref<1x4x512xf32, #tpu.memory_space<any>>
      %dma_start3A_1243 = tpu.memref_squeeze %dma_start3A_1242 : memref<1x4x512xf32, #tpu.memory_space<any>> -> memref<4x512xf32, #tpu.memory_space<any>>
      tpu.enqueue_dma source(%dma_start3A_1243 : memref<4x512xf32, #tpu.memory_space<any>>) target(%dma_start3A_1239 : memref<4x512xf32, #tpu.memory_space<vmem>>) target_semaphore(%dma_start3A_1235 : memref<!tpu.dma_semaphore, #tpu.memory_space<semaphore_mem>>)
      %mul3A_1244 = arith.constant 64 : i32
      %mul3A_1245 = arith.muli %add3A_903, %mul3A_1244 : i32
      %add3A_1246 = arith.constant 19 : i32
      %add3A_1247 = arith.addi %mul3A_1245, %add3A_1246 : i32
      %get3A_1248 = arith.index_cast %add3A_1247 : i32 to index
      %get3A_1249 = memref.load %arg1[%get3A_1248] : memref<1024xi32, #tpu.memory_space<smem>>
      %dma_start3A_1250 = arith.constant 19 : i32
      %dma_start3A_1251 = arith.constant 19 : i32
      %dma_start3A_1252 = tpu.memref_slice %arg10[%sub3A_901, %dma_start3A_1251] : memref<2x64x!tpu.dma_semaphore, #tpu.memory_space<semaphore_mem>> -> memref<1x1x!tpu.dma_semaphore, #tpu.memory_space<semaphore_mem>>
      %dma_start3A_1253 = tpu.memref_squeeze %dma_start3A_1252 : memref<1x1x!tpu.dma_semaphore, #tpu.memory_space<semaphore_mem>> -> memref<!tpu.dma_semaphore, #tpu.memory_space<semaphore_mem>>
      %dma_start3A_1254 = arith.constant 0 : i32
      %dma_start3A_1255 = arith.constant 0 : i32
      %dma_start3A_1256 = tpu.memref_slice %arg9[%sub3A_901, %dma_start3A_1250, %dma_start3A_1254, %dma_start3A_1255] : memref<2x64x4x512xf32, #tpu.memory_space<vmem>> -> memref<1x1x4x512xf32, #tpu.memory_space<vmem>>
      %dma_start3A_1257 = tpu.memref_squeeze %dma_start3A_1256 : memref<1x1x4x512xf32, #tpu.memory_space<vmem>> -> memref<4x512xf32, #tpu.memory_space<vmem>>
      %dma_start3A_1258 = arith.constant 0 : i32
      %dma_start3A_1259 = arith.constant 0 : i32
      %dma_start3A_1260 = tpu.memref_slice %arg7[%get3A_1249, %dma_start3A_1258, %dma_start3A_1259] : memref<100000x4x512xf32, #tpu.memory_space<any>> -> memref<1x4x512xf32, #tpu.memory_space<any>>
      %dma_start3A_1261 = tpu.memref_squeeze %dma_start3A_1260 : memref<1x4x512xf32, #tpu.memory_space<any>> -> memref<4x512xf32, #tpu.memory_space<any>>
      tpu.enqueue_dma source(%dma_start3A_1261 : memref<4x512xf32, #tpu.memory_space<any>>) target(%dma_start3A_1257 : memref<4x512xf32, #tpu.memory_space<vmem>>) target_semaphore(%dma_start3A_1253 : memref<!tpu.dma_semaphore, #tpu.memory_space<semaphore_mem>>)
      %mul3A_1262 = arith.constant 64 : i32
      %mul3A_1263 = arith.muli %add3A_903, %mul3A_1262 : i32
      %add3A_1264 = arith.constant 20 : i32
      %add3A_1265 = arith.addi %mul3A_1263, %add3A_1264 : i32
      %get3A_1266 = arith.index_cast %add3A_1265 : i32 to index
      %get3A_1267 = memref.load %arg1[%get3A_1266] : memref<1024xi32, #tpu.memory_space<smem>>
      %dma_start3A_1268 = arith.constant 20 : i32
      %dma_start3A_1269 = arith.constant 20 : i32
      %dma_start3A_1270 = tpu.memref_slice %arg10[%sub3A_901, %dma_start3A_1269] : memref<2x64x!tpu.dma_semaphore, #tpu.memory_space<semaphore_mem>> -> memref<1x1x!tpu.dma_semaphore, #tpu.memory_space<semaphore_mem>>
      %dma_start3A_1271 = tpu.memref_squeeze %dma_start3A_1270 : memref<1x1x!tpu.dma_semaphore, #tpu.memory_space<semaphore_mem>> -> memref<!tpu.dma_semaphore, #tpu.memory_space<semaphore_mem>>
      %dma_start3A_1272 = arith.constant 0 : i32
      %dma_start3A_1273 = arith.constant 0 : i32
      %dma_start3A_1274 = tpu.memref_slice %arg9[%sub3A_901, %dma_start3A_1268, %dma_start3A_1272, %dma_start3A_1273] : memref<2x64x4x512xf32, #tpu.memory_space<vmem>> -> memref<1x1x4x512xf32, #tpu.memory_space<vmem>>
      %dma_start3A_1275 = tpu.memref_squeeze %dma_start3A_1274 : memref<1x1x4x512xf32, #tpu.memory_space<vmem>> -> memref<4x512xf32, #tpu.memory_space<vmem>>
      %dma_start3A_1276 = arith.constant 0 : i32
      %dma_start3A_1277 = arith.constant 0 : i32
      %dma_start3A_1278 = tpu.memref_slice %arg7[%get3A_1267, %dma_start3A_1276, %dma_start3A_1277] : memref<100000x4x512xf32, #tpu.memory_space<any>> -> memref<1x4x512xf32, #tpu.memory_space<any>>
      %dma_start3A_1279 = tpu.memref_squeeze %dma_start3A_1278 : memref<1x4x512xf32, #tpu.memory_space<any>> -> memref<4x512xf32, #tpu.memory_space<any>>
      tpu.enqueue_dma source(%dma_start3A_1279 : memref<4x512xf32, #tpu.memory_space<any>>) target(%dma_start3A_1275 : memref<4x512xf32, #tpu.memory_space<vmem>>) target_semaphore(%dma_start3A_1271 : memref<!tpu.dma_semaphore, #tpu.memory_space<semaphore_mem>>)
      %mul3A_1280 = arith.constant 64 : i32
      %mul3A_1281 = arith.muli %add3A_903, %mul3A_1280 : i32
      %add3A_1282 = arith.constant 21 : i32
      %add3A_1283 = arith.addi %mul3A_1281, %add3A_1282 : i32
      %get3A_1284 = arith.index_cast %add3A_1283 : i32 to index
      %get3A_1285 = memref.load %arg1[%get3A_1284] : memref<1024xi32, #tpu.memory_space<smem>>
      %dma_start3A_1286 = arith.constant 21 : i32
      %dma_start3A_1287 = arith.constant 21 : i32
      %dma_start3A_1288 = tpu.memref_slice %arg10[%sub3A_901, %dma_start3A_1287] : memref<2x64x!tpu.dma_semaphore, #tpu.memory_space<semaphore_mem>> -> memref<1x1x!tpu.dma_semaphore, #tpu.memory_space<semaphore_mem>>
      %dma_start3A_1289 = tpu.memref_squeeze %dma_start3A_1288 : memref<1x1x!tpu.dma_semaphore, #tpu.memory_space<semaphore_mem>> -> memref<!tpu.dma_semaphore, #tpu.memory_space<semaphore_mem>>
      %dma_start3A_1290 = arith.constant 0 : i32
      %dma_start3A_1291 = arith.constant 0 : i32
      %dma_start3A_1292 = tpu.memref_slice %arg9[%sub3A_901, %dma_start3A_1286, %dma_start3A_1290, %dma_start3A_1291] : memref<2x64x4x512xf32, #tpu.memory_space<vmem>> -> memref<1x1x4x512xf32, #tpu.memory_space<vmem>>
      %dma_start3A_1293 = tpu.memref_squeeze %dma_start3A_1292 : memref<1x1x4x512xf32, #tpu.memory_space<vmem>> -> memref<4x512xf32, #tpu.memory_space<vmem>>
      %dma_start3A_1294 = arith.constant 0 : i32
      %dma_start3A_1295 = arith.constant 0 : i32
      %dma_start3A_1296 = tpu.memref_slice %arg7[%get3A_1285, %dma_start3A_1294, %dma_start3A_1295] : memref<100000x4x512xf32, #tpu.memory_space<any>> -> memref<1x4x512xf32, #tpu.memory_space<any>>
      %dma_start3A_1297 = tpu.memref_squeeze %dma_start3A_1296 : memref<1x4x512xf32, #tpu.memory_space<any>> -> memref<4x512xf32, #tpu.memory_space<any>>
      tpu.enqueue_dma source(%dma_start3A_1297 : memref<4x512xf32, #tpu.memory_space<any>>) target(%dma_start3A_1293 : memref<4x512xf32, #tpu.memory_space<vmem>>) target_semaphore(%dma_start3A_1289 : memref<!tpu.dma_semaphore, #tpu.memory_space<semaphore_mem>>)
      %mul3A_1298 = arith.constant 64 : i32
      %mul3A_1299 = arith.muli %add3A_903, %mul3A_1298 : i32
      %add3A_1300 = arith.constant 22 : i32
      %add3A_1301 = arith.addi %mul3A_1299, %add3A_1300 : i32
      %get3A_1302 = arith.index_cast %add3A_1301 : i32 to index
      %get3A_1303 = memref.load %arg1[%get3A_1302] : memref<1024xi32, #tpu.memory_space<smem>>
      %dma_start3A_1304 = arith.constant 22 : i32
      %dma_start3A_1305 = arith.constant 22 : i32
      %dma_start3A_1306 = tpu.memref_slice %arg10[%sub3A_901, %dma_start3A_1305] : memref<2x64x!tpu.dma_semaphore, #tpu.memory_space<semaphore_mem>> -> memref<1x1x!tpu.dma_semaphore, #tpu.memory_space<semaphore_mem>>
      %dma_start3A_1307 = tpu.memref_squeeze %dma_start3A_1306 : memref<1x1x!tpu.dma_semaphore, #tpu.memory_space<semaphore_mem>> -> memref<!tpu.dma_semaphore, #tpu.memory_space<semaphore_mem>>
      %dma_start3A_1308 = arith.constant 0 : i32
      %dma_start3A_1309 = arith.constant 0 : i32
      %dma_start3A_1310 = tpu.memref_slice %arg9[%sub3A_901, %dma_start3A_1304, %dma_start3A_1308, %dma_start3A_1309] : memref<2x64x4x512xf32, #tpu.memory_space<vmem>> -> memref<1x1x4x512xf32, #tpu.memory_space<vmem>>
      %dma_start3A_1311 = tpu.memref_squeeze %dma_start3A_1310 : memref<1x1x4x512xf32, #tpu.memory_space<vmem>> -> memref<4x512xf32, #tpu.memory_space<vmem>>
      %dma_start3A_1312 = arith.constant 0 : i32
      %dma_start3A_1313 = arith.constant 0 : i32
      %dma_start3A_1314 = tpu.memref_slice %arg7[%get3A_1303, %dma_start3A_1312, %dma_start3A_1313] : memref<100000x4x512xf32, #tpu.memory_space<any>> -> memref<1x4x512xf32, #tpu.memory_space<any>>
      %dma_start3A_1315 = tpu.memref_squeeze %dma_start3A_1314 : memref<1x4x512xf32, #tpu.memory_space<any>> -> memref<4x512xf32, #tpu.memory_space<any>>
      tpu.enqueue_dma source(%dma_start3A_1315 : memref<4x512xf32, #tpu.memory_space<any>>) target(%dma_start3A_1311 : memref<4x512xf32, #tpu.memory_space<vmem>>) target_semaphore(%dma_start3A_1307 : memref<!tpu.dma_semaphore, #tpu.memory_space<semaphore_mem>>)
      %mul3A_1316 = arith.constant 64 : i32
      %mul3A_1317 = arith.muli %add3A_903, %mul3A_1316 : i32
      %add3A_1318 = arith.constant 23 : i32
      %add3A_1319 = arith.addi %mul3A_1317, %add3A_1318 : i32
      %get3A_1320 = arith.index_cast %add3A_1319 : i32 to index
      %get3A_1321 = memref.load %arg1[%get3A_1320] : memref<1024xi32, #tpu.memory_space<smem>>
      %dma_start3A_1322 = arith.constant 23 : i32
      %dma_start3A_1323 = arith.constant 23 : i32
      %dma_start3A_1324 = tpu.memref_slice %arg10[%sub3A_901, %dma_start3A_1323] : memref<2x64x!tpu.dma_semaphore, #tpu.memory_space<semaphore_mem>> -> memref<1x1x!tpu.dma_semaphore, #tpu.memory_space<semaphore_mem>>
      %dma_start3A_1325 = tpu.memref_squeeze %dma_start3A_1324 : memref<1x1x!tpu.dma_semaphore, #tpu.memory_space<semaphore_mem>> -> memref<!tpu.dma_semaphore, #tpu.memory_space<semaphore_mem>>
      %dma_start3A_1326 = arith.constant 0 : i32
      %dma_start3A_1327 = arith.constant 0 : i32
      %dma_start3A_1328 = tpu.memref_slice %arg9[%sub3A_901, %dma_start3A_1322, %dma_start3A_1326, %dma_start3A_1327] : memref<2x64x4x512xf32, #tpu.memory_space<vmem>> -> memref<1x1x4x512xf32, #tpu.memory_space<vmem>>
      %dma_start3A_1329 = tpu.memref_squeeze %dma_start3A_1328 : memref<1x1x4x512xf32, #tpu.memory_space<vmem>> -> memref<4x512xf32, #tpu.memory_space<vmem>>
      %dma_start3A_1330 = arith.constant 0 : i32
      %dma_start3A_1331 = arith.constant 0 : i32
      %dma_start3A_1332 = tpu.memref_slice %arg7[%get3A_1321, %dma_start3A_1330, %dma_start3A_1331] : memref<100000x4x512xf32, #tpu.memory_space<any>> -> memref<1x4x512xf32, #tpu.memory_space<any>>
      %dma_start3A_1333 = tpu.memref_squeeze %dma_start3A_1332 : memref<1x4x512xf32, #tpu.memory_space<any>> -> memref<4x512xf32, #tpu.memory_space<any>>
      tpu.enqueue_dma source(%dma_start3A_1333 : memref<4x512xf32, #tpu.memory_space<any>>) target(%dma_start3A_1329 : memref<4x512xf32, #tpu.memory_space<vmem>>) target_semaphore(%dma_start3A_1325 : memref<!tpu.dma_semaphore, #tpu.memory_space<semaphore_mem>>)
      %mul3A_1334 = arith.constant 64 : i32
      %mul3A_1335 = arith.muli %add3A_903, %mul3A_1334 : i32
      %add3A_1336 = arith.constant 24 : i32
      %add3A_1337 = arith.addi %mul3A_1335, %add3A_1336 : i32
      %get3A_1338 = arith.index_cast %add3A_1337 : i32 to index
      %get3A_1339 = memref.load %arg1[%get3A_1338] : memref<1024xi32, #tpu.memory_space<smem>>
      %dma_start3A_1340 = arith.constant 24 : i32
      %dma_start3A_1341 = arith.constant 24 : i32
      %dma_start3A_1342 = tpu.memref_slice %arg10[%sub3A_901, %dma_start3A_1341] : memref<2x64x!tpu.dma_semaphore, #tpu.memory_space<semaphore_mem>> -> memref<1x1x!tpu.dma_semaphore, #tpu.memory_space<semaphore_mem>>
      %dma_start3A_1343 = tpu.memref_squeeze %dma_start3A_1342 : memref<1x1x!tpu.dma_semaphore, #tpu.memory_space<semaphore_mem>> -> memref<!tpu.dma_semaphore, #tpu.memory_space<semaphore_mem>>
      %dma_start3A_1344 = arith.constant 0 : i32
      %dma_start3A_1345 = arith.constant 0 : i32
      %dma_start3A_1346 = tpu.memref_slice %arg9[%sub3A_901, %dma_start3A_1340, %dma_start3A_1344, %dma_start3A_1345] : memref<2x64x4x512xf32, #tpu.memory_space<vmem>> -> memref<1x1x4x512xf32, #tpu.memory_space<vmem>>
      %dma_start3A_1347 = tpu.memref_squeeze %dma_start3A_1346 : memref<1x1x4x512xf32, #tpu.memory_space<vmem>> -> memref<4x512xf32, #tpu.memory_space<vmem>>
      %dma_start3A_1348 = arith.constant 0 : i32
      %dma_start3A_1349 = arith.constant 0 : i32
      %dma_start3A_1350 = tpu.memref_slice %arg7[%get3A_1339, %dma_start3A_1348, %dma_start3A_1349] : memref<100000x4x512xf32, #tpu.memory_space<any>> -> memref<1x4x512xf32, #tpu.memory_space<any>>
      %dma_start3A_1351 = tpu.memref_squeeze %dma_start3A_1350 : memref<1x4x512xf32, #tpu.memory_space<any>> -> memref<4x512xf32, #tpu.memory_space<any>>
      tpu.enqueue_dma source(%dma_start3A_1351 : memref<4x512xf32, #tpu.memory_space<any>>) target(%dma_start3A_1347 : memref<4x512xf32, #tpu.memory_space<vmem>>) target_semaphore(%dma_start3A_1343 : memref<!tpu.dma_semaphore, #tpu.memory_space<semaphore_mem>>)
      %mul3A_1352 = arith.constant 64 : i32
      %mul3A_1353 = arith.muli %add3A_903, %mul3A_1352 : i32
      %add3A_1354 = arith.constant 25 : i32
      %add3A_1355 = arith.addi %mul3A_1353, %add3A_1354 : i32
      %get3A_1356 = arith.index_cast %add3A_1355 : i32 to index
      %get3A_1357 = memref.load %arg1[%get3A_1356] : memref<1024xi32, #tpu.memory_space<smem>>
      %dma_start3A_1358 = arith.constant 25 : i32
      %dma_start3A_1359 = arith.constant 25 : i32
      %dma_start3A_1360 = tpu.memref_slice %arg10[%sub3A_901, %dma_start3A_1359] : memref<2x64x!tpu.dma_semaphore, #tpu.memory_space<semaphore_mem>> -> memref<1x1x!tpu.dma_semaphore, #tpu.memory_space<semaphore_mem>>
      %dma_start3A_1361 = tpu.memref_squeeze %dma_start3A_1360 : memref<1x1x!tpu.dma_semaphore, #tpu.memory_space<semaphore_mem>> -> memref<!tpu.dma_semaphore, #tpu.memory_space<semaphore_mem>>
      %dma_start3A_1362 = arith.constant 0 : i32
      %dma_start3A_1363 = arith.constant 0 : i32
      %dma_start3A_1364 = tpu.memref_slice %arg9[%sub3A_901, %dma_start3A_1358, %dma_start3A_1362, %dma_start3A_1363] : memref<2x64x4x512xf32, #tpu.memory_space<vmem>> -> memref<1x1x4x512xf32, #tpu.memory_space<vmem>>
      %dma_start3A_1365 = tpu.memref_squeeze %dma_start3A_1364 : memref<1x1x4x512xf32, #tpu.memory_space<vmem>> -> memref<4x512xf32, #tpu.memory_space<vmem>>
      %dma_start3A_1366 = arith.constant 0 : i32
      %dma_start3A_1367 = arith.constant 0 : i32
      %dma_start3A_1368 = tpu.memref_slice %arg7[%get3A_1357, %dma_start3A_1366, %dma_start3A_1367] : memref<100000x4x512xf32, #tpu.memory_space<any>> -> memref<1x4x512xf32, #tpu.memory_space<any>>
      %dma_start3A_1369 = tpu.memref_squeeze %dma_start3A_1368 : memref<1x4x512xf32, #tpu.memory_space<any>> -> memref<4x512xf32, #tpu.memory_space<any>>
      tpu.enqueue_dma source(%dma_start3A_1369 : memref<4x512xf32, #tpu.memory_space<any>>) target(%dma_start3A_1365 : memref<4x512xf32, #tpu.memory_space<vmem>>) target_semaphore(%dma_start3A_1361 : memref<!tpu.dma_semaphore, #tpu.memory_space<semaphore_mem>>)
      %mul3A_1370 = arith.constant 64 : i32
      %mul3A_1371 = arith.muli %add3A_903, %mul3A_1370 : i32
      %add3A_1372 = arith.constant 26 : i32
      %add3A_1373 = arith.addi %mul3A_1371, %add3A_1372 : i32
      %get3A_1374 = arith.index_cast %add3A_1373 : i32 to index
      %get3A_1375 = memref.load %arg1[%get3A_1374] : memref<1024xi32, #tpu.memory_space<smem>>
      %dma_start3A_1376 = arith.constant 26 : i32
      %dma_start3A_1377 = arith.constant 26 : i32
      %dma_start3A_1378 = tpu.memref_slice %arg10[%sub3A_901, %dma_start3A_1377] : memref<2x64x!tpu.dma_semaphore, #tpu.memory_space<semaphore_mem>> -> memref<1x1x!tpu.dma_semaphore, #tpu.memory_space<semaphore_mem>>
      %dma_start3A_1379 = tpu.memref_squeeze %dma_start3A_1378 : memref<1x1x!tpu.dma_semaphore, #tpu.memory_space<semaphore_mem>> -> memref<!tpu.dma_semaphore, #tpu.memory_space<semaphore_mem>>
      %dma_start3A_1380 = arith.constant 0 : i32
      %dma_start3A_1381 = arith.constant 0 : i32
      %dma_start3A_1382 = tpu.memref_slice %arg9[%sub3A_901, %dma_start3A_1376, %dma_start3A_1380, %dma_start3A_1381] : memref<2x64x4x512xf32, #tpu.memory_space<vmem>> -> memref<1x1x4x512xf32, #tpu.memory_space<vmem>>
      %dma_start3A_1383 = tpu.memref_squeeze %dma_start3A_1382 : memref<1x1x4x512xf32, #tpu.memory_space<vmem>> -> memref<4x512xf32, #tpu.memory_space<vmem>>
      %dma_start3A_1384 = arith.constant 0 : i32
      %dma_start3A_1385 = arith.constant 0 : i32
      %dma_start3A_1386 = tpu.memref_slice %arg7[%get3A_1375, %dma_start3A_1384, %dma_start3A_1385] : memref<100000x4x512xf32, #tpu.memory_space<any>> -> memref<1x4x512xf32, #tpu.memory_space<any>>
      %dma_start3A_1387 = tpu.memref_squeeze %dma_start3A_1386 : memref<1x4x512xf32, #tpu.memory_space<any>> -> memref<4x512xf32, #tpu.memory_space<any>>
      tpu.enqueue_dma source(%dma_start3A_1387 : memref<4x512xf32, #tpu.memory_space<any>>) target(%dma_start3A_1383 : memref<4x512xf32, #tpu.memory_space<vmem>>) target_semaphore(%dma_start3A_1379 : memref<!tpu.dma_semaphore, #tpu.memory_space<semaphore_mem>>)
      %mul3A_1388 = arith.constant 64 : i32
      %mul3A_1389 = arith.muli %add3A_903, %mul3A_1388 : i32
      %add3A_1390 = arith.constant 27 : i32
      %add3A_1391 = arith.addi %mul3A_1389, %add3A_1390 : i32
      %get3A_1392 = arith.index_cast %add3A_1391 : i32 to index
      %get3A_1393 = memref.load %arg1[%get3A_1392] : memref<1024xi32, #tpu.memory_space<smem>>
      %dma_start3A_1394 = arith.constant 27 : i32
      %dma_start3A_1395 = arith.constant 27 : i32
      %dma_start3A_1396 = tpu.memref_slice %arg10[%sub3A_901, %dma_start3A_1395] : memref<2x64x!tpu.dma_semaphore, #tpu.memory_space<semaphore_mem>> -> memref<1x1x!tpu.dma_semaphore, #tpu.memory_space<semaphore_mem>>
      %dma_start3A_1397 = tpu.memref_squeeze %dma_start3A_1396 : memref<1x1x!tpu.dma_semaphore, #tpu.memory_space<semaphore_mem>> -> memref<!tpu.dma_semaphore, #tpu.memory_space<semaphore_mem>>
      %dma_start3A_1398 = arith.constant 0 : i32
      %dma_start3A_1399 = arith.constant 0 : i32
      %dma_start3A_1400 = tpu.memref_slice %arg9[%sub3A_901, %dma_start3A_1394, %dma_start3A_1398, %dma_start3A_1399] : memref<2x64x4x512xf32, #tpu.memory_space<vmem>> -> memref<1x1x4x512xf32, #tpu.memory_space<vmem>>
      %dma_start3A_1401 = tpu.memref_squeeze %dma_start3A_1400 : memref<1x1x4x512xf32, #tpu.memory_space<vmem>> -> memref<4x512xf32, #tpu.memory_space<vmem>>
      %dma_start3A_1402 = arith.constant 0 : i32
      %dma_start3A_1403 = arith.constant 0 : i32
      %dma_start3A_1404 = tpu.memref_slice %arg7[%get3A_1393, %dma_start3A_1402, %dma_start3A_1403] : memref<100000x4x512xf32, #tpu.memory_space<any>> -> memref<1x4x512xf32, #tpu.memory_space<any>>
      %dma_start3A_1405 = tpu.memref_squeeze %dma_start3A_1404 : memref<1x4x512xf32, #tpu.memory_space<any>> -> memref<4x512xf32, #tpu.memory_space<any>>
      tpu.enqueue_dma source(%dma_start3A_1405 : memref<4x512xf32, #tpu.memory_space<any>>) target(%dma_start3A_1401 : memref<4x512xf32, #tpu.memory_space<vmem>>) target_semaphore(%dma_start3A_1397 : memref<!tpu.dma_semaphore, #tpu.memory_space<semaphore_mem>>)
      %mul3A_1406 = arith.constant 64 : i32
      %mul3A_1407 = arith.muli %add3A_903, %mul3A_1406 : i32
      %add3A_1408 = arith.constant 28 : i32
      %add3A_1409 = arith.addi %mul3A_1407, %add3A_1408 : i32
      %get3A_1410 = arith.index_cast %add3A_1409 : i32 to index
      %get3A_1411 = memref.load %arg1[%get3A_1410] : memref<1024xi32, #tpu.memory_space<smem>>
      %dma_start3A_1412 = arith.constant 28 : i32
      %dma_start3A_1413 = arith.constant 28 : i32
      %dma_start3A_1414 = tpu.memref_slice %arg10[%sub3A_901, %dma_start3A_1413] : memref<2x64x!tpu.dma_semaphore, #tpu.memory_space<semaphore_mem>> -> memref<1x1x!tpu.dma_semaphore, #tpu.memory_space<semaphore_mem>>
      %dma_start3A_1415 = tpu.memref_squeeze %dma_start3A_1414 : memref<1x1x!tpu.dma_semaphore, #tpu.memory_space<semaphore_mem>> -> memref<!tpu.dma_semaphore, #tpu.memory_space<semaphore_mem>>
      %dma_start3A_1416 = arith.constant 0 : i32
      %dma_start3A_1417 = arith.constant 0 : i32
      %dma_start3A_1418 = tpu.memref_slice %arg9[%sub3A_901, %dma_start3A_1412, %dma_start3A_1416, %dma_start3A_1417] : memref<2x64x4x512xf32, #tpu.memory_space<vmem>> -> memref<1x1x4x512xf32, #tpu.memory_space<vmem>>
      %dma_start3A_1419 = tpu.memref_squeeze %dma_start3A_1418 : memref<1x1x4x512xf32, #tpu.memory_space<vmem>> -> memref<4x512xf32, #tpu.memory_space<vmem>>
      %dma_start3A_1420 = arith.constant 0 : i32
      %dma_start3A_1421 = arith.constant 0 : i32
      %dma_start3A_1422 = tpu.memref_slice %arg7[%get3A_1411, %dma_start3A_1420, %dma_start3A_1421] : memref<100000x4x512xf32, #tpu.memory_space<any>> -> memref<1x4x512xf32, #tpu.memory_space<any>>
      %dma_start3A_1423 = tpu.memref_squeeze %dma_start3A_1422 : memref<1x4x512xf32, #tpu.memory_space<any>> -> memref<4x512xf32, #tpu.memory_space<any>>
      tpu.enqueue_dma source(%dma_start3A_1423 : memref<4x512xf32, #tpu.memory_space<any>>) target(%dma_start3A_1419 : memref<4x512xf32, #tpu.memory_space<vmem>>) target_semaphore(%dma_start3A_1415 : memref<!tpu.dma_semaphore, #tpu.memory_space<semaphore_mem>>)
      %mul3A_1424 = arith.constant 64 : i32
      %mul3A_1425 = arith.muli %add3A_903, %mul3A_1424 : i32
      %add3A_1426 = arith.constant 29 : i32
      %add3A_1427 = arith.addi %mul3A_1425, %add3A_1426 : i32
      %get3A_1428 = arith.index_cast %add3A_1427 : i32 to index
      %get3A_1429 = memref.load %arg1[%get3A_1428] : memref<1024xi32, #tpu.memory_space<smem>>
      %dma_start3A_1430 = arith.constant 29 : i32
      %dma_start3A_1431 = arith.constant 29 : i32
      %dma_start3A_1432 = tpu.memref_slice %arg10[%sub3A_901, %dma_start3A_1431] : memref<2x64x!tpu.dma_semaphore, #tpu.memory_space<semaphore_mem>> -> memref<1x1x!tpu.dma_semaphore, #tpu.memory_space<semaphore_mem>>
      %dma_start3A_1433 = tpu.memref_squeeze %dma_start3A_1432 : memref<1x1x!tpu.dma_semaphore, #tpu.memory_space<semaphore_mem>> -> memref<!tpu.dma_semaphore, #tpu.memory_space<semaphore_mem>>
      %dma_start3A_1434 = arith.constant 0 : i32
      %dma_start3A_1435 = arith.constant 0 : i32
      %dma_start3A_1436 = tpu.memref_slice %arg9[%sub3A_901, %dma_start3A_1430, %dma_start3A_1434, %dma_start3A_1435] : memref<2x64x4x512xf32, #tpu.memory_space<vmem>> -> memref<1x1x4x512xf32, #tpu.memory_space<vmem>>
      %dma_start3A_1437 = tpu.memref_squeeze %dma_start3A_1436 : memref<1x1x4x512xf32, #tpu.memory_space<vmem>> -> memref<4x512xf32, #tpu.memory_space<vmem>>
      %dma_start3A_1438 = arith.constant 0 : i32
      %dma_start3A_1439 = arith.constant 0 : i32
      %dma_start3A_1440 = tpu.memref_slice %arg7[%get3A_1429, %dma_start3A_1438, %dma_start3A_1439] : memref<100000x4x512xf32, #tpu.memory_space<any>> -> memref<1x4x512xf32, #tpu.memory_space<any>>
      %dma_start3A_1441 = tpu.memref_squeeze %dma_start3A_1440 : memref<1x4x512xf32, #tpu.memory_space<any>> -> memref<4x512xf32, #tpu.memory_space<any>>
      tpu.enqueue_dma source(%dma_start3A_1441 : memref<4x512xf32, #tpu.memory_space<any>>) target(%dma_start3A_1437 : memref<4x512xf32, #tpu.memory_space<vmem>>) target_semaphore(%dma_start3A_1433 : memref<!tpu.dma_semaphore, #tpu.memory_space<semaphore_mem>>)
      %mul3A_1442 = arith.constant 64 : i32
      %mul3A_1443 = arith.muli %add3A_903, %mul3A_1442 : i32
      %add3A_1444 = arith.constant 30 : i32
      %add3A_1445 = arith.addi %mul3A_1443, %add3A_1444 : i32
      %get3A_1446 = arith.index_cast %add3A_1445 : i32 to index
      %get3A_1447 = memref.load %arg1[%get3A_1446] : memref<1024xi32, #tpu.memory_space<smem>>
      %dma_start3A_1448 = arith.constant 30 : i32
      %dma_start3A_1449 = arith.constant 30 : i32
      %dma_start3A_1450 = tpu.memref_slice %arg10[%sub3A_901, %dma_start3A_1449] : memref<2x64x!tpu.dma_semaphore, #tpu.memory_space<semaphore_mem>> -> memref<1x1x!tpu.dma_semaphore, #tpu.memory_space<semaphore_mem>>
      %dma_start3A_1451 = tpu.memref_squeeze %dma_start3A_1450 : memref<1x1x!tpu.dma_semaphore, #tpu.memory_space<semaphore_mem>> -> memref<!tpu.dma_semaphore, #tpu.memory_space<semaphore_mem>>
      %dma_start3A_1452 = arith.constant 0 : i32
      %dma_start3A_1453 = arith.constant 0 : i32
      %dma_start3A_1454 = tpu.memref_slice %arg9[%sub3A_901, %dma_start3A_1448, %dma_start3A_1452, %dma_start3A_1453] : memref<2x64x4x512xf32, #tpu.memory_space<vmem>> -> memref<1x1x4x512xf32, #tpu.memory_space<vmem>>
      %dma_start3A_1455 = tpu.memref_squeeze %dma_start3A_1454 : memref<1x1x4x512xf32, #tpu.memory_space<vmem>> -> memref<4x512xf32, #tpu.memory_space<vmem>>
      %dma_start3A_1456 = arith.constant 0 : i32
      %dma_start3A_1457 = arith.constant 0 : i32
      %dma_start3A_1458 = tpu.memref_slice %arg7[%get3A_1447, %dma_start3A_1456, %dma_start3A_1457] : memref<100000x4x512xf32, #tpu.memory_space<any>> -> memref<1x4x512xf32, #tpu.memory_space<any>>
      %dma_start3A_1459 = tpu.memref_squeeze %dma_start3A_1458 : memref<1x4x512xf32, #tpu.memory_space<any>> -> memref<4x512xf32, #tpu.memory_space<any>>
      tpu.enqueue_dma source(%dma_start3A_1459 : memref<4x512xf32, #tpu.memory_space<any>>) target(%dma_start3A_1455 : memref<4x512xf32, #tpu.memory_space<vmem>>) target_semaphore(%dma_start3A_1451 : memref<!tpu.dma_semaphore, #tpu.memory_space<semaphore_mem>>)
      %mul3A_1460 = arith.constant 64 : i32
      %mul3A_1461 = arith.muli %add3A_903, %mul3A_1460 : i32
      %add3A_1462 = arith.constant 31 : i32
      %add3A_1463 = arith.addi %mul3A_1461, %add3A_1462 : i32
      %get3A_1464 = arith.index_cast %add3A_1463 : i32 to index
      %get3A_1465 = memref.load %arg1[%get3A_1464] : memref<1024xi32, #tpu.memory_space<smem>>
      %dma_start3A_1466 = arith.constant 31 : i32
      %dma_start3A_1467 = arith.constant 31 : i32
      %dma_start3A_1468 = tpu.memref_slice %arg10[%sub3A_901, %dma_start3A_1467] : memref<2x64x!tpu.dma_semaphore, #tpu.memory_space<semaphore_mem>> -> memref<1x1x!tpu.dma_semaphore, #tpu.memory_space<semaphore_mem>>
      %dma_start3A_1469 = tpu.memref_squeeze %dma_start3A_1468 : memref<1x1x!tpu.dma_semaphore, #tpu.memory_space<semaphore_mem>> -> memref<!tpu.dma_semaphore, #tpu.memory_space<semaphore_mem>>
      %dma_start3A_1470 = arith.constant 0 : i32
      %dma_start3A_1471 = arith.constant 0 : i32
      %dma_start3A_1472 = tpu.memref_slice %arg9[%sub3A_901, %dma_start3A_1466, %dma_start3A_1470, %dma_start3A_1471] : memref<2x64x4x512xf32, #tpu.memory_space<vmem>> -> memref<1x1x4x512xf32, #tpu.memory_space<vmem>>
      %dma_start3A_1473 = tpu.memref_squeeze %dma_start3A_1472 : memref<1x1x4x512xf32, #tpu.memory_space<vmem>> -> memref<4x512xf32, #tpu.memory_space<vmem>>
      %dma_start3A_1474 = arith.constant 0 : i32
      %dma_start3A_1475 = arith.constant 0 : i32
      %dma_start3A_1476 = tpu.memref_slice %arg7[%get3A_1465, %dma_start3A_1474, %dma_start3A_1475] : memref<100000x4x512xf32, #tpu.memory_space<any>> -> memref<1x4x512xf32, #tpu.memory_space<any>>
      %dma_start3A_1477 = tpu.memref_squeeze %dma_start3A_1476 : memref<1x4x512xf32, #tpu.memory_space<any>> -> memref<4x512xf32, #tpu.memory_space<any>>
      tpu.enqueue_dma source(%dma_start3A_1477 : memref<4x512xf32, #tpu.memory_space<any>>) target(%dma_start3A_1473 : memref<4x512xf32, #tpu.memory_space<vmem>>) target_semaphore(%dma_start3A_1469 : memref<!tpu.dma_semaphore, #tpu.memory_space<semaphore_mem>>)
      %mul3A_1478 = arith.constant 64 : i32
      %mul3A_1479 = arith.muli %add3A_903, %mul3A_1478 : i32
      %add3A_1480 = arith.constant 32 : i32
      %add3A_1481 = arith.addi %mul3A_1479, %add3A_1480 : i32
      %get3A_1482 = arith.index_cast %add3A_1481 : i32 to index
      %get3A_1483 = memref.load %arg1[%get3A_1482] : memref<1024xi32, #tpu.memory_space<smem>>
      %dma_start3A_1484 = arith.constant 32 : i32
      %dma_start3A_1485 = arith.constant 32 : i32
      %dma_start3A_1486 = tpu.memref_slice %arg10[%sub3A_901, %dma_start3A_1485] : memref<2x64x!tpu.dma_semaphore, #tpu.memory_space<semaphore_mem>> -> memref<1x1x!tpu.dma_semaphore, #tpu.memory_space<semaphore_mem>>
      %dma_start3A_1487 = tpu.memref_squeeze %dma_start3A_1486 : memref<1x1x!tpu.dma_semaphore, #tpu.memory_space<semaphore_mem>> -> memref<!tpu.dma_semaphore, #tpu.memory_space<semaphore_mem>>
      %dma_start3A_1488 = arith.constant 0 : i32
      %dma_start3A_1489 = arith.constant 0 : i32
      %dma_start3A_1490 = tpu.memref_slice %arg9[%sub3A_901, %dma_start3A_1484, %dma_start3A_1488, %dma_start3A_1489] : memref<2x64x4x512xf32, #tpu.memory_space<vmem>> -> memref<1x1x4x512xf32, #tpu.memory_space<vmem>>
      %dma_start3A_1491 = tpu.memref_squeeze %dma_start3A_1490 : memref<1x1x4x512xf32, #tpu.memory_space<vmem>> -> memref<4x512xf32, #tpu.memory_space<vmem>>
      %dma_start3A_1492 = arith.constant 0 : i32
      %dma_start3A_1493 = arith.constant 0 : i32
      %dma_start3A_1494 = tpu.memref_slice %arg7[%get3A_1483, %dma_start3A_1492, %dma_start3A_1493] : memref<100000x4x512xf32, #tpu.memory_space<any>> -> memref<1x4x512xf32, #tpu.memory_space<any>>
      %dma_start3A_1495 = tpu.memref_squeeze %dma_start3A_1494 : memref<1x4x512xf32, #tpu.memory_space<any>> -> memref<4x512xf32, #tpu.memory_space<any>>
      tpu.enqueue_dma source(%dma_start3A_1495 : memref<4x512xf32, #tpu.memory_space<any>>) target(%dma_start3A_1491 : memref<4x512xf32, #tpu.memory_space<vmem>>) target_semaphore(%dma_start3A_1487 : memref<!tpu.dma_semaphore, #tpu.memory_space<semaphore_mem>>)
      %mul3A_1496 = arith.constant 64 : i32
      %mul3A_1497 = arith.muli %add3A_903, %mul3A_1496 : i32
      %add3A_1498 = arith.constant 33 : i32
      %add3A_1499 = arith.addi %mul3A_1497, %add3A_1498 : i32
      %get3A_1500 = arith.index_cast %add3A_1499 : i32 to index
      %get3A_1501 = memref.load %arg1[%get3A_1500] : memref<1024xi32, #tpu.memory_space<smem>>
      %dma_start3A_1502 = arith.constant 33 : i32
      %dma_start3A_1503 = arith.constant 33 : i32
      %dma_start3A_1504 = tpu.memref_slice %arg10[%sub3A_901, %dma_start3A_1503] : memref<2x64x!tpu.dma_semaphore, #tpu.memory_space<semaphore_mem>> -> memref<1x1x!tpu.dma_semaphore, #tpu.memory_space<semaphore_mem>>
      %dma_start3A_1505 = tpu.memref_squeeze %dma_start3A_1504 : memref<1x1x!tpu.dma_semaphore, #tpu.memory_space<semaphore_mem>> -> memref<!tpu.dma_semaphore, #tpu.memory_space<semaphore_mem>>
      %dma_start3A_1506 = arith.constant 0 : i32
      %dma_start3A_1507 = arith.constant 0 : i32
      %dma_start3A_1508 = tpu.memref_slice %arg9[%sub3A_901, %dma_start3A_1502, %dma_start3A_1506, %dma_start3A_1507] : memref<2x64x4x512xf32, #tpu.memory_space<vmem>> -> memref<1x1x4x512xf32, #tpu.memory_space<vmem>>
      %dma_start3A_1509 = tpu.memref_squeeze %dma_start3A_1508 : memref<1x1x4x512xf32, #tpu.memory_space<vmem>> -> memref<4x512xf32, #tpu.memory_space<vmem>>
      %dma_start3A_1510 = arith.constant 0 : i32
      %dma_start3A_1511 = arith.constant 0 : i32
      %dma_start3A_1512 = tpu.memref_slice %arg7[%get3A_1501, %dma_start3A_1510, %dma_start3A_1511] : memref<100000x4x512xf32, #tpu.memory_space<any>> -> memref<1x4x512xf32, #tpu.memory_space<any>>
      %dma_start3A_1513 = tpu.memref_squeeze %dma_start3A_1512 : memref<1x4x512xf32, #tpu.memory_space<any>> -> memref<4x512xf32, #tpu.memory_space<any>>
      tpu.enqueue_dma source(%dma_start3A_1513 : memref<4x512xf32, #tpu.memory_space<any>>) target(%dma_start3A_1509 : memref<4x512xf32, #tpu.memory_space<vmem>>) target_semaphore(%dma_start3A_1505 : memref<!tpu.dma_semaphore, #tpu.memory_space<semaphore_mem>>)
      %mul3A_1514 = arith.constant 64 : i32
      %mul3A_1515 = arith.muli %add3A_903, %mul3A_1514 : i32
      %add3A_1516 = arith.constant 34 : i32
      %add3A_1517 = arith.addi %mul3A_1515, %add3A_1516 : i32
      %get3A_1518 = arith.index_cast %add3A_1517 : i32 to index
      %get3A_1519 = memref.load %arg1[%get3A_1518] : memref<1024xi32, #tpu.memory_space<smem>>
      %dma_start3A_1520 = arith.constant 34 : i32
      %dma_start3A_1521 = arith.constant 34 : i32
      %dma_start3A_1522 = tpu.memref_slice %arg10[%sub3A_901, %dma_start3A_1521] : memref<2x64x!tpu.dma_semaphore, #tpu.memory_space<semaphore_mem>> -> memref<1x1x!tpu.dma_semaphore, #tpu.memory_space<semaphore_mem>>
      %dma_start3A_1523 = tpu.memref_squeeze %dma_start3A_1522 : memref<1x1x!tpu.dma_semaphore, #tpu.memory_space<semaphore_mem>> -> memref<!tpu.dma_semaphore, #tpu.memory_space<semaphore_mem>>
      %dma_start3A_1524 = arith.constant 0 : i32
      %dma_start3A_1525 = arith.constant 0 : i32
      %dma_start3A_1526 = tpu.memref_slice %arg9[%sub3A_901, %dma_start3A_1520, %dma_start3A_1524, %dma_start3A_1525] : memref<2x64x4x512xf32, #tpu.memory_space<vmem>> -> memref<1x1x4x512xf32, #tpu.memory_space<vmem>>
      %dma_start3A_1527 = tpu.memref_squeeze %dma_start3A_1526 : memref<1x1x4x512xf32, #tpu.memory_space<vmem>> -> memref<4x512xf32, #tpu.memory_space<vmem>>
      %dma_start3A_1528 = arith.constant 0 : i32
      %dma_start3A_1529 = arith.constant 0 : i32
      %dma_start3A_1530 = tpu.memref_slice %arg7[%get3A_1519, %dma_start3A_1528, %dma_start3A_1529] : memref<100000x4x512xf32, #tpu.memory_space<any>> -> memref<1x4x512xf32, #tpu.memory_space<any>>
      %dma_start3A_1531 = tpu.memref_squeeze %dma_start3A_1530 : memref<1x4x512xf32, #tpu.memory_space<any>> -> memref<4x512xf32, #tpu.memory_space<any>>
      tpu.enqueue_dma source(%dma_start3A_1531 : memref<4x512xf32, #tpu.memory_space<any>>) target(%dma_start3A_1527 : memref<4x512xf32, #tpu.memory_space<vmem>>) target_semaphore(%dma_start3A_1523 : memref<!tpu.dma_semaphore, #tpu.memory_space<semaphore_mem>>)
      %mul3A_1532 = arith.constant 64 : i32
      %mul3A_1533 = arith.muli %add3A_903, %mul3A_1532 : i32
      %add3A_1534 = arith.constant 35 : i32
      %add3A_1535 = arith.addi %mul3A_1533, %add3A_1534 : i32
      %get3A_1536 = arith.index_cast %add3A_1535 : i32 to index
      %get3A_1537 = memref.load %arg1[%get3A_1536] : memref<1024xi32, #tpu.memory_space<smem>>
      %dma_start3A_1538 = arith.constant 35 : i32
      %dma_start3A_1539 = arith.constant 35 : i32
      %dma_start3A_1540 = tpu.memref_slice %arg10[%sub3A_901, %dma_start3A_1539] : memref<2x64x!tpu.dma_semaphore, #tpu.memory_space<semaphore_mem>> -> memref<1x1x!tpu.dma_semaphore, #tpu.memory_space<semaphore_mem>>
      %dma_start3A_1541 = tpu.memref_squeeze %dma_start3A_1540 : memref<1x1x!tpu.dma_semaphore, #tpu.memory_space<semaphore_mem>> -> memref<!tpu.dma_semaphore, #tpu.memory_space<semaphore_mem>>
      %dma_start3A_1542 = arith.constant 0 : i32
      %dma_start3A_1543 = arith.constant 0 : i32
      %dma_start3A_1544 = tpu.memref_slice %arg9[%sub3A_901, %dma_start3A_1538, %dma_start3A_1542, %dma_start3A_1543] : memref<2x64x4x512xf32, #tpu.memory_space<vmem>> -> memref<1x1x4x512xf32, #tpu.memory_space<vmem>>
      %dma_start3A_1545 = tpu.memref_squeeze %dma_start3A_1544 : memref<1x1x4x512xf32, #tpu.memory_space<vmem>> -> memref<4x512xf32, #tpu.memory_space<vmem>>
      %dma_start3A_1546 = arith.constant 0 : i32
      %dma_start3A_1547 = arith.constant 0 : i32
      %dma_start3A_1548 = tpu.memref_slice %arg7[%get3A_1537, %dma_start3A_1546, %dma_start3A_1547] : memref<100000x4x512xf32, #tpu.memory_space<any>> -> memref<1x4x512xf32, #tpu.memory_space<any>>
      %dma_start3A_1549 = tpu.memref_squeeze %dma_start3A_1548 : memref<1x4x512xf32, #tpu.memory_space<any>> -> memref<4x512xf32, #tpu.memory_space<any>>
      tpu.enqueue_dma source(%dma_start3A_1549 : memref<4x512xf32, #tpu.memory_space<any>>) target(%dma_start3A_1545 : memref<4x512xf32, #tpu.memory_space<vmem>>) target_semaphore(%dma_start3A_1541 : memref<!tpu.dma_semaphore, #tpu.memory_space<semaphore_mem>>)
      %mul3A_1550 = arith.constant 64 : i32
      %mul3A_1551 = arith.muli %add3A_903, %mul3A_1550 : i32
      %add3A_1552 = arith.constant 36 : i32
      %add3A_1553 = arith.addi %mul3A_1551, %add3A_1552 : i32
      %get3A_1554 = arith.index_cast %add3A_1553 : i32 to index
      %get3A_1555 = memref.load %arg1[%get3A_1554] : memref<1024xi32, #tpu.memory_space<smem>>
      %dma_start3A_1556 = arith.constant 36 : i32
      %dma_start3A_1557 = arith.constant 36 : i32
      %dma_start3A_1558 = tpu.memref_slice %arg10[%sub3A_901, %dma_start3A_1557] : memref<2x64x!tpu.dma_semaphore, #tpu.memory_space<semaphore_mem>> -> memref<1x1x!tpu.dma_semaphore, #tpu.memory_space<semaphore_mem>>
      %dma_start3A_1559 = tpu.memref_squeeze %dma_start3A_1558 : memref<1x1x!tpu.dma_semaphore, #tpu.memory_space<semaphore_mem>> -> memref<!tpu.dma_semaphore, #tpu.memory_space<semaphore_mem>>
      %dma_start3A_1560 = arith.constant 0 : i32
      %dma_start3A_1561 = arith.constant 0 : i32
      %dma_start3A_1562 = tpu.memref_slice %arg9[%sub3A_901, %dma_start3A_1556, %dma_start3A_1560, %dma_start3A_1561] : memref<2x64x4x512xf32, #tpu.memory_space<vmem>> -> memref<1x1x4x512xf32, #tpu.memory_space<vmem>>
      %dma_start3A_1563 = tpu.memref_squeeze %dma_start3A_1562 : memref<1x1x4x512xf32, #tpu.memory_space<vmem>> -> memref<4x512xf32, #tpu.memory_space<vmem>>
      %dma_start3A_1564 = arith.constant 0 : i32
      %dma_start3A_1565 = arith.constant 0 : i32
      %dma_start3A_1566 = tpu.memref_slice %arg7[%get3A_1555, %dma_start3A_1564, %dma_start3A_1565] : memref<100000x4x512xf32, #tpu.memory_space<any>> -> memref<1x4x512xf32, #tpu.memory_space<any>>
      %dma_start3A_1567 = tpu.memref_squeeze %dma_start3A_1566 : memref<1x4x512xf32, #tpu.memory_space<any>> -> memref<4x512xf32, #tpu.memory_space<any>>
      tpu.enqueue_dma source(%dma_start3A_1567 : memref<4x512xf32, #tpu.memory_space<any>>) target(%dma_start3A_1563 : memref<4x512xf32, #tpu.memory_space<vmem>>) target_semaphore(%dma_start3A_1559 : memref<!tpu.dma_semaphore, #tpu.memory_space<semaphore_mem>>)
      %mul3A_1568 = arith.constant 64 : i32
      %mul3A_1569 = arith.muli %add3A_903, %mul3A_1568 : i32
      %add3A_1570 = arith.constant 37 : i32
      %add3A_1571 = arith.addi %mul3A_1569, %add3A_1570 : i32
      %get3A_1572 = arith.index_cast %add3A_1571 : i32 to index
      %get3A_1573 = memref.load %arg1[%get3A_1572] : memref<1024xi32, #tpu.memory_space<smem>>
      %dma_start3A_1574 = arith.constant 37 : i32
      %dma_start3A_1575 = arith.constant 37 : i32
      %dma_start3A_1576 = tpu.memref_slice %arg10[%sub3A_901, %dma_start3A_1575] : memref<2x64x!tpu.dma_semaphore, #tpu.memory_space<semaphore_mem>> -> memref<1x1x!tpu.dma_semaphore, #tpu.memory_space<semaphore_mem>>
      %dma_start3A_1577 = tpu.memref_squeeze %dma_start3A_1576 : memref<1x1x!tpu.dma_semaphore, #tpu.memory_space<semaphore_mem>> -> memref<!tpu.dma_semaphore, #tpu.memory_space<semaphore_mem>>
      %dma_start3A_1578 = arith.constant 0 : i32
      %dma_start3A_1579 = arith.constant 0 : i32
      %dma_start3A_1580 = tpu.memref_slice %arg9[%sub3A_901, %dma_start3A_1574, %dma_start3A_1578, %dma_start3A_1579] : memref<2x64x4x512xf32, #tpu.memory_space<vmem>> -> memref<1x1x4x512xf32, #tpu.memory_space<vmem>>
      %dma_start3A_1581 = tpu.memref_squeeze %dma_start3A_1580 : memref<1x1x4x512xf32, #tpu.memory_space<vmem>> -> memref<4x512xf32, #tpu.memory_space<vmem>>
      %dma_start3A_1582 = arith.constant 0 : i32
      %dma_start3A_1583 = arith.constant 0 : i32
      %dma_start3A_1584 = tpu.memref_slice %arg7[%get3A_1573, %dma_start3A_1582, %dma_start3A_1583] : memref<100000x4x512xf32, #tpu.memory_space<any>> -> memref<1x4x512xf32, #tpu.memory_space<any>>
      %dma_start3A_1585 = tpu.memref_squeeze %dma_start3A_1584 : memref<1x4x512xf32, #tpu.memory_space<any>> -> memref<4x512xf32, #tpu.memory_space<any>>
      tpu.enqueue_dma source(%dma_start3A_1585 : memref<4x512xf32, #tpu.memory_space<any>>) target(%dma_start3A_1581 : memref<4x512xf32, #tpu.memory_space<vmem>>) target_semaphore(%dma_start3A_1577 : memref<!tpu.dma_semaphore, #tpu.memory_space<semaphore_mem>>)
      %mul3A_1586 = arith.constant 64 : i32
      %mul3A_1587 = arith.muli %add3A_903, %mul3A_1586 : i32
      %add3A_1588 = arith.constant 38 : i32
      %add3A_1589 = arith.addi %mul3A_1587, %add3A_1588 : i32
      %get3A_1590 = arith.index_cast %add3A_1589 : i32 to index
      %get3A_1591 = memref.load %arg1[%get3A_1590] : memref<1024xi32, #tpu.memory_space<smem>>
      %dma_start3A_1592 = arith.constant 38 : i32
      %dma_start3A_1593 = arith.constant 38 : i32
      %dma_start3A_1594 = tpu.memref_slice %arg10[%sub3A_901, %dma_start3A_1593] : memref<2x64x!tpu.dma_semaphore, #tpu.memory_space<semaphore_mem>> -> memref<1x1x!tpu.dma_semaphore, #tpu.memory_space<semaphore_mem>>
      %dma_start3A_1595 = tpu.memref_squeeze %dma_start3A_1594 : memref<1x1x!tpu.dma_semaphore, #tpu.memory_space<semaphore_mem>> -> memref<!tpu.dma_semaphore, #tpu.memory_space<semaphore_mem>>
      %dma_start3A_1596 = arith.constant 0 : i32
      %dma_start3A_1597 = arith.constant 0 : i32
      %dma_start3A_1598 = tpu.memref_slice %arg9[%sub3A_901, %dma_start3A_1592, %dma_start3A_1596, %dma_start3A_1597] : memref<2x64x4x512xf32, #tpu.memory_space<vmem>> -> memref<1x1x4x512xf32, #tpu.memory_space<vmem>>
      %dma_start3A_1599 = tpu.memref_squeeze %dma_start3A_1598 : memref<1x1x4x512xf32, #tpu.memory_space<vmem>> -> memref<4x512xf32, #tpu.memory_space<vmem>>
      %dma_start3A_1600 = arith.constant 0 : i32
      %dma_start3A_1601 = arith.constant 0 : i32
      %dma_start3A_1602 = tpu.memref_slice %arg7[%get3A_1591, %dma_start3A_1600, %dma_start3A_1601] : memref<100000x4x512xf32, #tpu.memory_space<any>> -> memref<1x4x512xf32, #tpu.memory_space<any>>
      %dma_start3A_1603 = tpu.memref_squeeze %dma_start3A_1602 : memref<1x4x512xf32, #tpu.memory_space<any>> -> memref<4x512xf32, #tpu.memory_space<any>>
      tpu.enqueue_dma source(%dma_start3A_1603 : memref<4x512xf32, #tpu.memory_space<any>>) target(%dma_start3A_1599 : memref<4x512xf32, #tpu.memory_space<vmem>>) target_semaphore(%dma_start3A_1595 : memref<!tpu.dma_semaphore, #tpu.memory_space<semaphore_mem>>)
      %mul3A_1604 = arith.constant 64 : i32
      %mul3A_1605 = arith.muli %add3A_903, %mul3A_1604 : i32
      %add3A_1606 = arith.constant 39 : i32
      %add3A_1607 = arith.addi %mul3A_1605, %add3A_1606 : i32
      %get3A_1608 = arith.index_cast %add3A_1607 : i32 to index
      %get3A_1609 = memref.load %arg1[%get3A_1608] : memref<1024xi32, #tpu.memory_space<smem>>
      %dma_start3A_1610 = arith.constant 39 : i32
      %dma_start3A_1611 = arith.constant 39 : i32
      %dma_start3A_1612 = tpu.memref_slice %arg10[%sub3A_901, %dma_start3A_1611] : memref<2x64x!tpu.dma_semaphore, #tpu.memory_space<semaphore_mem>> -> memref<1x1x!tpu.dma_semaphore, #tpu.memory_space<semaphore_mem>>
      %dma_start3A_1613 = tpu.memref_squeeze %dma_start3A_1612 : memref<1x1x!tpu.dma_semaphore, #tpu.memory_space<semaphore_mem>> -> memref<!tpu.dma_semaphore, #tpu.memory_space<semaphore_mem>>
      %dma_start3A_1614 = arith.constant 0 : i32
      %dma_start3A_1615 = arith.constant 0 : i32
      %dma_start3A_1616 = tpu.memref_slice %arg9[%sub3A_901, %dma_start3A_1610, %dma_start3A_1614, %dma_start3A_1615] : memref<2x64x4x512xf32, #tpu.memory_space<vmem>> -> memref<1x1x4x512xf32, #tpu.memory_space<vmem>>
      %dma_start3A_1617 = tpu.memref_squeeze %dma_start3A_1616 : memref<1x1x4x512xf32, #tpu.memory_space<vmem>> -> memref<4x512xf32, #tpu.memory_space<vmem>>
      %dma_start3A_1618 = arith.constant 0 : i32
      %dma_start3A_1619 = arith.constant 0 : i32
      %dma_start3A_1620 = tpu.memref_slice %arg7[%get3A_1609, %dma_start3A_1618, %dma_start3A_1619] : memref<100000x4x512xf32, #tpu.memory_space<any>> -> memref<1x4x512xf32, #tpu.memory_space<any>>
      %dma_start3A_1621 = tpu.memref_squeeze %dma_start3A_1620 : memref<1x4x512xf32, #tpu.memory_space<any>> -> memref<4x512xf32, #tpu.memory_space<any>>
      tpu.enqueue_dma source(%dma_start3A_1621 : memref<4x512xf32, #tpu.memory_space<any>>) target(%dma_start3A_1617 : memref<4x512xf32, #tpu.memory_space<vmem>>) target_semaphore(%dma_start3A_1613 : memref<!tpu.dma_semaphore, #tpu.memory_space<semaphore_mem>>)
      %mul3A_1622 = arith.constant 64 : i32
      %mul3A_1623 = arith.muli %add3A_903, %mul3A_1622 : i32
      %add3A_1624 = arith.constant 40 : i32
      %add3A_1625 = arith.addi %mul3A_1623, %add3A_1624 : i32
      %get3A_1626 = arith.index_cast %add3A_1625 : i32 to index
      %get3A_1627 = memref.load %arg1[%get3A_1626] : memref<1024xi32, #tpu.memory_space<smem>>
      %dma_start3A_1628 = arith.constant 40 : i32
      %dma_start3A_1629 = arith.constant 40 : i32
      %dma_start3A_1630 = tpu.memref_slice %arg10[%sub3A_901, %dma_start3A_1629] : memref<2x64x!tpu.dma_semaphore, #tpu.memory_space<semaphore_mem>> -> memref<1x1x!tpu.dma_semaphore, #tpu.memory_space<semaphore_mem>>
      %dma_start3A_1631 = tpu.memref_squeeze %dma_start3A_1630 : memref<1x1x!tpu.dma_semaphore, #tpu.memory_space<semaphore_mem>> -> memref<!tpu.dma_semaphore, #tpu.memory_space<semaphore_mem>>
      %dma_start3A_1632 = arith.constant 0 : i32
      %dma_start3A_1633 = arith.constant 0 : i32
      %dma_start3A_1634 = tpu.memref_slice %arg9[%sub3A_901, %dma_start3A_1628, %dma_start3A_1632, %dma_start3A_1633] : memref<2x64x4x512xf32, #tpu.memory_space<vmem>> -> memref<1x1x4x512xf32, #tpu.memory_space<vmem>>
      %dma_start3A_1635 = tpu.memref_squeeze %dma_start3A_1634 : memref<1x1x4x512xf32, #tpu.memory_space<vmem>> -> memref<4x512xf32, #tpu.memory_space<vmem>>
      %dma_start3A_1636 = arith.constant 0 : i32
      %dma_start3A_1637 = arith.constant 0 : i32
      %dma_start3A_1638 = tpu.memref_slice %arg7[%get3A_1627, %dma_start3A_1636, %dma_start3A_1637] : memref<100000x4x512xf32, #tpu.memory_space<any>> -> memref<1x4x512xf32, #tpu.memory_space<any>>
      %dma_start3A_1639 = tpu.memref_squeeze %dma_start3A_1638 : memref<1x4x512xf32, #tpu.memory_space<any>> -> memref<4x512xf32, #tpu.memory_space<any>>
      tpu.enqueue_dma source(%dma_start3A_1639 : memref<4x512xf32, #tpu.memory_space<any>>) target(%dma_start3A_1635 : memref<4x512xf32, #tpu.memory_space<vmem>>) target_semaphore(%dma_start3A_1631 : memref<!tpu.dma_semaphore, #tpu.memory_space<semaphore_mem>>)
      %mul3A_1640 = arith.constant 64 : i32
      %mul3A_1641 = arith.muli %add3A_903, %mul3A_1640 : i32
      %add3A_1642 = arith.constant 41 : i32
      %add3A_1643 = arith.addi %mul3A_1641, %add3A_1642 : i32
      %get3A_1644 = arith.index_cast %add3A_1643 : i32 to index
      %get3A_1645 = memref.load %arg1[%get3A_1644] : memref<1024xi32, #tpu.memory_space<smem>>
      %dma_start3A_1646 = arith.constant 41 : i32
      %dma_start3A_1647 = arith.constant 41 : i32
      %dma_start3A_1648 = tpu.memref_slice %arg10[%sub3A_901, %dma_start3A_1647] : memref<2x64x!tpu.dma_semaphore, #tpu.memory_space<semaphore_mem>> -> memref<1x1x!tpu.dma_semaphore, #tpu.memory_space<semaphore_mem>>
      %dma_start3A_1649 = tpu.memref_squeeze %dma_start3A_1648 : memref<1x1x!tpu.dma_semaphore, #tpu.memory_space<semaphore_mem>> -> memref<!tpu.dma_semaphore, #tpu.memory_space<semaphore_mem>>
      %dma_start3A_1650 = arith.constant 0 : i32
      %dma_start3A_1651 = arith.constant 0 : i32
      %dma_start3A_1652 = tpu.memref_slice %arg9[%sub3A_901, %dma_start3A_1646, %dma_start3A_1650, %dma_start3A_1651] : memref<2x64x4x512xf32, #tpu.memory_space<vmem>> -> memref<1x1x4x512xf32, #tpu.memory_space<vmem>>
      %dma_start3A_1653 = tpu.memref_squeeze %dma_start3A_1652 : memref<1x1x4x512xf32, #tpu.memory_space<vmem>> -> memref<4x512xf32, #tpu.memory_space<vmem>>
      %dma_start3A_1654 = arith.constant 0 : i32
      %dma_start3A_1655 = arith.constant 0 : i32
      %dma_start3A_1656 = tpu.memref_slice %arg7[%get3A_1645, %dma_start3A_1654, %dma_start3A_1655] : memref<100000x4x512xf32, #tpu.memory_space<any>> -> memref<1x4x512xf32, #tpu.memory_space<any>>
      %dma_start3A_1657 = tpu.memref_squeeze %dma_start3A_1656 : memref<1x4x512xf32, #tpu.memory_space<any>> -> memref<4x512xf32, #tpu.memory_space<any>>
      tpu.enqueue_dma source(%dma_start3A_1657 : memref<4x512xf32, #tpu.memory_space<any>>) target(%dma_start3A_1653 : memref<4x512xf32, #tpu.memory_space<vmem>>) target_semaphore(%dma_start3A_1649 : memref<!tpu.dma_semaphore, #tpu.memory_space<semaphore_mem>>)
      %mul3A_1658 = arith.constant 64 : i32
      %mul3A_1659 = arith.muli %add3A_903, %mul3A_1658 : i32
      %add3A_1660 = arith.constant 42 : i32
      %add3A_1661 = arith.addi %mul3A_1659, %add3A_1660 : i32
      %get3A_1662 = arith.index_cast %add3A_1661 : i32 to index
      %get3A_1663 = memref.load %arg1[%get3A_1662] : memref<1024xi32, #tpu.memory_space<smem>>
      %dma_start3A_1664 = arith.constant 42 : i32
      %dma_start3A_1665 = arith.constant 42 : i32
      %dma_start3A_1666 = tpu.memref_slice %arg10[%sub3A_901, %dma_start3A_1665] : memref<2x64x!tpu.dma_semaphore, #tpu.memory_space<semaphore_mem>> -> memref<1x1x!tpu.dma_semaphore, #tpu.memory_space<semaphore_mem>>
      %dma_start3A_1667 = tpu.memref_squeeze %dma_start3A_1666 : memref<1x1x!tpu.dma_semaphore, #tpu.memory_space<semaphore_mem>> -> memref<!tpu.dma_semaphore, #tpu.memory_space<semaphore_mem>>
      %dma_start3A_1668 = arith.constant 0 : i32
      %dma_start3A_1669 = arith.constant 0 : i32
      %dma_start3A_1670 = tpu.memref_slice %arg9[%sub3A_901, %dma_start3A_1664, %dma_start3A_1668, %dma_start3A_1669] : memref<2x64x4x512xf32, #tpu.memory_space<vmem>> -> memref<1x1x4x512xf32, #tpu.memory_space<vmem>>
      %dma_start3A_1671 = tpu.memref_squeeze %dma_start3A_1670 : memref<1x1x4x512xf32, #tpu.memory_space<vmem>> -> memref<4x512xf32, #tpu.memory_space<vmem>>
      %dma_start3A_1672 = arith.constant 0 : i32
      %dma_start3A_1673 = arith.constant 0 : i32
      %dma_start3A_1674 = tpu.memref_slice %arg7[%get3A_1663, %dma_start3A_1672, %dma_start3A_1673] : memref<100000x4x512xf32, #tpu.memory_space<any>> -> memref<1x4x512xf32, #tpu.memory_space<any>>
      %dma_start3A_1675 = tpu.memref_squeeze %dma_start3A_1674 : memref<1x4x512xf32, #tpu.memory_space<any>> -> memref<4x512xf32, #tpu.memory_space<any>>
      tpu.enqueue_dma source(%dma_start3A_1675 : memref<4x512xf32, #tpu.memory_space<any>>) target(%dma_start3A_1671 : memref<4x512xf32, #tpu.memory_space<vmem>>) target_semaphore(%dma_start3A_1667 : memref<!tpu.dma_semaphore, #tpu.memory_space<semaphore_mem>>)
      %mul3A_1676 = arith.constant 64 : i32
      %mul3A_1677 = arith.muli %add3A_903, %mul3A_1676 : i32
      %add3A_1678 = arith.constant 43 : i32
      %add3A_1679 = arith.addi %mul3A_1677, %add3A_1678 : i32
      %get3A_1680 = arith.index_cast %add3A_1679 : i32 to index
      %get3A_1681 = memref.load %arg1[%get3A_1680] : memref<1024xi32, #tpu.memory_space<smem>>
      %dma_start3A_1682 = arith.constant 43 : i32
      %dma_start3A_1683 = arith.constant 43 : i32
      %dma_start3A_1684 = tpu.memref_slice %arg10[%sub3A_901, %dma_start3A_1683] : memref<2x64x!tpu.dma_semaphore, #tpu.memory_space<semaphore_mem>> -> memref<1x1x!tpu.dma_semaphore, #tpu.memory_space<semaphore_mem>>
      %dma_start3A_1685 = tpu.memref_squeeze %dma_start3A_1684 : memref<1x1x!tpu.dma_semaphore, #tpu.memory_space<semaphore_mem>> -> memref<!tpu.dma_semaphore, #tpu.memory_space<semaphore_mem>>
      %dma_start3A_1686 = arith.constant 0 : i32
      %dma_start3A_1687 = arith.constant 0 : i32
      %dma_start3A_1688 = tpu.memref_slice %arg9[%sub3A_901, %dma_start3A_1682, %dma_start3A_1686, %dma_start3A_1687] : memref<2x64x4x512xf32, #tpu.memory_space<vmem>> -> memref<1x1x4x512xf32, #tpu.memory_space<vmem>>
      %dma_start3A_1689 = tpu.memref_squeeze %dma_start3A_1688 : memref<1x1x4x512xf32, #tpu.memory_space<vmem>> -> memref<4x512xf32, #tpu.memory_space<vmem>>
      %dma_start3A_1690 = arith.constant 0 : i32
      %dma_start3A_1691 = arith.constant 0 : i32
      %dma_start3A_1692 = tpu.memref_slice %arg7[%get3A_1681, %dma_start3A_1690, %dma_start3A_1691] : memref<100000x4x512xf32, #tpu.memory_space<any>> -> memref<1x4x512xf32, #tpu.memory_space<any>>
      %dma_start3A_1693 = tpu.memref_squeeze %dma_start3A_1692 : memref<1x4x512xf32, #tpu.memory_space<any>> -> memref<4x512xf32, #tpu.memory_space<any>>
      tpu.enqueue_dma source(%dma_start3A_1693 : memref<4x512xf32, #tpu.memory_space<any>>) target(%dma_start3A_1689 : memref<4x512xf32, #tpu.memory_space<vmem>>) target_semaphore(%dma_start3A_1685 : memref<!tpu.dma_semaphore, #tpu.memory_space<semaphore_mem>>)
      %mul3A_1694 = arith.constant 64 : i32
      %mul3A_1695 = arith.muli %add3A_903, %mul3A_1694 : i32
      %add3A_1696 = arith.constant 44 : i32
      %add3A_1697 = arith.addi %mul3A_1695, %add3A_1696 : i32
      %get3A_1698 = arith.index_cast %add3A_1697 : i32 to index
      %get3A_1699 = memref.load %arg1[%get3A_1698] : memref<1024xi32, #tpu.memory_space<smem>>
      %dma_start3A_1700 = arith.constant 44 : i32
      %dma_start3A_1701 = arith.constant 44 : i32
      %dma_start3A_1702 = tpu.memref_slice %arg10[%sub3A_901, %dma_start3A_1701] : memref<2x64x!tpu.dma_semaphore, #tpu.memory_space<semaphore_mem>> -> memref<1x1x!tpu.dma_semaphore, #tpu.memory_space<semaphore_mem>>
      %dma_start3A_1703 = tpu.memref_squeeze %dma_start3A_1702 : memref<1x1x!tpu.dma_semaphore, #tpu.memory_space<semaphore_mem>> -> memref<!tpu.dma_semaphore, #tpu.memory_space<semaphore_mem>>
      %dma_start3A_1704 = arith.constant 0 : i32
      %dma_start3A_1705 = arith.constant 0 : i32
      %dma_start3A_1706 = tpu.memref_slice %arg9[%sub3A_901, %dma_start3A_1700, %dma_start3A_1704, %dma_start3A_1705] : memref<2x64x4x512xf32, #tpu.memory_space<vmem>> -> memref<1x1x4x512xf32, #tpu.memory_space<vmem>>
      %dma_start3A_1707 = tpu.memref_squeeze %dma_start3A_1706 : memref<1x1x4x512xf32, #tpu.memory_space<vmem>> -> memref<4x512xf32, #tpu.memory_space<vmem>>
      %dma_start3A_1708 = arith.constant 0 : i32
      %dma_start3A_1709 = arith.constant 0 : i32
      %dma_start3A_1710 = tpu.memref_slice %arg7[%get3A_1699, %dma_start3A_1708, %dma_start3A_1709] : memref<100000x4x512xf32, #tpu.memory_space<any>> -> memref<1x4x512xf32, #tpu.memory_space<any>>
      %dma_start3A_1711 = tpu.memref_squeeze %dma_start3A_1710 : memref<1x4x512xf32, #tpu.memory_space<any>> -> memref<4x512xf32, #tpu.memory_space<any>>
      tpu.enqueue_dma source(%dma_start3A_1711 : memref<4x512xf32, #tpu.memory_space<any>>) target(%dma_start3A_1707 : memref<4x512xf32, #tpu.memory_space<vmem>>) target_semaphore(%dma_start3A_1703 : memref<!tpu.dma_semaphore, #tpu.memory_space<semaphore_mem>>)
      %mul3A_1712 = arith.constant 64 : i32
      %mul3A_1713 = arith.muli %add3A_903, %mul3A_1712 : i32
      %add3A_1714 = arith.constant 45 : i32
      %add3A_1715 = arith.addi %mul3A_1713, %add3A_1714 : i32
      %get3A_1716 = arith.index_cast %add3A_1715 : i32 to index
      %get3A_1717 = memref.load %arg1[%get3A_1716] : memref<1024xi32, #tpu.memory_space<smem>>
      %dma_start3A_1718 = arith.constant 45 : i32
      %dma_start3A_1719 = arith.constant 45 : i32
      %dma_start3A_1720 = tpu.memref_slice %arg10[%sub3A_901, %dma_start3A_1719] : memref<2x64x!tpu.dma_semaphore, #tpu.memory_space<semaphore_mem>> -> memref<1x1x!tpu.dma_semaphore, #tpu.memory_space<semaphore_mem>>
      %dma_start3A_1721 = tpu.memref_squeeze %dma_start3A_1720 : memref<1x1x!tpu.dma_semaphore, #tpu.memory_space<semaphore_mem>> -> memref<!tpu.dma_semaphore, #tpu.memory_space<semaphore_mem>>
      %dma_start3A_1722 = arith.constant 0 : i32
      %dma_start3A_1723 = arith.constant 0 : i32
      %dma_start3A_1724 = tpu.memref_slice %arg9[%sub3A_901, %dma_start3A_1718, %dma_start3A_1722, %dma_start3A_1723] : memref<2x64x4x512xf32, #tpu.memory_space<vmem>> -> memref<1x1x4x512xf32, #tpu.memory_space<vmem>>
      %dma_start3A_1725 = tpu.memref_squeeze %dma_start3A_1724 : memref<1x1x4x512xf32, #tpu.memory_space<vmem>> -> memref<4x512xf32, #tpu.memory_space<vmem>>
      %dma_start3A_1726 = arith.constant 0 : i32
      %dma_start3A_1727 = arith.constant 0 : i32
      %dma_start3A_1728 = tpu.memref_slice %arg7[%get3A_1717, %dma_start3A_1726, %dma_start3A_1727] : memref<100000x4x512xf32, #tpu.memory_space<any>> -> memref<1x4x512xf32, #tpu.memory_space<any>>
      %dma_start3A_1729 = tpu.memref_squeeze %dma_start3A_1728 : memref<1x4x512xf32, #tpu.memory_space<any>> -> memref<4x512xf32, #tpu.memory_space<any>>
      tpu.enqueue_dma source(%dma_start3A_1729 : memref<4x512xf32, #tpu.memory_space<any>>) target(%dma_start3A_1725 : memref<4x512xf32, #tpu.memory_space<vmem>>) target_semaphore(%dma_start3A_1721 : memref<!tpu.dma_semaphore, #tpu.memory_space<semaphore_mem>>)
      %mul3A_1730 = arith.constant 64 : i32
      %mul3A_1731 = arith.muli %add3A_903, %mul3A_1730 : i32
      %add3A_1732 = arith.constant 46 : i32
      %add3A_1733 = arith.addi %mul3A_1731, %add3A_1732 : i32
      %get3A_1734 = arith.index_cast %add3A_1733 : i32 to index
      %get3A_1735 = memref.load %arg1[%get3A_1734] : memref<1024xi32, #tpu.memory_space<smem>>
      %dma_start3A_1736 = arith.constant 46 : i32
      %dma_start3A_1737 = arith.constant 46 : i32
      %dma_start3A_1738 = tpu.memref_slice %arg10[%sub3A_901, %dma_start3A_1737] : memref<2x64x!tpu.dma_semaphore, #tpu.memory_space<semaphore_mem>> -> memref<1x1x!tpu.dma_semaphore, #tpu.memory_space<semaphore_mem>>
      %dma_start3A_1739 = tpu.memref_squeeze %dma_start3A_1738 : memref<1x1x!tpu.dma_semaphore, #tpu.memory_space<semaphore_mem>> -> memref<!tpu.dma_semaphore, #tpu.memory_space<semaphore_mem>>
      %dma_start3A_1740 = arith.constant 0 : i32
      %dma_start3A_1741 = arith.constant 0 : i32
      %dma_start3A_1742 = tpu.memref_slice %arg9[%sub3A_901, %dma_start3A_1736, %dma_start3A_1740, %dma_start3A_1741] : memref<2x64x4x512xf32, #tpu.memory_space<vmem>> -> memref<1x1x4x512xf32, #tpu.memory_space<vmem>>
      %dma_start3A_1743 = tpu.memref_squeeze %dma_start3A_1742 : memref<1x1x4x512xf32, #tpu.memory_space<vmem>> -> memref<4x512xf32, #tpu.memory_space<vmem>>
      %dma_start3A_1744 = arith.constant 0 : i32
      %dma_start3A_1745 = arith.constant 0 : i32
      %dma_start3A_1746 = tpu.memref_slice %arg7[%get3A_1735, %dma_start3A_1744, %dma_start3A_1745] : memref<100000x4x512xf32, #tpu.memory_space<any>> -> memref<1x4x512xf32, #tpu.memory_space<any>>
      %dma_start3A_1747 = tpu.memref_squeeze %dma_start3A_1746 : memref<1x4x512xf32, #tpu.memory_space<any>> -> memref<4x512xf32, #tpu.memory_space<any>>
      tpu.enqueue_dma source(%dma_start3A_1747 : memref<4x512xf32, #tpu.memory_space<any>>) target(%dma_start3A_1743 : memref<4x512xf32, #tpu.memory_space<vmem>>) target_semaphore(%dma_start3A_1739 : memref<!tpu.dma_semaphore, #tpu.memory_space<semaphore_mem>>)
      %mul3A_1748 = arith.constant 64 : i32
      %mul3A_1749 = arith.muli %add3A_903, %mul3A_1748 : i32
      %add3A_1750 = arith.constant 47 : i32
      %add3A_1751 = arith.addi %mul3A_1749, %add3A_1750 : i32
      %get3A_1752 = arith.index_cast %add3A_1751 : i32 to index
      %get3A_1753 = memref.load %arg1[%get3A_1752] : memref<1024xi32, #tpu.memory_space<smem>>
      %dma_start3A_1754 = arith.constant 47 : i32
      %dma_start3A_1755 = arith.constant 47 : i32
      %dma_start3A_1756 = tpu.memref_slice %arg10[%sub3A_901, %dma_start3A_1755] : memref<2x64x!tpu.dma_semaphore, #tpu.memory_space<semaphore_mem>> -> memref<1x1x!tpu.dma_semaphore, #tpu.memory_space<semaphore_mem>>
      %dma_start3A_1757 = tpu.memref_squeeze %dma_start3A_1756 : memref<1x1x!tpu.dma_semaphore, #tpu.memory_space<semaphore_mem>> -> memref<!tpu.dma_semaphore, #tpu.memory_space<semaphore_mem>>
      %dma_start3A_1758 = arith.constant 0 : i32
      %dma_start3A_1759 = arith.constant 0 : i32
      %dma_start3A_1760 = tpu.memref_slice %arg9[%sub3A_901, %dma_start3A_1754, %dma_start3A_1758, %dma_start3A_1759] : memref<2x64x4x512xf32, #tpu.memory_space<vmem>> -> memref<1x1x4x512xf32, #tpu.memory_space<vmem>>
      %dma_start3A_1761 = tpu.memref_squeeze %dma_start3A_1760 : memref<1x1x4x512xf32, #tpu.memory_space<vmem>> -> memref<4x512xf32, #tpu.memory_space<vmem>>
      %dma_start3A_1762 = arith.constant 0 : i32
      %dma_start3A_1763 = arith.constant 0 : i32
      %dma_start3A_1764 = tpu.memref_slice %arg7[%get3A_1753, %dma_start3A_1762, %dma_start3A_1763] : memref<100000x4x512xf32, #tpu.memory_space<any>> -> memref<1x4x512xf32, #tpu.memory_space<any>>
      %dma_start3A_1765 = tpu.memref_squeeze %dma_start3A_1764 : memref<1x4x512xf32, #tpu.memory_space<any>> -> memref<4x512xf32, #tpu.memory_space<any>>
      tpu.enqueue_dma source(%dma_start3A_1765 : memref<4x512xf32, #tpu.memory_space<any>>) target(%dma_start3A_1761 : memref<4x512xf32, #tpu.memory_space<vmem>>) target_semaphore(%dma_start3A_1757 : memref<!tpu.dma_semaphore, #tpu.memory_space<semaphore_mem>>)
      %mul3A_1766 = arith.constant 64 : i32
      %mul3A_1767 = arith.muli %add3A_903, %mul3A_1766 : i32
      %add3A_1768 = arith.constant 48 : i32
      %add3A_1769 = arith.addi %mul3A_1767, %add3A_1768 : i32
      %get3A_1770 = arith.index_cast %add3A_1769 : i32 to index
      %get3A_1771 = memref.load %arg1[%get3A_1770] : memref<1024xi32, #tpu.memory_space<smem>>
      %dma_start3A_1772 = arith.constant 48 : i32
      %dma_start3A_1773 = arith.constant 48 : i32
      %dma_start3A_1774 = tpu.memref_slice %arg10[%sub3A_901, %dma_start3A_1773] : memref<2x64x!tpu.dma_semaphore, #tpu.memory_space<semaphore_mem>> -> memref<1x1x!tpu.dma_semaphore, #tpu.memory_space<semaphore_mem>>
      %dma_start3A_1775 = tpu.memref_squeeze %dma_start3A_1774 : memref<1x1x!tpu.dma_semaphore, #tpu.memory_space<semaphore_mem>> -> memref<!tpu.dma_semaphore, #tpu.memory_space<semaphore_mem>>
      %dma_start3A_1776 = arith.constant 0 : i32
      %dma_start3A_1777 = arith.constant 0 : i32
      %dma_start3A_1778 = tpu.memref_slice %arg9[%sub3A_901, %dma_start3A_1772, %dma_start3A_1776, %dma_start3A_1777] : memref<2x64x4x512xf32, #tpu.memory_space<vmem>> -> memref<1x1x4x512xf32, #tpu.memory_space<vmem>>
      %dma_start3A_1779 = tpu.memref_squeeze %dma_start3A_1778 : memref<1x1x4x512xf32, #tpu.memory_space<vmem>> -> memref<4x512xf32, #tpu.memory_space<vmem>>
      %dma_start3A_1780 = arith.constant 0 : i32
      %dma_start3A_1781 = arith.constant 0 : i32
      %dma_start3A_1782 = tpu.memref_slice %arg7[%get3A_1771, %dma_start3A_1780, %dma_start3A_1781] : memref<100000x4x512xf32, #tpu.memory_space<any>> -> memref<1x4x512xf32, #tpu.memory_space<any>>
      %dma_start3A_1783 = tpu.memref_squeeze %dma_start3A_1782 : memref<1x4x512xf32, #tpu.memory_space<any>> -> memref<4x512xf32, #tpu.memory_space<any>>
      tpu.enqueue_dma source(%dma_start3A_1783 : memref<4x512xf32, #tpu.memory_space<any>>) target(%dma_start3A_1779 : memref<4x512xf32, #tpu.memory_space<vmem>>) target_semaphore(%dma_start3A_1775 : memref<!tpu.dma_semaphore, #tpu.memory_space<semaphore_mem>>)
      %mul3A_1784 = arith.constant 64 : i32
      %mul3A_1785 = arith.muli %add3A_903, %mul3A_1784 : i32
      %add3A_1786 = arith.constant 49 : i32
      %add3A_1787 = arith.addi %mul3A_1785, %add3A_1786 : i32
      %get3A_1788 = arith.index_cast %add3A_1787 : i32 to index
      %get3A_1789 = memref.load %arg1[%get3A_1788] : memref<1024xi32, #tpu.memory_space<smem>>
      %dma_start3A_1790 = arith.constant 49 : i32
      %dma_start3A_1791 = arith.constant 49 : i32
      %dma_start3A_1792 = tpu.memref_slice %arg10[%sub3A_901, %dma_start3A_1791] : memref<2x64x!tpu.dma_semaphore, #tpu.memory_space<semaphore_mem>> -> memref<1x1x!tpu.dma_semaphore, #tpu.memory_space<semaphore_mem>>
      %dma_start3A_1793 = tpu.memref_squeeze %dma_start3A_1792 : memref<1x1x!tpu.dma_semaphore, #tpu.memory_space<semaphore_mem>> -> memref<!tpu.dma_semaphore, #tpu.memory_space<semaphore_mem>>
      %dma_start3A_1794 = arith.constant 0 : i32
      %dma_start3A_1795 = arith.constant 0 : i32
      %dma_start3A_1796 = tpu.memref_slice %arg9[%sub3A_901, %dma_start3A_1790, %dma_start3A_1794, %dma_start3A_1795] : memref<2x64x4x512xf32, #tpu.memory_space<vmem>> -> memref<1x1x4x512xf32, #tpu.memory_space<vmem>>
      %dma_start3A_1797 = tpu.memref_squeeze %dma_start3A_1796 : memref<1x1x4x512xf32, #tpu.memory_space<vmem>> -> memref<4x512xf32, #tpu.memory_space<vmem>>
      %dma_start3A_1798 = arith.constant 0 : i32
      %dma_start3A_1799 = arith.constant 0 : i32
      %dma_start3A_1800 = tpu.memref_slice %arg7[%get3A_1789, %dma_start3A_1798, %dma_start3A_1799] : memref<100000x4x512xf32, #tpu.memory_space<any>> -> memref<1x4x512xf32, #tpu.memory_space<any>>
      %dma_start3A_1801 = tpu.memref_squeeze %dma_start3A_1800 : memref<1x4x512xf32, #tpu.memory_space<any>> -> memref<4x512xf32, #tpu.memory_space<any>>
      tpu.enqueue_dma source(%dma_start3A_1801 : memref<4x512xf32, #tpu.memory_space<any>>) target(%dma_start3A_1797 : memref<4x512xf32, #tpu.memory_space<vmem>>) target_semaphore(%dma_start3A_1793 : memref<!tpu.dma_semaphore, #tpu.memory_space<semaphore_mem>>)
      %mul3A_1802 = arith.constant 64 : i32
      %mul3A_1803 = arith.muli %add3A_903, %mul3A_1802 : i32
      %add3A_1804 = arith.constant 50 : i32
      %add3A_1805 = arith.addi %mul3A_1803, %add3A_1804 : i32
      %get3A_1806 = arith.index_cast %add3A_1805 : i32 to index
      %get3A_1807 = memref.load %arg1[%get3A_1806] : memref<1024xi32, #tpu.memory_space<smem>>
      %dma_start3A_1808 = arith.constant 50 : i32
      %dma_start3A_1809 = arith.constant 50 : i32
      %dma_start3A_1810 = tpu.memref_slice %arg10[%sub3A_901, %dma_start3A_1809] : memref<2x64x!tpu.dma_semaphore, #tpu.memory_space<semaphore_mem>> -> memref<1x1x!tpu.dma_semaphore, #tpu.memory_space<semaphore_mem>>
      %dma_start3A_1811 = tpu.memref_squeeze %dma_start3A_1810 : memref<1x1x!tpu.dma_semaphore, #tpu.memory_space<semaphore_mem>> -> memref<!tpu.dma_semaphore, #tpu.memory_space<semaphore_mem>>
      %dma_start3A_1812 = arith.constant 0 : i32
      %dma_start3A_1813 = arith.constant 0 : i32
      %dma_start3A_1814 = tpu.memref_slice %arg9[%sub3A_901, %dma_start3A_1808, %dma_start3A_1812, %dma_start3A_1813] : memref<2x64x4x512xf32, #tpu.memory_space<vmem>> -> memref<1x1x4x512xf32, #tpu.memory_space<vmem>>
      %dma_start3A_1815 = tpu.memref_squeeze %dma_start3A_1814 : memref<1x1x4x512xf32, #tpu.memory_space<vmem>> -> memref<4x512xf32, #tpu.memory_space<vmem>>
      %dma_start3A_1816 = arith.constant 0 : i32
      %dma_start3A_1817 = arith.constant 0 : i32
      %dma_start3A_1818 = tpu.memref_slice %arg7[%get3A_1807, %dma_start3A_1816, %dma_start3A_1817] : memref<100000x4x512xf32, #tpu.memory_space<any>> -> memref<1x4x512xf32, #tpu.memory_space<any>>
      %dma_start3A_1819 = tpu.memref_squeeze %dma_start3A_1818 : memref<1x4x512xf32, #tpu.memory_space<any>> -> memref<4x512xf32, #tpu.memory_space<any>>
      tpu.enqueue_dma source(%dma_start3A_1819 : memref<4x512xf32, #tpu.memory_space<any>>) target(%dma_start3A_1815 : memref<4x512xf32, #tpu.memory_space<vmem>>) target_semaphore(%dma_start3A_1811 : memref<!tpu.dma_semaphore, #tpu.memory_space<semaphore_mem>>)
      %mul3A_1820 = arith.constant 64 : i32
      %mul3A_1821 = arith.muli %add3A_903, %mul3A_1820 : i32
      %add3A_1822 = arith.constant 51 : i32
      %add3A_1823 = arith.addi %mul3A_1821, %add3A_1822 : i32
      %get3A_1824 = arith.index_cast %add3A_1823 : i32 to index
      %get3A_1825 = memref.load %arg1[%get3A_1824] : memref<1024xi32, #tpu.memory_space<smem>>
      %dma_start3A_1826 = arith.constant 51 : i32
      %dma_start3A_1827 = arith.constant 51 : i32
      %dma_start3A_1828 = tpu.memref_slice %arg10[%sub3A_901, %dma_start3A_1827] : memref<2x64x!tpu.dma_semaphore, #tpu.memory_space<semaphore_mem>> -> memref<1x1x!tpu.dma_semaphore, #tpu.memory_space<semaphore_mem>>
      %dma_start3A_1829 = tpu.memref_squeeze %dma_start3A_1828 : memref<1x1x!tpu.dma_semaphore, #tpu.memory_space<semaphore_mem>> -> memref<!tpu.dma_semaphore, #tpu.memory_space<semaphore_mem>>
      %dma_start3A_1830 = arith.constant 0 : i32
      %dma_start3A_1831 = arith.constant 0 : i32
      %dma_start3A_1832 = tpu.memref_slice %arg9[%sub3A_901, %dma_start3A_1826, %dma_start3A_1830, %dma_start3A_1831] : memref<2x64x4x512xf32, #tpu.memory_space<vmem>> -> memref<1x1x4x512xf32, #tpu.memory_space<vmem>>
      %dma_start3A_1833 = tpu.memref_squeeze %dma_start3A_1832 : memref<1x1x4x512xf32, #tpu.memory_space<vmem>> -> memref<4x512xf32, #tpu.memory_space<vmem>>
      %dma_start3A_1834 = arith.constant 0 : i32
      %dma_start3A_1835 = arith.constant 0 : i32
      %dma_start3A_1836 = tpu.memref_slice %arg7[%get3A_1825, %dma_start3A_1834, %dma_start3A_1835] : memref<100000x4x512xf32, #tpu.memory_space<any>> -> memref<1x4x512xf32, #tpu.memory_space<any>>
      %dma_start3A_1837 = tpu.memref_squeeze %dma_start3A_1836 : memref<1x4x512xf32, #tpu.memory_space<any>> -> memref<4x512xf32, #tpu.memory_space<any>>
      tpu.enqueue_dma source(%dma_start3A_1837 : memref<4x512xf32, #tpu.memory_space<any>>) target(%dma_start3A_1833 : memref<4x512xf32, #tpu.memory_space<vmem>>) target_semaphore(%dma_start3A_1829 : memref<!tpu.dma_semaphore, #tpu.memory_space<semaphore_mem>>)
      %mul3A_1838 = arith.constant 64 : i32
      %mul3A_1839 = arith.muli %add3A_903, %mul3A_1838 : i32
      %add3A_1840 = arith.constant 52 : i32
      %add3A_1841 = arith.addi %mul3A_1839, %add3A_1840 : i32
      %get3A_1842 = arith.index_cast %add3A_1841 : i32 to index
      %get3A_1843 = memref.load %arg1[%get3A_1842] : memref<1024xi32, #tpu.memory_space<smem>>
      %dma_start3A_1844 = arith.constant 52 : i32
      %dma_start3A_1845 = arith.constant 52 : i32
      %dma_start3A_1846 = tpu.memref_slice %arg10[%sub3A_901, %dma_start3A_1845] : memref<2x64x!tpu.dma_semaphore, #tpu.memory_space<semaphore_mem>> -> memref<1x1x!tpu.dma_semaphore, #tpu.memory_space<semaphore_mem>>
      %dma_start3A_1847 = tpu.memref_squeeze %dma_start3A_1846 : memref<1x1x!tpu.dma_semaphore, #tpu.memory_space<semaphore_mem>> -> memref<!tpu.dma_semaphore, #tpu.memory_space<semaphore_mem>>
      %dma_start3A_1848 = arith.constant 0 : i32
      %dma_start3A_1849 = arith.constant 0 : i32
      %dma_start3A_1850 = tpu.memref_slice %arg9[%sub3A_901, %dma_start3A_1844, %dma_start3A_1848, %dma_start3A_1849] : memref<2x64x4x512xf32, #tpu.memory_space<vmem>> -> memref<1x1x4x512xf32, #tpu.memory_space<vmem>>
      %dma_start3A_1851 = tpu.memref_squeeze %dma_start3A_1850 : memref<1x1x4x512xf32, #tpu.memory_space<vmem>> -> memref<4x512xf32, #tpu.memory_space<vmem>>
      %dma_start3A_1852 = arith.constant 0 : i32
      %dma_start3A_1853 = arith.constant 0 : i32
      %dma_start3A_1854 = tpu.memref_slice %arg7[%get3A_1843, %dma_start3A_1852, %dma_start3A_1853] : memref<100000x4x512xf32, #tpu.memory_space<any>> -> memref<1x4x512xf32, #tpu.memory_space<any>>
      %dma_start3A_1855 = tpu.memref_squeeze %dma_start3A_1854 : memref<1x4x512xf32, #tpu.memory_space<any>> -> memref<4x512xf32, #tpu.memory_space<any>>
      tpu.enqueue_dma source(%dma_start3A_1855 : memref<4x512xf32, #tpu.memory_space<any>>) target(%dma_start3A_1851 : memref<4x512xf32, #tpu.memory_space<vmem>>) target_semaphore(%dma_start3A_1847 : memref<!tpu.dma_semaphore, #tpu.memory_space<semaphore_mem>>)
      %mul3A_1856 = arith.constant 64 : i32
      %mul3A_1857 = arith.muli %add3A_903, %mul3A_1856 : i32
      %add3A_1858 = arith.constant 53 : i32
      %add3A_1859 = arith.addi %mul3A_1857, %add3A_1858 : i32
      %get3A_1860 = arith.index_cast %add3A_1859 : i32 to index
      %get3A_1861 = memref.load %arg1[%get3A_1860] : memref<1024xi32, #tpu.memory_space<smem>>
      %dma_start3A_1862 = arith.constant 53 : i32
      %dma_start3A_1863 = arith.constant 53 : i32
      %dma_start3A_1864 = tpu.memref_slice %arg10[%sub3A_901, %dma_start3A_1863] : memref<2x64x!tpu.dma_semaphore, #tpu.memory_space<semaphore_mem>> -> memref<1x1x!tpu.dma_semaphore, #tpu.memory_space<semaphore_mem>>
      %dma_start3A_1865 = tpu.memref_squeeze %dma_start3A_1864 : memref<1x1x!tpu.dma_semaphore, #tpu.memory_space<semaphore_mem>> -> memref<!tpu.dma_semaphore, #tpu.memory_space<semaphore_mem>>
      %dma_start3A_1866 = arith.constant 0 : i32
      %dma_start3A_1867 = arith.constant 0 : i32
      %dma_start3A_1868 = tpu.memref_slice %arg9[%sub3A_901, %dma_start3A_1862, %dma_start3A_1866, %dma_start3A_1867] : memref<2x64x4x512xf32, #tpu.memory_space<vmem>> -> memref<1x1x4x512xf32, #tpu.memory_space<vmem>>
      %dma_start3A_1869 = tpu.memref_squeeze %dma_start3A_1868 : memref<1x1x4x512xf32, #tpu.memory_space<vmem>> -> memref<4x512xf32, #tpu.memory_space<vmem>>
      %dma_start3A_1870 = arith.constant 0 : i32
      %dma_start3A_1871 = arith.constant 0 : i32
      %dma_start3A_1872 = tpu.memref_slice %arg7[%get3A_1861, %dma_start3A_1870, %dma_start3A_1871] : memref<100000x4x512xf32, #tpu.memory_space<any>> -> memref<1x4x512xf32, #tpu.memory_space<any>>
      %dma_start3A_1873 = tpu.memref_squeeze %dma_start3A_1872 : memref<1x4x512xf32, #tpu.memory_space<any>> -> memref<4x512xf32, #tpu.memory_space<any>>
      tpu.enqueue_dma source(%dma_start3A_1873 : memref<4x512xf32, #tpu.memory_space<any>>) target(%dma_start3A_1869 : memref<4x512xf32, #tpu.memory_space<vmem>>) target_semaphore(%dma_start3A_1865 : memref<!tpu.dma_semaphore, #tpu.memory_space<semaphore_mem>>)
      %mul3A_1874 = arith.constant 64 : i32
      %mul3A_1875 = arith.muli %add3A_903, %mul3A_1874 : i32
      %add3A_1876 = arith.constant 54 : i32
      %add3A_1877 = arith.addi %mul3A_1875, %add3A_1876 : i32
      %get3A_1878 = arith.index_cast %add3A_1877 : i32 to index
      %get3A_1879 = memref.load %arg1[%get3A_1878] : memref<1024xi32, #tpu.memory_space<smem>>
      %dma_start3A_1880 = arith.constant 54 : i32
      %dma_start3A_1881 = arith.constant 54 : i32
      %dma_start3A_1882 = tpu.memref_slice %arg10[%sub3A_901, %dma_start3A_1881] : memref<2x64x!tpu.dma_semaphore, #tpu.memory_space<semaphore_mem>> -> memref<1x1x!tpu.dma_semaphore, #tpu.memory_space<semaphore_mem>>
      %dma_start3A_1883 = tpu.memref_squeeze %dma_start3A_1882 : memref<1x1x!tpu.dma_semaphore, #tpu.memory_space<semaphore_mem>> -> memref<!tpu.dma_semaphore, #tpu.memory_space<semaphore_mem>>
      %dma_start3A_1884 = arith.constant 0 : i32
      %dma_start3A_1885 = arith.constant 0 : i32
      %dma_start3A_1886 = tpu.memref_slice %arg9[%sub3A_901, %dma_start3A_1880, %dma_start3A_1884, %dma_start3A_1885] : memref<2x64x4x512xf32, #tpu.memory_space<vmem>> -> memref<1x1x4x512xf32, #tpu.memory_space<vmem>>
      %dma_start3A_1887 = tpu.memref_squeeze %dma_start3A_1886 : memref<1x1x4x512xf32, #tpu.memory_space<vmem>> -> memref<4x512xf32, #tpu.memory_space<vmem>>
      %dma_start3A_1888 = arith.constant 0 : i32
      %dma_start3A_1889 = arith.constant 0 : i32
      %dma_start3A_1890 = tpu.memref_slice %arg7[%get3A_1879, %dma_start3A_1888, %dma_start3A_1889] : memref<100000x4x512xf32, #tpu.memory_space<any>> -> memref<1x4x512xf32, #tpu.memory_space<any>>
      %dma_start3A_1891 = tpu.memref_squeeze %dma_start3A_1890 : memref<1x4x512xf32, #tpu.memory_space<any>> -> memref<4x512xf32, #tpu.memory_space<any>>
      tpu.enqueue_dma source(%dma_start3A_1891 : memref<4x512xf32, #tpu.memory_space<any>>) target(%dma_start3A_1887 : memref<4x512xf32, #tpu.memory_space<vmem>>) target_semaphore(%dma_start3A_1883 : memref<!tpu.dma_semaphore, #tpu.memory_space<semaphore_mem>>)
      %mul3A_1892 = arith.constant 64 : i32
      %mul3A_1893 = arith.muli %add3A_903, %mul3A_1892 : i32
      %add3A_1894 = arith.constant 55 : i32
      %add3A_1895 = arith.addi %mul3A_1893, %add3A_1894 : i32
      %get3A_1896 = arith.index_cast %add3A_1895 : i32 to index
      %get3A_1897 = memref.load %arg1[%get3A_1896] : memref<1024xi32, #tpu.memory_space<smem>>
      %dma_start3A_1898 = arith.constant 55 : i32
      %dma_start3A_1899 = arith.constant 55 : i32
      %dma_start3A_1900 = tpu.memref_slice %arg10[%sub3A_901, %dma_start3A_1899] : memref<2x64x!tpu.dma_semaphore, #tpu.memory_space<semaphore_mem>> -> memref<1x1x!tpu.dma_semaphore, #tpu.memory_space<semaphore_mem>>
      %dma_start3A_1901 = tpu.memref_squeeze %dma_start3A_1900 : memref<1x1x!tpu.dma_semaphore, #tpu.memory_space<semaphore_mem>> -> memref<!tpu.dma_semaphore, #tpu.memory_space<semaphore_mem>>
      %dma_start3A_1902 = arith.constant 0 : i32
      %dma_start3A_1903 = arith.constant 0 : i32
      %dma_start3A_1904 = tpu.memref_slice %arg9[%sub3A_901, %dma_start3A_1898, %dma_start3A_1902, %dma_start3A_1903] : memref<2x64x4x512xf32, #tpu.memory_space<vmem>> -> memref<1x1x4x512xf32, #tpu.memory_space<vmem>>
      %dma_start3A_1905 = tpu.memref_squeeze %dma_start3A_1904 : memref<1x1x4x512xf32, #tpu.memory_space<vmem>> -> memref<4x512xf32, #tpu.memory_space<vmem>>
      %dma_start3A_1906 = arith.constant 0 : i32
      %dma_start3A_1907 = arith.constant 0 : i32
      %dma_start3A_1908 = tpu.memref_slice %arg7[%get3A_1897, %dma_start3A_1906, %dma_start3A_1907] : memref<100000x4x512xf32, #tpu.memory_space<any>> -> memref<1x4x512xf32, #tpu.memory_space<any>>
      %dma_start3A_1909 = tpu.memref_squeeze %dma_start3A_1908 : memref<1x4x512xf32, #tpu.memory_space<any>> -> memref<4x512xf32, #tpu.memory_space<any>>
      tpu.enqueue_dma source(%dma_start3A_1909 : memref<4x512xf32, #tpu.memory_space<any>>) target(%dma_start3A_1905 : memref<4x512xf32, #tpu.memory_space<vmem>>) target_semaphore(%dma_start3A_1901 : memref<!tpu.dma_semaphore, #tpu.memory_space<semaphore_mem>>)
      %mul3A_1910 = arith.constant 64 : i32
      %mul3A_1911 = arith.muli %add3A_903, %mul3A_1910 : i32
      %add3A_1912 = arith.constant 56 : i32
      %add3A_1913 = arith.addi %mul3A_1911, %add3A_1912 : i32
      %get3A_1914 = arith.index_cast %add3A_1913 : i32 to index
      %get3A_1915 = memref.load %arg1[%get3A_1914] : memref<1024xi32, #tpu.memory_space<smem>>
      %dma_start3A_1916 = arith.constant 56 : i32
      %dma_start3A_1917 = arith.constant 56 : i32
      %dma_start3A_1918 = tpu.memref_slice %arg10[%sub3A_901, %dma_start3A_1917] : memref<2x64x!tpu.dma_semaphore, #tpu.memory_space<semaphore_mem>> -> memref<1x1x!tpu.dma_semaphore, #tpu.memory_space<semaphore_mem>>
      %dma_start3A_1919 = tpu.memref_squeeze %dma_start3A_1918 : memref<1x1x!tpu.dma_semaphore, #tpu.memory_space<semaphore_mem>> -> memref<!tpu.dma_semaphore, #tpu.memory_space<semaphore_mem>>
      %dma_start3A_1920 = arith.constant 0 : i32
      %dma_start3A_1921 = arith.constant 0 : i32
      %dma_start3A_1922 = tpu.memref_slice %arg9[%sub3A_901, %dma_start3A_1916, %dma_start3A_1920, %dma_start3A_1921] : memref<2x64x4x512xf32, #tpu.memory_space<vmem>> -> memref<1x1x4x512xf32, #tpu.memory_space<vmem>>
      %dma_start3A_1923 = tpu.memref_squeeze %dma_start3A_1922 : memref<1x1x4x512xf32, #tpu.memory_space<vmem>> -> memref<4x512xf32, #tpu.memory_space<vmem>>
      %dma_start3A_1924 = arith.constant 0 : i32
      %dma_start3A_1925 = arith.constant 0 : i32
      %dma_start3A_1926 = tpu.memref_slice %arg7[%get3A_1915, %dma_start3A_1924, %dma_start3A_1925] : memref<100000x4x512xf32, #tpu.memory_space<any>> -> memref<1x4x512xf32, #tpu.memory_space<any>>
      %dma_start3A_1927 = tpu.memref_squeeze %dma_start3A_1926 : memref<1x4x512xf32, #tpu.memory_space<any>> -> memref<4x512xf32, #tpu.memory_space<any>>
      tpu.enqueue_dma source(%dma_start3A_1927 : memref<4x512xf32, #tpu.memory_space<any>>) target(%dma_start3A_1923 : memref<4x512xf32, #tpu.memory_space<vmem>>) target_semaphore(%dma_start3A_1919 : memref<!tpu.dma_semaphore, #tpu.memory_space<semaphore_mem>>)
      %mul3A_1928 = arith.constant 64 : i32
      %mul3A_1929 = arith.muli %add3A_903, %mul3A_1928 : i32
      %add3A_1930 = arith.constant 57 : i32
      %add3A_1931 = arith.addi %mul3A_1929, %add3A_1930 : i32
      %get3A_1932 = arith.index_cast %add3A_1931 : i32 to index
      %get3A_1933 = memref.load %arg1[%get3A_1932] : memref<1024xi32, #tpu.memory_space<smem>>
      %dma_start3A_1934 = arith.constant 57 : i32
      %dma_start3A_1935 = arith.constant 57 : i32
      %dma_start3A_1936 = tpu.memref_slice %arg10[%sub3A_901, %dma_start3A_1935] : memref<2x64x!tpu.dma_semaphore, #tpu.memory_space<semaphore_mem>> -> memref<1x1x!tpu.dma_semaphore, #tpu.memory_space<semaphore_mem>>
      %dma_start3A_1937 = tpu.memref_squeeze %dma_start3A_1936 : memref<1x1x!tpu.dma_semaphore, #tpu.memory_space<semaphore_mem>> -> memref<!tpu.dma_semaphore, #tpu.memory_space<semaphore_mem>>
      %dma_start3A_1938 = arith.constant 0 : i32
      %dma_start3A_1939 = arith.constant 0 : i32
      %dma_start3A_1940 = tpu.memref_slice %arg9[%sub3A_901, %dma_start3A_1934, %dma_start3A_1938, %dma_start3A_1939] : memref<2x64x4x512xf32, #tpu.memory_space<vmem>> -> memref<1x1x4x512xf32, #tpu.memory_space<vmem>>
      %dma_start3A_1941 = tpu.memref_squeeze %dma_start3A_1940 : memref<1x1x4x512xf32, #tpu.memory_space<vmem>> -> memref<4x512xf32, #tpu.memory_space<vmem>>
      %dma_start3A_1942 = arith.constant 0 : i32
      %dma_start3A_1943 = arith.constant 0 : i32
      %dma_start3A_1944 = tpu.memref_slice %arg7[%get3A_1933, %dma_start3A_1942, %dma_start3A_1943] : memref<100000x4x512xf32, #tpu.memory_space<any>> -> memref<1x4x512xf32, #tpu.memory_space<any>>
      %dma_start3A_1945 = tpu.memref_squeeze %dma_start3A_1944 : memref<1x4x512xf32, #tpu.memory_space<any>> -> memref<4x512xf32, #tpu.memory_space<any>>
      tpu.enqueue_dma source(%dma_start3A_1945 : memref<4x512xf32, #tpu.memory_space<any>>) target(%dma_start3A_1941 : memref<4x512xf32, #tpu.memory_space<vmem>>) target_semaphore(%dma_start3A_1937 : memref<!tpu.dma_semaphore, #tpu.memory_space<semaphore_mem>>)
      %mul3A_1946 = arith.constant 64 : i32
      %mul3A_1947 = arith.muli %add3A_903, %mul3A_1946 : i32
      %add3A_1948 = arith.constant 58 : i32
      %add3A_1949 = arith.addi %mul3A_1947, %add3A_1948 : i32
      %get3A_1950 = arith.index_cast %add3A_1949 : i32 to index
      %get3A_1951 = memref.load %arg1[%get3A_1950] : memref<1024xi32, #tpu.memory_space<smem>>
      %dma_start3A_1952 = arith.constant 58 : i32
      %dma_start3A_1953 = arith.constant 58 : i32
      %dma_start3A_1954 = tpu.memref_slice %arg10[%sub3A_901, %dma_start3A_1953] : memref<2x64x!tpu.dma_semaphore, #tpu.memory_space<semaphore_mem>> -> memref<1x1x!tpu.dma_semaphore, #tpu.memory_space<semaphore_mem>>
      %dma_start3A_1955 = tpu.memref_squeeze %dma_start3A_1954 : memref<1x1x!tpu.dma_semaphore, #tpu.memory_space<semaphore_mem>> -> memref<!tpu.dma_semaphore, #tpu.memory_space<semaphore_mem>>
      %dma_start3A_1956 = arith.constant 0 : i32
      %dma_start3A_1957 = arith.constant 0 : i32
      %dma_start3A_1958 = tpu.memref_slice %arg9[%sub3A_901, %dma_start3A_1952, %dma_start3A_1956, %dma_start3A_1957] : memref<2x64x4x512xf32, #tpu.memory_space<vmem>> -> memref<1x1x4x512xf32, #tpu.memory_space<vmem>>
      %dma_start3A_1959 = tpu.memref_squeeze %dma_start3A_1958 : memref<1x1x4x512xf32, #tpu.memory_space<vmem>> -> memref<4x512xf32, #tpu.memory_space<vmem>>
      %dma_start3A_1960 = arith.constant 0 : i32
      %dma_start3A_1961 = arith.constant 0 : i32
      %dma_start3A_1962 = tpu.memref_slice %arg7[%get3A_1951, %dma_start3A_1960, %dma_start3A_1961] : memref<100000x4x512xf32, #tpu.memory_space<any>> -> memref<1x4x512xf32, #tpu.memory_space<any>>
      %dma_start3A_1963 = tpu.memref_squeeze %dma_start3A_1962 : memref<1x4x512xf32, #tpu.memory_space<any>> -> memref<4x512xf32, #tpu.memory_space<any>>
      tpu.enqueue_dma source(%dma_start3A_1963 : memref<4x512xf32, #tpu.memory_space<any>>) target(%dma_start3A_1959 : memref<4x512xf32, #tpu.memory_space<vmem>>) target_semaphore(%dma_start3A_1955 : memref<!tpu.dma_semaphore, #tpu.memory_space<semaphore_mem>>)
      %mul3A_1964 = arith.constant 64 : i32
      %mul3A_1965 = arith.muli %add3A_903, %mul3A_1964 : i32
      %add3A_1966 = arith.constant 59 : i32
      %add3A_1967 = arith.addi %mul3A_1965, %add3A_1966 : i32
      %get3A_1968 = arith.index_cast %add3A_1967 : i32 to index
      %get3A_1969 = memref.load %arg1[%get3A_1968] : memref<1024xi32, #tpu.memory_space<smem>>
      %dma_start3A_1970 = arith.constant 59 : i32
      %dma_start3A_1971 = arith.constant 59 : i32
      %dma_start3A_1972 = tpu.memref_slice %arg10[%sub3A_901, %dma_start3A_1971] : memref<2x64x!tpu.dma_semaphore, #tpu.memory_space<semaphore_mem>> -> memref<1x1x!tpu.dma_semaphore, #tpu.memory_space<semaphore_mem>>
      %dma_start3A_1973 = tpu.memref_squeeze %dma_start3A_1972 : memref<1x1x!tpu.dma_semaphore, #tpu.memory_space<semaphore_mem>> -> memref<!tpu.dma_semaphore, #tpu.memory_space<semaphore_mem>>
      %dma_start3A_1974 = arith.constant 0 : i32
      %dma_start3A_1975 = arith.constant 0 : i32
      %dma_start3A_1976 = tpu.memref_slice %arg9[%sub3A_901, %dma_start3A_1970, %dma_start3A_1974, %dma_start3A_1975] : memref<2x64x4x512xf32, #tpu.memory_space<vmem>> -> memref<1x1x4x512xf32, #tpu.memory_space<vmem>>
      %dma_start3A_1977 = tpu.memref_squeeze %dma_start3A_1976 : memref<1x1x4x512xf32, #tpu.memory_space<vmem>> -> memref<4x512xf32, #tpu.memory_space<vmem>>
      %dma_start3A_1978 = arith.constant 0 : i32
      %dma_start3A_1979 = arith.constant 0 : i32
      %dma_start3A_1980 = tpu.memref_slice %arg7[%get3A_1969, %dma_start3A_1978, %dma_start3A_1979] : memref<100000x4x512xf32, #tpu.memory_space<any>> -> memref<1x4x512xf32, #tpu.memory_space<any>>
      %dma_start3A_1981 = tpu.memref_squeeze %dma_start3A_1980 : memref<1x4x512xf32, #tpu.memory_space<any>> -> memref<4x512xf32, #tpu.memory_space<any>>
      tpu.enqueue_dma source(%dma_start3A_1981 : memref<4x512xf32, #tpu.memory_space<any>>) target(%dma_start3A_1977 : memref<4x512xf32, #tpu.memory_space<vmem>>) target_semaphore(%dma_start3A_1973 : memref<!tpu.dma_semaphore, #tpu.memory_space<semaphore_mem>>)
      %mul3A_1982 = arith.constant 64 : i32
      %mul3A_1983 = arith.muli %add3A_903, %mul3A_1982 : i32
      %add3A_1984 = arith.constant 60 : i32
      %add3A_1985 = arith.addi %mul3A_1983, %add3A_1984 : i32
      %get3A_1986 = arith.index_cast %add3A_1985 : i32 to index
      %get3A_1987 = memref.load %arg1[%get3A_1986] : memref<1024xi32, #tpu.memory_space<smem>>
      %dma_start3A_1988 = arith.constant 60 : i32
      %dma_start3A_1989 = arith.constant 60 : i32
      %dma_start3A_1990 = tpu.memref_slice %arg10[%sub3A_901, %dma_start3A_1989] : memref<2x64x!tpu.dma_semaphore, #tpu.memory_space<semaphore_mem>> -> memref<1x1x!tpu.dma_semaphore, #tpu.memory_space<semaphore_mem>>
      %dma_start3A_1991 = tpu.memref_squeeze %dma_start3A_1990 : memref<1x1x!tpu.dma_semaphore, #tpu.memory_space<semaphore_mem>> -> memref<!tpu.dma_semaphore, #tpu.memory_space<semaphore_mem>>
      %dma_start3A_1992 = arith.constant 0 : i32
      %dma_start3A_1993 = arith.constant 0 : i32
      %dma_start3A_1994 = tpu.memref_slice %arg9[%sub3A_901, %dma_start3A_1988, %dma_start3A_1992, %dma_start3A_1993] : memref<2x64x4x512xf32, #tpu.memory_space<vmem>> -> memref<1x1x4x512xf32, #tpu.memory_space<vmem>>
      %dma_start3A_1995 = tpu.memref_squeeze %dma_start3A_1994 : memref<1x1x4x512xf32, #tpu.memory_space<vmem>> -> memref<4x512xf32, #tpu.memory_space<vmem>>
      %dma_start3A_1996 = arith.constant 0 : i32
      %dma_start3A_1997 = arith.constant 0 : i32
      %dma_start3A_1998 = tpu.memref_slice %arg7[%get3A_1987, %dma_start3A_1996, %dma_start3A_1997] : memref<100000x4x512xf32, #tpu.memory_space<any>> -> memref<1x4x512xf32, #tpu.memory_space<any>>
      %dma_start3A_1999 = tpu.memref_squeeze %dma_start3A_1998 : memref<1x4x512xf32, #tpu.memory_space<any>> -> memref<4x512xf32, #tpu.memory_space<any>>
      tpu.enqueue_dma source(%dma_start3A_1999 : memref<4x512xf32, #tpu.memory_space<any>>) target(%dma_start3A_1995 : memref<4x512xf32, #tpu.memory_space<vmem>>) target_semaphore(%dma_start3A_1991 : memref<!tpu.dma_semaphore, #tpu.memory_space<semaphore_mem>>)
      %mul3A_2000 = arith.constant 64 : i32
      %mul3A_2001 = arith.muli %add3A_903, %mul3A_2000 : i32
      %add3A_2002 = arith.constant 61 : i32
      %add3A_2003 = arith.addi %mul3A_2001, %add3A_2002 : i32
      %get3A_2004 = arith.index_cast %add3A_2003 : i32 to index
      %get3A_2005 = memref.load %arg1[%get3A_2004] : memref<1024xi32, #tpu.memory_space<smem>>
      %dma_start3A_2006 = arith.constant 61 : i32
      %dma_start3A_2007 = arith.constant 61 : i32
      %dma_start3A_2008 = tpu.memref_slice %arg10[%sub3A_901, %dma_start3A_2007] : memref<2x64x!tpu.dma_semaphore, #tpu.memory_space<semaphore_mem>> -> memref<1x1x!tpu.dma_semaphore, #tpu.memory_space<semaphore_mem>>
      %dma_start3A_2009 = tpu.memref_squeeze %dma_start3A_2008 : memref<1x1x!tpu.dma_semaphore, #tpu.memory_space<semaphore_mem>> -> memref<!tpu.dma_semaphore, #tpu.memory_space<semaphore_mem>>
      %dma_start3A_2010 = arith.constant 0 : i32
      %dma_start3A_2011 = arith.constant 0 : i32
      %dma_start3A_2012 = tpu.memref_slice %arg9[%sub3A_901, %dma_start3A_2006, %dma_start3A_2010, %dma_start3A_2011] : memref<2x64x4x512xf32, #tpu.memory_space<vmem>> -> memref<1x1x4x512xf32, #tpu.memory_space<vmem>>
      %dma_start3A_2013 = tpu.memref_squeeze %dma_start3A_2012 : memref<1x1x4x512xf32, #tpu.memory_space<vmem>> -> memref<4x512xf32, #tpu.memory_space<vmem>>
      %dma_start3A_2014 = arith.constant 0 : i32
      %dma_start3A_2015 = arith.constant 0 : i32
      %dma_start3A_2016 = tpu.memref_slice %arg7[%get3A_2005, %dma_start3A_2014, %dma_start3A_2015] : memref<100000x4x512xf32, #tpu.memory_space<any>> -> memref<1x4x512xf32, #tpu.memory_space<any>>
      %dma_start3A_2017 = tpu.memref_squeeze %dma_start3A_2016 : memref<1x4x512xf32, #tpu.memory_space<any>> -> memref<4x512xf32, #tpu.memory_space<any>>
      tpu.enqueue_dma source(%dma_start3A_2017 : memref<4x512xf32, #tpu.memory_space<any>>) target(%dma_start3A_2013 : memref<4x512xf32, #tpu.memory_space<vmem>>) target_semaphore(%dma_start3A_2009 : memref<!tpu.dma_semaphore, #tpu.memory_space<semaphore_mem>>)
      %mul3A_2018 = arith.constant 64 : i32
      %mul3A_2019 = arith.muli %add3A_903, %mul3A_2018 : i32
      %add3A_2020 = arith.constant 62 : i32
      %add3A_2021 = arith.addi %mul3A_2019, %add3A_2020 : i32
      %get3A_2022 = arith.index_cast %add3A_2021 : i32 to index
      %get3A_2023 = memref.load %arg1[%get3A_2022] : memref<1024xi32, #tpu.memory_space<smem>>
      %dma_start3A_2024 = arith.constant 62 : i32
      %dma_start3A_2025 = arith.constant 62 : i32
      %dma_start3A_2026 = tpu.memref_slice %arg10[%sub3A_901, %dma_start3A_2025] : memref<2x64x!tpu.dma_semaphore, #tpu.memory_space<semaphore_mem>> -> memref<1x1x!tpu.dma_semaphore, #tpu.memory_space<semaphore_mem>>
      %dma_start3A_2027 = tpu.memref_squeeze %dma_start3A_2026 : memref<1x1x!tpu.dma_semaphore, #tpu.memory_space<semaphore_mem>> -> memref<!tpu.dma_semaphore, #tpu.memory_space<semaphore_mem>>
      %dma_start3A_2028 = arith.constant 0 : i32
      %dma_start3A_2029 = arith.constant 0 : i32
      %dma_start3A_2030 = tpu.memref_slice %arg9[%sub3A_901, %dma_start3A_2024, %dma_start3A_2028, %dma_start3A_2029] : memref<2x64x4x512xf32, #tpu.memory_space<vmem>> -> memref<1x1x4x512xf32, #tpu.memory_space<vmem>>
      %dma_start3A_2031 = tpu.memref_squeeze %dma_start3A_2030 : memref<1x1x4x512xf32, #tpu.memory_space<vmem>> -> memref<4x512xf32, #tpu.memory_space<vmem>>
      %dma_start3A_2032 = arith.constant 0 : i32
      %dma_start3A_2033 = arith.constant 0 : i32
      %dma_start3A_2034 = tpu.memref_slice %arg7[%get3A_2023, %dma_start3A_2032, %dma_start3A_2033] : memref<100000x4x512xf32, #tpu.memory_space<any>> -> memref<1x4x512xf32, #tpu.memory_space<any>>
      %dma_start3A_2035 = tpu.memref_squeeze %dma_start3A_2034 : memref<1x4x512xf32, #tpu.memory_space<any>> -> memref<4x512xf32, #tpu.memory_space<any>>
      tpu.enqueue_dma source(%dma_start3A_2035 : memref<4x512xf32, #tpu.memory_space<any>>) target(%dma_start3A_2031 : memref<4x512xf32, #tpu.memory_space<vmem>>) target_semaphore(%dma_start3A_2027 : memref<!tpu.dma_semaphore, #tpu.memory_space<semaphore_mem>>)
      %mul3A_2036 = arith.constant 64 : i32
      %mul3A_2037 = arith.muli %add3A_903, %mul3A_2036 : i32
      %add3A_2038 = arith.constant 63 : i32
      %add3A_2039 = arith.addi %mul3A_2037, %add3A_2038 : i32
      %get3A_2040 = arith.index_cast %add3A_2039 : i32 to index
      %get3A_2041 = memref.load %arg1[%get3A_2040] : memref<1024xi32, #tpu.memory_space<smem>>
      %dma_start3A_2042 = arith.constant 63 : i32
      %dma_start3A_2043 = arith.constant 63 : i32
      %dma_start3A_2044 = tpu.memref_slice %arg10[%sub3A_901, %dma_start3A_2043] : memref<2x64x!tpu.dma_semaphore, #tpu.memory_space<semaphore_mem>> -> memref<1x1x!tpu.dma_semaphore, #tpu.memory_space<semaphore_mem>>
      %dma_start3A_2045 = tpu.memref_squeeze %dma_start3A_2044 : memref<1x1x!tpu.dma_semaphore, #tpu.memory_space<semaphore_mem>> -> memref<!tpu.dma_semaphore, #tpu.memory_space<semaphore_mem>>
      %dma_start3A_2046 = arith.constant 0 : i32
      %dma_start3A_2047 = arith.constant 0 : i32
      %dma_start3A_2048 = tpu.memref_slice %arg9[%sub3A_901, %dma_start3A_2042, %dma_start3A_2046, %dma_start3A_2047] : memref<2x64x4x512xf32, #tpu.memory_space<vmem>> -> memref<1x1x4x512xf32, #tpu.memory_space<vmem>>
      %dma_start3A_2049 = tpu.memref_squeeze %dma_start3A_2048 : memref<1x1x4x512xf32, #tpu.memory_space<vmem>> -> memref<4x512xf32, #tpu.memory_space<vmem>>
      %dma_start3A_2050 = arith.constant 0 : i32
      %dma_start3A_2051 = arith.constant 0 : i32
      %dma_start3A_2052 = tpu.memref_slice %arg7[%get3A_2041, %dma_start3A_2050, %dma_start3A_2051] : memref<100000x4x512xf32, #tpu.memory_space<any>> -> memref<1x4x512xf32, #tpu.memory_space<any>>
      %dma_start3A_2053 = tpu.memref_squeeze %dma_start3A_2052 : memref<1x4x512xf32, #tpu.memory_space<any>> -> memref<4x512xf32, #tpu.memory_space<any>>
      tpu.enqueue_dma source(%dma_start3A_2053 : memref<4x512xf32, #tpu.memory_space<any>>) target(%dma_start3A_2049 : memref<4x512xf32, #tpu.memory_space<vmem>>) target_semaphore(%dma_start3A_2045 : memref<!tpu.dma_semaphore, #tpu.memory_space<semaphore_mem>>)
    } else {
    }
    %dma_wait3A = arith.constant 0 : i32
    %dma_wait3A_8 = arith.constant 0 : i32
    %dma_wait3A_9 = arith.constant 0 : i32
    %dma_wait3A_10 = tpu.memref_slice %arg10[%rem3A_0, %dma_wait3A_9] : memref<2x64x!tpu.dma_semaphore, #tpu.memory_space<semaphore_mem>> -> memref<1x1x!tpu.dma_semaphore, #tpu.memory_space<semaphore_mem>>
    %dma_wait3A_11 = tpu.memref_squeeze %dma_wait3A_10 : memref<1x1x!tpu.dma_semaphore, #tpu.memory_space<semaphore_mem>> -> memref<!tpu.dma_semaphore, #tpu.memory_space<semaphore_mem>>
    %dma_wait3A_12 = arith.constant 0 : i32
    %dma_wait3A_13 = arith.constant 0 : i32
    %dma_wait3A_14 = tpu.memref_slice %arg9[%rem3A_0, %dma_wait3A_8, %dma_wait3A_12, %dma_wait3A_13] : memref<2x64x4x512xf32, #tpu.memory_space<vmem>> -> memref<1x1x4x512xf32, #tpu.memory_space<vmem>>
    %dma_wait3A_15 = tpu.memref_squeeze %dma_wait3A_14 : memref<1x1x4x512xf32, #tpu.memory_space<vmem>> -> memref<4x512xf32, #tpu.memory_space<vmem>>
    %dma_wait3A_16 = arith.constant 0 : i32
    %dma_wait3A_17 = arith.constant 0 : i32
    %dma_wait3A_18 = tpu.memref_slice %arg7[%dma_wait3A, %dma_wait3A_16, %dma_wait3A_17] : memref<100000x4x512xf32, #tpu.memory_space<any>> -> memref<1x4x512xf32, #tpu.memory_space<any>>
    %dma_wait3A_19 = tpu.memref_squeeze %dma_wait3A_18 : memref<1x4x512xf32, #tpu.memory_space<any>> -> memref<4x512xf32, #tpu.memory_space<any>>
    tpu.wait_dma2 semaphore(%dma_wait3A_11 : memref<!tpu.dma_semaphore, #tpu.memory_space<semaphore_mem>>) src(%dma_wait3A_19 : memref<4x512xf32, #tpu.memory_space<any>>) dst(%dma_wait3A_15 : memref<4x512xf32, #tpu.memory_space<vmem>>)
    %dma_wait3A_20 = arith.constant 0 : i32
    %dma_wait3A_21 = arith.constant 1 : i32
    %dma_wait3A_22 = arith.constant 1 : i32
    %dma_wait3A_23 = tpu.memref_slice %arg10[%rem3A_0, %dma_wait3A_22] : memref<2x64x!tpu.dma_semaphore, #tpu.memory_space<semaphore_mem>> -> memref<1x1x!tpu.dma_semaphore, #tpu.memory_space<semaphore_mem>>
    %dma_wait3A_24 = tpu.memref_squeeze %dma_wait3A_23 : memref<1x1x!tpu.dma_semaphore, #tpu.memory_space<semaphore_mem>> -> memref<!tpu.dma_semaphore, #tpu.memory_space<semaphore_mem>>
    %dma_wait3A_25 = arith.constant 0 : i32
    %dma_wait3A_26 = arith.constant 0 : i32
    %dma_wait3A_27 = tpu.memref_slice %arg9[%rem3A_0, %dma_wait3A_21, %dma_wait3A_25, %dma_wait3A_26] : memref<2x64x4x512xf32, #tpu.memory_space<vmem>> -> memref<1x1x4x512xf32, #tpu.memory_space<vmem>>
    %dma_wait3A_28 = tpu.memref_squeeze %dma_wait3A_27 : memref<1x1x4x512xf32, #tpu.memory_space<vmem>> -> memref<4x512xf32, #tpu.memory_space<vmem>>
    %dma_wait3A_29 = arith.constant 0 : i32
    %dma_wait3A_30 = arith.constant 0 : i32
    %dma_wait3A_31 = tpu.memref_slice %arg7[%dma_wait3A_20, %dma_wait3A_29, %dma_wait3A_30] : memref<100000x4x512xf32, #tpu.memory_space<any>> -> memref<1x4x512xf32, #tpu.memory_space<any>>
    %dma_wait3A_32 = tpu.memref_squeeze %dma_wait3A_31 : memref<1x4x512xf32, #tpu.memory_space<any>> -> memref<4x512xf32, #tpu.memory_space<any>>
    tpu.wait_dma2 semaphore(%dma_wait3A_24 : memref<!tpu.dma_semaphore, #tpu.memory_space<semaphore_mem>>) src(%dma_wait3A_32 : memref<4x512xf32, #tpu.memory_space<any>>) dst(%dma_wait3A_28 : memref<4x512xf32, #tpu.memory_space<vmem>>)
    %dma_wait3A_33 = arith.constant 0 : i32
    %dma_wait3A_34 = arith.constant 2 : i32
    %dma_wait3A_35 = arith.constant 2 : i32
    %dma_wait3A_36 = tpu.memref_slice %arg10[%rem3A_0, %dma_wait3A_35] : memref<2x64x!tpu.dma_semaphore, #tpu.memory_space<semaphore_mem>> -> memref<1x1x!tpu.dma_semaphore, #tpu.memory_space<semaphore_mem>>
    %dma_wait3A_37 = tpu.memref_squeeze %dma_wait3A_36 : memref<1x1x!tpu.dma_semaphore, #tpu.memory_space<semaphore_mem>> -> memref<!tpu.dma_semaphore, #tpu.memory_space<semaphore_mem>>
    %dma_wait3A_38 = arith.constant 0 : i32
    %dma_wait3A_39 = arith.constant 0 : i32
    %dma_wait3A_40 = tpu.memref_slice %arg9[%rem3A_0, %dma_wait3A_34, %dma_wait3A_38, %dma_wait3A_39] : memref<2x64x4x512xf32, #tpu.memory_space<vmem>> -> memref<1x1x4x512xf32, #tpu.memory_space<vmem>>
    %dma_wait3A_41 = tpu.memref_squeeze %dma_wait3A_40 : memref<1x1x4x512xf32, #tpu.memory_space<vmem>> -> memref<4x512xf32, #tpu.memory_space<vmem>>
    %dma_wait3A_42 = arith.constant 0 : i32
    %dma_wait3A_43 = arith.constant 0 : i32
    %dma_wait3A_44 = tpu.memref_slice %arg7[%dma_wait3A_33, %dma_wait3A_42, %dma_wait3A_43] : memref<100000x4x512xf32, #tpu.memory_space<any>> -> memref<1x4x512xf32, #tpu.memory_space<any>>
    %dma_wait3A_45 = tpu.memref_squeeze %dma_wait3A_44 : memref<1x4x512xf32, #tpu.memory_space<any>> -> memref<4x512xf32, #tpu.memory_space<any>>
    tpu.wait_dma2 semaphore(%dma_wait3A_37 : memref<!tpu.dma_semaphore, #tpu.memory_space<semaphore_mem>>) src(%dma_wait3A_45 : memref<4x512xf32, #tpu.memory_space<any>>) dst(%dma_wait3A_41 : memref<4x512xf32, #tpu.memory_space<vmem>>)
    %dma_wait3A_46 = arith.constant 0 : i32
    %dma_wait3A_47 = arith.constant 3 : i32
    %dma_wait3A_48 = arith.constant 3 : i32
    %dma_wait3A_49 = tpu.memref_slice %arg10[%rem3A_0, %dma_wait3A_48] : memref<2x64x!tpu.dma_semaphore, #tpu.memory_space<semaphore_mem>> -> memref<1x1x!tpu.dma_semaphore, #tpu.memory_space<semaphore_mem>>
    %dma_wait3A_50 = tpu.memref_squeeze %dma_wait3A_49 : memref<1x1x!tpu.dma_semaphore, #tpu.memory_space<semaphore_mem>> -> memref<!tpu.dma_semaphore, #tpu.memory_space<semaphore_mem>>
    %dma_wait3A_51 = arith.constant 0 : i32
    %dma_wait3A_52 = arith.constant 0 : i32
    %dma_wait3A_53 = tpu.memref_slice %arg9[%rem3A_0, %dma_wait3A_47, %dma_wait3A_51, %dma_wait3A_52] : memref<2x64x4x512xf32, #tpu.memory_space<vmem>> -> memref<1x1x4x512xf32, #tpu.memory_space<vmem>>
    %dma_wait3A_54 = tpu.memref_squeeze %dma_wait3A_53 : memref<1x1x4x512xf32, #tpu.memory_space<vmem>> -> memref<4x512xf32, #tpu.memory_space<vmem>>
    %dma_wait3A_55 = arith.constant 0 : i32
    %dma_wait3A_56 = arith.constant 0 : i32
    %dma_wait3A_57 = tpu.memref_slice %arg7[%dma_wait3A_46, %dma_wait3A_55, %dma_wait3A_56] : memref<100000x4x512xf32, #tpu.memory_space<any>> -> memref<1x4x512xf32, #tpu.memory_space<any>>
    %dma_wait3A_58 = tpu.memref_squeeze %dma_wait3A_57 : memref<1x4x512xf32, #tpu.memory_space<any>> -> memref<4x512xf32, #tpu.memory_space<any>>
    tpu.wait_dma2 semaphore(%dma_wait3A_50 : memref<!tpu.dma_semaphore, #tpu.memory_space<semaphore_mem>>) src(%dma_wait3A_58 : memref<4x512xf32, #tpu.memory_space<any>>) dst(%dma_wait3A_54 : memref<4x512xf32, #tpu.memory_space<vmem>>)
    %dma_wait3A_59 = arith.constant 0 : i32
    %dma_wait3A_60 = arith.constant 4 : i32
    %dma_wait3A_61 = arith.constant 4 : i32
    %dma_wait3A_62 = tpu.memref_slice %arg10[%rem3A_0, %dma_wait3A_61] : memref<2x64x!tpu.dma_semaphore, #tpu.memory_space<semaphore_mem>> -> memref<1x1x!tpu.dma_semaphore, #tpu.memory_space<semaphore_mem>>
    %dma_wait3A_63 = tpu.memref_squeeze %dma_wait3A_62 : memref<1x1x!tpu.dma_semaphore, #tpu.memory_space<semaphore_mem>> -> memref<!tpu.dma_semaphore, #tpu.memory_space<semaphore_mem>>
    %dma_wait3A_64 = arith.constant 0 : i32
    %dma_wait3A_65 = arith.constant 0 : i32
    %dma_wait3A_66 = tpu.memref_slice %arg9[%rem3A_0, %dma_wait3A_60, %dma_wait3A_64, %dma_wait3A_65] : memref<2x64x4x512xf32, #tpu.memory_space<vmem>> -> memref<1x1x4x512xf32, #tpu.memory_space<vmem>>
    %dma_wait3A_67 = tpu.memref_squeeze %dma_wait3A_66 : memref<1x1x4x512xf32, #tpu.memory_space<vmem>> -> memref<4x512xf32, #tpu.memory_space<vmem>>
    %dma_wait3A_68 = arith.constant 0 : i32
    %dma_wait3A_69 = arith.constant 0 : i32
    %dma_wait3A_70 = tpu.memref_slice %arg7[%dma_wait3A_59, %dma_wait3A_68, %dma_wait3A_69] : memref<100000x4x512xf32, #tpu.memory_space<any>> -> memref<1x4x512xf32, #tpu.memory_space<any>>
    %dma_wait3A_71 = tpu.memref_squeeze %dma_wait3A_70 : memref<1x4x512xf32, #tpu.memory_space<any>> -> memref<4x512xf32, #tpu.memory_space<any>>
    tpu.wait_dma2 semaphore(%dma_wait3A_63 : memref<!tpu.dma_semaphore, #tpu.memory_space<semaphore_mem>>) src(%dma_wait3A_71 : memref<4x512xf32, #tpu.memory_space<any>>) dst(%dma_wait3A_67 : memref<4x512xf32, #tpu.memory_space<vmem>>)
    %dma_wait3A_72 = arith.constant 0 : i32
    %dma_wait3A_73 = arith.constant 5 : i32
    %dma_wait3A_74 = arith.constant 5 : i32
    %dma_wait3A_75 = tpu.memref_slice %arg10[%rem3A_0, %dma_wait3A_74] : memref<2x64x!tpu.dma_semaphore, #tpu.memory_space<semaphore_mem>> -> memref<1x1x!tpu.dma_semaphore, #tpu.memory_space<semaphore_mem>>
    %dma_wait3A_76 = tpu.memref_squeeze %dma_wait3A_75 : memref<1x1x!tpu.dma_semaphore, #tpu.memory_space<semaphore_mem>> -> memref<!tpu.dma_semaphore, #tpu.memory_space<semaphore_mem>>
    %dma_wait3A_77 = arith.constant 0 : i32
    %dma_wait3A_78 = arith.constant 0 : i32
    %dma_wait3A_79 = tpu.memref_slice %arg9[%rem3A_0, %dma_wait3A_73, %dma_wait3A_77, %dma_wait3A_78] : memref<2x64x4x512xf32, #tpu.memory_space<vmem>> -> memref<1x1x4x512xf32, #tpu.memory_space<vmem>>
    %dma_wait3A_80 = tpu.memref_squeeze %dma_wait3A_79 : memref<1x1x4x512xf32, #tpu.memory_space<vmem>> -> memref<4x512xf32, #tpu.memory_space<vmem>>
    %dma_wait3A_81 = arith.constant 0 : i32
    %dma_wait3A_82 = arith.constant 0 : i32
    %dma_wait3A_83 = tpu.memref_slice %arg7[%dma_wait3A_72, %dma_wait3A_81, %dma_wait3A_82] : memref<100000x4x512xf32, #tpu.memory_space<any>> -> memref<1x4x512xf32, #tpu.memory_space<any>>
    %dma_wait3A_84 = tpu.memref_squeeze %dma_wait3A_83 : memref<1x4x512xf32, #tpu.memory_space<any>> -> memref<4x512xf32, #tpu.memory_space<any>>
    tpu.wait_dma2 semaphore(%dma_wait3A_76 : memref<!tpu.dma_semaphore, #tpu.memory_space<semaphore_mem>>) src(%dma_wait3A_84 : memref<4x512xf32, #tpu.memory_space<any>>) dst(%dma_wait3A_80 : memref<4x512xf32, #tpu.memory_space<vmem>>)
    %dma_wait3A_85 = arith.constant 0 : i32
    %dma_wait3A_86 = arith.constant 6 : i32
    %dma_wait3A_87 = arith.constant 6 : i32
    %dma_wait3A_88 = tpu.memref_slice %arg10[%rem3A_0, %dma_wait3A_87] : memref<2x64x!tpu.dma_semaphore, #tpu.memory_space<semaphore_mem>> -> memref<1x1x!tpu.dma_semaphore, #tpu.memory_space<semaphore_mem>>
    %dma_wait3A_89 = tpu.memref_squeeze %dma_wait3A_88 : memref<1x1x!tpu.dma_semaphore, #tpu.memory_space<semaphore_mem>> -> memref<!tpu.dma_semaphore, #tpu.memory_space<semaphore_mem>>
    %dma_wait3A_90 = arith.constant 0 : i32
    %dma_wait3A_91 = arith.constant 0 : i32
    %dma_wait3A_92 = tpu.memref_slice %arg9[%rem3A_0, %dma_wait3A_86, %dma_wait3A_90, %dma_wait3A_91] : memref<2x64x4x512xf32, #tpu.memory_space<vmem>> -> memref<1x1x4x512xf32, #tpu.memory_space<vmem>>
    %dma_wait3A_93 = tpu.memref_squeeze %dma_wait3A_92 : memref<1x1x4x512xf32, #tpu.memory_space<vmem>> -> memref<4x512xf32, #tpu.memory_space<vmem>>
    %dma_wait3A_94 = arith.constant 0 : i32
    %dma_wait3A_95 = arith.constant 0 : i32
    %dma_wait3A_96 = tpu.memref_slice %arg7[%dma_wait3A_85, %dma_wait3A_94, %dma_wait3A_95] : memref<100000x4x512xf32, #tpu.memory_space<any>> -> memref<1x4x512xf32, #tpu.memory_space<any>>
    %dma_wait3A_97 = tpu.memref_squeeze %dma_wait3A_96 : memref<1x4x512xf32, #tpu.memory_space<any>> -> memref<4x512xf32, #tpu.memory_space<any>>
    tpu.wait_dma2 semaphore(%dma_wait3A_89 : memref<!tpu.dma_semaphore, #tpu.memory_space<semaphore_mem>>) src(%dma_wait3A_97 : memref<4x512xf32, #tpu.memory_space<any>>) dst(%dma_wait3A_93 : memref<4x512xf32, #tpu.memory_space<vmem>>)
    %dma_wait3A_98 = arith.constant 0 : i32
    %dma_wait3A_99 = arith.constant 7 : i32
    %dma_wait3A_100 = arith.constant 7 : i32
    %dma_wait3A_101 = tpu.memref_slice %arg10[%rem3A_0, %dma_wait3A_100] : memref<2x64x!tpu.dma_semaphore, #tpu.memory_space<semaphore_mem>> -> memref<1x1x!tpu.dma_semaphore, #tpu.memory_space<semaphore_mem>>
    %dma_wait3A_102 = tpu.memref_squeeze %dma_wait3A_101 : memref<1x1x!tpu.dma_semaphore, #tpu.memory_space<semaphore_mem>> -> memref<!tpu.dma_semaphore, #tpu.memory_space<semaphore_mem>>
    %dma_wait3A_103 = arith.constant 0 : i32
    %dma_wait3A_104 = arith.constant 0 : i32
    %dma_wait3A_105 = tpu.memref_slice %arg9[%rem3A_0, %dma_wait3A_99, %dma_wait3A_103, %dma_wait3A_104] : memref<2x64x4x512xf32, #tpu.memory_space<vmem>> -> memref<1x1x4x512xf32, #tpu.memory_space<vmem>>
    %dma_wait3A_106 = tpu.memref_squeeze %dma_wait3A_105 : memref<1x1x4x512xf32, #tpu.memory_space<vmem>> -> memref<4x512xf32, #tpu.memory_space<vmem>>
    %dma_wait3A_107 = arith.constant 0 : i32
    %dma_wait3A_108 = arith.constant 0 : i32
    %dma_wait3A_109 = tpu.memref_slice %arg7[%dma_wait3A_98, %dma_wait3A_107, %dma_wait3A_108] : memref<100000x4x512xf32, #tpu.memory_space<any>> -> memref<1x4x512xf32, #tpu.memory_space<any>>
    %dma_wait3A_110 = tpu.memref_squeeze %dma_wait3A_109 : memref<1x4x512xf32, #tpu.memory_space<any>> -> memref<4x512xf32, #tpu.memory_space<any>>
    tpu.wait_dma2 semaphore(%dma_wait3A_102 : memref<!tpu.dma_semaphore, #tpu.memory_space<semaphore_mem>>) src(%dma_wait3A_110 : memref<4x512xf32, #tpu.memory_space<any>>) dst(%dma_wait3A_106 : memref<4x512xf32, #tpu.memory_space<vmem>>)
    %dma_wait3A_111 = arith.constant 0 : i32
    %dma_wait3A_112 = arith.constant 8 : i32
    %dma_wait3A_113 = arith.constant 8 : i32
    %dma_wait3A_114 = tpu.memref_slice %arg10[%rem3A_0, %dma_wait3A_113] : memref<2x64x!tpu.dma_semaphore, #tpu.memory_space<semaphore_mem>> -> memref<1x1x!tpu.dma_semaphore, #tpu.memory_space<semaphore_mem>>
    %dma_wait3A_115 = tpu.memref_squeeze %dma_wait3A_114 : memref<1x1x!tpu.dma_semaphore, #tpu.memory_space<semaphore_mem>> -> memref<!tpu.dma_semaphore, #tpu.memory_space<semaphore_mem>>
    %dma_wait3A_116 = arith.constant 0 : i32
    %dma_wait3A_117 = arith.constant 0 : i32
    %dma_wait3A_118 = tpu.memref_slice %arg9[%rem3A_0, %dma_wait3A_112, %dma_wait3A_116, %dma_wait3A_117] : memref<2x64x4x512xf32, #tpu.memory_space<vmem>> -> memref<1x1x4x512xf32, #tpu.memory_space<vmem>>
    %dma_wait3A_119 = tpu.memref_squeeze %dma_wait3A_118 : memref<1x1x4x512xf32, #tpu.memory_space<vmem>> -> memref<4x512xf32, #tpu.memory_space<vmem>>
    %dma_wait3A_120 = arith.constant 0 : i32
    %dma_wait3A_121 = arith.constant 0 : i32
    %dma_wait3A_122 = tpu.memref_slice %arg7[%dma_wait3A_111, %dma_wait3A_120, %dma_wait3A_121] : memref<100000x4x512xf32, #tpu.memory_space<any>> -> memref<1x4x512xf32, #tpu.memory_space<any>>
    %dma_wait3A_123 = tpu.memref_squeeze %dma_wait3A_122 : memref<1x4x512xf32, #tpu.memory_space<any>> -> memref<4x512xf32, #tpu.memory_space<any>>
    tpu.wait_dma2 semaphore(%dma_wait3A_115 : memref<!tpu.dma_semaphore, #tpu.memory_space<semaphore_mem>>) src(%dma_wait3A_123 : memref<4x512xf32, #tpu.memory_space<any>>) dst(%dma_wait3A_119 : memref<4x512xf32, #tpu.memory_space<vmem>>)
    %dma_wait3A_124 = arith.constant 0 : i32
    %dma_wait3A_125 = arith.constant 9 : i32
    %dma_wait3A_126 = arith.constant 9 : i32
    %dma_wait3A_127 = tpu.memref_slice %arg10[%rem3A_0, %dma_wait3A_126] : memref<2x64x!tpu.dma_semaphore, #tpu.memory_space<semaphore_mem>> -> memref<1x1x!tpu.dma_semaphore, #tpu.memory_space<semaphore_mem>>
    %dma_wait3A_128 = tpu.memref_squeeze %dma_wait3A_127 : memref<1x1x!tpu.dma_semaphore, #tpu.memory_space<semaphore_mem>> -> memref<!tpu.dma_semaphore, #tpu.memory_space<semaphore_mem>>
    %dma_wait3A_129 = arith.constant 0 : i32
    %dma_wait3A_130 = arith.constant 0 : i32
    %dma_wait3A_131 = tpu.memref_slice %arg9[%rem3A_0, %dma_wait3A_125, %dma_wait3A_129, %dma_wait3A_130] : memref<2x64x4x512xf32, #tpu.memory_space<vmem>> -> memref<1x1x4x512xf32, #tpu.memory_space<vmem>>
    %dma_wait3A_132 = tpu.memref_squeeze %dma_wait3A_131 : memref<1x1x4x512xf32, #tpu.memory_space<vmem>> -> memref<4x512xf32, #tpu.memory_space<vmem>>
    %dma_wait3A_133 = arith.constant 0 : i32
    %dma_wait3A_134 = arith.constant 0 : i32
    %dma_wait3A_135 = tpu.memref_slice %arg7[%dma_wait3A_124, %dma_wait3A_133, %dma_wait3A_134] : memref<100000x4x512xf32, #tpu.memory_space<any>> -> memref<1x4x512xf32, #tpu.memory_space<any>>
    %dma_wait3A_136 = tpu.memref_squeeze %dma_wait3A_135 : memref<1x4x512xf32, #tpu.memory_space<any>> -> memref<4x512xf32, #tpu.memory_space<any>>
    tpu.wait_dma2 semaphore(%dma_wait3A_128 : memref<!tpu.dma_semaphore, #tpu.memory_space<semaphore_mem>>) src(%dma_wait3A_136 : memref<4x512xf32, #tpu.memory_space<any>>) dst(%dma_wait3A_132 : memref<4x512xf32, #tpu.memory_space<vmem>>)
    %dma_wait3A_137 = arith.constant 0 : i32
    %dma_wait3A_138 = arith.constant 10 : i32
    %dma_wait3A_139 = arith.constant 10 : i32
    %dma_wait3A_140 = tpu.memref_slice %arg10[%rem3A_0, %dma_wait3A_139] : memref<2x64x!tpu.dma_semaphore, #tpu.memory_space<semaphore_mem>> -> memref<1x1x!tpu.dma_semaphore, #tpu.memory_space<semaphore_mem>>
    %dma_wait3A_141 = tpu.memref_squeeze %dma_wait3A_140 : memref<1x1x!tpu.dma_semaphore, #tpu.memory_space<semaphore_mem>> -> memref<!tpu.dma_semaphore, #tpu.memory_space<semaphore_mem>>
    %dma_wait3A_142 = arith.constant 0 : i32
    %dma_wait3A_143 = arith.constant 0 : i32
    %dma_wait3A_144 = tpu.memref_slice %arg9[%rem3A_0, %dma_wait3A_138, %dma_wait3A_142, %dma_wait3A_143] : memref<2x64x4x512xf32, #tpu.memory_space<vmem>> -> memref<1x1x4x512xf32, #tpu.memory_space<vmem>>
    %dma_wait3A_145 = tpu.memref_squeeze %dma_wait3A_144 : memref<1x1x4x512xf32, #tpu.memory_space<vmem>> -> memref<4x512xf32, #tpu.memory_space<vmem>>
    %dma_wait3A_146 = arith.constant 0 : i32
    %dma_wait3A_147 = arith.constant 0 : i32
    %dma_wait3A_148 = tpu.memref_slice %arg7[%dma_wait3A_137, %dma_wait3A_146, %dma_wait3A_147] : memref<100000x4x512xf32, #tpu.memory_space<any>> -> memref<1x4x512xf32, #tpu.memory_space<any>>
    %dma_wait3A_149 = tpu.memref_squeeze %dma_wait3A_148 : memref<1x4x512xf32, #tpu.memory_space<any>> -> memref<4x512xf32, #tpu.memory_space<any>>
    tpu.wait_dma2 semaphore(%dma_wait3A_141 : memref<!tpu.dma_semaphore, #tpu.memory_space<semaphore_mem>>) src(%dma_wait3A_149 : memref<4x512xf32, #tpu.memory_space<any>>) dst(%dma_wait3A_145 : memref<4x512xf32, #tpu.memory_space<vmem>>)
    %dma_wait3A_150 = arith.constant 0 : i32
    %dma_wait3A_151 = arith.constant 11 : i32
    %dma_wait3A_152 = arith.constant 11 : i32
    %dma_wait3A_153 = tpu.memref_slice %arg10[%rem3A_0, %dma_wait3A_152] : memref<2x64x!tpu.dma_semaphore, #tpu.memory_space<semaphore_mem>> -> memref<1x1x!tpu.dma_semaphore, #tpu.memory_space<semaphore_mem>>
    %dma_wait3A_154 = tpu.memref_squeeze %dma_wait3A_153 : memref<1x1x!tpu.dma_semaphore, #tpu.memory_space<semaphore_mem>> -> memref<!tpu.dma_semaphore, #tpu.memory_space<semaphore_mem>>
    %dma_wait3A_155 = arith.constant 0 : i32
    %dma_wait3A_156 = arith.constant 0 : i32
    %dma_wait3A_157 = tpu.memref_slice %arg9[%rem3A_0, %dma_wait3A_151, %dma_wait3A_155, %dma_wait3A_156] : memref<2x64x4x512xf32, #tpu.memory_space<vmem>> -> memref<1x1x4x512xf32, #tpu.memory_space<vmem>>
    %dma_wait3A_158 = tpu.memref_squeeze %dma_wait3A_157 : memref<1x1x4x512xf32, #tpu.memory_space<vmem>> -> memref<4x512xf32, #tpu.memory_space<vmem>>
    %dma_wait3A_159 = arith.constant 0 : i32
    %dma_wait3A_160 = arith.constant 0 : i32
    %dma_wait3A_161 = tpu.memref_slice %arg7[%dma_wait3A_150, %dma_wait3A_159, %dma_wait3A_160] : memref<100000x4x512xf32, #tpu.memory_space<any>> -> memref<1x4x512xf32, #tpu.memory_space<any>>
    %dma_wait3A_162 = tpu.memref_squeeze %dma_wait3A_161 : memref<1x4x512xf32, #tpu.memory_space<any>> -> memref<4x512xf32, #tpu.memory_space<any>>
    tpu.wait_dma2 semaphore(%dma_wait3A_154 : memref<!tpu.dma_semaphore, #tpu.memory_space<semaphore_mem>>) src(%dma_wait3A_162 : memref<4x512xf32, #tpu.memory_space<any>>) dst(%dma_wait3A_158 : memref<4x512xf32, #tpu.memory_space<vmem>>)
    %dma_wait3A_163 = arith.constant 0 : i32
    %dma_wait3A_164 = arith.constant 12 : i32
    %dma_wait3A_165 = arith.constant 12 : i32
    %dma_wait3A_166 = tpu.memref_slice %arg10[%rem3A_0, %dma_wait3A_165] : memref<2x64x!tpu.dma_semaphore, #tpu.memory_space<semaphore_mem>> -> memref<1x1x!tpu.dma_semaphore, #tpu.memory_space<semaphore_mem>>
    %dma_wait3A_167 = tpu.memref_squeeze %dma_wait3A_166 : memref<1x1x!tpu.dma_semaphore, #tpu.memory_space<semaphore_mem>> -> memref<!tpu.dma_semaphore, #tpu.memory_space<semaphore_mem>>
    %dma_wait3A_168 = arith.constant 0 : i32
    %dma_wait3A_169 = arith.constant 0 : i32
    %dma_wait3A_170 = tpu.memref_slice %arg9[%rem3A_0, %dma_wait3A_164, %dma_wait3A_168, %dma_wait3A_169] : memref<2x64x4x512xf32, #tpu.memory_space<vmem>> -> memref<1x1x4x512xf32, #tpu.memory_space<vmem>>
    %dma_wait3A_171 = tpu.memref_squeeze %dma_wait3A_170 : memref<1x1x4x512xf32, #tpu.memory_space<vmem>> -> memref<4x512xf32, #tpu.memory_space<vmem>>
    %dma_wait3A_172 = arith.constant 0 : i32
    %dma_wait3A_173 = arith.constant 0 : i32
    %dma_wait3A_174 = tpu.memref_slice %arg7[%dma_wait3A_163, %dma_wait3A_172, %dma_wait3A_173] : memref<100000x4x512xf32, #tpu.memory_space<any>> -> memref<1x4x512xf32, #tpu.memory_space<any>>
    %dma_wait3A_175 = tpu.memref_squeeze %dma_wait3A_174 : memref<1x4x512xf32, #tpu.memory_space<any>> -> memref<4x512xf32, #tpu.memory_space<any>>
    tpu.wait_dma2 semaphore(%dma_wait3A_167 : memref<!tpu.dma_semaphore, #tpu.memory_space<semaphore_mem>>) src(%dma_wait3A_175 : memref<4x512xf32, #tpu.memory_space<any>>) dst(%dma_wait3A_171 : memref<4x512xf32, #tpu.memory_space<vmem>>)
    %dma_wait3A_176 = arith.constant 0 : i32
    %dma_wait3A_177 = arith.constant 13 : i32
    %dma_wait3A_178 = arith.constant 13 : i32
    %dma_wait3A_179 = tpu.memref_slice %arg10[%rem3A_0, %dma_wait3A_178] : memref<2x64x!tpu.dma_semaphore, #tpu.memory_space<semaphore_mem>> -> memref<1x1x!tpu.dma_semaphore, #tpu.memory_space<semaphore_mem>>
    %dma_wait3A_180 = tpu.memref_squeeze %dma_wait3A_179 : memref<1x1x!tpu.dma_semaphore, #tpu.memory_space<semaphore_mem>> -> memref<!tpu.dma_semaphore, #tpu.memory_space<semaphore_mem>>
    %dma_wait3A_181 = arith.constant 0 : i32
    %dma_wait3A_182 = arith.constant 0 : i32
    %dma_wait3A_183 = tpu.memref_slice %arg9[%rem3A_0, %dma_wait3A_177, %dma_wait3A_181, %dma_wait3A_182] : memref<2x64x4x512xf32, #tpu.memory_space<vmem>> -> memref<1x1x4x512xf32, #tpu.memory_space<vmem>>
    %dma_wait3A_184 = tpu.memref_squeeze %dma_wait3A_183 : memref<1x1x4x512xf32, #tpu.memory_space<vmem>> -> memref<4x512xf32, #tpu.memory_space<vmem>>
    %dma_wait3A_185 = arith.constant 0 : i32
    %dma_wait3A_186 = arith.constant 0 : i32
    %dma_wait3A_187 = tpu.memref_slice %arg7[%dma_wait3A_176, %dma_wait3A_185, %dma_wait3A_186] : memref<100000x4x512xf32, #tpu.memory_space<any>> -> memref<1x4x512xf32, #tpu.memory_space<any>>
    %dma_wait3A_188 = tpu.memref_squeeze %dma_wait3A_187 : memref<1x4x512xf32, #tpu.memory_space<any>> -> memref<4x512xf32, #tpu.memory_space<any>>
    tpu.wait_dma2 semaphore(%dma_wait3A_180 : memref<!tpu.dma_semaphore, #tpu.memory_space<semaphore_mem>>) src(%dma_wait3A_188 : memref<4x512xf32, #tpu.memory_space<any>>) dst(%dma_wait3A_184 : memref<4x512xf32, #tpu.memory_space<vmem>>)
    %dma_wait3A_189 = arith.constant 0 : i32
    %dma_wait3A_190 = arith.constant 14 : i32
    %dma_wait3A_191 = arith.constant 14 : i32
    %dma_wait3A_192 = tpu.memref_slice %arg10[%rem3A_0, %dma_wait3A_191] : memref<2x64x!tpu.dma_semaphore, #tpu.memory_space<semaphore_mem>> -> memref<1x1x!tpu.dma_semaphore, #tpu.memory_space<semaphore_mem>>
    %dma_wait3A_193 = tpu.memref_squeeze %dma_wait3A_192 : memref<1x1x!tpu.dma_semaphore, #tpu.memory_space<semaphore_mem>> -> memref<!tpu.dma_semaphore, #tpu.memory_space<semaphore_mem>>
    %dma_wait3A_194 = arith.constant 0 : i32
    %dma_wait3A_195 = arith.constant 0 : i32
    %dma_wait3A_196 = tpu.memref_slice %arg9[%rem3A_0, %dma_wait3A_190, %dma_wait3A_194, %dma_wait3A_195] : memref<2x64x4x512xf32, #tpu.memory_space<vmem>> -> memref<1x1x4x512xf32, #tpu.memory_space<vmem>>
    %dma_wait3A_197 = tpu.memref_squeeze %dma_wait3A_196 : memref<1x1x4x512xf32, #tpu.memory_space<vmem>> -> memref<4x512xf32, #tpu.memory_space<vmem>>
    %dma_wait3A_198 = arith.constant 0 : i32
    %dma_wait3A_199 = arith.constant 0 : i32
    %dma_wait3A_200 = tpu.memref_slice %arg7[%dma_wait3A_189, %dma_wait3A_198, %dma_wait3A_199] : memref<100000x4x512xf32, #tpu.memory_space<any>> -> memref<1x4x512xf32, #tpu.memory_space<any>>
    %dma_wait3A_201 = tpu.memref_squeeze %dma_wait3A_200 : memref<1x4x512xf32, #tpu.memory_space<any>> -> memref<4x512xf32, #tpu.memory_space<any>>
    tpu.wait_dma2 semaphore(%dma_wait3A_193 : memref<!tpu.dma_semaphore, #tpu.memory_space<semaphore_mem>>) src(%dma_wait3A_201 : memref<4x512xf32, #tpu.memory_space<any>>) dst(%dma_wait3A_197 : memref<4x512xf32, #tpu.memory_space<vmem>>)
    %dma_wait3A_202 = arith.constant 0 : i32
    %dma_wait3A_203 = arith.constant 15 : i32
    %dma_wait3A_204 = arith.constant 15 : i32
    %dma_wait3A_205 = tpu.memref_slice %arg10[%rem3A_0, %dma_wait3A_204] : memref<2x64x!tpu.dma_semaphore, #tpu.memory_space<semaphore_mem>> -> memref<1x1x!tpu.dma_semaphore, #tpu.memory_space<semaphore_mem>>
    %dma_wait3A_206 = tpu.memref_squeeze %dma_wait3A_205 : memref<1x1x!tpu.dma_semaphore, #tpu.memory_space<semaphore_mem>> -> memref<!tpu.dma_semaphore, #tpu.memory_space<semaphore_mem>>
    %dma_wait3A_207 = arith.constant 0 : i32
    %dma_wait3A_208 = arith.constant 0 : i32
    %dma_wait3A_209 = tpu.memref_slice %arg9[%rem3A_0, %dma_wait3A_203, %dma_wait3A_207, %dma_wait3A_208] : memref<2x64x4x512xf32, #tpu.memory_space<vmem>> -> memref<1x1x4x512xf32, #tpu.memory_space<vmem>>
    %dma_wait3A_210 = tpu.memref_squeeze %dma_wait3A_209 : memref<1x1x4x512xf32, #tpu.memory_space<vmem>> -> memref<4x512xf32, #tpu.memory_space<vmem>>
    %dma_wait3A_211 = arith.constant 0 : i32
    %dma_wait3A_212 = arith.constant 0 : i32
    %dma_wait3A_213 = tpu.memref_slice %arg7[%dma_wait3A_202, %dma_wait3A_211, %dma_wait3A_212] : memref<100000x4x512xf32, #tpu.memory_space<any>> -> memref<1x4x512xf32, #tpu.memory_space<any>>
    %dma_wait3A_214 = tpu.memref_squeeze %dma_wait3A_213 : memref<1x4x512xf32, #tpu.memory_space<any>> -> memref<4x512xf32, #tpu.memory_space<any>>
    tpu.wait_dma2 semaphore(%dma_wait3A_206 : memref<!tpu.dma_semaphore, #tpu.memory_space<semaphore_mem>>) src(%dma_wait3A_214 : memref<4x512xf32, #tpu.memory_space<any>>) dst(%dma_wait3A_210 : memref<4x512xf32, #tpu.memory_space<vmem>>)
    %dma_wait3A_215 = arith.constant 0 : i32
    %dma_wait3A_216 = arith.constant 16 : i32
    %dma_wait3A_217 = arith.constant 16 : i32
    %dma_wait3A_218 = tpu.memref_slice %arg10[%rem3A_0, %dma_wait3A_217] : memref<2x64x!tpu.dma_semaphore, #tpu.memory_space<semaphore_mem>> -> memref<1x1x!tpu.dma_semaphore, #tpu.memory_space<semaphore_mem>>
    %dma_wait3A_219 = tpu.memref_squeeze %dma_wait3A_218 : memref<1x1x!tpu.dma_semaphore, #tpu.memory_space<semaphore_mem>> -> memref<!tpu.dma_semaphore, #tpu.memory_space<semaphore_mem>>
    %dma_wait3A_220 = arith.constant 0 : i32
    %dma_wait3A_221 = arith.constant 0 : i32
    %dma_wait3A_222 = tpu.memref_slice %arg9[%rem3A_0, %dma_wait3A_216, %dma_wait3A_220, %dma_wait3A_221] : memref<2x64x4x512xf32, #tpu.memory_space<vmem>> -> memref<1x1x4x512xf32, #tpu.memory_space<vmem>>
    %dma_wait3A_223 = tpu.memref_squeeze %dma_wait3A_222 : memref<1x1x4x512xf32, #tpu.memory_space<vmem>> -> memref<4x512xf32, #tpu.memory_space<vmem>>
    %dma_wait3A_224 = arith.constant 0 : i32
    %dma_wait3A_225 = arith.constant 0 : i32
    %dma_wait3A_226 = tpu.memref_slice %arg7[%dma_wait3A_215, %dma_wait3A_224, %dma_wait3A_225] : memref<100000x4x512xf32, #tpu.memory_space<any>> -> memref<1x4x512xf32, #tpu.memory_space<any>>
    %dma_wait3A_227 = tpu.memref_squeeze %dma_wait3A_226 : memref<1x4x512xf32, #tpu.memory_space<any>> -> memref<4x512xf32, #tpu.memory_space<any>>
    tpu.wait_dma2 semaphore(%dma_wait3A_219 : memref<!tpu.dma_semaphore, #tpu.memory_space<semaphore_mem>>) src(%dma_wait3A_227 : memref<4x512xf32, #tpu.memory_space<any>>) dst(%dma_wait3A_223 : memref<4x512xf32, #tpu.memory_space<vmem>>)
    %dma_wait3A_228 = arith.constant 0 : i32
    %dma_wait3A_229 = arith.constant 17 : i32
    %dma_wait3A_230 = arith.constant 17 : i32
    %dma_wait3A_231 = tpu.memref_slice %arg10[%rem3A_0, %dma_wait3A_230] : memref<2x64x!tpu.dma_semaphore, #tpu.memory_space<semaphore_mem>> -> memref<1x1x!tpu.dma_semaphore, #tpu.memory_space<semaphore_mem>>
    %dma_wait3A_232 = tpu.memref_squeeze %dma_wait3A_231 : memref<1x1x!tpu.dma_semaphore, #tpu.memory_space<semaphore_mem>> -> memref<!tpu.dma_semaphore, #tpu.memory_space<semaphore_mem>>
    %dma_wait3A_233 = arith.constant 0 : i32
    %dma_wait3A_234 = arith.constant 0 : i32
    %dma_wait3A_235 = tpu.memref_slice %arg9[%rem3A_0, %dma_wait3A_229, %dma_wait3A_233, %dma_wait3A_234] : memref<2x64x4x512xf32, #tpu.memory_space<vmem>> -> memref<1x1x4x512xf32, #tpu.memory_space<vmem>>
    %dma_wait3A_236 = tpu.memref_squeeze %dma_wait3A_235 : memref<1x1x4x512xf32, #tpu.memory_space<vmem>> -> memref<4x512xf32, #tpu.memory_space<vmem>>
    %dma_wait3A_237 = arith.constant 0 : i32
    %dma_wait3A_238 = arith.constant 0 : i32
    %dma_wait3A_239 = tpu.memref_slice %arg7[%dma_wait3A_228, %dma_wait3A_237, %dma_wait3A_238] : memref<100000x4x512xf32, #tpu.memory_space<any>> -> memref<1x4x512xf32, #tpu.memory_space<any>>
    %dma_wait3A_240 = tpu.memref_squeeze %dma_wait3A_239 : memref<1x4x512xf32, #tpu.memory_space<any>> -> memref<4x512xf32, #tpu.memory_space<any>>
    tpu.wait_dma2 semaphore(%dma_wait3A_232 : memref<!tpu.dma_semaphore, #tpu.memory_space<semaphore_mem>>) src(%dma_wait3A_240 : memref<4x512xf32, #tpu.memory_space<any>>) dst(%dma_wait3A_236 : memref<4x512xf32, #tpu.memory_space<vmem>>)
    %dma_wait3A_241 = arith.constant 0 : i32
    %dma_wait3A_242 = arith.constant 18 : i32
    %dma_wait3A_243 = arith.constant 18 : i32
    %dma_wait3A_244 = tpu.memref_slice %arg10[%rem3A_0, %dma_wait3A_243] : memref<2x64x!tpu.dma_semaphore, #tpu.memory_space<semaphore_mem>> -> memref<1x1x!tpu.dma_semaphore, #tpu.memory_space<semaphore_mem>>
    %dma_wait3A_245 = tpu.memref_squeeze %dma_wait3A_244 : memref<1x1x!tpu.dma_semaphore, #tpu.memory_space<semaphore_mem>> -> memref<!tpu.dma_semaphore, #tpu.memory_space<semaphore_mem>>
    %dma_wait3A_246 = arith.constant 0 : i32
    %dma_wait3A_247 = arith.constant 0 : i32
    %dma_wait3A_248 = tpu.memref_slice %arg9[%rem3A_0, %dma_wait3A_242, %dma_wait3A_246, %dma_wait3A_247] : memref<2x64x4x512xf32, #tpu.memory_space<vmem>> -> memref<1x1x4x512xf32, #tpu.memory_space<vmem>>
    %dma_wait3A_249 = tpu.memref_squeeze %dma_wait3A_248 : memref<1x1x4x512xf32, #tpu.memory_space<vmem>> -> memref<4x512xf32, #tpu.memory_space<vmem>>
    %dma_wait3A_250 = arith.constant 0 : i32
    %dma_wait3A_251 = arith.constant 0 : i32
    %dma_wait3A_252 = tpu.memref_slice %arg7[%dma_wait3A_241, %dma_wait3A_250, %dma_wait3A_251] : memref<100000x4x512xf32, #tpu.memory_space<any>> -> memref<1x4x512xf32, #tpu.memory_space<any>>
    %dma_wait3A_253 = tpu.memref_squeeze %dma_wait3A_252 : memref<1x4x512xf32, #tpu.memory_space<any>> -> memref<4x512xf32, #tpu.memory_space<any>>
    tpu.wait_dma2 semaphore(%dma_wait3A_245 : memref<!tpu.dma_semaphore, #tpu.memory_space<semaphore_mem>>) src(%dma_wait3A_253 : memref<4x512xf32, #tpu.memory_space<any>>) dst(%dma_wait3A_249 : memref<4x512xf32, #tpu.memory_space<vmem>>)
    %dma_wait3A_254 = arith.constant 0 : i32
    %dma_wait3A_255 = arith.constant 19 : i32
    %dma_wait3A_256 = arith.constant 19 : i32
    %dma_wait3A_257 = tpu.memref_slice %arg10[%rem3A_0, %dma_wait3A_256] : memref<2x64x!tpu.dma_semaphore, #tpu.memory_space<semaphore_mem>> -> memref<1x1x!tpu.dma_semaphore, #tpu.memory_space<semaphore_mem>>
    %dma_wait3A_258 = tpu.memref_squeeze %dma_wait3A_257 : memref<1x1x!tpu.dma_semaphore, #tpu.memory_space<semaphore_mem>> -> memref<!tpu.dma_semaphore, #tpu.memory_space<semaphore_mem>>
    %dma_wait3A_259 = arith.constant 0 : i32
    %dma_wait3A_260 = arith.constant 0 : i32
    %dma_wait3A_261 = tpu.memref_slice %arg9[%rem3A_0, %dma_wait3A_255, %dma_wait3A_259, %dma_wait3A_260] : memref<2x64x4x512xf32, #tpu.memory_space<vmem>> -> memref<1x1x4x512xf32, #tpu.memory_space<vmem>>
    %dma_wait3A_262 = tpu.memref_squeeze %dma_wait3A_261 : memref<1x1x4x512xf32, #tpu.memory_space<vmem>> -> memref<4x512xf32, #tpu.memory_space<vmem>>
    %dma_wait3A_263 = arith.constant 0 : i32
    %dma_wait3A_264 = arith.constant 0 : i32
    %dma_wait3A_265 = tpu.memref_slice %arg7[%dma_wait3A_254, %dma_wait3A_263, %dma_wait3A_264] : memref<100000x4x512xf32, #tpu.memory_space<any>> -> memref<1x4x512xf32, #tpu.memory_space<any>>
    %dma_wait3A_266 = tpu.memref_squeeze %dma_wait3A_265 : memref<1x4x512xf32, #tpu.memory_space<any>> -> memref<4x512xf32, #tpu.memory_space<any>>
    tpu.wait_dma2 semaphore(%dma_wait3A_258 : memref<!tpu.dma_semaphore, #tpu.memory_space<semaphore_mem>>) src(%dma_wait3A_266 : memref<4x512xf32, #tpu.memory_space<any>>) dst(%dma_wait3A_262 : memref<4x512xf32, #tpu.memory_space<vmem>>)
    %dma_wait3A_267 = arith.constant 0 : i32
    %dma_wait3A_268 = arith.constant 20 : i32
    %dma_wait3A_269 = arith.constant 20 : i32
    %dma_wait3A_270 = tpu.memref_slice %arg10[%rem3A_0, %dma_wait3A_269] : memref<2x64x!tpu.dma_semaphore, #tpu.memory_space<semaphore_mem>> -> memref<1x1x!tpu.dma_semaphore, #tpu.memory_space<semaphore_mem>>
    %dma_wait3A_271 = tpu.memref_squeeze %dma_wait3A_270 : memref<1x1x!tpu.dma_semaphore, #tpu.memory_space<semaphore_mem>> -> memref<!tpu.dma_semaphore, #tpu.memory_space<semaphore_mem>>
    %dma_wait3A_272 = arith.constant 0 : i32
    %dma_wait3A_273 = arith.constant 0 : i32
    %dma_wait3A_274 = tpu.memref_slice %arg9[%rem3A_0, %dma_wait3A_268, %dma_wait3A_272, %dma_wait3A_273] : memref<2x64x4x512xf32, #tpu.memory_space<vmem>> -> memref<1x1x4x512xf32, #tpu.memory_space<vmem>>
    %dma_wait3A_275 = tpu.memref_squeeze %dma_wait3A_274 : memref<1x1x4x512xf32, #tpu.memory_space<vmem>> -> memref<4x512xf32, #tpu.memory_space<vmem>>
    %dma_wait3A_276 = arith.constant 0 : i32
    %dma_wait3A_277 = arith.constant 0 : i32
    %dma_wait3A_278 = tpu.memref_slice %arg7[%dma_wait3A_267, %dma_wait3A_276, %dma_wait3A_277] : memref<100000x4x512xf32, #tpu.memory_space<any>> -> memref<1x4x512xf32, #tpu.memory_space<any>>
    %dma_wait3A_279 = tpu.memref_squeeze %dma_wait3A_278 : memref<1x4x512xf32, #tpu.memory_space<any>> -> memref<4x512xf32, #tpu.memory_space<any>>
    tpu.wait_dma2 semaphore(%dma_wait3A_271 : memref<!tpu.dma_semaphore, #tpu.memory_space<semaphore_mem>>) src(%dma_wait3A_279 : memref<4x512xf32, #tpu.memory_space<any>>) dst(%dma_wait3A_275 : memref<4x512xf32, #tpu.memory_space<vmem>>)
    %dma_wait3A_280 = arith.constant 0 : i32
    %dma_wait3A_281 = arith.constant 21 : i32
    %dma_wait3A_282 = arith.constant 21 : i32
    %dma_wait3A_283 = tpu.memref_slice %arg10[%rem3A_0, %dma_wait3A_282] : memref<2x64x!tpu.dma_semaphore, #tpu.memory_space<semaphore_mem>> -> memref<1x1x!tpu.dma_semaphore, #tpu.memory_space<semaphore_mem>>
    %dma_wait3A_284 = tpu.memref_squeeze %dma_wait3A_283 : memref<1x1x!tpu.dma_semaphore, #tpu.memory_space<semaphore_mem>> -> memref<!tpu.dma_semaphore, #tpu.memory_space<semaphore_mem>>
    %dma_wait3A_285 = arith.constant 0 : i32
    %dma_wait3A_286 = arith.constant 0 : i32
    %dma_wait3A_287 = tpu.memref_slice %arg9[%rem3A_0, %dma_wait3A_281, %dma_wait3A_285, %dma_wait3A_286] : memref<2x64x4x512xf32, #tpu.memory_space<vmem>> -> memref<1x1x4x512xf32, #tpu.memory_space<vmem>>
    %dma_wait3A_288 = tpu.memref_squeeze %dma_wait3A_287 : memref<1x1x4x512xf32, #tpu.memory_space<vmem>> -> memref<4x512xf32, #tpu.memory_space<vmem>>
    %dma_wait3A_289 = arith.constant 0 : i32
    %dma_wait3A_290 = arith.constant 0 : i32
    %dma_wait3A_291 = tpu.memref_slice %arg7[%dma_wait3A_280, %dma_wait3A_289, %dma_wait3A_290] : memref<100000x4x512xf32, #tpu.memory_space<any>> -> memref<1x4x512xf32, #tpu.memory_space<any>>
    %dma_wait3A_292 = tpu.memref_squeeze %dma_wait3A_291 : memref<1x4x512xf32, #tpu.memory_space<any>> -> memref<4x512xf32, #tpu.memory_space<any>>
    tpu.wait_dma2 semaphore(%dma_wait3A_284 : memref<!tpu.dma_semaphore, #tpu.memory_space<semaphore_mem>>) src(%dma_wait3A_292 : memref<4x512xf32, #tpu.memory_space<any>>) dst(%dma_wait3A_288 : memref<4x512xf32, #tpu.memory_space<vmem>>)
    %dma_wait3A_293 = arith.constant 0 : i32
    %dma_wait3A_294 = arith.constant 22 : i32
    %dma_wait3A_295 = arith.constant 22 : i32
    %dma_wait3A_296 = tpu.memref_slice %arg10[%rem3A_0, %dma_wait3A_295] : memref<2x64x!tpu.dma_semaphore, #tpu.memory_space<semaphore_mem>> -> memref<1x1x!tpu.dma_semaphore, #tpu.memory_space<semaphore_mem>>
    %dma_wait3A_297 = tpu.memref_squeeze %dma_wait3A_296 : memref<1x1x!tpu.dma_semaphore, #tpu.memory_space<semaphore_mem>> -> memref<!tpu.dma_semaphore, #tpu.memory_space<semaphore_mem>>
    %dma_wait3A_298 = arith.constant 0 : i32
    %dma_wait3A_299 = arith.constant 0 : i32
    %dma_wait3A_300 = tpu.memref_slice %arg9[%rem3A_0, %dma_wait3A_294, %dma_wait3A_298, %dma_wait3A_299] : memref<2x64x4x512xf32, #tpu.memory_space<vmem>> -> memref<1x1x4x512xf32, #tpu.memory_space<vmem>>
    %dma_wait3A_301 = tpu.memref_squeeze %dma_wait3A_300 : memref<1x1x4x512xf32, #tpu.memory_space<vmem>> -> memref<4x512xf32, #tpu.memory_space<vmem>>
    %dma_wait3A_302 = arith.constant 0 : i32
    %dma_wait3A_303 = arith.constant 0 : i32
    %dma_wait3A_304 = tpu.memref_slice %arg7[%dma_wait3A_293, %dma_wait3A_302, %dma_wait3A_303] : memref<100000x4x512xf32, #tpu.memory_space<any>> -> memref<1x4x512xf32, #tpu.memory_space<any>>
    %dma_wait3A_305 = tpu.memref_squeeze %dma_wait3A_304 : memref<1x4x512xf32, #tpu.memory_space<any>> -> memref<4x512xf32, #tpu.memory_space<any>>
    tpu.wait_dma2 semaphore(%dma_wait3A_297 : memref<!tpu.dma_semaphore, #tpu.memory_space<semaphore_mem>>) src(%dma_wait3A_305 : memref<4x512xf32, #tpu.memory_space<any>>) dst(%dma_wait3A_301 : memref<4x512xf32, #tpu.memory_space<vmem>>)
    %dma_wait3A_306 = arith.constant 0 : i32
    %dma_wait3A_307 = arith.constant 23 : i32
    %dma_wait3A_308 = arith.constant 23 : i32
    %dma_wait3A_309 = tpu.memref_slice %arg10[%rem3A_0, %dma_wait3A_308] : memref<2x64x!tpu.dma_semaphore, #tpu.memory_space<semaphore_mem>> -> memref<1x1x!tpu.dma_semaphore, #tpu.memory_space<semaphore_mem>>
    %dma_wait3A_310 = tpu.memref_squeeze %dma_wait3A_309 : memref<1x1x!tpu.dma_semaphore, #tpu.memory_space<semaphore_mem>> -> memref<!tpu.dma_semaphore, #tpu.memory_space<semaphore_mem>>
    %dma_wait3A_311 = arith.constant 0 : i32
    %dma_wait3A_312 = arith.constant 0 : i32
    %dma_wait3A_313 = tpu.memref_slice %arg9[%rem3A_0, %dma_wait3A_307, %dma_wait3A_311, %dma_wait3A_312] : memref<2x64x4x512xf32, #tpu.memory_space<vmem>> -> memref<1x1x4x512xf32, #tpu.memory_space<vmem>>
    %dma_wait3A_314 = tpu.memref_squeeze %dma_wait3A_313 : memref<1x1x4x512xf32, #tpu.memory_space<vmem>> -> memref<4x512xf32, #tpu.memory_space<vmem>>
    %dma_wait3A_315 = arith.constant 0 : i32
    %dma_wait3A_316 = arith.constant 0 : i32
    %dma_wait3A_317 = tpu.memref_slice %arg7[%dma_wait3A_306, %dma_wait3A_315, %dma_wait3A_316] : memref<100000x4x512xf32, #tpu.memory_space<any>> -> memref<1x4x512xf32, #tpu.memory_space<any>>
    %dma_wait3A_318 = tpu.memref_squeeze %dma_wait3A_317 : memref<1x4x512xf32, #tpu.memory_space<any>> -> memref<4x512xf32, #tpu.memory_space<any>>
    tpu.wait_dma2 semaphore(%dma_wait3A_310 : memref<!tpu.dma_semaphore, #tpu.memory_space<semaphore_mem>>) src(%dma_wait3A_318 : memref<4x512xf32, #tpu.memory_space<any>>) dst(%dma_wait3A_314 : memref<4x512xf32, #tpu.memory_space<vmem>>)
    %dma_wait3A_319 = arith.constant 0 : i32
    %dma_wait3A_320 = arith.constant 24 : i32
    %dma_wait3A_321 = arith.constant 24 : i32
    %dma_wait3A_322 = tpu.memref_slice %arg10[%rem3A_0, %dma_wait3A_321] : memref<2x64x!tpu.dma_semaphore, #tpu.memory_space<semaphore_mem>> -> memref<1x1x!tpu.dma_semaphore, #tpu.memory_space<semaphore_mem>>
    %dma_wait3A_323 = tpu.memref_squeeze %dma_wait3A_322 : memref<1x1x!tpu.dma_semaphore, #tpu.memory_space<semaphore_mem>> -> memref<!tpu.dma_semaphore, #tpu.memory_space<semaphore_mem>>
    %dma_wait3A_324 = arith.constant 0 : i32
    %dma_wait3A_325 = arith.constant 0 : i32
    %dma_wait3A_326 = tpu.memref_slice %arg9[%rem3A_0, %dma_wait3A_320, %dma_wait3A_324, %dma_wait3A_325] : memref<2x64x4x512xf32, #tpu.memory_space<vmem>> -> memref<1x1x4x512xf32, #tpu.memory_space<vmem>>
    %dma_wait3A_327 = tpu.memref_squeeze %dma_wait3A_326 : memref<1x1x4x512xf32, #tpu.memory_space<vmem>> -> memref<4x512xf32, #tpu.memory_space<vmem>>
    %dma_wait3A_328 = arith.constant 0 : i32
    %dma_wait3A_329 = arith.constant 0 : i32
    %dma_wait3A_330 = tpu.memref_slice %arg7[%dma_wait3A_319, %dma_wait3A_328, %dma_wait3A_329] : memref<100000x4x512xf32, #tpu.memory_space<any>> -> memref<1x4x512xf32, #tpu.memory_space<any>>
    %dma_wait3A_331 = tpu.memref_squeeze %dma_wait3A_330 : memref<1x4x512xf32, #tpu.memory_space<any>> -> memref<4x512xf32, #tpu.memory_space<any>>
    tpu.wait_dma2 semaphore(%dma_wait3A_323 : memref<!tpu.dma_semaphore, #tpu.memory_space<semaphore_mem>>) src(%dma_wait3A_331 : memref<4x512xf32, #tpu.memory_space<any>>) dst(%dma_wait3A_327 : memref<4x512xf32, #tpu.memory_space<vmem>>)
    %dma_wait3A_332 = arith.constant 0 : i32
    %dma_wait3A_333 = arith.constant 25 : i32
    %dma_wait3A_334 = arith.constant 25 : i32
    %dma_wait3A_335 = tpu.memref_slice %arg10[%rem3A_0, %dma_wait3A_334] : memref<2x64x!tpu.dma_semaphore, #tpu.memory_space<semaphore_mem>> -> memref<1x1x!tpu.dma_semaphore, #tpu.memory_space<semaphore_mem>>
    %dma_wait3A_336 = tpu.memref_squeeze %dma_wait3A_335 : memref<1x1x!tpu.dma_semaphore, #tpu.memory_space<semaphore_mem>> -> memref<!tpu.dma_semaphore, #tpu.memory_space<semaphore_mem>>
    %dma_wait3A_337 = arith.constant 0 : i32
    %dma_wait3A_338 = arith.constant 0 : i32
    %dma_wait3A_339 = tpu.memref_slice %arg9[%rem3A_0, %dma_wait3A_333, %dma_wait3A_337, %dma_wait3A_338] : memref<2x64x4x512xf32, #tpu.memory_space<vmem>> -> memref<1x1x4x512xf32, #tpu.memory_space<vmem>>
    %dma_wait3A_340 = tpu.memref_squeeze %dma_wait3A_339 : memref<1x1x4x512xf32, #tpu.memory_space<vmem>> -> memref<4x512xf32, #tpu.memory_space<vmem>>
    %dma_wait3A_341 = arith.constant 0 : i32
    %dma_wait3A_342 = arith.constant 0 : i32
    %dma_wait3A_343 = tpu.memref_slice %arg7[%dma_wait3A_332, %dma_wait3A_341, %dma_wait3A_342] : memref<100000x4x512xf32, #tpu.memory_space<any>> -> memref<1x4x512xf32, #tpu.memory_space<any>>
    %dma_wait3A_344 = tpu.memref_squeeze %dma_wait3A_343 : memref<1x4x512xf32, #tpu.memory_space<any>> -> memref<4x512xf32, #tpu.memory_space<any>>
    tpu.wait_dma2 semaphore(%dma_wait3A_336 : memref<!tpu.dma_semaphore, #tpu.memory_space<semaphore_mem>>) src(%dma_wait3A_344 : memref<4x512xf32, #tpu.memory_space<any>>) dst(%dma_wait3A_340 : memref<4x512xf32, #tpu.memory_space<vmem>>)
    %dma_wait3A_345 = arith.constant 0 : i32
    %dma_wait3A_346 = arith.constant 26 : i32
    %dma_wait3A_347 = arith.constant 26 : i32
    %dma_wait3A_348 = tpu.memref_slice %arg10[%rem3A_0, %dma_wait3A_347] : memref<2x64x!tpu.dma_semaphore, #tpu.memory_space<semaphore_mem>> -> memref<1x1x!tpu.dma_semaphore, #tpu.memory_space<semaphore_mem>>
    %dma_wait3A_349 = tpu.memref_squeeze %dma_wait3A_348 : memref<1x1x!tpu.dma_semaphore, #tpu.memory_space<semaphore_mem>> -> memref<!tpu.dma_semaphore, #tpu.memory_space<semaphore_mem>>
    %dma_wait3A_350 = arith.constant 0 : i32
    %dma_wait3A_351 = arith.constant 0 : i32
    %dma_wait3A_352 = tpu.memref_slice %arg9[%rem3A_0, %dma_wait3A_346, %dma_wait3A_350, %dma_wait3A_351] : memref<2x64x4x512xf32, #tpu.memory_space<vmem>> -> memref<1x1x4x512xf32, #tpu.memory_space<vmem>>
    %dma_wait3A_353 = tpu.memref_squeeze %dma_wait3A_352 : memref<1x1x4x512xf32, #tpu.memory_space<vmem>> -> memref<4x512xf32, #tpu.memory_space<vmem>>
    %dma_wait3A_354 = arith.constant 0 : i32
    %dma_wait3A_355 = arith.constant 0 : i32
    %dma_wait3A_356 = tpu.memref_slice %arg7[%dma_wait3A_345, %dma_wait3A_354, %dma_wait3A_355] : memref<100000x4x512xf32, #tpu.memory_space<any>> -> memref<1x4x512xf32, #tpu.memory_space<any>>
    %dma_wait3A_357 = tpu.memref_squeeze %dma_wait3A_356 : memref<1x4x512xf32, #tpu.memory_space<any>> -> memref<4x512xf32, #tpu.memory_space<any>>
    tpu.wait_dma2 semaphore(%dma_wait3A_349 : memref<!tpu.dma_semaphore, #tpu.memory_space<semaphore_mem>>) src(%dma_wait3A_357 : memref<4x512xf32, #tpu.memory_space<any>>) dst(%dma_wait3A_353 : memref<4x512xf32, #tpu.memory_space<vmem>>)
    %dma_wait3A_358 = arith.constant 0 : i32
    %dma_wait3A_359 = arith.constant 27 : i32
    %dma_wait3A_360 = arith.constant 27 : i32
    %dma_wait3A_361 = tpu.memref_slice %arg10[%rem3A_0, %dma_wait3A_360] : memref<2x64x!tpu.dma_semaphore, #tpu.memory_space<semaphore_mem>> -> memref<1x1x!tpu.dma_semaphore, #tpu.memory_space<semaphore_mem>>
    %dma_wait3A_362 = tpu.memref_squeeze %dma_wait3A_361 : memref<1x1x!tpu.dma_semaphore, #tpu.memory_space<semaphore_mem>> -> memref<!tpu.dma_semaphore, #tpu.memory_space<semaphore_mem>>
    %dma_wait3A_363 = arith.constant 0 : i32
    %dma_wait3A_364 = arith.constant 0 : i32
    %dma_wait3A_365 = tpu.memref_slice %arg9[%rem3A_0, %dma_wait3A_359, %dma_wait3A_363, %dma_wait3A_364] : memref<2x64x4x512xf32, #tpu.memory_space<vmem>> -> memref<1x1x4x512xf32, #tpu.memory_space<vmem>>
    %dma_wait3A_366 = tpu.memref_squeeze %dma_wait3A_365 : memref<1x1x4x512xf32, #tpu.memory_space<vmem>> -> memref<4x512xf32, #tpu.memory_space<vmem>>
    %dma_wait3A_367 = arith.constant 0 : i32
    %dma_wait3A_368 = arith.constant 0 : i32
    %dma_wait3A_369 = tpu.memref_slice %arg7[%dma_wait3A_358, %dma_wait3A_367, %dma_wait3A_368] : memref<100000x4x512xf32, #tpu.memory_space<any>> -> memref<1x4x512xf32, #tpu.memory_space<any>>
    %dma_wait3A_370 = tpu.memref_squeeze %dma_wait3A_369 : memref<1x4x512xf32, #tpu.memory_space<any>> -> memref<4x512xf32, #tpu.memory_space<any>>
    tpu.wait_dma2 semaphore(%dma_wait3A_362 : memref<!tpu.dma_semaphore, #tpu.memory_space<semaphore_mem>>) src(%dma_wait3A_370 : memref<4x512xf32, #tpu.memory_space<any>>) dst(%dma_wait3A_366 : memref<4x512xf32, #tpu.memory_space<vmem>>)
    %dma_wait3A_371 = arith.constant 0 : i32
    %dma_wait3A_372 = arith.constant 28 : i32
    %dma_wait3A_373 = arith.constant 28 : i32
    %dma_wait3A_374 = tpu.memref_slice %arg10[%rem3A_0, %dma_wait3A_373] : memref<2x64x!tpu.dma_semaphore, #tpu.memory_space<semaphore_mem>> -> memref<1x1x!tpu.dma_semaphore, #tpu.memory_space<semaphore_mem>>
    %dma_wait3A_375 = tpu.memref_squeeze %dma_wait3A_374 : memref<1x1x!tpu.dma_semaphore, #tpu.memory_space<semaphore_mem>> -> memref<!tpu.dma_semaphore, #tpu.memory_space<semaphore_mem>>
    %dma_wait3A_376 = arith.constant 0 : i32
    %dma_wait3A_377 = arith.constant 0 : i32
    %dma_wait3A_378 = tpu.memref_slice %arg9[%rem3A_0, %dma_wait3A_372, %dma_wait3A_376, %dma_wait3A_377] : memref<2x64x4x512xf32, #tpu.memory_space<vmem>> -> memref<1x1x4x512xf32, #tpu.memory_space<vmem>>
    %dma_wait3A_379 = tpu.memref_squeeze %dma_wait3A_378 : memref<1x1x4x512xf32, #tpu.memory_space<vmem>> -> memref<4x512xf32, #tpu.memory_space<vmem>>
    %dma_wait3A_380 = arith.constant 0 : i32
    %dma_wait3A_381 = arith.constant 0 : i32
    %dma_wait3A_382 = tpu.memref_slice %arg7[%dma_wait3A_371, %dma_wait3A_380, %dma_wait3A_381] : memref<100000x4x512xf32, #tpu.memory_space<any>> -> memref<1x4x512xf32, #tpu.memory_space<any>>
    %dma_wait3A_383 = tpu.memref_squeeze %dma_wait3A_382 : memref<1x4x512xf32, #tpu.memory_space<any>> -> memref<4x512xf32, #tpu.memory_space<any>>
    tpu.wait_dma2 semaphore(%dma_wait3A_375 : memref<!tpu.dma_semaphore, #tpu.memory_space<semaphore_mem>>) src(%dma_wait3A_383 : memref<4x512xf32, #tpu.memory_space<any>>) dst(%dma_wait3A_379 : memref<4x512xf32, #tpu.memory_space<vmem>>)
    %dma_wait3A_384 = arith.constant 0 : i32
    %dma_wait3A_385 = arith.constant 29 : i32
    %dma_wait3A_386 = arith.constant 29 : i32
    %dma_wait3A_387 = tpu.memref_slice %arg10[%rem3A_0, %dma_wait3A_386] : memref<2x64x!tpu.dma_semaphore, #tpu.memory_space<semaphore_mem>> -> memref<1x1x!tpu.dma_semaphore, #tpu.memory_space<semaphore_mem>>
    %dma_wait3A_388 = tpu.memref_squeeze %dma_wait3A_387 : memref<1x1x!tpu.dma_semaphore, #tpu.memory_space<semaphore_mem>> -> memref<!tpu.dma_semaphore, #tpu.memory_space<semaphore_mem>>
    %dma_wait3A_389 = arith.constant 0 : i32
    %dma_wait3A_390 = arith.constant 0 : i32
    %dma_wait3A_391 = tpu.memref_slice %arg9[%rem3A_0, %dma_wait3A_385, %dma_wait3A_389, %dma_wait3A_390] : memref<2x64x4x512xf32, #tpu.memory_space<vmem>> -> memref<1x1x4x512xf32, #tpu.memory_space<vmem>>
    %dma_wait3A_392 = tpu.memref_squeeze %dma_wait3A_391 : memref<1x1x4x512xf32, #tpu.memory_space<vmem>> -> memref<4x512xf32, #tpu.memory_space<vmem>>
    %dma_wait3A_393 = arith.constant 0 : i32
    %dma_wait3A_394 = arith.constant 0 : i32
    %dma_wait3A_395 = tpu.memref_slice %arg7[%dma_wait3A_384, %dma_wait3A_393, %dma_wait3A_394] : memref<100000x4x512xf32, #tpu.memory_space<any>> -> memref<1x4x512xf32, #tpu.memory_space<any>>
    %dma_wait3A_396 = tpu.memref_squeeze %dma_wait3A_395 : memref<1x4x512xf32, #tpu.memory_space<any>> -> memref<4x512xf32, #tpu.memory_space<any>>
    tpu.wait_dma2 semaphore(%dma_wait3A_388 : memref<!tpu.dma_semaphore, #tpu.memory_space<semaphore_mem>>) src(%dma_wait3A_396 : memref<4x512xf32, #tpu.memory_space<any>>) dst(%dma_wait3A_392 : memref<4x512xf32, #tpu.memory_space<vmem>>)
    %dma_wait3A_397 = arith.constant 0 : i32
    %dma_wait3A_398 = arith.constant 30 : i32
    %dma_wait3A_399 = arith.constant 30 : i32
    %dma_wait3A_400 = tpu.memref_slice %arg10[%rem3A_0, %dma_wait3A_399] : memref<2x64x!tpu.dma_semaphore, #tpu.memory_space<semaphore_mem>> -> memref<1x1x!tpu.dma_semaphore, #tpu.memory_space<semaphore_mem>>
    %dma_wait3A_401 = tpu.memref_squeeze %dma_wait3A_400 : memref<1x1x!tpu.dma_semaphore, #tpu.memory_space<semaphore_mem>> -> memref<!tpu.dma_semaphore, #tpu.memory_space<semaphore_mem>>
    %dma_wait3A_402 = arith.constant 0 : i32
    %dma_wait3A_403 = arith.constant 0 : i32
    %dma_wait3A_404 = tpu.memref_slice %arg9[%rem3A_0, %dma_wait3A_398, %dma_wait3A_402, %dma_wait3A_403] : memref<2x64x4x512xf32, #tpu.memory_space<vmem>> -> memref<1x1x4x512xf32, #tpu.memory_space<vmem>>
    %dma_wait3A_405 = tpu.memref_squeeze %dma_wait3A_404 : memref<1x1x4x512xf32, #tpu.memory_space<vmem>> -> memref<4x512xf32, #tpu.memory_space<vmem>>
    %dma_wait3A_406 = arith.constant 0 : i32
    %dma_wait3A_407 = arith.constant 0 : i32
    %dma_wait3A_408 = tpu.memref_slice %arg7[%dma_wait3A_397, %dma_wait3A_406, %dma_wait3A_407] : memref<100000x4x512xf32, #tpu.memory_space<any>> -> memref<1x4x512xf32, #tpu.memory_space<any>>
    %dma_wait3A_409 = tpu.memref_squeeze %dma_wait3A_408 : memref<1x4x512xf32, #tpu.memory_space<any>> -> memref<4x512xf32, #tpu.memory_space<any>>
    tpu.wait_dma2 semaphore(%dma_wait3A_401 : memref<!tpu.dma_semaphore, #tpu.memory_space<semaphore_mem>>) src(%dma_wait3A_409 : memref<4x512xf32, #tpu.memory_space<any>>) dst(%dma_wait3A_405 : memref<4x512xf32, #tpu.memory_space<vmem>>)
    %dma_wait3A_410 = arith.constant 0 : i32
    %dma_wait3A_411 = arith.constant 31 : i32
    %dma_wait3A_412 = arith.constant 31 : i32
    %dma_wait3A_413 = tpu.memref_slice %arg10[%rem3A_0, %dma_wait3A_412] : memref<2x64x!tpu.dma_semaphore, #tpu.memory_space<semaphore_mem>> -> memref<1x1x!tpu.dma_semaphore, #tpu.memory_space<semaphore_mem>>
    %dma_wait3A_414 = tpu.memref_squeeze %dma_wait3A_413 : memref<1x1x!tpu.dma_semaphore, #tpu.memory_space<semaphore_mem>> -> memref<!tpu.dma_semaphore, #tpu.memory_space<semaphore_mem>>
    %dma_wait3A_415 = arith.constant 0 : i32
    %dma_wait3A_416 = arith.constant 0 : i32
    %dma_wait3A_417 = tpu.memref_slice %arg9[%rem3A_0, %dma_wait3A_411, %dma_wait3A_415, %dma_wait3A_416] : memref<2x64x4x512xf32, #tpu.memory_space<vmem>> -> memref<1x1x4x512xf32, #tpu.memory_space<vmem>>
    %dma_wait3A_418 = tpu.memref_squeeze %dma_wait3A_417 : memref<1x1x4x512xf32, #tpu.memory_space<vmem>> -> memref<4x512xf32, #tpu.memory_space<vmem>>
    %dma_wait3A_419 = arith.constant 0 : i32
    %dma_wait3A_420 = arith.constant 0 : i32
    %dma_wait3A_421 = tpu.memref_slice %arg7[%dma_wait3A_410, %dma_wait3A_419, %dma_wait3A_420] : memref<100000x4x512xf32, #tpu.memory_space<any>> -> memref<1x4x512xf32, #tpu.memory_space<any>>
    %dma_wait3A_422 = tpu.memref_squeeze %dma_wait3A_421 : memref<1x4x512xf32, #tpu.memory_space<any>> -> memref<4x512xf32, #tpu.memory_space<any>>
    tpu.wait_dma2 semaphore(%dma_wait3A_414 : memref<!tpu.dma_semaphore, #tpu.memory_space<semaphore_mem>>) src(%dma_wait3A_422 : memref<4x512xf32, #tpu.memory_space<any>>) dst(%dma_wait3A_418 : memref<4x512xf32, #tpu.memory_space<vmem>>)
    %dma_wait3A_423 = arith.constant 0 : i32
    %dma_wait3A_424 = arith.constant 32 : i32
    %dma_wait3A_425 = arith.constant 32 : i32
    %dma_wait3A_426 = tpu.memref_slice %arg10[%rem3A_0, %dma_wait3A_425] : memref<2x64x!tpu.dma_semaphore, #tpu.memory_space<semaphore_mem>> -> memref<1x1x!tpu.dma_semaphore, #tpu.memory_space<semaphore_mem>>
    %dma_wait3A_427 = tpu.memref_squeeze %dma_wait3A_426 : memref<1x1x!tpu.dma_semaphore, #tpu.memory_space<semaphore_mem>> -> memref<!tpu.dma_semaphore, #tpu.memory_space<semaphore_mem>>
    %dma_wait3A_428 = arith.constant 0 : i32
    %dma_wait3A_429 = arith.constant 0 : i32
    %dma_wait3A_430 = tpu.memref_slice %arg9[%rem3A_0, %dma_wait3A_424, %dma_wait3A_428, %dma_wait3A_429] : memref<2x64x4x512xf32, #tpu.memory_space<vmem>> -> memref<1x1x4x512xf32, #tpu.memory_space<vmem>>
    %dma_wait3A_431 = tpu.memref_squeeze %dma_wait3A_430 : memref<1x1x4x512xf32, #tpu.memory_space<vmem>> -> memref<4x512xf32, #tpu.memory_space<vmem>>
    %dma_wait3A_432 = arith.constant 0 : i32
    %dma_wait3A_433 = arith.constant 0 : i32
    %dma_wait3A_434 = tpu.memref_slice %arg7[%dma_wait3A_423, %dma_wait3A_432, %dma_wait3A_433] : memref<100000x4x512xf32, #tpu.memory_space<any>> -> memref<1x4x512xf32, #tpu.memory_space<any>>
    %dma_wait3A_435 = tpu.memref_squeeze %dma_wait3A_434 : memref<1x4x512xf32, #tpu.memory_space<any>> -> memref<4x512xf32, #tpu.memory_space<any>>
    tpu.wait_dma2 semaphore(%dma_wait3A_427 : memref<!tpu.dma_semaphore, #tpu.memory_space<semaphore_mem>>) src(%dma_wait3A_435 : memref<4x512xf32, #tpu.memory_space<any>>) dst(%dma_wait3A_431 : memref<4x512xf32, #tpu.memory_space<vmem>>)
    %dma_wait3A_436 = arith.constant 0 : i32
    %dma_wait3A_437 = arith.constant 33 : i32
    %dma_wait3A_438 = arith.constant 33 : i32
    %dma_wait3A_439 = tpu.memref_slice %arg10[%rem3A_0, %dma_wait3A_438] : memref<2x64x!tpu.dma_semaphore, #tpu.memory_space<semaphore_mem>> -> memref<1x1x!tpu.dma_semaphore, #tpu.memory_space<semaphore_mem>>
    %dma_wait3A_440 = tpu.memref_squeeze %dma_wait3A_439 : memref<1x1x!tpu.dma_semaphore, #tpu.memory_space<semaphore_mem>> -> memref<!tpu.dma_semaphore, #tpu.memory_space<semaphore_mem>>
    %dma_wait3A_441 = arith.constant 0 : i32
    %dma_wait3A_442 = arith.constant 0 : i32
    %dma_wait3A_443 = tpu.memref_slice %arg9[%rem3A_0, %dma_wait3A_437, %dma_wait3A_441, %dma_wait3A_442] : memref<2x64x4x512xf32, #tpu.memory_space<vmem>> -> memref<1x1x4x512xf32, #tpu.memory_space<vmem>>
    %dma_wait3A_444 = tpu.memref_squeeze %dma_wait3A_443 : memref<1x1x4x512xf32, #tpu.memory_space<vmem>> -> memref<4x512xf32, #tpu.memory_space<vmem>>
    %dma_wait3A_445 = arith.constant 0 : i32
    %dma_wait3A_446 = arith.constant 0 : i32
    %dma_wait3A_447 = tpu.memref_slice %arg7[%dma_wait3A_436, %dma_wait3A_445, %dma_wait3A_446] : memref<100000x4x512xf32, #tpu.memory_space<any>> -> memref<1x4x512xf32, #tpu.memory_space<any>>
    %dma_wait3A_448 = tpu.memref_squeeze %dma_wait3A_447 : memref<1x4x512xf32, #tpu.memory_space<any>> -> memref<4x512xf32, #tpu.memory_space<any>>
    tpu.wait_dma2 semaphore(%dma_wait3A_440 : memref<!tpu.dma_semaphore, #tpu.memory_space<semaphore_mem>>) src(%dma_wait3A_448 : memref<4x512xf32, #tpu.memory_space<any>>) dst(%dma_wait3A_444 : memref<4x512xf32, #tpu.memory_space<vmem>>)
    %dma_wait3A_449 = arith.constant 0 : i32
    %dma_wait3A_450 = arith.constant 34 : i32
    %dma_wait3A_451 = arith.constant 34 : i32
    %dma_wait3A_452 = tpu.memref_slice %arg10[%rem3A_0, %dma_wait3A_451] : memref<2x64x!tpu.dma_semaphore, #tpu.memory_space<semaphore_mem>> -> memref<1x1x!tpu.dma_semaphore, #tpu.memory_space<semaphore_mem>>
    %dma_wait3A_453 = tpu.memref_squeeze %dma_wait3A_452 : memref<1x1x!tpu.dma_semaphore, #tpu.memory_space<semaphore_mem>> -> memref<!tpu.dma_semaphore, #tpu.memory_space<semaphore_mem>>
    %dma_wait3A_454 = arith.constant 0 : i32
    %dma_wait3A_455 = arith.constant 0 : i32
    %dma_wait3A_456 = tpu.memref_slice %arg9[%rem3A_0, %dma_wait3A_450, %dma_wait3A_454, %dma_wait3A_455] : memref<2x64x4x512xf32, #tpu.memory_space<vmem>> -> memref<1x1x4x512xf32, #tpu.memory_space<vmem>>
    %dma_wait3A_457 = tpu.memref_squeeze %dma_wait3A_456 : memref<1x1x4x512xf32, #tpu.memory_space<vmem>> -> memref<4x512xf32, #tpu.memory_space<vmem>>
    %dma_wait3A_458 = arith.constant 0 : i32
    %dma_wait3A_459 = arith.constant 0 : i32
    %dma_wait3A_460 = tpu.memref_slice %arg7[%dma_wait3A_449, %dma_wait3A_458, %dma_wait3A_459] : memref<100000x4x512xf32, #tpu.memory_space<any>> -> memref<1x4x512xf32, #tpu.memory_space<any>>
    %dma_wait3A_461 = tpu.memref_squeeze %dma_wait3A_460 : memref<1x4x512xf32, #tpu.memory_space<any>> -> memref<4x512xf32, #tpu.memory_space<any>>
    tpu.wait_dma2 semaphore(%dma_wait3A_453 : memref<!tpu.dma_semaphore, #tpu.memory_space<semaphore_mem>>) src(%dma_wait3A_461 : memref<4x512xf32, #tpu.memory_space<any>>) dst(%dma_wait3A_457 : memref<4x512xf32, #tpu.memory_space<vmem>>)
    %dma_wait3A_462 = arith.constant 0 : i32
    %dma_wait3A_463 = arith.constant 35 : i32
    %dma_wait3A_464 = arith.constant 35 : i32
    %dma_wait3A_465 = tpu.memref_slice %arg10[%rem3A_0, %dma_wait3A_464] : memref<2x64x!tpu.dma_semaphore, #tpu.memory_space<semaphore_mem>> -> memref<1x1x!tpu.dma_semaphore, #tpu.memory_space<semaphore_mem>>
    %dma_wait3A_466 = tpu.memref_squeeze %dma_wait3A_465 : memref<1x1x!tpu.dma_semaphore, #tpu.memory_space<semaphore_mem>> -> memref<!tpu.dma_semaphore, #tpu.memory_space<semaphore_mem>>
    %dma_wait3A_467 = arith.constant 0 : i32
    %dma_wait3A_468 = arith.constant 0 : i32
    %dma_wait3A_469 = tpu.memref_slice %arg9[%rem3A_0, %dma_wait3A_463, %dma_wait3A_467, %dma_wait3A_468] : memref<2x64x4x512xf32, #tpu.memory_space<vmem>> -> memref<1x1x4x512xf32, #tpu.memory_space<vmem>>
    %dma_wait3A_470 = tpu.memref_squeeze %dma_wait3A_469 : memref<1x1x4x512xf32, #tpu.memory_space<vmem>> -> memref<4x512xf32, #tpu.memory_space<vmem>>
    %dma_wait3A_471 = arith.constant 0 : i32
    %dma_wait3A_472 = arith.constant 0 : i32
    %dma_wait3A_473 = tpu.memref_slice %arg7[%dma_wait3A_462, %dma_wait3A_471, %dma_wait3A_472] : memref<100000x4x512xf32, #tpu.memory_space<any>> -> memref<1x4x512xf32, #tpu.memory_space<any>>
    %dma_wait3A_474 = tpu.memref_squeeze %dma_wait3A_473 : memref<1x4x512xf32, #tpu.memory_space<any>> -> memref<4x512xf32, #tpu.memory_space<any>>
    tpu.wait_dma2 semaphore(%dma_wait3A_466 : memref<!tpu.dma_semaphore, #tpu.memory_space<semaphore_mem>>) src(%dma_wait3A_474 : memref<4x512xf32, #tpu.memory_space<any>>) dst(%dma_wait3A_470 : memref<4x512xf32, #tpu.memory_space<vmem>>)
    %dma_wait3A_475 = arith.constant 0 : i32
    %dma_wait3A_476 = arith.constant 36 : i32
    %dma_wait3A_477 = arith.constant 36 : i32
    %dma_wait3A_478 = tpu.memref_slice %arg10[%rem3A_0, %dma_wait3A_477] : memref<2x64x!tpu.dma_semaphore, #tpu.memory_space<semaphore_mem>> -> memref<1x1x!tpu.dma_semaphore, #tpu.memory_space<semaphore_mem>>
    %dma_wait3A_479 = tpu.memref_squeeze %dma_wait3A_478 : memref<1x1x!tpu.dma_semaphore, #tpu.memory_space<semaphore_mem>> -> memref<!tpu.dma_semaphore, #tpu.memory_space<semaphore_mem>>
    %dma_wait3A_480 = arith.constant 0 : i32
    %dma_wait3A_481 = arith.constant 0 : i32
    %dma_wait3A_482 = tpu.memref_slice %arg9[%rem3A_0, %dma_wait3A_476, %dma_wait3A_480, %dma_wait3A_481] : memref<2x64x4x512xf32, #tpu.memory_space<vmem>> -> memref<1x1x4x512xf32, #tpu.memory_space<vmem>>
    %dma_wait3A_483 = tpu.memref_squeeze %dma_wait3A_482 : memref<1x1x4x512xf32, #tpu.memory_space<vmem>> -> memref<4x512xf32, #tpu.memory_space<vmem>>
    %dma_wait3A_484 = arith.constant 0 : i32
    %dma_wait3A_485 = arith.constant 0 : i32
    %dma_wait3A_486 = tpu.memref_slice %arg7[%dma_wait3A_475, %dma_wait3A_484, %dma_wait3A_485] : memref<100000x4x512xf32, #tpu.memory_space<any>> -> memref<1x4x512xf32, #tpu.memory_space<any>>
    %dma_wait3A_487 = tpu.memref_squeeze %dma_wait3A_486 : memref<1x4x512xf32, #tpu.memory_space<any>> -> memref<4x512xf32, #tpu.memory_space<any>>
    tpu.wait_dma2 semaphore(%dma_wait3A_479 : memref<!tpu.dma_semaphore, #tpu.memory_space<semaphore_mem>>) src(%dma_wait3A_487 : memref<4x512xf32, #tpu.memory_space<any>>) dst(%dma_wait3A_483 : memref<4x512xf32, #tpu.memory_space<vmem>>)
    %dma_wait3A_488 = arith.constant 0 : i32
    %dma_wait3A_489 = arith.constant 37 : i32
    %dma_wait3A_490 = arith.constant 37 : i32
    %dma_wait3A_491 = tpu.memref_slice %arg10[%rem3A_0, %dma_wait3A_490] : memref<2x64x!tpu.dma_semaphore, #tpu.memory_space<semaphore_mem>> -> memref<1x1x!tpu.dma_semaphore, #tpu.memory_space<semaphore_mem>>
    %dma_wait3A_492 = tpu.memref_squeeze %dma_wait3A_491 : memref<1x1x!tpu.dma_semaphore, #tpu.memory_space<semaphore_mem>> -> memref<!tpu.dma_semaphore, #tpu.memory_space<semaphore_mem>>
    %dma_wait3A_493 = arith.constant 0 : i32
    %dma_wait3A_494 = arith.constant 0 : i32
    %dma_wait3A_495 = tpu.memref_slice %arg9[%rem3A_0, %dma_wait3A_489, %dma_wait3A_493, %dma_wait3A_494] : memref<2x64x4x512xf32, #tpu.memory_space<vmem>> -> memref<1x1x4x512xf32, #tpu.memory_space<vmem>>
    %dma_wait3A_496 = tpu.memref_squeeze %dma_wait3A_495 : memref<1x1x4x512xf32, #tpu.memory_space<vmem>> -> memref<4x512xf32, #tpu.memory_space<vmem>>
    %dma_wait3A_497 = arith.constant 0 : i32
    %dma_wait3A_498 = arith.constant 0 : i32
    %dma_wait3A_499 = tpu.memref_slice %arg7[%dma_wait3A_488, %dma_wait3A_497, %dma_wait3A_498] : memref<100000x4x512xf32, #tpu.memory_space<any>> -> memref<1x4x512xf32, #tpu.memory_space<any>>
    %dma_wait3A_500 = tpu.memref_squeeze %dma_wait3A_499 : memref<1x4x512xf32, #tpu.memory_space<any>> -> memref<4x512xf32, #tpu.memory_space<any>>
    tpu.wait_dma2 semaphore(%dma_wait3A_492 : memref<!tpu.dma_semaphore, #tpu.memory_space<semaphore_mem>>) src(%dma_wait3A_500 : memref<4x512xf32, #tpu.memory_space<any>>) dst(%dma_wait3A_496 : memref<4x512xf32, #tpu.memory_space<vmem>>)
    %dma_wait3A_501 = arith.constant 0 : i32
    %dma_wait3A_502 = arith.constant 38 : i32
    %dma_wait3A_503 = arith.constant 38 : i32
    %dma_wait3A_504 = tpu.memref_slice %arg10[%rem3A_0, %dma_wait3A_503] : memref<2x64x!tpu.dma_semaphore, #tpu.memory_space<semaphore_mem>> -> memref<1x1x!tpu.dma_semaphore, #tpu.memory_space<semaphore_mem>>
    %dma_wait3A_505 = tpu.memref_squeeze %dma_wait3A_504 : memref<1x1x!tpu.dma_semaphore, #tpu.memory_space<semaphore_mem>> -> memref<!tpu.dma_semaphore, #tpu.memory_space<semaphore_mem>>
    %dma_wait3A_506 = arith.constant 0 : i32
    %dma_wait3A_507 = arith.constant 0 : i32
    %dma_wait3A_508 = tpu.memref_slice %arg9[%rem3A_0, %dma_wait3A_502, %dma_wait3A_506, %dma_wait3A_507] : memref<2x64x4x512xf32, #tpu.memory_space<vmem>> -> memref<1x1x4x512xf32, #tpu.memory_space<vmem>>
    %dma_wait3A_509 = tpu.memref_squeeze %dma_wait3A_508 : memref<1x1x4x512xf32, #tpu.memory_space<vmem>> -> memref<4x512xf32, #tpu.memory_space<vmem>>
    %dma_wait3A_510 = arith.constant 0 : i32
    %dma_wait3A_511 = arith.constant 0 : i32
    %dma_wait3A_512 = tpu.memref_slice %arg7[%dma_wait3A_501, %dma_wait3A_510, %dma_wait3A_511] : memref<100000x4x512xf32, #tpu.memory_space<any>> -> memref<1x4x512xf32, #tpu.memory_space<any>>
    %dma_wait3A_513 = tpu.memref_squeeze %dma_wait3A_512 : memref<1x4x512xf32, #tpu.memory_space<any>> -> memref<4x512xf32, #tpu.memory_space<any>>
    tpu.wait_dma2 semaphore(%dma_wait3A_505 : memref<!tpu.dma_semaphore, #tpu.memory_space<semaphore_mem>>) src(%dma_wait3A_513 : memref<4x512xf32, #tpu.memory_space<any>>) dst(%dma_wait3A_509 : memref<4x512xf32, #tpu.memory_space<vmem>>)
    %dma_wait3A_514 = arith.constant 0 : i32
    %dma_wait3A_515 = arith.constant 39 : i32
    %dma_wait3A_516 = arith.constant 39 : i32
    %dma_wait3A_517 = tpu.memref_slice %arg10[%rem3A_0, %dma_wait3A_516] : memref<2x64x!tpu.dma_semaphore, #tpu.memory_space<semaphore_mem>> -> memref<1x1x!tpu.dma_semaphore, #tpu.memory_space<semaphore_mem>>
    %dma_wait3A_518 = tpu.memref_squeeze %dma_wait3A_517 : memref<1x1x!tpu.dma_semaphore, #tpu.memory_space<semaphore_mem>> -> memref<!tpu.dma_semaphore, #tpu.memory_space<semaphore_mem>>
    %dma_wait3A_519 = arith.constant 0 : i32
    %dma_wait3A_520 = arith.constant 0 : i32
    %dma_wait3A_521 = tpu.memref_slice %arg9[%rem3A_0, %dma_wait3A_515, %dma_wait3A_519, %dma_wait3A_520] : memref<2x64x4x512xf32, #tpu.memory_space<vmem>> -> memref<1x1x4x512xf32, #tpu.memory_space<vmem>>
    %dma_wait3A_522 = tpu.memref_squeeze %dma_wait3A_521 : memref<1x1x4x512xf32, #tpu.memory_space<vmem>> -> memref<4x512xf32, #tpu.memory_space<vmem>>
    %dma_wait3A_523 = arith.constant 0 : i32
    %dma_wait3A_524 = arith.constant 0 : i32
    %dma_wait3A_525 = tpu.memref_slice %arg7[%dma_wait3A_514, %dma_wait3A_523, %dma_wait3A_524] : memref<100000x4x512xf32, #tpu.memory_space<any>> -> memref<1x4x512xf32, #tpu.memory_space<any>>
    %dma_wait3A_526 = tpu.memref_squeeze %dma_wait3A_525 : memref<1x4x512xf32, #tpu.memory_space<any>> -> memref<4x512xf32, #tpu.memory_space<any>>
    tpu.wait_dma2 semaphore(%dma_wait3A_518 : memref<!tpu.dma_semaphore, #tpu.memory_space<semaphore_mem>>) src(%dma_wait3A_526 : memref<4x512xf32, #tpu.memory_space<any>>) dst(%dma_wait3A_522 : memref<4x512xf32, #tpu.memory_space<vmem>>)
    %dma_wait3A_527 = arith.constant 0 : i32
    %dma_wait3A_528 = arith.constant 40 : i32
    %dma_wait3A_529 = arith.constant 40 : i32
    %dma_wait3A_530 = tpu.memref_slice %arg10[%rem3A_0, %dma_wait3A_529] : memref<2x64x!tpu.dma_semaphore, #tpu.memory_space<semaphore_mem>> -> memref<1x1x!tpu.dma_semaphore, #tpu.memory_space<semaphore_mem>>
    %dma_wait3A_531 = tpu.memref_squeeze %dma_wait3A_530 : memref<1x1x!tpu.dma_semaphore, #tpu.memory_space<semaphore_mem>> -> memref<!tpu.dma_semaphore, #tpu.memory_space<semaphore_mem>>
    %dma_wait3A_532 = arith.constant 0 : i32
    %dma_wait3A_533 = arith.constant 0 : i32
    %dma_wait3A_534 = tpu.memref_slice %arg9[%rem3A_0, %dma_wait3A_528, %dma_wait3A_532, %dma_wait3A_533] : memref<2x64x4x512xf32, #tpu.memory_space<vmem>> -> memref<1x1x4x512xf32, #tpu.memory_space<vmem>>
    %dma_wait3A_535 = tpu.memref_squeeze %dma_wait3A_534 : memref<1x1x4x512xf32, #tpu.memory_space<vmem>> -> memref<4x512xf32, #tpu.memory_space<vmem>>
    %dma_wait3A_536 = arith.constant 0 : i32
    %dma_wait3A_537 = arith.constant 0 : i32
    %dma_wait3A_538 = tpu.memref_slice %arg7[%dma_wait3A_527, %dma_wait3A_536, %dma_wait3A_537] : memref<100000x4x512xf32, #tpu.memory_space<any>> -> memref<1x4x512xf32, #tpu.memory_space<any>>
    %dma_wait3A_539 = tpu.memref_squeeze %dma_wait3A_538 : memref<1x4x512xf32, #tpu.memory_space<any>> -> memref<4x512xf32, #tpu.memory_space<any>>
    tpu.wait_dma2 semaphore(%dma_wait3A_531 : memref<!tpu.dma_semaphore, #tpu.memory_space<semaphore_mem>>) src(%dma_wait3A_539 : memref<4x512xf32, #tpu.memory_space<any>>) dst(%dma_wait3A_535 : memref<4x512xf32, #tpu.memory_space<vmem>>)
    %dma_wait3A_540 = arith.constant 0 : i32
    %dma_wait3A_541 = arith.constant 41 : i32
    %dma_wait3A_542 = arith.constant 41 : i32
    %dma_wait3A_543 = tpu.memref_slice %arg10[%rem3A_0, %dma_wait3A_542] : memref<2x64x!tpu.dma_semaphore, #tpu.memory_space<semaphore_mem>> -> memref<1x1x!tpu.dma_semaphore, #tpu.memory_space<semaphore_mem>>
    %dma_wait3A_544 = tpu.memref_squeeze %dma_wait3A_543 : memref<1x1x!tpu.dma_semaphore, #tpu.memory_space<semaphore_mem>> -> memref<!tpu.dma_semaphore, #tpu.memory_space<semaphore_mem>>
    %dma_wait3A_545 = arith.constant 0 : i32
    %dma_wait3A_546 = arith.constant 0 : i32
    %dma_wait3A_547 = tpu.memref_slice %arg9[%rem3A_0, %dma_wait3A_541, %dma_wait3A_545, %dma_wait3A_546] : memref<2x64x4x512xf32, #tpu.memory_space<vmem>> -> memref<1x1x4x512xf32, #tpu.memory_space<vmem>>
    %dma_wait3A_548 = tpu.memref_squeeze %dma_wait3A_547 : memref<1x1x4x512xf32, #tpu.memory_space<vmem>> -> memref<4x512xf32, #tpu.memory_space<vmem>>
    %dma_wait3A_549 = arith.constant 0 : i32
    %dma_wait3A_550 = arith.constant 0 : i32
    %dma_wait3A_551 = tpu.memref_slice %arg7[%dma_wait3A_540, %dma_wait3A_549, %dma_wait3A_550] : memref<100000x4x512xf32, #tpu.memory_space<any>> -> memref<1x4x512xf32, #tpu.memory_space<any>>
    %dma_wait3A_552 = tpu.memref_squeeze %dma_wait3A_551 : memref<1x4x512xf32, #tpu.memory_space<any>> -> memref<4x512xf32, #tpu.memory_space<any>>
    tpu.wait_dma2 semaphore(%dma_wait3A_544 : memref<!tpu.dma_semaphore, #tpu.memory_space<semaphore_mem>>) src(%dma_wait3A_552 : memref<4x512xf32, #tpu.memory_space<any>>) dst(%dma_wait3A_548 : memref<4x512xf32, #tpu.memory_space<vmem>>)
    %dma_wait3A_553 = arith.constant 0 : i32
    %dma_wait3A_554 = arith.constant 42 : i32
    %dma_wait3A_555 = arith.constant 42 : i32
    %dma_wait3A_556 = tpu.memref_slice %arg10[%rem3A_0, %dma_wait3A_555] : memref<2x64x!tpu.dma_semaphore, #tpu.memory_space<semaphore_mem>> -> memref<1x1x!tpu.dma_semaphore, #tpu.memory_space<semaphore_mem>>
    %dma_wait3A_557 = tpu.memref_squeeze %dma_wait3A_556 : memref<1x1x!tpu.dma_semaphore, #tpu.memory_space<semaphore_mem>> -> memref<!tpu.dma_semaphore, #tpu.memory_space<semaphore_mem>>
    %dma_wait3A_558 = arith.constant 0 : i32
    %dma_wait3A_559 = arith.constant 0 : i32
    %dma_wait3A_560 = tpu.memref_slice %arg9[%rem3A_0, %dma_wait3A_554, %dma_wait3A_558, %dma_wait3A_559] : memref<2x64x4x512xf32, #tpu.memory_space<vmem>> -> memref<1x1x4x512xf32, #tpu.memory_space<vmem>>
    %dma_wait3A_561 = tpu.memref_squeeze %dma_wait3A_560 : memref<1x1x4x512xf32, #tpu.memory_space<vmem>> -> memref<4x512xf32, #tpu.memory_space<vmem>>
    %dma_wait3A_562 = arith.constant 0 : i32
    %dma_wait3A_563 = arith.constant 0 : i32
    %dma_wait3A_564 = tpu.memref_slice %arg7[%dma_wait3A_553, %dma_wait3A_562, %dma_wait3A_563] : memref<100000x4x512xf32, #tpu.memory_space<any>> -> memref<1x4x512xf32, #tpu.memory_space<any>>
    %dma_wait3A_565 = tpu.memref_squeeze %dma_wait3A_564 : memref<1x4x512xf32, #tpu.memory_space<any>> -> memref<4x512xf32, #tpu.memory_space<any>>
    tpu.wait_dma2 semaphore(%dma_wait3A_557 : memref<!tpu.dma_semaphore, #tpu.memory_space<semaphore_mem>>) src(%dma_wait3A_565 : memref<4x512xf32, #tpu.memory_space<any>>) dst(%dma_wait3A_561 : memref<4x512xf32, #tpu.memory_space<vmem>>)
    %dma_wait3A_566 = arith.constant 0 : i32
    %dma_wait3A_567 = arith.constant 43 : i32
    %dma_wait3A_568 = arith.constant 43 : i32
    %dma_wait3A_569 = tpu.memref_slice %arg10[%rem3A_0, %dma_wait3A_568] : memref<2x64x!tpu.dma_semaphore, #tpu.memory_space<semaphore_mem>> -> memref<1x1x!tpu.dma_semaphore, #tpu.memory_space<semaphore_mem>>
    %dma_wait3A_570 = tpu.memref_squeeze %dma_wait3A_569 : memref<1x1x!tpu.dma_semaphore, #tpu.memory_space<semaphore_mem>> -> memref<!tpu.dma_semaphore, #tpu.memory_space<semaphore_mem>>
    %dma_wait3A_571 = arith.constant 0 : i32
    %dma_wait3A_572 = arith.constant 0 : i32
    %dma_wait3A_573 = tpu.memref_slice %arg9[%rem3A_0, %dma_wait3A_567, %dma_wait3A_571, %dma_wait3A_572] : memref<2x64x4x512xf32, #tpu.memory_space<vmem>> -> memref<1x1x4x512xf32, #tpu.memory_space<vmem>>
    %dma_wait3A_574 = tpu.memref_squeeze %dma_wait3A_573 : memref<1x1x4x512xf32, #tpu.memory_space<vmem>> -> memref<4x512xf32, #tpu.memory_space<vmem>>
    %dma_wait3A_575 = arith.constant 0 : i32
    %dma_wait3A_576 = arith.constant 0 : i32
    %dma_wait3A_577 = tpu.memref_slice %arg7[%dma_wait3A_566, %dma_wait3A_575, %dma_wait3A_576] : memref<100000x4x512xf32, #tpu.memory_space<any>> -> memref<1x4x512xf32, #tpu.memory_space<any>>
    %dma_wait3A_578 = tpu.memref_squeeze %dma_wait3A_577 : memref<1x4x512xf32, #tpu.memory_space<any>> -> memref<4x512xf32, #tpu.memory_space<any>>
    tpu.wait_dma2 semaphore(%dma_wait3A_570 : memref<!tpu.dma_semaphore, #tpu.memory_space<semaphore_mem>>) src(%dma_wait3A_578 : memref<4x512xf32, #tpu.memory_space<any>>) dst(%dma_wait3A_574 : memref<4x512xf32, #tpu.memory_space<vmem>>)
    %dma_wait3A_579 = arith.constant 0 : i32
    %dma_wait3A_580 = arith.constant 44 : i32
    %dma_wait3A_581 = arith.constant 44 : i32
    %dma_wait3A_582 = tpu.memref_slice %arg10[%rem3A_0, %dma_wait3A_581] : memref<2x64x!tpu.dma_semaphore, #tpu.memory_space<semaphore_mem>> -> memref<1x1x!tpu.dma_semaphore, #tpu.memory_space<semaphore_mem>>
    %dma_wait3A_583 = tpu.memref_squeeze %dma_wait3A_582 : memref<1x1x!tpu.dma_semaphore, #tpu.memory_space<semaphore_mem>> -> memref<!tpu.dma_semaphore, #tpu.memory_space<semaphore_mem>>
    %dma_wait3A_584 = arith.constant 0 : i32
    %dma_wait3A_585 = arith.constant 0 : i32
    %dma_wait3A_586 = tpu.memref_slice %arg9[%rem3A_0, %dma_wait3A_580, %dma_wait3A_584, %dma_wait3A_585] : memref<2x64x4x512xf32, #tpu.memory_space<vmem>> -> memref<1x1x4x512xf32, #tpu.memory_space<vmem>>
    %dma_wait3A_587 = tpu.memref_squeeze %dma_wait3A_586 : memref<1x1x4x512xf32, #tpu.memory_space<vmem>> -> memref<4x512xf32, #tpu.memory_space<vmem>>
    %dma_wait3A_588 = arith.constant 0 : i32
    %dma_wait3A_589 = arith.constant 0 : i32
    %dma_wait3A_590 = tpu.memref_slice %arg7[%dma_wait3A_579, %dma_wait3A_588, %dma_wait3A_589] : memref<100000x4x512xf32, #tpu.memory_space<any>> -> memref<1x4x512xf32, #tpu.memory_space<any>>
    %dma_wait3A_591 = tpu.memref_squeeze %dma_wait3A_590 : memref<1x4x512xf32, #tpu.memory_space<any>> -> memref<4x512xf32, #tpu.memory_space<any>>
    tpu.wait_dma2 semaphore(%dma_wait3A_583 : memref<!tpu.dma_semaphore, #tpu.memory_space<semaphore_mem>>) src(%dma_wait3A_591 : memref<4x512xf32, #tpu.memory_space<any>>) dst(%dma_wait3A_587 : memref<4x512xf32, #tpu.memory_space<vmem>>)
    %dma_wait3A_592 = arith.constant 0 : i32
    %dma_wait3A_593 = arith.constant 45 : i32
    %dma_wait3A_594 = arith.constant 45 : i32
    %dma_wait3A_595 = tpu.memref_slice %arg10[%rem3A_0, %dma_wait3A_594] : memref<2x64x!tpu.dma_semaphore, #tpu.memory_space<semaphore_mem>> -> memref<1x1x!tpu.dma_semaphore, #tpu.memory_space<semaphore_mem>>
    %dma_wait3A_596 = tpu.memref_squeeze %dma_wait3A_595 : memref<1x1x!tpu.dma_semaphore, #tpu.memory_space<semaphore_mem>> -> memref<!tpu.dma_semaphore, #tpu.memory_space<semaphore_mem>>
    %dma_wait3A_597 = arith.constant 0 : i32
    %dma_wait3A_598 = arith.constant 0 : i32
    %dma_wait3A_599 = tpu.memref_slice %arg9[%rem3A_0, %dma_wait3A_593, %dma_wait3A_597, %dma_wait3A_598] : memref<2x64x4x512xf32, #tpu.memory_space<vmem>> -> memref<1x1x4x512xf32, #tpu.memory_space<vmem>>
    %dma_wait3A_600 = tpu.memref_squeeze %dma_wait3A_599 : memref<1x1x4x512xf32, #tpu.memory_space<vmem>> -> memref<4x512xf32, #tpu.memory_space<vmem>>
    %dma_wait3A_601 = arith.constant 0 : i32
    %dma_wait3A_602 = arith.constant 0 : i32
    %dma_wait3A_603 = tpu.memref_slice %arg7[%dma_wait3A_592, %dma_wait3A_601, %dma_wait3A_602] : memref<100000x4x512xf32, #tpu.memory_space<any>> -> memref<1x4x512xf32, #tpu.memory_space<any>>
    %dma_wait3A_604 = tpu.memref_squeeze %dma_wait3A_603 : memref<1x4x512xf32, #tpu.memory_space<any>> -> memref<4x512xf32, #tpu.memory_space<any>>
    tpu.wait_dma2 semaphore(%dma_wait3A_596 : memref<!tpu.dma_semaphore, #tpu.memory_space<semaphore_mem>>) src(%dma_wait3A_604 : memref<4x512xf32, #tpu.memory_space<any>>) dst(%dma_wait3A_600 : memref<4x512xf32, #tpu.memory_space<vmem>>)
    %dma_wait3A_605 = arith.constant 0 : i32
    %dma_wait3A_606 = arith.constant 46 : i32
    %dma_wait3A_607 = arith.constant 46 : i32
    %dma_wait3A_608 = tpu.memref_slice %arg10[%rem3A_0, %dma_wait3A_607] : memref<2x64x!tpu.dma_semaphore, #tpu.memory_space<semaphore_mem>> -> memref<1x1x!tpu.dma_semaphore, #tpu.memory_space<semaphore_mem>>
    %dma_wait3A_609 = tpu.memref_squeeze %dma_wait3A_608 : memref<1x1x!tpu.dma_semaphore, #tpu.memory_space<semaphore_mem>> -> memref<!tpu.dma_semaphore, #tpu.memory_space<semaphore_mem>>
    %dma_wait3A_610 = arith.constant 0 : i32
    %dma_wait3A_611 = arith.constant 0 : i32
    %dma_wait3A_612 = tpu.memref_slice %arg9[%rem3A_0, %dma_wait3A_606, %dma_wait3A_610, %dma_wait3A_611] : memref<2x64x4x512xf32, #tpu.memory_space<vmem>> -> memref<1x1x4x512xf32, #tpu.memory_space<vmem>>
    %dma_wait3A_613 = tpu.memref_squeeze %dma_wait3A_612 : memref<1x1x4x512xf32, #tpu.memory_space<vmem>> -> memref<4x512xf32, #tpu.memory_space<vmem>>
    %dma_wait3A_614 = arith.constant 0 : i32
    %dma_wait3A_615 = arith.constant 0 : i32
    %dma_wait3A_616 = tpu.memref_slice %arg7[%dma_wait3A_605, %dma_wait3A_614, %dma_wait3A_615] : memref<100000x4x512xf32, #tpu.memory_space<any>> -> memref<1x4x512xf32, #tpu.memory_space<any>>
    %dma_wait3A_617 = tpu.memref_squeeze %dma_wait3A_616 : memref<1x4x512xf32, #tpu.memory_space<any>> -> memref<4x512xf32, #tpu.memory_space<any>>
    tpu.wait_dma2 semaphore(%dma_wait3A_609 : memref<!tpu.dma_semaphore, #tpu.memory_space<semaphore_mem>>) src(%dma_wait3A_617 : memref<4x512xf32, #tpu.memory_space<any>>) dst(%dma_wait3A_613 : memref<4x512xf32, #tpu.memory_space<vmem>>)
    %dma_wait3A_618 = arith.constant 0 : i32
    %dma_wait3A_619 = arith.constant 47 : i32
    %dma_wait3A_620 = arith.constant 47 : i32
    %dma_wait3A_621 = tpu.memref_slice %arg10[%rem3A_0, %dma_wait3A_620] : memref<2x64x!tpu.dma_semaphore, #tpu.memory_space<semaphore_mem>> -> memref<1x1x!tpu.dma_semaphore, #tpu.memory_space<semaphore_mem>>
    %dma_wait3A_622 = tpu.memref_squeeze %dma_wait3A_621 : memref<1x1x!tpu.dma_semaphore, #tpu.memory_space<semaphore_mem>> -> memref<!tpu.dma_semaphore, #tpu.memory_space<semaphore_mem>>
    %dma_wait3A_623 = arith.constant 0 : i32
    %dma_wait3A_624 = arith.constant 0 : i32
    %dma_wait3A_625 = tpu.memref_slice %arg9[%rem3A_0, %dma_wait3A_619, %dma_wait3A_623, %dma_wait3A_624] : memref<2x64x4x512xf32, #tpu.memory_space<vmem>> -> memref<1x1x4x512xf32, #tpu.memory_space<vmem>>
    %dma_wait3A_626 = tpu.memref_squeeze %dma_wait3A_625 : memref<1x1x4x512xf32, #tpu.memory_space<vmem>> -> memref<4x512xf32, #tpu.memory_space<vmem>>
    %dma_wait3A_627 = arith.constant 0 : i32
    %dma_wait3A_628 = arith.constant 0 : i32
    %dma_wait3A_629 = tpu.memref_slice %arg7[%dma_wait3A_618, %dma_wait3A_627, %dma_wait3A_628] : memref<100000x4x512xf32, #tpu.memory_space<any>> -> memref<1x4x512xf32, #tpu.memory_space<any>>
    %dma_wait3A_630 = tpu.memref_squeeze %dma_wait3A_629 : memref<1x4x512xf32, #tpu.memory_space<any>> -> memref<4x512xf32, #tpu.memory_space<any>>
    tpu.wait_dma2 semaphore(%dma_wait3A_622 : memref<!tpu.dma_semaphore, #tpu.memory_space<semaphore_mem>>) src(%dma_wait3A_630 : memref<4x512xf32, #tpu.memory_space<any>>) dst(%dma_wait3A_626 : memref<4x512xf32, #tpu.memory_space<vmem>>)
    %dma_wait3A_631 = arith.constant 0 : i32
    %dma_wait3A_632 = arith.constant 48 : i32
    %dma_wait3A_633 = arith.constant 48 : i32
    %dma_wait3A_634 = tpu.memref_slice %arg10[%rem3A_0, %dma_wait3A_633] : memref<2x64x!tpu.dma_semaphore, #tpu.memory_space<semaphore_mem>> -> memref<1x1x!tpu.dma_semaphore, #tpu.memory_space<semaphore_mem>>
    %dma_wait3A_635 = tpu.memref_squeeze %dma_wait3A_634 : memref<1x1x!tpu.dma_semaphore, #tpu.memory_space<semaphore_mem>> -> memref<!tpu.dma_semaphore, #tpu.memory_space<semaphore_mem>>
    %dma_wait3A_636 = arith.constant 0 : i32
    %dma_wait3A_637 = arith.constant 0 : i32
    %dma_wait3A_638 = tpu.memref_slice %arg9[%rem3A_0, %dma_wait3A_632, %dma_wait3A_636, %dma_wait3A_637] : memref<2x64x4x512xf32, #tpu.memory_space<vmem>> -> memref<1x1x4x512xf32, #tpu.memory_space<vmem>>
    %dma_wait3A_639 = tpu.memref_squeeze %dma_wait3A_638 : memref<1x1x4x512xf32, #tpu.memory_space<vmem>> -> memref<4x512xf32, #tpu.memory_space<vmem>>
    %dma_wait3A_640 = arith.constant 0 : i32
    %dma_wait3A_641 = arith.constant 0 : i32
    %dma_wait3A_642 = tpu.memref_slice %arg7[%dma_wait3A_631, %dma_wait3A_640, %dma_wait3A_641] : memref<100000x4x512xf32, #tpu.memory_space<any>> -> memref<1x4x512xf32, #tpu.memory_space<any>>
    %dma_wait3A_643 = tpu.memref_squeeze %dma_wait3A_642 : memref<1x4x512xf32, #tpu.memory_space<any>> -> memref<4x512xf32, #tpu.memory_space<any>>
    tpu.wait_dma2 semaphore(%dma_wait3A_635 : memref<!tpu.dma_semaphore, #tpu.memory_space<semaphore_mem>>) src(%dma_wait3A_643 : memref<4x512xf32, #tpu.memory_space<any>>) dst(%dma_wait3A_639 : memref<4x512xf32, #tpu.memory_space<vmem>>)
    %dma_wait3A_644 = arith.constant 0 : i32
    %dma_wait3A_645 = arith.constant 49 : i32
    %dma_wait3A_646 = arith.constant 49 : i32
    %dma_wait3A_647 = tpu.memref_slice %arg10[%rem3A_0, %dma_wait3A_646] : memref<2x64x!tpu.dma_semaphore, #tpu.memory_space<semaphore_mem>> -> memref<1x1x!tpu.dma_semaphore, #tpu.memory_space<semaphore_mem>>
    %dma_wait3A_648 = tpu.memref_squeeze %dma_wait3A_647 : memref<1x1x!tpu.dma_semaphore, #tpu.memory_space<semaphore_mem>> -> memref<!tpu.dma_semaphore, #tpu.memory_space<semaphore_mem>>
    %dma_wait3A_649 = arith.constant 0 : i32
    %dma_wait3A_650 = arith.constant 0 : i32
    %dma_wait3A_651 = tpu.memref_slice %arg9[%rem3A_0, %dma_wait3A_645, %dma_wait3A_649, %dma_wait3A_650] : memref<2x64x4x512xf32, #tpu.memory_space<vmem>> -> memref<1x1x4x512xf32, #tpu.memory_space<vmem>>
    %dma_wait3A_652 = tpu.memref_squeeze %dma_wait3A_651 : memref<1x1x4x512xf32, #tpu.memory_space<vmem>> -> memref<4x512xf32, #tpu.memory_space<vmem>>
    %dma_wait3A_653 = arith.constant 0 : i32
    %dma_wait3A_654 = arith.constant 0 : i32
    %dma_wait3A_655 = tpu.memref_slice %arg7[%dma_wait3A_644, %dma_wait3A_653, %dma_wait3A_654] : memref<100000x4x512xf32, #tpu.memory_space<any>> -> memref<1x4x512xf32, #tpu.memory_space<any>>
    %dma_wait3A_656 = tpu.memref_squeeze %dma_wait3A_655 : memref<1x4x512xf32, #tpu.memory_space<any>> -> memref<4x512xf32, #tpu.memory_space<any>>
    tpu.wait_dma2 semaphore(%dma_wait3A_648 : memref<!tpu.dma_semaphore, #tpu.memory_space<semaphore_mem>>) src(%dma_wait3A_656 : memref<4x512xf32, #tpu.memory_space<any>>) dst(%dma_wait3A_652 : memref<4x512xf32, #tpu.memory_space<vmem>>)
    %dma_wait3A_657 = arith.constant 0 : i32
    %dma_wait3A_658 = arith.constant 50 : i32
    %dma_wait3A_659 = arith.constant 50 : i32
    %dma_wait3A_660 = tpu.memref_slice %arg10[%rem3A_0, %dma_wait3A_659] : memref<2x64x!tpu.dma_semaphore, #tpu.memory_space<semaphore_mem>> -> memref<1x1x!tpu.dma_semaphore, #tpu.memory_space<semaphore_mem>>
    %dma_wait3A_661 = tpu.memref_squeeze %dma_wait3A_660 : memref<1x1x!tpu.dma_semaphore, #tpu.memory_space<semaphore_mem>> -> memref<!tpu.dma_semaphore, #tpu.memory_space<semaphore_mem>>
    %dma_wait3A_662 = arith.constant 0 : i32
    %dma_wait3A_663 = arith.constant 0 : i32
    %dma_wait3A_664 = tpu.memref_slice %arg9[%rem3A_0, %dma_wait3A_658, %dma_wait3A_662, %dma_wait3A_663] : memref<2x64x4x512xf32, #tpu.memory_space<vmem>> -> memref<1x1x4x512xf32, #tpu.memory_space<vmem>>
    %dma_wait3A_665 = tpu.memref_squeeze %dma_wait3A_664 : memref<1x1x4x512xf32, #tpu.memory_space<vmem>> -> memref<4x512xf32, #tpu.memory_space<vmem>>
    %dma_wait3A_666 = arith.constant 0 : i32
    %dma_wait3A_667 = arith.constant 0 : i32
    %dma_wait3A_668 = tpu.memref_slice %arg7[%dma_wait3A_657, %dma_wait3A_666, %dma_wait3A_667] : memref<100000x4x512xf32, #tpu.memory_space<any>> -> memref<1x4x512xf32, #tpu.memory_space<any>>
    %dma_wait3A_669 = tpu.memref_squeeze %dma_wait3A_668 : memref<1x4x512xf32, #tpu.memory_space<any>> -> memref<4x512xf32, #tpu.memory_space<any>>
    tpu.wait_dma2 semaphore(%dma_wait3A_661 : memref<!tpu.dma_semaphore, #tpu.memory_space<semaphore_mem>>) src(%dma_wait3A_669 : memref<4x512xf32, #tpu.memory_space<any>>) dst(%dma_wait3A_665 : memref<4x512xf32, #tpu.memory_space<vmem>>)
    %dma_wait3A_670 = arith.constant 0 : i32
    %dma_wait3A_671 = arith.constant 51 : i32
    %dma_wait3A_672 = arith.constant 51 : i32
    %dma_wait3A_673 = tpu.memref_slice %arg10[%rem3A_0, %dma_wait3A_672] : memref<2x64x!tpu.dma_semaphore, #tpu.memory_space<semaphore_mem>> -> memref<1x1x!tpu.dma_semaphore, #tpu.memory_space<semaphore_mem>>
    %dma_wait3A_674 = tpu.memref_squeeze %dma_wait3A_673 : memref<1x1x!tpu.dma_semaphore, #tpu.memory_space<semaphore_mem>> -> memref<!tpu.dma_semaphore, #tpu.memory_space<semaphore_mem>>
    %dma_wait3A_675 = arith.constant 0 : i32
    %dma_wait3A_676 = arith.constant 0 : i32
    %dma_wait3A_677 = tpu.memref_slice %arg9[%rem3A_0, %dma_wait3A_671, %dma_wait3A_675, %dma_wait3A_676] : memref<2x64x4x512xf32, #tpu.memory_space<vmem>> -> memref<1x1x4x512xf32, #tpu.memory_space<vmem>>
    %dma_wait3A_678 = tpu.memref_squeeze %dma_wait3A_677 : memref<1x1x4x512xf32, #tpu.memory_space<vmem>> -> memref<4x512xf32, #tpu.memory_space<vmem>>
    %dma_wait3A_679 = arith.constant 0 : i32
    %dma_wait3A_680 = arith.constant 0 : i32
    %dma_wait3A_681 = tpu.memref_slice %arg7[%dma_wait3A_670, %dma_wait3A_679, %dma_wait3A_680] : memref<100000x4x512xf32, #tpu.memory_space<any>> -> memref<1x4x512xf32, #tpu.memory_space<any>>
    %dma_wait3A_682 = tpu.memref_squeeze %dma_wait3A_681 : memref<1x4x512xf32, #tpu.memory_space<any>> -> memref<4x512xf32, #tpu.memory_space<any>>
    tpu.wait_dma2 semaphore(%dma_wait3A_674 : memref<!tpu.dma_semaphore, #tpu.memory_space<semaphore_mem>>) src(%dma_wait3A_682 : memref<4x512xf32, #tpu.memory_space<any>>) dst(%dma_wait3A_678 : memref<4x512xf32, #tpu.memory_space<vmem>>)
    %dma_wait3A_683 = arith.constant 0 : i32
    %dma_wait3A_684 = arith.constant 52 : i32
    %dma_wait3A_685 = arith.constant 52 : i32
    %dma_wait3A_686 = tpu.memref_slice %arg10[%rem3A_0, %dma_wait3A_685] : memref<2x64x!tpu.dma_semaphore, #tpu.memory_space<semaphore_mem>> -> memref<1x1x!tpu.dma_semaphore, #tpu.memory_space<semaphore_mem>>
    %dma_wait3A_687 = tpu.memref_squeeze %dma_wait3A_686 : memref<1x1x!tpu.dma_semaphore, #tpu.memory_space<semaphore_mem>> -> memref<!tpu.dma_semaphore, #tpu.memory_space<semaphore_mem>>
    %dma_wait3A_688 = arith.constant 0 : i32
    %dma_wait3A_689 = arith.constant 0 : i32
    %dma_wait3A_690 = tpu.memref_slice %arg9[%rem3A_0, %dma_wait3A_684, %dma_wait3A_688, %dma_wait3A_689] : memref<2x64x4x512xf32, #tpu.memory_space<vmem>> -> memref<1x1x4x512xf32, #tpu.memory_space<vmem>>
    %dma_wait3A_691 = tpu.memref_squeeze %dma_wait3A_690 : memref<1x1x4x512xf32, #tpu.memory_space<vmem>> -> memref<4x512xf32, #tpu.memory_space<vmem>>
    %dma_wait3A_692 = arith.constant 0 : i32
    %dma_wait3A_693 = arith.constant 0 : i32
    %dma_wait3A_694 = tpu.memref_slice %arg7[%dma_wait3A_683, %dma_wait3A_692, %dma_wait3A_693] : memref<100000x4x512xf32, #tpu.memory_space<any>> -> memref<1x4x512xf32, #tpu.memory_space<any>>
    %dma_wait3A_695 = tpu.memref_squeeze %dma_wait3A_694 : memref<1x4x512xf32, #tpu.memory_space<any>> -> memref<4x512xf32, #tpu.memory_space<any>>
    tpu.wait_dma2 semaphore(%dma_wait3A_687 : memref<!tpu.dma_semaphore, #tpu.memory_space<semaphore_mem>>) src(%dma_wait3A_695 : memref<4x512xf32, #tpu.memory_space<any>>) dst(%dma_wait3A_691 : memref<4x512xf32, #tpu.memory_space<vmem>>)
    %dma_wait3A_696 = arith.constant 0 : i32
    %dma_wait3A_697 = arith.constant 53 : i32
    %dma_wait3A_698 = arith.constant 53 : i32
    %dma_wait3A_699 = tpu.memref_slice %arg10[%rem3A_0, %dma_wait3A_698] : memref<2x64x!tpu.dma_semaphore, #tpu.memory_space<semaphore_mem>> -> memref<1x1x!tpu.dma_semaphore, #tpu.memory_space<semaphore_mem>>
    %dma_wait3A_700 = tpu.memref_squeeze %dma_wait3A_699 : memref<1x1x!tpu.dma_semaphore, #tpu.memory_space<semaphore_mem>> -> memref<!tpu.dma_semaphore, #tpu.memory_space<semaphore_mem>>
    %dma_wait3A_701 = arith.constant 0 : i32
    %dma_wait3A_702 = arith.constant 0 : i32
    %dma_wait3A_703 = tpu.memref_slice %arg9[%rem3A_0, %dma_wait3A_697, %dma_wait3A_701, %dma_wait3A_702] : memref<2x64x4x512xf32, #tpu.memory_space<vmem>> -> memref<1x1x4x512xf32, #tpu.memory_space<vmem>>
    %dma_wait3A_704 = tpu.memref_squeeze %dma_wait3A_703 : memref<1x1x4x512xf32, #tpu.memory_space<vmem>> -> memref<4x512xf32, #tpu.memory_space<vmem>>
    %dma_wait3A_705 = arith.constant 0 : i32
    %dma_wait3A_706 = arith.constant 0 : i32
    %dma_wait3A_707 = tpu.memref_slice %arg7[%dma_wait3A_696, %dma_wait3A_705, %dma_wait3A_706] : memref<100000x4x512xf32, #tpu.memory_space<any>> -> memref<1x4x512xf32, #tpu.memory_space<any>>
    %dma_wait3A_708 = tpu.memref_squeeze %dma_wait3A_707 : memref<1x4x512xf32, #tpu.memory_space<any>> -> memref<4x512xf32, #tpu.memory_space<any>>
    tpu.wait_dma2 semaphore(%dma_wait3A_700 : memref<!tpu.dma_semaphore, #tpu.memory_space<semaphore_mem>>) src(%dma_wait3A_708 : memref<4x512xf32, #tpu.memory_space<any>>) dst(%dma_wait3A_704 : memref<4x512xf32, #tpu.memory_space<vmem>>)
    %dma_wait3A_709 = arith.constant 0 : i32
    %dma_wait3A_710 = arith.constant 54 : i32
    %dma_wait3A_711 = arith.constant 54 : i32
    %dma_wait3A_712 = tpu.memref_slice %arg10[%rem3A_0, %dma_wait3A_711] : memref<2x64x!tpu.dma_semaphore, #tpu.memory_space<semaphore_mem>> -> memref<1x1x!tpu.dma_semaphore, #tpu.memory_space<semaphore_mem>>
    %dma_wait3A_713 = tpu.memref_squeeze %dma_wait3A_712 : memref<1x1x!tpu.dma_semaphore, #tpu.memory_space<semaphore_mem>> -> memref<!tpu.dma_semaphore, #tpu.memory_space<semaphore_mem>>
    %dma_wait3A_714 = arith.constant 0 : i32
    %dma_wait3A_715 = arith.constant 0 : i32
    %dma_wait3A_716 = tpu.memref_slice %arg9[%rem3A_0, %dma_wait3A_710, %dma_wait3A_714, %dma_wait3A_715] : memref<2x64x4x512xf32, #tpu.memory_space<vmem>> -> memref<1x1x4x512xf32, #tpu.memory_space<vmem>>
    %dma_wait3A_717 = tpu.memref_squeeze %dma_wait3A_716 : memref<1x1x4x512xf32, #tpu.memory_space<vmem>> -> memref<4x512xf32, #tpu.memory_space<vmem>>
    %dma_wait3A_718 = arith.constant 0 : i32
    %dma_wait3A_719 = arith.constant 0 : i32
    %dma_wait3A_720 = tpu.memref_slice %arg7[%dma_wait3A_709, %dma_wait3A_718, %dma_wait3A_719] : memref<100000x4x512xf32, #tpu.memory_space<any>> -> memref<1x4x512xf32, #tpu.memory_space<any>>
    %dma_wait3A_721 = tpu.memref_squeeze %dma_wait3A_720 : memref<1x4x512xf32, #tpu.memory_space<any>> -> memref<4x512xf32, #tpu.memory_space<any>>
    tpu.wait_dma2 semaphore(%dma_wait3A_713 : memref<!tpu.dma_semaphore, #tpu.memory_space<semaphore_mem>>) src(%dma_wait3A_721 : memref<4x512xf32, #tpu.memory_space<any>>) dst(%dma_wait3A_717 : memref<4x512xf32, #tpu.memory_space<vmem>>)
    %dma_wait3A_722 = arith.constant 0 : i32
    %dma_wait3A_723 = arith.constant 55 : i32
    %dma_wait3A_724 = arith.constant 55 : i32
    %dma_wait3A_725 = tpu.memref_slice %arg10[%rem3A_0, %dma_wait3A_724] : memref<2x64x!tpu.dma_semaphore, #tpu.memory_space<semaphore_mem>> -> memref<1x1x!tpu.dma_semaphore, #tpu.memory_space<semaphore_mem>>
    %dma_wait3A_726 = tpu.memref_squeeze %dma_wait3A_725 : memref<1x1x!tpu.dma_semaphore, #tpu.memory_space<semaphore_mem>> -> memref<!tpu.dma_semaphore, #tpu.memory_space<semaphore_mem>>
    %dma_wait3A_727 = arith.constant 0 : i32
    %dma_wait3A_728 = arith.constant 0 : i32
    %dma_wait3A_729 = tpu.memref_slice %arg9[%rem3A_0, %dma_wait3A_723, %dma_wait3A_727, %dma_wait3A_728] : memref<2x64x4x512xf32, #tpu.memory_space<vmem>> -> memref<1x1x4x512xf32, #tpu.memory_space<vmem>>
    %dma_wait3A_730 = tpu.memref_squeeze %dma_wait3A_729 : memref<1x1x4x512xf32, #tpu.memory_space<vmem>> -> memref<4x512xf32, #tpu.memory_space<vmem>>
    %dma_wait3A_731 = arith.constant 0 : i32
    %dma_wait3A_732 = arith.constant 0 : i32
    %dma_wait3A_733 = tpu.memref_slice %arg7[%dma_wait3A_722, %dma_wait3A_731, %dma_wait3A_732] : memref<100000x4x512xf32, #tpu.memory_space<any>> -> memref<1x4x512xf32, #tpu.memory_space<any>>
    %dma_wait3A_734 = tpu.memref_squeeze %dma_wait3A_733 : memref<1x4x512xf32, #tpu.memory_space<any>> -> memref<4x512xf32, #tpu.memory_space<any>>
    tpu.wait_dma2 semaphore(%dma_wait3A_726 : memref<!tpu.dma_semaphore, #tpu.memory_space<semaphore_mem>>) src(%dma_wait3A_734 : memref<4x512xf32, #tpu.memory_space<any>>) dst(%dma_wait3A_730 : memref<4x512xf32, #tpu.memory_space<vmem>>)
    %dma_wait3A_735 = arith.constant 0 : i32
    %dma_wait3A_736 = arith.constant 56 : i32
    %dma_wait3A_737 = arith.constant 56 : i32
    %dma_wait3A_738 = tpu.memref_slice %arg10[%rem3A_0, %dma_wait3A_737] : memref<2x64x!tpu.dma_semaphore, #tpu.memory_space<semaphore_mem>> -> memref<1x1x!tpu.dma_semaphore, #tpu.memory_space<semaphore_mem>>
    %dma_wait3A_739 = tpu.memref_squeeze %dma_wait3A_738 : memref<1x1x!tpu.dma_semaphore, #tpu.memory_space<semaphore_mem>> -> memref<!tpu.dma_semaphore, #tpu.memory_space<semaphore_mem>>
    %dma_wait3A_740 = arith.constant 0 : i32
    %dma_wait3A_741 = arith.constant 0 : i32
    %dma_wait3A_742 = tpu.memref_slice %arg9[%rem3A_0, %dma_wait3A_736, %dma_wait3A_740, %dma_wait3A_741] : memref<2x64x4x512xf32, #tpu.memory_space<vmem>> -> memref<1x1x4x512xf32, #tpu.memory_space<vmem>>
    %dma_wait3A_743 = tpu.memref_squeeze %dma_wait3A_742 : memref<1x1x4x512xf32, #tpu.memory_space<vmem>> -> memref<4x512xf32, #tpu.memory_space<vmem>>
    %dma_wait3A_744 = arith.constant 0 : i32
    %dma_wait3A_745 = arith.constant 0 : i32
    %dma_wait3A_746 = tpu.memref_slice %arg7[%dma_wait3A_735, %dma_wait3A_744, %dma_wait3A_745] : memref<100000x4x512xf32, #tpu.memory_space<any>> -> memref<1x4x512xf32, #tpu.memory_space<any>>
    %dma_wait3A_747 = tpu.memref_squeeze %dma_wait3A_746 : memref<1x4x512xf32, #tpu.memory_space<any>> -> memref<4x512xf32, #tpu.memory_space<any>>
    tpu.wait_dma2 semaphore(%dma_wait3A_739 : memref<!tpu.dma_semaphore, #tpu.memory_space<semaphore_mem>>) src(%dma_wait3A_747 : memref<4x512xf32, #tpu.memory_space<any>>) dst(%dma_wait3A_743 : memref<4x512xf32, #tpu.memory_space<vmem>>)
    %dma_wait3A_748 = arith.constant 0 : i32
    %dma_wait3A_749 = arith.constant 57 : i32
    %dma_wait3A_750 = arith.constant 57 : i32
    %dma_wait3A_751 = tpu.memref_slice %arg10[%rem3A_0, %dma_wait3A_750] : memref<2x64x!tpu.dma_semaphore, #tpu.memory_space<semaphore_mem>> -> memref<1x1x!tpu.dma_semaphore, #tpu.memory_space<semaphore_mem>>
    %dma_wait3A_752 = tpu.memref_squeeze %dma_wait3A_751 : memref<1x1x!tpu.dma_semaphore, #tpu.memory_space<semaphore_mem>> -> memref<!tpu.dma_semaphore, #tpu.memory_space<semaphore_mem>>
    %dma_wait3A_753 = arith.constant 0 : i32
    %dma_wait3A_754 = arith.constant 0 : i32
    %dma_wait3A_755 = tpu.memref_slice %arg9[%rem3A_0, %dma_wait3A_749, %dma_wait3A_753, %dma_wait3A_754] : memref<2x64x4x512xf32, #tpu.memory_space<vmem>> -> memref<1x1x4x512xf32, #tpu.memory_space<vmem>>
    %dma_wait3A_756 = tpu.memref_squeeze %dma_wait3A_755 : memref<1x1x4x512xf32, #tpu.memory_space<vmem>> -> memref<4x512xf32, #tpu.memory_space<vmem>>
    %dma_wait3A_757 = arith.constant 0 : i32
    %dma_wait3A_758 = arith.constant 0 : i32
    %dma_wait3A_759 = tpu.memref_slice %arg7[%dma_wait3A_748, %dma_wait3A_757, %dma_wait3A_758] : memref<100000x4x512xf32, #tpu.memory_space<any>> -> memref<1x4x512xf32, #tpu.memory_space<any>>
    %dma_wait3A_760 = tpu.memref_squeeze %dma_wait3A_759 : memref<1x4x512xf32, #tpu.memory_space<any>> -> memref<4x512xf32, #tpu.memory_space<any>>
    tpu.wait_dma2 semaphore(%dma_wait3A_752 : memref<!tpu.dma_semaphore, #tpu.memory_space<semaphore_mem>>) src(%dma_wait3A_760 : memref<4x512xf32, #tpu.memory_space<any>>) dst(%dma_wait3A_756 : memref<4x512xf32, #tpu.memory_space<vmem>>)
    %dma_wait3A_761 = arith.constant 0 : i32
    %dma_wait3A_762 = arith.constant 58 : i32
    %dma_wait3A_763 = arith.constant 58 : i32
    %dma_wait3A_764 = tpu.memref_slice %arg10[%rem3A_0, %dma_wait3A_763] : memref<2x64x!tpu.dma_semaphore, #tpu.memory_space<semaphore_mem>> -> memref<1x1x!tpu.dma_semaphore, #tpu.memory_space<semaphore_mem>>
    %dma_wait3A_765 = tpu.memref_squeeze %dma_wait3A_764 : memref<1x1x!tpu.dma_semaphore, #tpu.memory_space<semaphore_mem>> -> memref<!tpu.dma_semaphore, #tpu.memory_space<semaphore_mem>>
    %dma_wait3A_766 = arith.constant 0 : i32
    %dma_wait3A_767 = arith.constant 0 : i32
    %dma_wait3A_768 = tpu.memref_slice %arg9[%rem3A_0, %dma_wait3A_762, %dma_wait3A_766, %dma_wait3A_767] : memref<2x64x4x512xf32, #tpu.memory_space<vmem>> -> memref<1x1x4x512xf32, #tpu.memory_space<vmem>>
    %dma_wait3A_769 = tpu.memref_squeeze %dma_wait3A_768 : memref<1x1x4x512xf32, #tpu.memory_space<vmem>> -> memref<4x512xf32, #tpu.memory_space<vmem>>
    %dma_wait3A_770 = arith.constant 0 : i32
    %dma_wait3A_771 = arith.constant 0 : i32
    %dma_wait3A_772 = tpu.memref_slice %arg7[%dma_wait3A_761, %dma_wait3A_770, %dma_wait3A_771] : memref<100000x4x512xf32, #tpu.memory_space<any>> -> memref<1x4x512xf32, #tpu.memory_space<any>>
    %dma_wait3A_773 = tpu.memref_squeeze %dma_wait3A_772 : memref<1x4x512xf32, #tpu.memory_space<any>> -> memref<4x512xf32, #tpu.memory_space<any>>
    tpu.wait_dma2 semaphore(%dma_wait3A_765 : memref<!tpu.dma_semaphore, #tpu.memory_space<semaphore_mem>>) src(%dma_wait3A_773 : memref<4x512xf32, #tpu.memory_space<any>>) dst(%dma_wait3A_769 : memref<4x512xf32, #tpu.memory_space<vmem>>)
    %dma_wait3A_774 = arith.constant 0 : i32
    %dma_wait3A_775 = arith.constant 59 : i32
    %dma_wait3A_776 = arith.constant 59 : i32
    %dma_wait3A_777 = tpu.memref_slice %arg10[%rem3A_0, %dma_wait3A_776] : memref<2x64x!tpu.dma_semaphore, #tpu.memory_space<semaphore_mem>> -> memref<1x1x!tpu.dma_semaphore, #tpu.memory_space<semaphore_mem>>
    %dma_wait3A_778 = tpu.memref_squeeze %dma_wait3A_777 : memref<1x1x!tpu.dma_semaphore, #tpu.memory_space<semaphore_mem>> -> memref<!tpu.dma_semaphore, #tpu.memory_space<semaphore_mem>>
    %dma_wait3A_779 = arith.constant 0 : i32
    %dma_wait3A_780 = arith.constant 0 : i32
    %dma_wait3A_781 = tpu.memref_slice %arg9[%rem3A_0, %dma_wait3A_775, %dma_wait3A_779, %dma_wait3A_780] : memref<2x64x4x512xf32, #tpu.memory_space<vmem>> -> memref<1x1x4x512xf32, #tpu.memory_space<vmem>>
    %dma_wait3A_782 = tpu.memref_squeeze %dma_wait3A_781 : memref<1x1x4x512xf32, #tpu.memory_space<vmem>> -> memref<4x512xf32, #tpu.memory_space<vmem>>
    %dma_wait3A_783 = arith.constant 0 : i32
    %dma_wait3A_784 = arith.constant 0 : i32
    %dma_wait3A_785 = tpu.memref_slice %arg7[%dma_wait3A_774, %dma_wait3A_783, %dma_wait3A_784] : memref<100000x4x512xf32, #tpu.memory_space<any>> -> memref<1x4x512xf32, #tpu.memory_space<any>>
    %dma_wait3A_786 = tpu.memref_squeeze %dma_wait3A_785 : memref<1x4x512xf32, #tpu.memory_space<any>> -> memref<4x512xf32, #tpu.memory_space<any>>
    tpu.wait_dma2 semaphore(%dma_wait3A_778 : memref<!tpu.dma_semaphore, #tpu.memory_space<semaphore_mem>>) src(%dma_wait3A_786 : memref<4x512xf32, #tpu.memory_space<any>>) dst(%dma_wait3A_782 : memref<4x512xf32, #tpu.memory_space<vmem>>)
    %dma_wait3A_787 = arith.constant 0 : i32
    %dma_wait3A_788 = arith.constant 60 : i32
    %dma_wait3A_789 = arith.constant 60 : i32
    %dma_wait3A_790 = tpu.memref_slice %arg10[%rem3A_0, %dma_wait3A_789] : memref<2x64x!tpu.dma_semaphore, #tpu.memory_space<semaphore_mem>> -> memref<1x1x!tpu.dma_semaphore, #tpu.memory_space<semaphore_mem>>
    %dma_wait3A_791 = tpu.memref_squeeze %dma_wait3A_790 : memref<1x1x!tpu.dma_semaphore, #tpu.memory_space<semaphore_mem>> -> memref<!tpu.dma_semaphore, #tpu.memory_space<semaphore_mem>>
    %dma_wait3A_792 = arith.constant 0 : i32
    %dma_wait3A_793 = arith.constant 0 : i32
    %dma_wait3A_794 = tpu.memref_slice %arg9[%rem3A_0, %dma_wait3A_788, %dma_wait3A_792, %dma_wait3A_793] : memref<2x64x4x512xf32, #tpu.memory_space<vmem>> -> memref<1x1x4x512xf32, #tpu.memory_space<vmem>>
    %dma_wait3A_795 = tpu.memref_squeeze %dma_wait3A_794 : memref<1x1x4x512xf32, #tpu.memory_space<vmem>> -> memref<4x512xf32, #tpu.memory_space<vmem>>
    %dma_wait3A_796 = arith.constant 0 : i32
    %dma_wait3A_797 = arith.constant 0 : i32
    %dma_wait3A_798 = tpu.memref_slice %arg7[%dma_wait3A_787, %dma_wait3A_796, %dma_wait3A_797] : memref<100000x4x512xf32, #tpu.memory_space<any>> -> memref<1x4x512xf32, #tpu.memory_space<any>>
    %dma_wait3A_799 = tpu.memref_squeeze %dma_wait3A_798 : memref<1x4x512xf32, #tpu.memory_space<any>> -> memref<4x512xf32, #tpu.memory_space<any>>
    tpu.wait_dma2 semaphore(%dma_wait3A_791 : memref<!tpu.dma_semaphore, #tpu.memory_space<semaphore_mem>>) src(%dma_wait3A_799 : memref<4x512xf32, #tpu.memory_space<any>>) dst(%dma_wait3A_795 : memref<4x512xf32, #tpu.memory_space<vmem>>)
    %dma_wait3A_800 = arith.constant 0 : i32
    %dma_wait3A_801 = arith.constant 61 : i32
    %dma_wait3A_802 = arith.constant 61 : i32
    %dma_wait3A_803 = tpu.memref_slice %arg10[%rem3A_0, %dma_wait3A_802] : memref<2x64x!tpu.dma_semaphore, #tpu.memory_space<semaphore_mem>> -> memref<1x1x!tpu.dma_semaphore, #tpu.memory_space<semaphore_mem>>
    %dma_wait3A_804 = tpu.memref_squeeze %dma_wait3A_803 : memref<1x1x!tpu.dma_semaphore, #tpu.memory_space<semaphore_mem>> -> memref<!tpu.dma_semaphore, #tpu.memory_space<semaphore_mem>>
    %dma_wait3A_805 = arith.constant 0 : i32
    %dma_wait3A_806 = arith.constant 0 : i32
    %dma_wait3A_807 = tpu.memref_slice %arg9[%rem3A_0, %dma_wait3A_801, %dma_wait3A_805, %dma_wait3A_806] : memref<2x64x4x512xf32, #tpu.memory_space<vmem>> -> memref<1x1x4x512xf32, #tpu.memory_space<vmem>>
    %dma_wait3A_808 = tpu.memref_squeeze %dma_wait3A_807 : memref<1x1x4x512xf32, #tpu.memory_space<vmem>> -> memref<4x512xf32, #tpu.memory_space<vmem>>
    %dma_wait3A_809 = arith.constant 0 : i32
    %dma_wait3A_810 = arith.constant 0 : i32
    %dma_wait3A_811 = tpu.memref_slice %arg7[%dma_wait3A_800, %dma_wait3A_809, %dma_wait3A_810] : memref<100000x4x512xf32, #tpu.memory_space<any>> -> memref<1x4x512xf32, #tpu.memory_space<any>>
    %dma_wait3A_812 = tpu.memref_squeeze %dma_wait3A_811 : memref<1x4x512xf32, #tpu.memory_space<any>> -> memref<4x512xf32, #tpu.memory_space<any>>
    tpu.wait_dma2 semaphore(%dma_wait3A_804 : memref<!tpu.dma_semaphore, #tpu.memory_space<semaphore_mem>>) src(%dma_wait3A_812 : memref<4x512xf32, #tpu.memory_space<any>>) dst(%dma_wait3A_808 : memref<4x512xf32, #tpu.memory_space<vmem>>)
    %dma_wait3A_813 = arith.constant 0 : i32
    %dma_wait3A_814 = arith.constant 62 : i32
    %dma_wait3A_815 = arith.constant 62 : i32
    %dma_wait3A_816 = tpu.memref_slice %arg10[%rem3A_0, %dma_wait3A_815] : memref<2x64x!tpu.dma_semaphore, #tpu.memory_space<semaphore_mem>> -> memref<1x1x!tpu.dma_semaphore, #tpu.memory_space<semaphore_mem>>
    %dma_wait3A_817 = tpu.memref_squeeze %dma_wait3A_816 : memref<1x1x!tpu.dma_semaphore, #tpu.memory_space<semaphore_mem>> -> memref<!tpu.dma_semaphore, #tpu.memory_space<semaphore_mem>>
    %dma_wait3A_818 = arith.constant 0 : i32
    %dma_wait3A_819 = arith.constant 0 : i32
    %dma_wait3A_820 = tpu.memref_slice %arg9[%rem3A_0, %dma_wait3A_814, %dma_wait3A_818, %dma_wait3A_819] : memref<2x64x4x512xf32, #tpu.memory_space<vmem>> -> memref<1x1x4x512xf32, #tpu.memory_space<vmem>>
    %dma_wait3A_821 = tpu.memref_squeeze %dma_wait3A_820 : memref<1x1x4x512xf32, #tpu.memory_space<vmem>> -> memref<4x512xf32, #tpu.memory_space<vmem>>
    %dma_wait3A_822 = arith.constant 0 : i32
    %dma_wait3A_823 = arith.constant 0 : i32
    %dma_wait3A_824 = tpu.memref_slice %arg7[%dma_wait3A_813, %dma_wait3A_822, %dma_wait3A_823] : memref<100000x4x512xf32, #tpu.memory_space<any>> -> memref<1x4x512xf32, #tpu.memory_space<any>>
    %dma_wait3A_825 = tpu.memref_squeeze %dma_wait3A_824 : memref<1x4x512xf32, #tpu.memory_space<any>> -> memref<4x512xf32, #tpu.memory_space<any>>
    tpu.wait_dma2 semaphore(%dma_wait3A_817 : memref<!tpu.dma_semaphore, #tpu.memory_space<semaphore_mem>>) src(%dma_wait3A_825 : memref<4x512xf32, #tpu.memory_space<any>>) dst(%dma_wait3A_821 : memref<4x512xf32, #tpu.memory_space<vmem>>)
    %dma_wait3A_826 = arith.constant 0 : i32
    %dma_wait3A_827 = arith.constant 63 : i32
    %dma_wait3A_828 = arith.constant 63 : i32
    %dma_wait3A_829 = tpu.memref_slice %arg10[%rem3A_0, %dma_wait3A_828] : memref<2x64x!tpu.dma_semaphore, #tpu.memory_space<semaphore_mem>> -> memref<1x1x!tpu.dma_semaphore, #tpu.memory_space<semaphore_mem>>
    %dma_wait3A_830 = tpu.memref_squeeze %dma_wait3A_829 : memref<1x1x!tpu.dma_semaphore, #tpu.memory_space<semaphore_mem>> -> memref<!tpu.dma_semaphore, #tpu.memory_space<semaphore_mem>>
    %dma_wait3A_831 = arith.constant 0 : i32
    %dma_wait3A_832 = arith.constant 0 : i32
    %dma_wait3A_833 = tpu.memref_slice %arg9[%rem3A_0, %dma_wait3A_827, %dma_wait3A_831, %dma_wait3A_832] : memref<2x64x4x512xf32, #tpu.memory_space<vmem>> -> memref<1x1x4x512xf32, #tpu.memory_space<vmem>>
    %dma_wait3A_834 = tpu.memref_squeeze %dma_wait3A_833 : memref<1x1x4x512xf32, #tpu.memory_space<vmem>> -> memref<4x512xf32, #tpu.memory_space<vmem>>
    %dma_wait3A_835 = arith.constant 0 : i32
    %dma_wait3A_836 = arith.constant 0 : i32
    %dma_wait3A_837 = tpu.memref_slice %arg7[%dma_wait3A_826, %dma_wait3A_835, %dma_wait3A_836] : memref<100000x4x512xf32, #tpu.memory_space<any>> -> memref<1x4x512xf32, #tpu.memory_space<any>>
    %dma_wait3A_838 = tpu.memref_squeeze %dma_wait3A_837 : memref<1x4x512xf32, #tpu.memory_space<any>> -> memref<4x512xf32, #tpu.memory_space<any>>
    tpu.wait_dma2 semaphore(%dma_wait3A_830 : memref<!tpu.dma_semaphore, #tpu.memory_space<semaphore_mem>>) src(%dma_wait3A_838 : memref<4x512xf32, #tpu.memory_space<any>>) dst(%dma_wait3A_834 : memref<4x512xf32, #tpu.memory_space<vmem>>)
    %get3A = arith.constant 0 : index
    %get3A_839 = arith.constant 0 : index
    %get3A_840 = vector.load %arg2[%get3A, %get3A_839] : memref<64x512xf32, #tpu.memory_space<vmem>>, vector<64x512xf32>
    %get3A_841 = arith.constant 0 : index
    %get3A_842 = arith.constant 0 : index
    %get3A_843 = vector.load %arg3[%get3A_841, %get3A_842] : memref<512x32xf32, #tpu.memory_space<vmem>>, vector<512x32xf32>
    %dot_general3A = arith.constant dense<0.000000e+00> : vector<64x32xf32>
    %dot_general3A_844 = tpu.matmul %get3A_840, %get3A_843, %dot_general3A {dimension_numbers = #tpu.dot_dimension_numbers<[1], [0], [0], [1], [0, 0, 1, 1], [], []>, transpose_lhs_hint = false} : vector<64x512xf32>, vector<512x32xf32>, vector<64x32xf32> -> vector<64x32xf32>
    %get3A_845 = arith.constant 0 : index
    %get3A_846 = arith.constant 0 : index
    %get3A_847 = vector.load %arg4[%get3A_845, %get3A_846] : memref<1x32xf32, #tpu.memory_space<vmem>>, vector<1x32xf32>
    %add3A_848 = vector.broadcast %get3A_847 : vector<1x32xf32> to vector<64x32xf32>
    %add3A_849 = arith.addf %dot_general3A_844, %add3A_848 : vector<64x32xf32>
    %max3A = arith.constant 0.000000e+00 : f32
    %max3A_850 = vector.broadcast %max3A : f32 to vector<64x32xf32>
    %max3A_851 = arith.maximumf %add3A_849, %max3A_850 : vector<64x32xf32>
    %get3A_852 = arith.constant 0 : index
    %get3A_853 = arith.constant 0 : index
    %get3A_854 = vector.load %arg5[%get3A_852, %get3A_853] : memref<32x512xf32, #tpu.memory_space<vmem>>, vector<32x512xf32>
    %dot_general3A_855 = arith.constant dense<0.000000e+00> : vector<64x512xf32>
    %dot_general3A_856 = tpu.matmul %max3A_851, %get3A_854, %dot_general3A_855 {dimension_numbers = #tpu.dot_dimension_numbers<[1], [0], [0], [1], [0, 0, 1, 1], [], []>, transpose_lhs_hint = false} : vector<64x32xf32>, vector<32x512xf32>, vector<64x512xf32> -> vector<64x512xf32>
    %get3A_857 = arith.constant 0 : index
    %get3A_858 = arith.constant 0 : index
    %get3A_859 = vector.load %arg6[%get3A_857, %get3A_858] : memref<1x512xf32, #tpu.memory_space<vmem>>, vector<1x512xf32>
    %add3A_860 = vector.broadcast %get3A_859 : vector<1x512xf32> to vector<64x512xf32>
    %add3A_861 = arith.addf %dot_general3A_856, %add3A_860 : vector<64x512xf32>
    %get3A_862 = arith.index_cast %rem3A_0 : i32 to index
    %get3A_863 = arith.constant 0 : index
    %get3A_864 = arith.constant 0 : index
    %get3A_865 = arith.constant 0 : index
    %get3A_866 = vector.load %arg9[%get3A_862, %get3A_863, %get3A_864, %get3A_865] : memref<2x64x4x512xf32, #tpu.memory_space<vmem>>, vector<1x64x4x512xf32>
    %get3A_867 = vector.shape_cast %get3A_866 : vector<1x64x4x512xf32> to vector<64x4x512xf32>
    %slice3A = vector.extract_strided_slice %get3A_867 {offsets = [0, 0, 0], sizes = [64, 1, 512], strides = [1, 1, 1]} : vector<64x4x512xf32> to vector<64x1x512xf32>
    %squeeze3A = vector.shape_cast %slice3A : vector<64x1x512xf32> to vector<64x512xf32>
    %add3A_868 = arith.addf %squeeze3A, %add3A_861 : vector<64x512xf32>
    %swap3A = arith.constant 0 : index
    %swap3A_869 = arith.constant 0 : index
    %swap3A_870 = arith.constant 0 : index
    %swap3A_871 = vector.load %arg8[%swap3A, %swap3A_869, %swap3A_870] : memref<4x64x512xf32, #tpu.memory_space<vmem>>, vector<1x64x512xf32>
    %swap3A_872 = vector.shape_cast %swap3A_871 : vector<1x64x512xf32> to vector<64x512xf32>
    %swap3A_873 = vector.shape_cast %add3A_868 : vector<64x512xf32> to vector<1x64x512xf32>
    tpu.vector_store %arg8[%swap3A, %swap3A_869, %swap3A_870], %swap3A_873 {strides = array<i32>} : memref<4x64x512xf32, #tpu.memory_space<vmem>>, vector<1x64x512xf32>,
    %slice3A_874 = vector.extract_strided_slice %get3A_867 {offsets = [0, 1, 0], sizes = [64, 1, 512], strides = [1, 1, 1]} : vector<64x4x512xf32> to vector<64x1x512xf32>
    %squeeze3A_875 = vector.shape_cast %slice3A_874 : vector<64x1x512xf32> to vector<64x512xf32>
    %add3A_876 = arith.addf %squeeze3A_875, %add3A_861 : vector<64x512xf32>
    %swap3A_877 = arith.constant 1 : index
    %swap3A_878 = arith.constant 0 : index
    %swap3A_879 = arith.constant 0 : index
    %swap3A_880 = vector.load %arg8[%swap3A_877, %swap3A_878, %swap3A_879] : memref<4x64x512xf32, #tpu.memory_space<vmem>>, vector<1x64x512xf32>
    %swap3A_881 = vector.shape_cast %swap3A_880 : vector<1x64x512xf32> to vector<64x512xf32>
    %swap3A_882 = vector.shape_cast %add3A_876 : vector<64x512xf32> to vector<1x64x512xf32>
    tpu.vector_store %arg8[%swap3A_877, %swap3A_878, %swap3A_879], %swap3A_882 {strides = array<i32>} : memref<4x64x512xf32, #tpu.memory_space<vmem>>, vector<1x64x512xf32>,
    %slice3A_883 = vector.extract_strided_slice %get3A_867 {offsets = [0, 2, 0], sizes = [64, 1, 512], strides = [1, 1, 1]} : vector<64x4x512xf32> to vector<64x1x512xf32>
    %squeeze3A_884 = vector.shape_cast %slice3A_883 : vector<64x1x512xf32> to vector<64x512xf32>
    %add3A_885 = arith.addf %squeeze3A_884, %add3A_861 : vector<64x512xf32>
    %swap3A_886 = arith.constant 2 : index
    %swap3A_887 = arith.constant 0 : index
    %swap3A_888 = arith.constant 0 : index
    %swap3A_889 = vector.load %arg8[%swap3A_886, %swap3A_887, %swap3A_888] : memref<4x64x512xf32, #tpu.memory_space<vmem>>, vector<1x64x512xf32>
    %swap3A_890 = vector.shape_cast %swap3A_889 : vector<1x64x512xf32> to vector<64x512xf32>
    %swap3A_891 = vector.shape_cast %add3A_885 : vector<64x512xf32> to vector<1x64x512xf32>
    tpu.vector_store %arg8[%swap3A_886, %swap3A_887, %swap3A_888], %swap3A_891 {strides = array<i32>} : memref<4x64x512xf32, #tpu.memory_space<vmem>>, vector<1x64x512xf32>,
    %slice3A_892 = vector.extract_strided_slice %get3A_867 {offsets = [0, 3, 0], sizes = [64, 1, 512], strides = [1, 1, 1]} : vector<64x4x512xf32> to vector<64x1x512xf32>
    %squeeze3A_893 = vector.shape_cast %slice3A_892 : vector<64x1x512xf32> to vector<64x512xf32>
    %add3A_894 = arith.addf %squeeze3A_893, %add3A_861 : vector<64x512xf32>
    %swap3A_895 = arith.constant 3 : index
    %swap3A_896 = arith.constant 0 : index
    %swap3A_897 = arith.constant 0 : index
    %swap3A_898 = vector.load %arg8[%swap3A_895, %swap3A_896, %swap3A_897] : memref<4x64x512xf32, #tpu.memory_space<vmem>>, vector<1x64x512xf32>
    %swap3A_899 = vector.shape_cast %swap3A_898 : vector<1x64x512xf32> to vector<64x512xf32>
    %swap3A_900 = vector.shape_cast %add3A_894 : vector<64x512xf32> to vector<1x64x512xf32>
    tpu.vector_store %arg8[%swap3A_895, %swap3A_896, %swap3A_897], %swap3A_900 {strides = array<i32>} : memref<4x64x512xf32, #tpu.memory_space<vmem>>, vector<1x64x512xf32>,
    return
  }
  func.func @transform_0(%arg0: i32, %arg1: memref<1024xi32, #tpu.memory_space<smem>>) -> (i32, i32) {
    %c0_i32 = arith.constant 0 : i32
    %c0_i32_0 = arith.constant 0 : i32
    return %arg0, %c0_i32 : i32, i32
  }
  func.func @transform_1(%arg0: i32, %arg1: memref<1024xi32, #tpu.memory_space<smem>>) -> (i32, i32) {
    %c0_i32 = arith.constant 0 : i32
    %c0_i32_0 = arith.constant 0 : i32
    %c0_i32_1 = arith.constant 0 : i32
    return %c0_i32, %c0_i32_0 : i32, i32
  }
  func.func @transform_2(%arg0: i32, %arg1: memref<1024xi32, #tpu.memory_space<smem>>) -> (i32, i32) {
    %c0_i32 = arith.constant 0 : i32
    %c0_i32_0 = arith.constant 0 : i32
    %c0_i32_1 = arith.constant 0 : i32
    return %c0_i32, %c0_i32_0 : i32, i32
  }
  func.func @transform_3(%arg0: i32, %arg1: memref<1024xi32, #tpu.memory_space<smem>>) -> (i32, i32) {
    %c0_i32 = arith.constant 0 : i32
    %c0_i32_0 = arith.constant 0 : i32
    %c0_i32_1 = arith.constant 0 : i32
    return %c0_i32, %c0_i32_0 : i32, i32
  }
  func.func @transform_4(%arg0: i32, %arg1: memref<1024xi32, #tpu.memory_space<smem>>) -> (i32, i32) {
    %c0_i32 = arith.constant 0 : i32
    %c0_i32_0 = arith.constant 0 : i32
    %c0_i32_1 = arith.constant 0 : i32
    return %c0_i32, %c0_i32_0 : i32, i32
  }
  func.func @transform_6(%arg0: i32, %arg1: memref<1024xi32, #tpu.memory_space<smem>>) -> (i32, i32, i32) {
    %c0_i32 = arith.constant 0 : i32
    %c0_i32_0 = arith.constant 0 : i32
    %c0_i32_1 = arith.constant 0 : i32
    return %c0_i32, %arg0, %c0_i32_0 : i32, i32, i32
  }
}

</mosaic_0001>

<sc_bundles>
// kernel: kernel.6.cloned.1.call-start
scs
__scs_entry_jumppad:
0x0: {  	(pc) =	sbr.rel $0x88, $3  }
0x1: {  	(tag) =	ssettag $0x0;
	lr =	simm.s32 $0x1  }
0x2: {  	[smem:$0x3F98] =	sst lr;
	_ =	strace $0xD0000000  }
0x3: {  	_ = 	snop  }
0x4: {  	_ = 	snop  }
0x5: {  	_ = 	snop  }
0x6: {  	_ = 	snop  }
0x7: {  	_ = 	snop  }
__scs_overlays_trampoline_lowered:
0x8: {  	[smem:$0x3FA7] =	sst s0  }
0x9: {  	[smem:$0x3FA8] =	sst s1  }
0xa: {  	[smem:$0x3FA9] =	sst s2  }
0xb: {  	[smem:$0x3FAA] =	sst s3  }
0xc: {  	[smem:$0x3FAB] =	sst s4  }
0xd: {  	[smem:$0x3FAC] =	sst s5  }
0xe: {  	[smem:$0x3FAD] =	sst s6  }
0xf: {  	[smem:$0x3FAE] =	sst s7  }
0x10: {  	[smem:$0x3FAF] =	sst s8  }
0x11: {  	[smem:$0x3FB0] =	sst s9;
	s0 =	simm.s32 @!p0 $0x0  }
0x12: {  	s1 =	sld [smem:$0x3F96];
	s0 =	simm.s32 @p0 $0x1  }
0x13: {  	[smem:$0x3FB1] =	sst s0;
	s0 =	simm.s32 @!p1 $0x0  }
0x14: {  	s2 =	sld [smem:$0x3F95];
	s0 =	simm.s32 @p1 $0x1  }
0x15: {  	[smem:$0x3FB2] =	sst s0;
	s0 =	simm.s32 @!p2 $0x0  }
0x16: {  	s3 =	sld [smem:$0x3FDB];
	s0 =	simm.s32 @p2 $0x1  }
0x17: {  	s4 =	simm.s32 $0x1BF5;
	[smem:$0x3FB4] =	sst s0  }
0x18: {  	s0 =	sld [smem:$0x3F97];
	_ =	swait.ge [sflag:s4], $0x0  }
0x19: {  	s7 =	sld [smem:$0x3F98]  }
0x1a: {  	s8 =	sadd.s32 $0xFFFFE003, lr  }
0x1b: {  	s9 =	sadd.s32 $0xFFFFFEF7, lr;
	s5 =	simm.s32 $0xFFFFFFFF;
	p2 =	slt.u32 s8, $0xFFFFF086  }
0x1c: {  	p1 =	slt.u32 s9, $0xF7A;
	s5 =	simm.s32 @!p2 $0x0  }
0x1d: {  	s5 =	simm.s32 @p1 $0x1;
	p0 =	seq.s32 s7, s2  }
0x1e: {  	s7 =	smul.u32 @!p0 $0xF7A, s2;
	p2 =	seq.s32 @!p0 s5, $0x0  }
0x1f: {  	s9 =	smul.u32 $0xF7A, s1;
	s8 =	simm.s32 @!p0 $0x1BF5;
	p2 =	por !p2, p0  }
0x20: {  	[sflag:s8] =	ssyncset.s32 @!p0 $0xFFFFF086;
	s6 =	sadd.s32 @!p0 s3, s7;
	s7 =	simm.s32 @!p0 $0x108  }
0x21: {  	s3 =	sadd.s32 s3, s9;
	s6 =	sadd.s32 @!p0 $0x88, s6;
	s7 =	simm.s32 @p2 $0x1082  }
0x22: {  	[simem:s7], [sflag:s8] =	dma.local @!p0 [hbm:s6], $0xF7A  }
0x23: {  	s9 =	sor.u32 $0xD0000000, s2;
	s6 =	simm.s32 $0x108;
	_ =	swait.ge @!p0 [sflag:s8], $0x0  }
0x24: {  	s3 =	sadd.s32 $0x88, s3;
	s6 =	simm.s32 @!p1 $0x1082;
	[sflag:s4] =	ssyncset.s32 $0xFFFFF086  }
0x25: {  	[simem:s6], [sflag:s4] =	dma.local [hbm:s3], $0xF7A  }
0x26: {  	[smem:$0x3F98] =	sst s1;
	(tag) =	ssettag s2;
	_ =	strace s9  }
0x27: {  	s1 =	sld [smem:$0x3FA8]  }
0x28: {  	s2 =	sld [smem:$0x3FA9]  }
0x29: {  	s4 =	sld [smem:$0x3FAB]  }
0x2a: {  	p0 =	seq.s32 s5, $0x0;
	s5 =	sld [smem:$0x3FAC]  }
0x2b: {  	s6 =	sld [smem:$0x3FAD]  }
0x2c: {  	s7 =	sld [smem:$0x3FAE]  }
0x2d: {  	s3 =	simm.s32 $0x108;
	s8 =	sld [smem:$0x3FAF]  }
0x2e: {  	s3 =	simm.s32 @!p0 $0x1082;
	s9 =	sld [smem:$0x3FB0]  }
0x2f: {  	lr =	sadd.s32 s0, s3;
	s0 =	sld [smem:$0x3FA7]  }
0x30: {  	s3 =	sld [smem:$0x3FAA]  }
0x31: {  	[smem:$0x3FB3] =	sst s10  }
0x32: {  	s10 =	sld [smem:$0x3FB1];
	_ =	sdelay $0x3  }
0x33: {  	p0 =	seq.s32 s10, $0x1;
	s10 =	sld [smem:$0x3FB3];
	_ =	sdelay $0x3  }
0x34: {  	[smem:$0x3FB3] =	sst s10  }
0x35: {  	s10 =	sld [smem:$0x3FB2];
	_ =	sdelay $0x3  }
0x36: {  	p1 =	seq.s32 s10, $0x1;
	s10 =	sld [smem:$0x3FB3];
	_ =	sdelay $0x3  }
0x37: {  	[smem:$0x3FB3] =	sst s10  }
0x38: {  	s10 =	sld [smem:$0x3FB4]  }
0x39: {  	_ = 	snop;
	(pc) =	sbr.ind lr, $3  }
0x3a: {  	_ = 	snop  }
0x3b: {  	_ = 	snop  }
0x3c: {  	p2 =	seq.s32 s10, $0x1;
	s10 =	sld [smem:$0x3FB3]  }
0x3d: {  	_ =	shalt  }
0x3e: {  	_ =	shalt  }
0x3f: {  	_ =	shalt  }
0x40: {  	_ =	shalt  }
0x41: {  	_ =	shalt  }
0x42: {  	_ =	shalt  }
0x43: {  	_ =	shalt  }
0x44: {  	_ =	shalt  }
0x45: {  	_ =	shalt  }
0x46: {  	_ =	shalt  }
0x47: {  	_ =	shalt  }
0x48: {  	_ =	shalt  }
0x49: {  	_ =	shalt  }
0x4a: {  	_ =	shalt  }
0x4b: {  	_ =	shalt  }
0x4c: {  	_ =	shalt  }
0x4d: {  	_ =	shalt  }
0x4e: {  	_ =	shalt  }
0x4f: {  	_ =	shalt  }
0x50: {  	_ =	shalt  }
0x51: {  	_ =	shalt  }
0x52: {  	_ =	shalt  }
0x53: {  	_ =	shalt  }
0x54: {  	_ =	shalt  }
0x55: {  	_ =	shalt  }
0x56: {  	_ =	shalt  }
0x57: {  	_ =	shalt  }
0x58: {  	_ =	shalt  }
0x59: {  	_ =	shalt  }
0x5a: {  	_ =	shalt  }
0x5b: {  	_ =	shalt  }
0x5c: {  	_ =	shalt  }
0x5d: {  	_ =	shalt  }
0x5e: {  	_ =	shalt  }
0x5f: {  	_ =	shalt  }
0x60: {  	_ =	shalt  }
0x61: {  	_ =	shalt  }
0x62: {  	_ =	shalt  }
0x63: {  	_ =	shalt  }
0x64: {  	_ =	shalt  }
0x65: {  	_ =	shalt  }
0x66: {  	_ =	shalt  }
0x67: {  	_ =	shalt  }
0x68: {  	_ =	shalt  }
0x69: {  	_ =	shalt  }
0x6a: {  	_ =	shalt  }
0x6b: {  	_ =	shalt  }
0x6c: {  	_ =	shalt  }
0x6d: {  	_ =	shalt  }
0x6e: {  	_ =	shalt  }
0x6f: {  	_ =	shalt  }
0x70: {  	_ =	shalt  }
0x71: {  	_ =	shalt  }
0x72: {  	_ =	shalt  }
0x73: {  	_ =	shalt  }
0x74: {  	_ =	shalt  }
0x75: {  	_ =	shalt  }
0x76: {  	_ =	shalt  }
0x77: {  	_ =	shalt  }
0x78: {  	_ =	shalt  }
0x79: {  	_ =	shalt  }
0x7a: {  	_ =	shalt  }
0x7b: {  	_ =	shalt  }
0x7c: {  	_ =	shalt  }
0x7d: {  	_ =	shalt  }
0x7e: {  	_ =	shalt  }
0x7f: {  	_ =	shalt  }
0x80: {  	_ =	shalt  }
0x81: {  	_ =	shalt  }
0x82: {  	_ =	shalt  }
0x83: {  	_ =	shalt  }
0x84: {  	_ =	shalt  }
0x85: {  	_ =	shalt  }
0x86: {  	_ =	shalt  }
0x87: {  	_ =	shalt  }
.Lfunc_end0:
.L_simem_size_0:
called_computation_lowered:
.L_overlay_start_0:
0x88: {  	s2 =	sld [smem:$0x3FD9]  }
0x89: {  	s3 =	sld [smem:$0x3FFE];
	_ =	sdelay $0x1  }
0x8a: {  	s1 =	srdreg.scid  }
0x8b: {  	s0 =	sand.u32 $0x1, s1  }
0x8c: {  	s17 =	sshll.u32 s0, $0xA;
	s2 =	sadd.s32 s3, s2  }
0x8d: {  	s2 =	sadd.s32 s2, s17  }
0x8e: {  	[smem:$0x3FBF] =	sst s2  }
0x8f: {  	_ = 	snop  }
0x90: {  	s2 =	sld [smem:$0x3FD0];
	(tm) =	ssettm $0x1  }
0x91: {  	s18 =	sld [smem:$0x3FFB];
	_ =	sdelay $0x3  }
0x92: {  	_ =	strace s18  }
0x93: {  	s3 =	sld [smem:$0x3FFC];
	_ =	sdelay $0x3  }
0x94: {  	_ =	strace s3  }
0x95: {  	s3 =	sld [smem:$0x3FFD];
	_ =	sdelay $0x3  }
0x96: {  	_ =	strace s3  }
0x97: {  	_ =	strace $0x8FFFFFFF  }
0x98: {  	s19 =	sld [smem:$0x3FDB];
	_ =	sdelay $0x1  }
0x99: {  	s4 =	simm.s32 $_scs_section_size  }
0x9a: {  	s5 =	simm.s32 $_size__tile_overlayer_lowered;
	s6 =	simm.s32 $_tile_overlayer_lowered  }
0x9b: {  	s22 =	simm.s32 $0x1BFF;
	s21 =	sshll.u32 s6, $0x1;
	s3 =	sadd.s32 s4, s19  }
0x9c: {  	s7 =	simm.s32 $0x0;
	s20 =	sshll.u32 s5, $0x1;
	s5 =	sadd.s32 s21, s3  }
0x9d: {  	[timem:s7], [sflag:s22] =	dma.local [hbm:s5], s20  }
0x9e: {  	_ =	swait.ge [sflag:s22], s20  }
0x9f: {  	s4 =	ssub.s32 $0x0, s20;
	[sflag:s22] =	ssyncset.done $0x0  }
0xa0: {  	[sflag:s22] =	ssyncadd.s32 s4;
	_ =	sdelay $0x1  }
0xa1: {  	s23 =	simm.s32 $0x1B8B  }
0xa2: {  	_ =	swait.ge [sflag:s23], $0x1  }
0xa3: {  	[sflag:s23] =	ssyncset.done $0x0  }
0xa4: {  	s25 =	simm.s32 $0x1B8E;
	s24 =	sld [smem:$0x3FFE];
	[sflag:s23] =	ssyncadd.s32 $0xFFFFFFFF  }
0xa5: {  	s26 =	simm.s32 $execute0_lowered;
	[smem:$0x3FD2] =	sst s25  }
0xa6: {  	s5 =	sshll.u32 s26, $0x1;
	_ =	strace $0x80000046;
	[dreg:$0x1] =	wrdreg $0xFFFFFFFF  }
0xa7: {  	s28 =	simm.s32 $_size_execute0_lowered;
	s3 =	sadd.s32 s3, s5;
	[dreg:$0x0] =	wrdreg $0x0  }
0xa8: {  	s5 =	sshll.u32 s28, $0x1;
	[dreg:$0x2] =	wrdreg s3  }
0xa9: {  	[dreg:$0x3] =	wrdreg s5  }
0xaa: {  	[dreg:$0x4] =	wrdreg $0xC0  }
0xab: {  	_ =	task [dreg:s7], $0x5FFFF  }
0xac: {  	[dreg:$0x1] =	wrdreg $0xFFFFFFFF  }
0xad: {  	[dreg:$0x0] =	wrdreg $0x60  }
0xae: {  	[dreg:$0x2] =	wrdreg s24  }
0xaf: {  	[dreg:$0x3] =	wrdreg s2  }
0xb0: {  	[dreg:$0x4] =	wrdreg $0x9  }
0xb1: {  	_ =	task.clear_ibuf [dreg:s7], $0x5FFFF;
	_ =	strace $0x90000046  }
0xb2: {  	s29 =	simm.s32 $0x9;
	_ =	strace $0x80000048  }
0xb3: {  	_ =	swait.ge [sflag:s29], $0x1  }
0xb4: {  	[sflag:s29] =	ssyncadd.s32 $0xFFFFFFFF  }
0xb5: {  	_ =	strace $0x90000048  }
0xb6: {  	_ =	sfence  }
0xb7: {  	s30 =	sld [smem:$0x0];
	_ =	sdelay $0x2  }
0xb8: {  	s31 =	sshll.u32 s1, $0xD;
	s1 =	sshrl.u32 s1, $0x2  }
0xb9: {  	s3 =	sand.u32 $0x4000, s31;
	s1 =	sadd.s32 s1, s30  }
0xba: {  	s0 =	sor.u32 s3, s0;
	s1 =	sshll.u32 s1, $0x11  }
0xbb: {  	s0 =	sor.u32 s1, s0  }
0xbc: {  	s0 =	sadd.s32 $0x8F2B, s0  }
0xbd: {  	[sflag:s0] =	ssyncadd.remote.s32 $0x1  }
0xbe: {  	_ =	sfence.sel $0xFFFF  }
0xbf: {  	[dreg:$0x0] =	wrdreg $0xFFFFFFFF;
	(pc) =	sbr.abs _section_cstart, $3  }
0xc0: {  	[dreg:$0x1] =	wrdreg $0xFFFFFFFF  }
0xc1: {  	_ =	task.clear_ibuf [dreg:s7], $0x2FFFF;
	_ =	strace $0x9FFFFFFF  }
0xc2: {  	(tm) =	ssettm $0x7FFFFFFF  }
0xc3: {  	_ =	shalt  }
tec
execute0_lowered:
.L_overlay_start_1:
0x0: {  	(tag) =	ssettag $0x1  }
0x1: {  	s1 =	srdreg.scid;
	s0 =	stileid.u32  }
0x2: {  	s6 =	sand.u32 $0x1, s1;
	s31 =	sshll.u32 s0, $0x1  }
0x3: {  	s7 =	sor.u32 s6, s31  }
0x4: {  	s8 =	smul.u32 $0x92, s7;
	_ =	sdelay $0x1  }
0x5: {  	s4 =	sadd.s32 $0x92, s8  }
0x6: {  	s10 =	sshrl.u32 s8, $0x5;
	s4 =	sshrl.u32 s4, $0x5  }
0x7: {  	p0 =	sge.u32 s10, s4  }
.Ltmp0:
0x8: {  	_ = 	snop;
	(pc) =	sbr.rel @p0 .LBB2_8-.Ltmp0, $4  }
0x9: {  	s5 =	rddreg [dreg:$0x0]  }
0xa: {  	s2 =	rddreg [dreg:$0x1];
	s3 =	simm.s32 $0x0  }
0xb: {  	[smem:$0x7FF] =	sst s3  }
0xc: {  	s1 =	rddreg [dreg:$0x2];
	_ =	strace $0x80000047  }
0xd: {  	s8 =	sshrl.u32 s8, $0x6;
	p0 =	slt.u32 s7, $0x3  }
0xe: {  	s11 =	sshll.u32 s10, $0x12;
	s6 =	ssub.s32 $0x2, s6;
	s5 =	sadd.s32 $0x1200, s5  }
0xf: {  	s10 =	sadd.s32 $0x1, s10;
	s13 =	simm.s32 $0x2;
	s9 =	sshll.u32 s8, $0x13  }
0x10: {  	s14 =	simm.s32 $0x1;
	s15 =	simm.s32 $0x0;
	s7 =	sadd.s32 $0x200000, s9  }
.Ltmp1:
0x11: {  	s30 =	sand.u32 $0x40000, s11;
	s7 =	smov.u32 @p0 s9;
	(pc) =	sbr.rel .LBB2_2-.Ltmp1, $4  }
0x12: {  	s31 =	sshrl.u32 s6, $0x1;
	s8 =	sshll.u32 s8, $0xD;
	s7 =	sor.u32 s30, s7  }
0x13: {  	s6 =	ssub.s32 s6, s31;
	s8 =	sadd.s32 s5, s8;
	s7 =	sshrl.u32 s7, $0x3  }
0x14: {  	s6 =	smax.u32 s6, $0x1;
	p0 =	seq.s32 s10, s4;
	s7 =	sadd.s32 s2, s7  }
0x15: {  	s9 =	sadd.s32 $0x2000, s7;
	s11 =	sadd.s32 $0x4000, s7;
	s12 =	sadd.s32 $0x6000, s7  }
.LBB2_6:
0x16: {  	s16 =	sand.u32 @!p1 $0x1FFFE000, s21;
	s18 =	sshll.u32 s18, $0x12;
	[sflag:s14] =	ssyncset.done @p2 $0x0  }
0x17: {  	s19 =	simm.s32 @!p1 $0x2;
	s16 =	sadd.s32 @!p1 s5, s16;
	[sflag:s14] =	ssyncadd.s32 @p2 $0xFFFF0000  }
0x18: {  	[tilespmem:s20], [sflag:$0x2] =	stream.linear.gather @!p1 [hbm4b:s16+s20], $0x10000, $0x38;
	[tilespmem:$0x10000] =	vst v63  }
0x19: {  	s29 =	sor.u32 s18, s17;
	_ =	swait.ge @!p1 [sflag:s19], $0x10000  }
0x1a: {  	s16 =	sshrl.u32 s29, $0x3;
	[sflag:s19] =	ssyncset.done @!p1 $0x0  }
0x1b: {  	s16 =	sadd.s32 s2, s16;
	[sflag:s19] =	ssyncadd.s32 @!p1 $0xFFFF0000  }
0x1c: {  	[hbm4b:s16+s3] =	stream.linear.scatter [tilespmem:s3], [sflag:$0x1], $0x10000, $0x38;
	[tilespmem:$0x10000] =	vst v63  }
0x1d: {  	_ =	swait.ge [sflag:s14], $0x10000  }
0x1e: {  	[sflag:s14] =	ssyncset.done $0x0  }
0x1f: {  	s30 =	sadd.s32 $0x2000, s16;
	[sflag:s14] =	ssyncadd.s32 $0xFFFF0000  }
0x20: {  	[hbm4b:s30+s3] =	stream.linear.scatter [tilespmem:s3], [sflag:$0x1], $0x10000, $0x38;
	[tilespmem:$0x10000] =	vst v63  }
0x21: {  	_ =	swait.ge [sflag:s14], $0x10000  }
0x22: {  	[sflag:s14] =	ssyncset.done $0x0  }
0x23: {  	s31 =	sadd.s32 $0x4000, s16;
	[sflag:s14] =	ssyncadd.s32 $0xFFFF0000  }
0x24: {  	[hbm4b:s31+s3] =	stream.linear.scatter [tilespmem:s3], [sflag:$0x1], $0x10000, $0x38;
	[tilespmem:$0x10000] =	vst v63  }
0x25: {  	_ =	swait.ge [sflag:s14], $0x10000  }
0x26: {  	[sflag:s14] =	ssyncset.done $0x0  }
0x27: {  	s16 =	sadd.s32 $0x6000, s16;
	[sflag:s14] =	ssyncadd.s32 $0xFFFF0000  }
0x28: {  	[hbm4b:s16+s3] =	stream.linear.scatter [tilespmem:s3], [sflag:$0x1], $0x10000, $0x38;
	[tilespmem:$0x10000] =	vst v63  }
0x29: {  	_ =	swait.ge [sflag:s14], $0x10000  }
0x2a: {  	[sflag:s14] =	ssyncset.done $0x0  }
0x2b: {  	[sflag:s14] =	ssyncadd.s32 $0xFFFF0000  }
.LBB2_7:
0x2c: {  	s15 =	sadd.s32 $0x1, s15  }
0x2d: {  	p1 =	sne.s32 s15, s6  }
.Ltmp2:
0x2e: {  	_ = 	snop;
	(pc) =	sbr.rel @!p1 .LBB2_8-.Ltmp2, $1  }
0x2f: {  	_ =	sdelay $0x3  }
.LBB2_2:
0x30: {  	[tilespmem:s3], [sflag:$0x2] =	stream.linear.gather [hbm4b:s8+s3], $0x10000, $0x38;
	[tilespmem:$0x10000] =	vst v63  }
0x31: {  	_ =	swait.ge [sflag:s13], $0x10000  }
0x32: {  	[sflag:s13] =	ssyncset.done $0x0  }
0x33: {  	[sflag:s13] =	ssyncadd.s32 $0xFFFF0000  }
0x34: {  	[hbm4b:s7+s3] =	stream.linear.scatter [tilespmem:s3], [sflag:$0x1], $0x10000, $0x38;
	[tilespmem:$0x10000] =	vst v63  }
0x35: {  	_ =	swait.ge [sflag:s14], $0x10000  }
0x36: {  	[sflag:s14] =	ssyncset.done $0x0  }
0x37: {  	[sflag:s14] =	ssyncadd.s32 $0xFFFF0000  }
0x38: {  	[hbm4b:s9+s3] =	stream.linear.scatter [tilespmem:s3], [sflag:$0x1], $0x10000, $0x38;
	[tilespmem:$0x10000] =	vst v63  }
0x39: {  	_ =	swait.ge [sflag:s14], $0x10000  }
0x3a: {  	[sflag:s14] =	ssyncset.done $0x0  }
0x3b: {  	[sflag:s14] =	ssyncadd.s32 $0xFFFF0000  }
0x3c: {  	[hbm4b:s11+s3] =	stream.linear.scatter [tilespmem:s3], [sflag:$0x1], $0x10000, $0x38;
	[tilespmem:$0x10000] =	vst v63  }
0x3d: {  	_ =	swait.ge [sflag:s14], $0x10000  }
0x3e: {  	[sflag:s14] =	ssyncset.done $0x0  }
.Ltmp3:
0x3f: {  	[sflag:s14] =	ssyncadd.s32 $0xFFFF0000;
	(pc) =	sbr.rel @p0 .LBB2_7-.Ltmp3, $4  }
0x40: {  	[hbm4b:s12+s3] =	stream.linear.scatter [tilespmem:s3], [sflag:$0x1], $0x10000, $0x38;
	[tilespmem:$0x10000] =	vst v63  }
0x41: {  	_ =	swait.ge [sflag:s14], $0x10000  }
0x42: {  	[sflag:s14] =	ssyncset.done $0x0  }
0x43: {  	[sflag:s14] =	ssyncadd.s32 $0xFFFF0000  }
0x44: {  	s19 =	sadd.s32 $0x1, s10  }
0x45: {  	p3 =	sne.s32 s4, s19  }
.Ltmp4:
0x46: {  	_ = 	snop;
	(pc) =	sbr.rel @!p3 .LBB2_6-.Ltmp4, $4  }
0x47: {  	s16 =	sshrl.u32 s10, $0x1;
	s18 =	sand.u32 $0x1, s10  }
0x48: {  	p1 =	seq.s32 s18, $0x1;
	s22 =	sshll.u32 s16, $0x13  }
0x49: {  	p2 =	slt.u32 s10, $0xA;
	s21 =	sshll.u32 @!p1 s16, $0xD;
	s17 =	sadd.s32 $0x200000, s22  }
0x4a: {  	s20 =	simm.s32 @!p1 $0x0;
	s17 =	smov.u32 @p2 s22;
	p2 =	por $0x0, $0x0  }
0x4b: {  	s16 =	sand.u32 @!p1 $0x1FFFE000, s21  }
0x4c: {  	s18 =	sshll.u32 s18, $0x12;
	s21 =	simm.s32 @!p1 $0x2;
	s16 =	sadd.s32 @!p1 s5, s16  }
0x4d: {  	[tilespmem:s20], [sflag:$0x2] =	stream.linear.gather @!p1 [hbm4b:s16+s20], $0x10000, $0x38;
	[tilespmem:$0x10000] =	vst v63  }
0x4e: {  	s29 =	sor.u32 s18, s17;
	_ =	swait.ge @!p1 [sflag:s21], $0x10000  }
0x4f: {  	s16 =	sshrl.u32 s29, $0x3;
	[sflag:s21] =	ssyncset.done @!p1 $0x0  }
0x50: {  	s30 =	sadd.s32 s2, s16;
	[sflag:s21] =	ssyncadd.s32 @!p1 $0xFFFF0000  }
0x51: {  	[hbm4b:s30+s3] =	stream.linear.scatter [tilespmem:s3], [sflag:$0x1], $0x10000, $0x38;
	[tilespmem:$0x10000] =	vst v63  }
0x52: {  	_ =	swait.ge [sflag:s14], $0x10000  }
0x53: {  	[sflag:s14] =	ssyncset.done $0x0  }
0x54: {  	s16 =	sadd.s32 $0x2000, s30;
	[sflag:s14] =	ssyncadd.s32 $0xFFFF0000  }
0x55: {  	[hbm4b:s16+s3] =	stream.linear.scatter [tilespmem:s3], [sflag:$0x1], $0x10000, $0x38;
	[tilespmem:$0x10000] =	vst v63  }
0x56: {  	_ =	swait.ge [sflag:s14], $0x10000  }
0x57: {  	p2 =	slt.u32 s19, $0xA;
	s18 =	sand.u32 $0x1, s19;
	[sflag:s14] =	ssyncset.done $0x0  }
0x58: {  	s31 =	sadd.s32 $0x4000, s30;
	s16 =	sadd.s32 $0x1, s19;
	[sflag:s14] =	ssyncadd.s32 $0xFFFF0000  }
0x59: {  	[hbm4b:s31+s3] =	stream.linear.scatter [tilespmem:s3], [sflag:$0x1], $0x10000, $0x38;
	[tilespmem:$0x10000] =	vst v63  }
0x5a: {  	s17 =	sadd.s32 $0x6000, s30;
	p3 =	sne.s32 s4, s16;
	_ =	swait.ge [sflag:s14], $0x10000  }
.Ltmp5:
0x5b: {  	s19 =	sshrl.u32 s19, $0x1;
	[sflag:s14] =	ssyncset.done $0x0;
	(pc) =	sbr.rel @!p3 .LBB2_6-.Ltmp5, $4  }
0x5c: {  	p1 =	seq.s32 s18, $0x1;
	s22 =	sshll.u32 s19, $0x13;
	[sflag:s14] =	ssyncadd.s32 $0xFFFF0000  }
0x5d: {  	[hbm4b:s17+s3] =	stream.linear.scatter [tilespmem:s3], [sflag:$0x1], $0x10000, $0x38;
	[tilespmem:$0x10000] =	vst v63  }
0x5e: {  	s20 =	simm.s32 @!p1 $0x0;
	s21 =	sshll.u32 @!p1 s19, $0xD;
	s17 =	sadd.s32 $0x200000, s22  }
0x5f: {  	s17 =	smov.u32 @p2 s22;
	_ =	swait.ge [sflag:s14], $0x10000;
	p2 =	por $0x1, $0x1  }
.LBB2_5:
0x60: {  	s19 =	sand.u32 @!p1 $0x1FFFE000, s21  }
0x61: {  	s18 =	sshll.u32 s18, $0x12;
	[sflag:s14] =	ssyncset.done $0x0;
	s21 =	smov.u32 s16  }
0x62: {  	s22 =	simm.s32 @!p1 $0x2;
	s19 =	sadd.s32 @!p1 s5, s19;
	[sflag:s14] =	ssyncadd.s32 $0xFFFF0000  }
0x63: {  	[tilespmem:s20], [sflag:$0x2] =	stream.linear.gather @!p1 [hbm4b:s19+s20], $0x10000, $0x38;
	[tilespmem:$0x10000] =	vst v63  }
0x64: {  	s16 =	sadd.s32 $0x1, s16;
	s17 =	sor.u32 s18, s17;
	_ =	swait.ge @!p1 [sflag:s22], $0x10000  }
0x65: {  	p3 =	sne.s32 s4, s16;
	s17 =	sshrl.u32 s17, $0x3;
	[sflag:s22] =	ssyncset.done @!p1 $0x0  }
0x66: {  	s19 =	sadd.s32 s2, s17;
	[sflag:s22] =	ssyncadd.s32 @!p1 $0xFFFF0000  }
0x67: {  	[hbm4b:s19+s3] =	stream.linear.scatter [tilespmem:s3], [sflag:$0x1], $0x10000, $0x38;
	[tilespmem:$0x10000] =	vst v63  }
0x68: {  	_ =	swait.ge [sflag:s14], $0x10000  }
0x69: {  	[sflag:s14] =	ssyncset.done $0x0  }
0x6a: {  	s17 =	sadd.s32 $0x2000, s19;
	[sflag:s14] =	ssyncadd.s32 $0xFFFF0000  }
0x6b: {  	[hbm4b:s17+s3] =	stream.linear.scatter [tilespmem:s3], [sflag:$0x1], $0x10000, $0x38;
	[tilespmem:$0x10000] =	vst v63  }
0x6c: {  	_ =	swait.ge [sflag:s14], $0x10000  }
0x6d: {  	[sflag:s14] =	ssyncset.done $0x0  }
0x6e: {  	s17 =	sadd.s32 $0x4000, s19;
	[sflag:s14] =	ssyncadd.s32 $0xFFFF0000  }
0x6f: {  	[hbm4b:s17+s3] =	stream.linear.scatter [tilespmem:s3], [sflag:$0x1], $0x10000, $0x38;
	[tilespmem:$0x10000] =	vst v63  }
0x70: {  	p4 =	slt.u32 s21, $0xA;
	s18 =	sand.u32 $0x1, s21;
	_ =	swait.ge [sflag:s14], $0x10000  }
.Ltmp6:
0x71: {  	s17 =	sshrl.u32 s21, $0x1;
	[sflag:s14] =	ssyncset.done $0x0;
	(pc) =	sbr.rel @p3 .LBB2_5-.Ltmp6, $4  }
0x72: {  	p1 =	seq.s32 s18, $0x1;
	s22 =	sshll.u32 s17, $0x13;
	[sflag:s14] =	ssyncadd.s32 $0xFFFF0000  }
0x73: {  	s19 =	sadd.s32 $0x6000, s19;
	s21 =	sshll.u32 @!p1 s17, $0xD;
	s17 =	sadd.s32 $0x200000, s22  }
0x74: {  	[hbm4b:s19+s3] =	stream.linear.scatter [tilespmem:s3], [sflag:$0x1], $0x10000, $0x38;
	[tilespmem:$0x10000] =	vst v63  }
0x75: {  	s20 =	simm.s32 @!p1 $0x0;
	s17 =	smov.u32 @p4 s22;
	_ =	swait.ge [sflag:s14], $0x10000  }
.Ltmp7:
0x76: {  	_ = 	snop;
	(pc) =	sbr.rel .LBB2_6-.Ltmp7, $1  }
0x77: {  	_ =	sdelay $0x3  }
.LBB2_8:
0x78: {  	_ =	sfence.sel $0x180000  }
0x79: {  	[bflag:$0x0] =	sbarrier.arrive $0xFFFF  }
0x7a: {  	p0 =	sne.s32 s0, $0x0;
	_ =	strace $0x90000047  }
0x7b: {  	s0 =	sadd.s32 @!p0 $0x100000, s1;
	[bflag:$0x2] =	sbarrier.arrive $0xFFFF  }
0x7c: {  	[sflag:s0] =	ssyncadd.tile.s32 @!p0 $0x1;
	_ =	shalt  }
.Lfunc_end2:
_tile_overlayer_lowered:
.L_overlay_start_2:
0x7d: {  	(tag) =	ssettag $0x2  }
0x7e: {  	s0 =	rddreg [dreg:$0x0];
	s2 =	stileid.u32  }
0x7f: {  	s1 =	rddreg [dreg:$0x1];
	p0 =	sne.s32 s2, $0x0  }
0x80: {  	s3 =	rddreg [dreg:$0x2];
	[bflag:$0x3] =	sbarrier.arrive $0xFFFF;
	s2 =	simm.s32 @!p0 $0x1C02  }
0x81: {  	[timem:s3], [sflag:s2] =	dma.local @!p0 [hbm:s0], s1  }
0x82: {  	s0 =	simm.s32 @!p0 $0x2  }
0x83: {  	_ =	swait.ge @!p0 [sflag:s0], s1  }
0x84: {  	s1 =	ssub.s32 @!p0 $0x0, s1;
	[sflag:s0] =	ssyncset.done @!p0 $0x0  }
0x85: {  	[sflag:s0] =	ssyncadd.s32 @!p0 s1  }
0x86: {  	[bflag:$0x3] =	sbarrier.arrive $0xFFFF  }
0x87: {  	_ =	shalt  }

</sc_bundles>
